<compile_context>
chip_gen: v7x
topology: tpu7x:2x2x1
jax: 0.10.2.dev20260603
libtpu: 0.0.44.dev20260713+nightly
codegen_flags: <defaults>
</compile_context>

<pallas_src>
import jax
import jax.numpy as jnp
from jax import lax
from jax.experimental import pallas as pl
from jax.experimental.pallas import tpu as pltpu
from jax.experimental.pallas import tpu_sc as plsc

_NUM_FIELDS = 26
_FIELD_SIZE = 40000
_EMB_DIM = 64
_BATCH = 4096

_NC = 2
_NS = 16
_NW = _NC * _NS
_ROWS_PER_W = _BATCH // _NW
_LANES = 16
_CHUNK = 104
_BPC = _CHUNK // _NUM_FIELDS
_NCHUNK = _ROWS_PER_W // _BPC
_IDX_PER_W = _ROWS_PER_W * _NUM_FIELDS
_DEPTH = 6
_PAIR_W = 2 * _EMB_DIM


def _body(x_hbm, table_hbm, out_hbm, idx_v, par_v, out_v, buf_v, sems):
    wid = lax.axis_index("s") * _NC + lax.axis_index("c")
    base = wid * _ROWS_PER_W

    pltpu.sync_copy(x_hbm.at[pl.ds(base * _NUM_FIELDS, _IDX_PER_W)], idx_v)

    lane_iota = lax.iota(jnp.int32, _LANES)

    def off_body(i, _):
        p0 = i * _LANES
        off = ((p0 + lane_iota) % _NUM_FIELDS) * _FIELD_SIZE
        sl = pl.ds(p0, _LANES)
        g = idx_v[sl] + off
        idx_v[sl] = lax.shift_right_logical(g, 1)
        par_v[sl] = lax.bitwise_and(g, 1)
        return 0

    lax.fori_loop(0, _IDX_PER_W // _LANES, off_body, 0, unroll=8)

    def start(k, par):
        pltpu.async_copy(
            table_hbm.at[idx_v.at[pl.ds(k * _CHUNK, _CHUNK)]],
            buf_v.at[par],
            sems.at[par],
        )

    def wait_chunk(par):
        pltpu.make_async_copy(
            table_hbm.at[pl.ds(0, _CHUNK), :], buf_v.at[par], sems.at[par]
        ).wait()

    scale = jnp.float32(1.0 / _NUM_FIELDS)

    def process(k, par):
        pvecs = [
            par_v[pl.ds(k * _CHUNK + g * _LANES, _LANES)]
            for g in range(_CHUNK // _LANES)
        ]
        pvec_tail = par_v[pl.ds(k * _CHUNK + _CHUNK - _LANES, _LANES)]

        def parity(p):
            if p < (_CHUNK // _LANES) * _LANES:
                return pvecs[p // _LANES][p % _LANES]
            return pvec_tail[p - (_CHUNK - _LANES)]

        for t in range(_BPC):
            row0 = t * _NUM_FIELDS
            accs = None
            for f in range(_NUM_FIELDS):
                p = row0 + f
                half = parity(p) * _EMB_DIM
                vals = [
                    buf_v[par, p, pl.ds(half + j * _LANES, _LANES)]
                    for j in range(_EMB_DIM // _LANES)
                ]
                if accs is None:
                    accs = vals
                else:
                    accs = [a + v for a, v in zip(accs, vals)]
            ob = (t % 2) * _EMB_DIM
            for j in range(_EMB_DIM // _LANES):
                out_v[k * (_BPC // 2) + t // 2, pl.ds(ob + j * _LANES, _LANES)] = (
                    accs[j] * scale
                )

    @pl.loop(0, _DEPTH)
    def prime_loop(k):
        start(k, k)

    @pl.loop(0, _NCHUNK)
    def chunk_loop(k):
        par = lax.rem(k, _DEPTH)
        wait_chunk(par)
        process(k, par)

        @pl.when(k + _DEPTH < _NCHUNK)
        def _():
            start(k + _DEPTH, par)

    pltpu.sync_copy(out_v, out_hbm.at[pl.ds(wid * (_ROWS_PER_W // 2), _ROWS_PER_W // 2), :])


@jax.jit
def kernel(x, table):
    run = pl.kernel(
        _body,
        out_type=jax.ShapeDtypeStruct((_BATCH // 2, _PAIR_W), jnp.float32),
        mesh=plsc.VectorSubcoreMesh(core_axis_name="c", subcore_axis_name="s"),
        scratch_types=[
            pltpu.VMEM((_IDX_PER_W,), jnp.int32),
            pltpu.VMEM((_IDX_PER_W,), jnp.int32),
            pltpu.VMEM((_ROWS_PER_W // 2, _PAIR_W), jnp.float32),
            pltpu.VMEM((_DEPTH, _CHUNK, _PAIR_W), jnp.float32),
            pltpu.SemaphoreType.DMA((_DEPTH,)),
        ],
    )
    out2 = run(x.reshape(-1), table.reshape(-1, _PAIR_W))
    return out2.reshape(_BATCH, _EMB_DIM)

# --- scband reference (transcript-rebuilt; emitter-appended) ---
"""Pipeline reference for scband-feature-embedding-77687368450335 (READ-ONLY COPY).

The authoritative reference and input builder live on the scoring server;
editing this copy changes nothing except your own understanding.
"""

import jax, jax.numpy as jnp
import numpy as np

FIELD_DIMS = [40000] * 26
EMB_DIM = 64
BATCH = 4096
TOTAL_VOCAB = sum(FIELD_DIMS)


def setup_inputs(seed: int = 0) -> dict:
    key = jax.random.key(seed)
    k1, k2 = jax.random.split(key)
    x = jax.random.randint(k1, (BATCH, len(FIELD_DIMS)), 0, min(FIELD_DIMS), dtype=jnp.int32)
    table = jax.random.normal(k2, (TOTAL_VOCAB, EMB_DIM), dtype=jnp.float32) * 0.02
    return {"x": x, "table": table}


def reference(x, table):
    # ParallelMixVocabEmbeddingBag(field_dims, emb_dim, mode='mean'):
    # single concatenated vocab table; per-field index offset, gather, mean-pool over fields.
    offsets = jnp.asarray(np.concatenate([[0], np.cumsum(FIELD_DIMS)[:-1]]), dtype=x.dtype)
    idx = x + offsets[None, :]          # [B, F] global indices into concatenated table
    emb = jnp.take(table, idx, axis=0)  # [B, F, D] gather (SparseCore embedding lookup)
    out = jnp.mean(emb, axis=1)         # mode='mean' bag pooling -> [B, D]
    return out

if __name__ == "__main__":
    import jax
    _d = setup_inputs()
    print(jax.jit(kernel)(*tuple(_d.values())))

</pallas_src>

<mosaic_0001>
#map = affine_map<(d0, d1) -> (0)>
#map1 = affine_map<(d0, d1) -> (0, 0)>
module attributes {stable_mosaic.version = 14 : i64} {
  func.func @_body(%arg0: i32, %arg1: i32, %arg2: memref<106496xi32, #tpu.memory_space<hbm>>, %arg3: memref<520000x128xf32, #tpu.memory_space<hbm>>, %arg4: memref<2048x128xf32, #tpu.memory_space<hbm>>, %arg5: memref<3328xi32, #tpu.memory_space<vmem>>, %arg6: memref<3328xi32, #tpu.memory_space<vmem>>, %arg7: memref<64x128xf32, #tpu.memory_space<vmem>>, %arg8: memref<6x104x128xf32, #tpu.memory_space<vmem>>, %arg9: memref<6x!tpu.dma_semaphore, #tpu.memory_space<semaphore_mem>>) attributes {dimension_semantics = [#tpu.dimension_semantics<core_parallel>, #tpu.dimension_semantics<subcore_parallel>], iteration_bounds = array<i64: 2, 16>, scalar_prefetch = 0 : i64, scratch_operands = 5 : i64, tpu.core_type = #tpu.core_type<sc_vector_subcore>, window_params = [{transform_indices = #map}, {transform_indices = #map1}, {transform_indices = #map1}]} {
    %mul3A = arith.constant 2 : i32
    %mul3A_0 = arith.muli %arg1, %mul3A : i32
    %add3A = arith.addi %mul3A_0, %arg0 : i32
    %mul3A_1 = arith.constant 128 : i32
    %mul3A_2 = arith.muli %add3A, %mul3A_1 : i32
    %mul3A_3 = arith.constant 26 : i32
    %mul3A_4 = arith.muli %mul3A_2, %mul3A_3 : i32
    "tpu.region"() ({
      %run_scoped3A = tpu.sem_alloc : memref<!tpu.dma_semaphore, #tpu.memory_space<semaphore_mem>>
      %dma_start3A = tpu.memref_slice %arg2[%mul3A_4] : memref<106496xi32, #tpu.memory_space<hbm>> -> memref<3328xi32, #tpu.memory_space<hbm>>
      %dma_start3A_24 = tpu.memref_slice %arg2[%mul3A_4] : memref<106496xi32, #tpu.memory_space<hbm>> -> memref<3328xi32, #tpu.memory_space<hbm>>
      tpu.enqueue_dma source(%dma_start3A_24 : memref<3328xi32, #tpu.memory_space<hbm>>) target(%arg5 : memref<3328xi32, #tpu.memory_space<vmem>>) target_semaphore(%run_scoped3A : memref<!tpu.dma_semaphore, #tpu.memory_space<semaphore_mem>>)
      %dma_wait3A = tpu.memref_slice %arg2[%mul3A_4] : memref<106496xi32, #tpu.memory_space<hbm>> -> memref<3328xi32, #tpu.memory_space<hbm>>
      %dma_wait3A_25 = tpu.memref_slice %arg2[%mul3A_4] : memref<106496xi32, #tpu.memory_space<hbm>> -> memref<3328xi32, #tpu.memory_space<hbm>>
      tpu.wait_dma2 semaphore(%run_scoped3A : memref<!tpu.dma_semaphore, #tpu.memory_space<semaphore_mem>>) src(%dma_wait3A_25 : memref<3328xi32, #tpu.memory_space<hbm>>) dst(%arg5 : memref<3328xi32, #tpu.memory_space<vmem>>)
      tpu.yield
    }) : () -> ()
    %iota3A = tpu.iota {dimensions = array<i32: 0>} : vector<16xi32>
    %scan3A = arith.constant 0 : i32
    %scan3A_5 = arith.constant 0 : i32
    %scan3A_6 = arith.constant 208 : i32
    %scan3A_7 = arith.addi %scan3A_5, %scan3A_6 : i32
    %scan3A_8 = arith.constant 8 : i32
    %scan3A_9 = scf.for %scan3A_24 = %scan3A_5 to %scan3A_7 step %scan3A_8 iter_args(%scan3A_25 = %scan3A) -> (i32)  : i32 {
      %mul3A_26 = arith.constant 16 : i32
      %mul3A_27 = arith.muli %scan3A_24, %mul3A_26 : i32
      %add3A_28 = vector.broadcast %mul3A_27 : i32 to vector<16xi32>
      %add3A_29 = arith.addi %add3A_28, %iota3A : vector<16xi32>
      %jit3A = arith.constant 26 : i32
      %eq3A = arith.constant 0 : i32
      %eq3A_30 = arith.cmpi eq, %jit3A, %eq3A : i32
      %jit3A_31 = arith.constant 1 : i32
      %select_n3A = arith.select %eq3A_30, %jit3A_31, %jit3A : i32
      %rem3A = vector.broadcast %select_n3A : i32 to vector<16xi32>
      %rem3A_32 = arith.remsi %add3A_29, %rem3A : vector<16xi32>
      %ne3A = arith.constant 0 : i32
      %ne3A_33 = vector.broadcast %ne3A : i32 to vector<16xi32>
      %ne3A_34 = arith.cmpi ne, %rem3A_32, %ne3A_33 : vector<16xi32>
      %lt3A = arith.constant 0 : i32
      %lt3A_35 = vector.broadcast %lt3A : i32 to vector<16xi32>
      %lt3A_36 = arith.cmpi slt, %rem3A_32, %lt3A_35 : vector<16xi32>
      %lt3A_37 = arith.constant 0 : i32
      %lt3A_38 = arith.cmpi slt, %select_n3A, %lt3A_37 : i32
      %ne3A_39 = vector.broadcast %lt3A_38 : i1 to vector<16xi1>
      %ne3A_40 = vector.broadcast %ne3A_39 : vector<16xi1> to vector<16xi1>
      %ne3A_41 = arith.xori %lt3A_36, %ne3A_40 : vector<16xi1>
      %and3A = arith.andi %ne3A_41, %ne3A_34 : vector<16xi1>
      %add3A_42 = vector.broadcast %select_n3A : i32 to vector<16xi32>
      %add3A_43 = arith.addi %rem3A_32, %add3A_42 : vector<16xi32>
      %select_n3A_44 = arith.select %and3A, %add3A_43, %rem3A_32 : vector<16xi1>, vector<16xi32>
      %mul3A_45 = arith.constant 40000 : i32
      %mul3A_46 = vector.broadcast %mul3A_45 : i32 to vector<16xi32>
      %mul3A_47 = arith.muli %select_n3A_44, %mul3A_46 : vector<16xi32>
      %get3A = arith.index_cast %mul3A_27 : i32 to index
      %get3A_48 = tpu.vector_load %arg5[%get3A] {strides = array<i32>} : memref<3328xi32, #tpu.memory_space<vmem>>, vector<16xi32>,
      %get3A_49 = vector.shape_cast %get3A_48 : vector<16xi32> to vector<16xi32>
      %add3A_50 = arith.addi %get3A_49, %mul3A_47 : vector<16xi32>
      %shift_right_logical3A = arith.constant 1 : i32
      %shift_right_logical3A_51 = vector.broadcast %shift_right_logical3A : i32 to vector<16xi32>
      %shift_right_logical3A_52 = arith.shrui %add3A_50, %shift_right_logical3A_51 : vector<16xi32>
      %swap3A = arith.index_cast %mul3A_27 : i32 to index
      %swap3A_53 = tpu.vector_load %arg5[%swap3A] {strides = array<i32>} : memref<3328xi32, #tpu.memory_space<vmem>>, vector<16xi32>,
      %swap3A_54 = vector.shape_cast %swap3A_53 : vector<16xi32> to vector<16xi32>
      %swap3A_55 = vector.shape_cast %shift_right_logical3A_52 : vector<16xi32> to vector<16xi32>
      tpu.vector_store %arg5[%swap3A], %swap3A_55 {strides = array<i32>} : memref<3328xi32, #tpu.memory_space<vmem>>, vector<16xi32>,
      %and3A_56 = arith.constant 1 : i32
      %and3A_57 = vector.broadcast %and3A_56 : i32 to vector<16xi32>
      %and3A_58 = arith.andi %add3A_50, %and3A_57 : vector<16xi32>
      %swap3A_59 = arith.index_cast %mul3A_27 : i32 to index
      %swap3A_60 = tpu.vector_load %arg6[%swap3A_59] {strides = array<i32>} : memref<3328xi32, #tpu.memory_space<vmem>>, vector<16xi32>,
      %swap3A_61 = vector.shape_cast %swap3A_60 : vector<16xi32> to vector<16xi32>
      %swap3A_62 = vector.shape_cast %and3A_58 : vector<16xi32> to vector<16xi32>
      tpu.vector_store %arg6[%swap3A_59], %swap3A_62 {strides = array<i32>} : memref<3328xi32, #tpu.memory_space<vmem>>, vector<16xi32>,
      %scan3A_63 = arith.constant 0 : i32
      %scan3A_64 = arith.constant 1 : i32
      %scan3A_65 = arith.addi %scan3A_24, %scan3A_64 : i32
      %mul3A_66 = arith.constant 16 : i32
      %mul3A_67 = arith.muli %scan3A_65, %mul3A_66 : i32
      %add3A_68 = vector.broadcast %mul3A_67 : i32 to vector<16xi32>
      %add3A_69 = arith.addi %add3A_68, %iota3A : vector<16xi32>
      %jit3A_70 = arith.constant 26 : i32
      %eq3A_71 = arith.constant 0 : i32
      %eq3A_72 = arith.cmpi eq, %jit3A_70, %eq3A_71 : i32
      %jit3A_73 = arith.constant 1 : i32
      %select_n3A_74 = arith.select %eq3A_72, %jit3A_73, %jit3A_70 : i32
      %rem3A_75 = vector.broadcast %select_n3A_74 : i32 to vector<16xi32>
      %rem3A_76 = arith.remsi %add3A_69, %rem3A_75 : vector<16xi32>
      %ne3A_77 = arith.constant 0 : i32
      %ne3A_78 = vector.broadcast %ne3A_77 : i32 to vector<16xi32>
      %ne3A_79 = arith.cmpi ne, %rem3A_76, %ne3A_78 : vector<16xi32>
      %lt3A_80 = arith.constant 0 : i32
      %lt3A_81 = vector.broadcast %lt3A_80 : i32 to vector<16xi32>
      %lt3A_82 = arith.cmpi slt, %rem3A_76, %lt3A_81 : vector<16xi32>
      %lt3A_83 = arith.constant 0 : i32
      %lt3A_84 = arith.cmpi slt, %select_n3A_74, %lt3A_83 : i32
      %ne3A_85 = vector.broadcast %lt3A_84 : i1 to vector<16xi1>
      %ne3A_86 = vector.broadcast %ne3A_85 : vector<16xi1> to vector<16xi1>
      %ne3A_87 = arith.xori %lt3A_82, %ne3A_86 : vector<16xi1>
      %and3A_88 = arith.andi %ne3A_87, %ne3A_79 : vector<16xi1>
      %add3A_89 = vector.broadcast %select_n3A_74 : i32 to vector<16xi32>
      %add3A_90 = arith.addi %rem3A_76, %add3A_89 : vector<16xi32>
      %select_n3A_91 = arith.select %and3A_88, %add3A_90, %rem3A_76 : vector<16xi1>, vector<16xi32>
      %mul3A_92 = arith.constant 40000 : i32
      %mul3A_93 = vector.broadcast %mul3A_92 : i32 to vector<16xi32>
      %mul3A_94 = arith.muli %select_n3A_91, %mul3A_93 : vector<16xi32>
      %get3A_95 = arith.index_cast %mul3A_67 : i32 to index
      %get3A_96 = tpu.vector_load %arg5[%get3A_95] {strides = array<i32>} : memref<3328xi32, #tpu.memory_space<vmem>>, vector<16xi32>,
      %get3A_97 = vector.shape_cast %get3A_96 : vector<16xi32> to vector<16xi32>
      %add3A_98 = arith.addi %get3A_97, %mul3A_94 : vector<16xi32>
      %shift_right_logical3A_99 = arith.constant 1 : i32
      %shift_right_logical3A_100 = vector.broadcast %shift_right_logical3A_99 : i32 to vector<16xi32>
      %shift_right_logical3A_101 = arith.shrui %add3A_98, %shift_right_logical3A_100 : vector<16xi32>
      %swap3A_102 = arith.index_cast %mul3A_67 : i32 to index
      %swap3A_103 = tpu.vector_load %arg5[%swap3A_102] {strides = array<i32>} : memref<3328xi32, #tpu.memory_space<vmem>>, vector<16xi32>,
      %swap3A_104 = vector.shape_cast %swap3A_103 : vector<16xi32> to vector<16xi32>
      %swap3A_105 = vector.shape_cast %shift_right_logical3A_101 : vector<16xi32> to vector<16xi32>
      tpu.vector_store %arg5[%swap3A_102], %swap3A_105 {strides = array<i32>} : memref<3328xi32, #tpu.memory_space<vmem>>, vector<16xi32>,
      %and3A_106 = arith.constant 1 : i32
      %and3A_107 = vector.broadcast %and3A_106 : i32 to vector<16xi32>
      %and3A_108 = arith.andi %add3A_98, %and3A_107 : vector<16xi32>
      %swap3A_109 = arith.index_cast %mul3A_67 : i32 to index
      %swap3A_110 = tpu.vector_load %arg6[%swap3A_109] {strides = array<i32>} : memref<3328xi32, #tpu.memory_space<vmem>>, vector<16xi32>,
      %swap3A_111 = vector.shape_cast %swap3A_110 : vector<16xi32> to vector<16xi32>
      %swap3A_112 = vector.shape_cast %and3A_108 : vector<16xi32> to vector<16xi32>
      tpu.vector_store %arg6[%swap3A_109], %swap3A_112 {strides = array<i32>} : memref<3328xi32, #tpu.memory_space<vmem>>, vector<16xi32>,
      %scan3A_113 = arith.constant 0 : i32
      %scan3A_114 = arith.constant 2 : i32
      %scan3A_115 = arith.addi %scan3A_24, %scan3A_114 : i32
      %mul3A_116 = arith.constant 16 : i32
      %mul3A_117 = arith.muli %scan3A_115, %mul3A_116 : i32
      %add3A_118 = vector.broadcast %mul3A_117 : i32 to vector<16xi32>
      %add3A_119 = arith.addi %add3A_118, %iota3A : vector<16xi32>
      %jit3A_120 = arith.constant 26 : i32
      %eq3A_121 = arith.constant 0 : i32
      %eq3A_122 = arith.cmpi eq, %jit3A_120, %eq3A_121 : i32
      %jit3A_123 = arith.constant 1 : i32
      %select_n3A_124 = arith.select %eq3A_122, %jit3A_123, %jit3A_120 : i32
      %rem3A_125 = vector.broadcast %select_n3A_124 : i32 to vector<16xi32>
      %rem3A_126 = arith.remsi %add3A_119, %rem3A_125 : vector<16xi32>
      %ne3A_127 = arith.constant 0 : i32
      %ne3A_128 = vector.broadcast %ne3A_127 : i32 to vector<16xi32>
      %ne3A_129 = arith.cmpi ne, %rem3A_126, %ne3A_128 : vector<16xi32>
      %lt3A_130 = arith.constant 0 : i32
      %lt3A_131 = vector.broadcast %lt3A_130 : i32 to vector<16xi32>
      %lt3A_132 = arith.cmpi slt, %rem3A_126, %lt3A_131 : vector<16xi32>
      %lt3A_133 = arith.constant 0 : i32
      %lt3A_134 = arith.cmpi slt, %select_n3A_124, %lt3A_133 : i32
      %ne3A_135 = vector.broadcast %lt3A_134 : i1 to vector<16xi1>
      %ne3A_136 = vector.broadcast %ne3A_135 : vector<16xi1> to vector<16xi1>
      %ne3A_137 = arith.xori %lt3A_132, %ne3A_136 : vector<16xi1>
      %and3A_138 = arith.andi %ne3A_137, %ne3A_129 : vector<16xi1>
      %add3A_139 = vector.broadcast %select_n3A_124 : i32 to vector<16xi32>
      %add3A_140 = arith.addi %rem3A_126, %add3A_139 : vector<16xi32>
      %select_n3A_141 = arith.select %and3A_138, %add3A_140, %rem3A_126 : vector<16xi1>, vector<16xi32>
      %mul3A_142 = arith.constant 40000 : i32
      %mul3A_143 = vector.broadcast %mul3A_142 : i32 to vector<16xi32>
      %mul3A_144 = arith.muli %select_n3A_141, %mul3A_143 : vector<16xi32>
      %get3A_145 = arith.index_cast %mul3A_117 : i32 to index
      %get3A_146 = tpu.vector_load %arg5[%get3A_145] {strides = array<i32>} : memref<3328xi32, #tpu.memory_space<vmem>>, vector<16xi32>,
      %get3A_147 = vector.shape_cast %get3A_146 : vector<16xi32> to vector<16xi32>
      %add3A_148 = arith.addi %get3A_147, %mul3A_144 : vector<16xi32>
      %shift_right_logical3A_149 = arith.constant 1 : i32
      %shift_right_logical3A_150 = vector.broadcast %shift_right_logical3A_149 : i32 to vector<16xi32>
      %shift_right_logical3A_151 = arith.shrui %add3A_148, %shift_right_logical3A_150 : vector<16xi32>
      %swap3A_152 = arith.index_cast %mul3A_117 : i32 to index
      %swap3A_153 = tpu.vector_load %arg5[%swap3A_152] {strides = array<i32>} : memref<3328xi32, #tpu.memory_space<vmem>>, vector<16xi32>,
      %swap3A_154 = vector.shape_cast %swap3A_153 : vector<16xi32> to vector<16xi32>
      %swap3A_155 = vector.shape_cast %shift_right_logical3A_151 : vector<16xi32> to vector<16xi32>
      tpu.vector_store %arg5[%swap3A_152], %swap3A_155 {strides = array<i32>} : memref<3328xi32, #tpu.memory_space<vmem>>, vector<16xi32>,
      %and3A_156 = arith.constant 1 : i32
      %and3A_157 = vector.broadcast %and3A_156 : i32 to vector<16xi32>
      %and3A_158 = arith.andi %add3A_148, %and3A_157 : vector<16xi32>
      %swap3A_159 = arith.index_cast %mul3A_117 : i32 to index
      %swap3A_160 = tpu.vector_load %arg6[%swap3A_159] {strides = array<i32>} : memref<3328xi32, #tpu.memory_space<vmem>>, vector<16xi32>,
      %swap3A_161 = vector.shape_cast %swap3A_160 : vector<16xi32> to vector<16xi32>
      %swap3A_162 = vector.shape_cast %and3A_158 : vector<16xi32> to vector<16xi32>
      tpu.vector_store %arg6[%swap3A_159], %swap3A_162 {strides = array<i32>} : memref<3328xi32, #tpu.memory_space<vmem>>, vector<16xi32>,
      %scan3A_163 = arith.constant 0 : i32
      %scan3A_164 = arith.constant 3 : i32
      %scan3A_165 = arith.addi %scan3A_24, %scan3A_164 : i32
      %mul3A_166 = arith.constant 16 : i32
      %mul3A_167 = arith.muli %scan3A_165, %mul3A_166 : i32
      %add3A_168 = vector.broadcast %mul3A_167 : i32 to vector<16xi32>
      %add3A_169 = arith.addi %add3A_168, %iota3A : vector<16xi32>
      %jit3A_170 = arith.constant 26 : i32
      %eq3A_171 = arith.constant 0 : i32
      %eq3A_172 = arith.cmpi eq, %jit3A_170, %eq3A_171 : i32
      %jit3A_173 = arith.constant 1 : i32
      %select_n3A_174 = arith.select %eq3A_172, %jit3A_173, %jit3A_170 : i32
      %rem3A_175 = vector.broadcast %select_n3A_174 : i32 to vector<16xi32>
      %rem3A_176 = arith.remsi %add3A_169, %rem3A_175 : vector<16xi32>
      %ne3A_177 = arith.constant 0 : i32
      %ne3A_178 = vector.broadcast %ne3A_177 : i32 to vector<16xi32>
      %ne3A_179 = arith.cmpi ne, %rem3A_176, %ne3A_178 : vector<16xi32>
      %lt3A_180 = arith.constant 0 : i32
      %lt3A_181 = vector.broadcast %lt3A_180 : i32 to vector<16xi32>
      %lt3A_182 = arith.cmpi slt, %rem3A_176, %lt3A_181 : vector<16xi32>
      %lt3A_183 = arith.constant 0 : i32
      %lt3A_184 = arith.cmpi slt, %select_n3A_174, %lt3A_183 : i32
      %ne3A_185 = vector.broadcast %lt3A_184 : i1 to vector<16xi1>
      %ne3A_186 = vector.broadcast %ne3A_185 : vector<16xi1> to vector<16xi1>
      %ne3A_187 = arith.xori %lt3A_182, %ne3A_186 : vector<16xi1>
      %and3A_188 = arith.andi %ne3A_187, %ne3A_179 : vector<16xi1>
      %add3A_189 = vector.broadcast %select_n3A_174 : i32 to vector<16xi32>
      %add3A_190 = arith.addi %rem3A_176, %add3A_189 : vector<16xi32>
      %select_n3A_191 = arith.select %and3A_188, %add3A_190, %rem3A_176 : vector<16xi1>, vector<16xi32>
      %mul3A_192 = arith.constant 40000 : i32
      %mul3A_193 = vector.broadcast %mul3A_192 : i32 to vector<16xi32>
      %mul3A_194 = arith.muli %select_n3A_191, %mul3A_193 : vector<16xi32>
      %get3A_195 = arith.index_cast %mul3A_167 : i32 to index
      %get3A_196 = tpu.vector_load %arg5[%get3A_195] {strides = array<i32>} : memref<3328xi32, #tpu.memory_space<vmem>>, vector<16xi32>,
      %get3A_197 = vector.shape_cast %get3A_196 : vector<16xi32> to vector<16xi32>
      %add3A_198 = arith.addi %get3A_197, %mul3A_194 : vector<16xi32>
      %shift_right_logical3A_199 = arith.constant 1 : i32
      %shift_right_logical3A_200 = vector.broadcast %shift_right_logical3A_199 : i32 to vector<16xi32>
      %shift_right_logical3A_201 = arith.shrui %add3A_198, %shift_right_logical3A_200 : vector<16xi32>
      %swap3A_202 = arith.index_cast %mul3A_167 : i32 to index
      %swap3A_203 = tpu.vector_load %arg5[%swap3A_202] {strides = array<i32>} : memref<3328xi32, #tpu.memory_space<vmem>>, vector<16xi32>,
      %swap3A_204 = vector.shape_cast %swap3A_203 : vector<16xi32> to vector<16xi32>
      %swap3A_205 = vector.shape_cast %shift_right_logical3A_201 : vector<16xi32> to vector<16xi32>
      tpu.vector_store %arg5[%swap3A_202], %swap3A_205 {strides = array<i32>} : memref<3328xi32, #tpu.memory_space<vmem>>, vector<16xi32>,
      %and3A_206 = arith.constant 1 : i32
      %and3A_207 = vector.broadcast %and3A_206 : i32 to vector<16xi32>
      %and3A_208 = arith.andi %add3A_198, %and3A_207 : vector<16xi32>
      %swap3A_209 = arith.index_cast %mul3A_167 : i32 to index
      %swap3A_210 = tpu.vector_load %arg6[%swap3A_209] {strides = array<i32>} : memref<3328xi32, #tpu.memory_space<vmem>>, vector<16xi32>,
      %swap3A_211 = vector.shape_cast %swap3A_210 : vector<16xi32> to vector<16xi32>
      %swap3A_212 = vector.shape_cast %and3A_208 : vector<16xi32> to vector<16xi32>
      tpu.vector_store %arg6[%swap3A_209], %swap3A_212 {strides = array<i32>} : memref<3328xi32, #tpu.memory_space<vmem>>, vector<16xi32>,
      %scan3A_213 = arith.constant 0 : i32
      %scan3A_214 = arith.constant 4 : i32
      %scan3A_215 = arith.addi %scan3A_24, %scan3A_214 : i32
      %mul3A_216 = arith.constant 16 : i32
      %mul3A_217 = arith.muli %scan3A_215, %mul3A_216 : i32
      %add3A_218 = vector.broadcast %mul3A_217 : i32 to vector<16xi32>
      %add3A_219 = arith.addi %add3A_218, %iota3A : vector<16xi32>
      %jit3A_220 = arith.constant 26 : i32
      %eq3A_221 = arith.constant 0 : i32
      %eq3A_222 = arith.cmpi eq, %jit3A_220, %eq3A_221 : i32
      %jit3A_223 = arith.constant 1 : i32
      %select_n3A_224 = arith.select %eq3A_222, %jit3A_223, %jit3A_220 : i32
      %rem3A_225 = vector.broadcast %select_n3A_224 : i32 to vector<16xi32>
      %rem3A_226 = arith.remsi %add3A_219, %rem3A_225 : vector<16xi32>
      %ne3A_227 = arith.constant 0 : i32
      %ne3A_228 = vector.broadcast %ne3A_227 : i32 to vector<16xi32>
      %ne3A_229 = arith.cmpi ne, %rem3A_226, %ne3A_228 : vector<16xi32>
      %lt3A_230 = arith.constant 0 : i32
      %lt3A_231 = vector.broadcast %lt3A_230 : i32 to vector<16xi32>
      %lt3A_232 = arith.cmpi slt, %rem3A_226, %lt3A_231 : vector<16xi32>
      %lt3A_233 = arith.constant 0 : i32
      %lt3A_234 = arith.cmpi slt, %select_n3A_224, %lt3A_233 : i32
      %ne3A_235 = vector.broadcast %lt3A_234 : i1 to vector<16xi1>
      %ne3A_236 = vector.broadcast %ne3A_235 : vector<16xi1> to vector<16xi1>
      %ne3A_237 = arith.xori %lt3A_232, %ne3A_236 : vector<16xi1>
      %and3A_238 = arith.andi %ne3A_237, %ne3A_229 : vector<16xi1>
      %add3A_239 = vector.broadcast %select_n3A_224 : i32 to vector<16xi32>
      %add3A_240 = arith.addi %rem3A_226, %add3A_239 : vector<16xi32>
      %select_n3A_241 = arith.select %and3A_238, %add3A_240, %rem3A_226 : vector<16xi1>, vector<16xi32>
      %mul3A_242 = arith.constant 40000 : i32
      %mul3A_243 = vector.broadcast %mul3A_242 : i32 to vector<16xi32>
      %mul3A_244 = arith.muli %select_n3A_241, %mul3A_243 : vector<16xi32>
      %get3A_245 = arith.index_cast %mul3A_217 : i32 to index
      %get3A_246 = tpu.vector_load %arg5[%get3A_245] {strides = array<i32>} : memref<3328xi32, #tpu.memory_space<vmem>>, vector<16xi32>,
      %get3A_247 = vector.shape_cast %get3A_246 : vector<16xi32> to vector<16xi32>
      %add3A_248 = arith.addi %get3A_247, %mul3A_244 : vector<16xi32>
      %shift_right_logical3A_249 = arith.constant 1 : i32
      %shift_right_logical3A_250 = vector.broadcast %shift_right_logical3A_249 : i32 to vector<16xi32>
      %shift_right_logical3A_251 = arith.shrui %add3A_248, %shift_right_logical3A_250 : vector<16xi32>
      %swap3A_252 = arith.index_cast %mul3A_217 : i32 to index
      %swap3A_253 = tpu.vector_load %arg5[%swap3A_252] {strides = array<i32>} : memref<3328xi32, #tpu.memory_space<vmem>>, vector<16xi32>,
      %swap3A_254 = vector.shape_cast %swap3A_253 : vector<16xi32> to vector<16xi32>
      %swap3A_255 = vector.shape_cast %shift_right_logical3A_251 : vector<16xi32> to vector<16xi32>
      tpu.vector_store %arg5[%swap3A_252], %swap3A_255 {strides = array<i32>} : memref<3328xi32, #tpu.memory_space<vmem>>, vector<16xi32>,
      %and3A_256 = arith.constant 1 : i32
      %and3A_257 = vector.broadcast %and3A_256 : i32 to vector<16xi32>
      %and3A_258 = arith.andi %add3A_248, %and3A_257 : vector<16xi32>
      %swap3A_259 = arith.index_cast %mul3A_217 : i32 to index
      %swap3A_260 = tpu.vector_load %arg6[%swap3A_259] {strides = array<i32>} : memref<3328xi32, #tpu.memory_space<vmem>>, vector<16xi32>,
      %swap3A_261 = vector.shape_cast %swap3A_260 : vector<16xi32> to vector<16xi32>
      %swap3A_262 = vector.shape_cast %and3A_258 : vector<16xi32> to vector<16xi32>
      tpu.vector_store %arg6[%swap3A_259], %swap3A_262 {strides = array<i32>} : memref<3328xi32, #tpu.memory_space<vmem>>, vector<16xi32>,
      %scan3A_263 = arith.constant 0 : i32
      %scan3A_264 = arith.constant 5 : i32
      %scan3A_265 = arith.addi %scan3A_24, %scan3A_264 : i32
      %mul3A_266 = arith.constant 16 : i32
      %mul3A_267 = arith.muli %scan3A_265, %mul3A_266 : i32
      %add3A_268 = vector.broadcast %mul3A_267 : i32 to vector<16xi32>
      %add3A_269 = arith.addi %add3A_268, %iota3A : vector<16xi32>
      %jit3A_270 = arith.constant 26 : i32
      %eq3A_271 = arith.constant 0 : i32
      %eq3A_272 = arith.cmpi eq, %jit3A_270, %eq3A_271 : i32
      %jit3A_273 = arith.constant 1 : i32
      %select_n3A_274 = arith.select %eq3A_272, %jit3A_273, %jit3A_270 : i32
      %rem3A_275 = vector.broadcast %select_n3A_274 : i32 to vector<16xi32>
      %rem3A_276 = arith.remsi %add3A_269, %rem3A_275 : vector<16xi32>
      %ne3A_277 = arith.constant 0 : i32
      %ne3A_278 = vector.broadcast %ne3A_277 : i32 to vector<16xi32>
      %ne3A_279 = arith.cmpi ne, %rem3A_276, %ne3A_278 : vector<16xi32>
      %lt3A_280 = arith.constant 0 : i32
      %lt3A_281 = vector.broadcast %lt3A_280 : i32 to vector<16xi32>
      %lt3A_282 = arith.cmpi slt, %rem3A_276, %lt3A_281 : vector<16xi32>
      %lt3A_283 = arith.constant 0 : i32
      %lt3A_284 = arith.cmpi slt, %select_n3A_274, %lt3A_283 : i32
      %ne3A_285 = vector.broadcast %lt3A_284 : i1 to vector<16xi1>
      %ne3A_286 = vector.broadcast %ne3A_285 : vector<16xi1> to vector<16xi1>
      %ne3A_287 = arith.xori %lt3A_282, %ne3A_286 : vector<16xi1>
      %and3A_288 = arith.andi %ne3A_287, %ne3A_279 : vector<16xi1>
      %add3A_289 = vector.broadcast %select_n3A_274 : i32 to vector<16xi32>
      %add3A_290 = arith.addi %rem3A_276, %add3A_289 : vector<16xi32>
      %select_n3A_291 = arith.select %and3A_288, %add3A_290, %rem3A_276 : vector<16xi1>, vector<16xi32>
      %mul3A_292 = arith.constant 40000 : i32
      %mul3A_293 = vector.broadcast %mul3A_292 : i32 to vector<16xi32>
      %mul3A_294 = arith.muli %select_n3A_291, %mul3A_293 : vector<16xi32>
      %get3A_295 = arith.index_cast %mul3A_267 : i32 to index
      %get3A_296 = tpu.vector_load %arg5[%get3A_295] {strides = array<i32>} : memref<3328xi32, #tpu.memory_space<vmem>>, vector<16xi32>,
      %get3A_297 = vector.shape_cast %get3A_296 : vector<16xi32> to vector<16xi32>
      %add3A_298 = arith.addi %get3A_297, %mul3A_294 : vector<16xi32>
      %shift_right_logical3A_299 = arith.constant 1 : i32
      %shift_right_logical3A_300 = vector.broadcast %shift_right_logical3A_299 : i32 to vector<16xi32>
      %shift_right_logical3A_301 = arith.shrui %add3A_298, %shift_right_logical3A_300 : vector<16xi32>
      %swap3A_302 = arith.index_cast %mul3A_267 : i32 to index
      %swap3A_303 = tpu.vector_load %arg5[%swap3A_302] {strides = array<i32>} : memref<3328xi32, #tpu.memory_space<vmem>>, vector<16xi32>,
      %swap3A_304 = vector.shape_cast %swap3A_303 : vector<16xi32> to vector<16xi32>
      %swap3A_305 = vector.shape_cast %shift_right_logical3A_301 : vector<16xi32> to vector<16xi32>
      tpu.vector_store %arg5[%swap3A_302], %swap3A_305 {strides = array<i32>} : memref<3328xi32, #tpu.memory_space<vmem>>, vector<16xi32>,
      %and3A_306 = arith.constant 1 : i32
      %and3A_307 = vector.broadcast %and3A_306 : i32 to vector<16xi32>
      %and3A_308 = arith.andi %add3A_298, %and3A_307 : vector<16xi32>
      %swap3A_309 = arith.index_cast %mul3A_267 : i32 to index
      %swap3A_310 = tpu.vector_load %arg6[%swap3A_309] {strides = array<i32>} : memref<3328xi32, #tpu.memory_space<vmem>>, vector<16xi32>,
      %swap3A_311 = vector.shape_cast %swap3A_310 : vector<16xi32> to vector<16xi32>
      %swap3A_312 = vector.shape_cast %and3A_308 : vector<16xi32> to vector<16xi32>
      tpu.vector_store %arg6[%swap3A_309], %swap3A_312 {strides = array<i32>} : memref<3328xi32, #tpu.memory_space<vmem>>, vector<16xi32>,
      %scan3A_313 = arith.constant 0 : i32
      %scan3A_314 = arith.constant 6 : i32
      %scan3A_315 = arith.addi %scan3A_24, %scan3A_314 : i32
      %mul3A_316 = arith.constant 16 : i32
      %mul3A_317 = arith.muli %scan3A_315, %mul3A_316 : i32
      %add3A_318 = vector.broadcast %mul3A_317 : i32 to vector<16xi32>
      %add3A_319 = arith.addi %add3A_318, %iota3A : vector<16xi32>
      %jit3A_320 = arith.constant 26 : i32
      %eq3A_321 = arith.constant 0 : i32
      %eq3A_322 = arith.cmpi eq, %jit3A_320, %eq3A_321 : i32
      %jit3A_323 = arith.constant 1 : i32
      %select_n3A_324 = arith.select %eq3A_322, %jit3A_323, %jit3A_320 : i32
      %rem3A_325 = vector.broadcast %select_n3A_324 : i32 to vector<16xi32>
      %rem3A_326 = arith.remsi %add3A_319, %rem3A_325 : vector<16xi32>
      %ne3A_327 = arith.constant 0 : i32
      %ne3A_328 = vector.broadcast %ne3A_327 : i32 to vector<16xi32>
      %ne3A_329 = arith.cmpi ne, %rem3A_326, %ne3A_328 : vector<16xi32>
      %lt3A_330 = arith.constant 0 : i32
      %lt3A_331 = vector.broadcast %lt3A_330 : i32 to vector<16xi32>
      %lt3A_332 = arith.cmpi slt, %rem3A_326, %lt3A_331 : vector<16xi32>
      %lt3A_333 = arith.constant 0 : i32
      %lt3A_334 = arith.cmpi slt, %select_n3A_324, %lt3A_333 : i32
      %ne3A_335 = vector.broadcast %lt3A_334 : i1 to vector<16xi1>
      %ne3A_336 = vector.broadcast %ne3A_335 : vector<16xi1> to vector<16xi1>
      %ne3A_337 = arith.xori %lt3A_332, %ne3A_336 : vector<16xi1>
      %and3A_338 = arith.andi %ne3A_337, %ne3A_329 : vector<16xi1>
      %add3A_339 = vector.broadcast %select_n3A_324 : i32 to vector<16xi32>
      %add3A_340 = arith.addi %rem3A_326, %add3A_339 : vector<16xi32>
      %select_n3A_341 = arith.select %and3A_338, %add3A_340, %rem3A_326 : vector<16xi1>, vector<16xi32>
      %mul3A_342 = arith.constant 40000 : i32
      %mul3A_343 = vector.broadcast %mul3A_342 : i32 to vector<16xi32>
      %mul3A_344 = arith.muli %select_n3A_341, %mul3A_343 : vector<16xi32>
      %get3A_345 = arith.index_cast %mul3A_317 : i32 to index
      %get3A_346 = tpu.vector_load %arg5[%get3A_345] {strides = array<i32>} : memref<3328xi32, #tpu.memory_space<vmem>>, vector<16xi32>,
      %get3A_347 = vector.shape_cast %get3A_346 : vector<16xi32> to vector<16xi32>
      %add3A_348 = arith.addi %get3A_347, %mul3A_344 : vector<16xi32>
      %shift_right_logical3A_349 = arith.constant 1 : i32
      %shift_right_logical3A_350 = vector.broadcast %shift_right_logical3A_349 : i32 to vector<16xi32>
      %shift_right_logical3A_351 = arith.shrui %add3A_348, %shift_right_logical3A_350 : vector<16xi32>
      %swap3A_352 = arith.index_cast %mul3A_317 : i32 to index
      %swap3A_353 = tpu.vector_load %arg5[%swap3A_352] {strides = array<i32>} : memref<3328xi32, #tpu.memory_space<vmem>>, vector<16xi32>,
      %swap3A_354 = vector.shape_cast %swap3A_353 : vector<16xi32> to vector<16xi32>
      %swap3A_355 = vector.shape_cast %shift_right_logical3A_351 : vector<16xi32> to vector<16xi32>
      tpu.vector_store %arg5[%swap3A_352], %swap3A_355 {strides = array<i32>} : memref<3328xi32, #tpu.memory_space<vmem>>, vector<16xi32>,
      %and3A_356 = arith.constant 1 : i32
      %and3A_357 = vector.broadcast %and3A_356 : i32 to vector<16xi32>
      %and3A_358 = arith.andi %add3A_348, %and3A_357 : vector<16xi32>
      %swap3A_359 = arith.index_cast %mul3A_317 : i32 to index
      %swap3A_360 = tpu.vector_load %arg6[%swap3A_359] {strides = array<i32>} : memref<3328xi32, #tpu.memory_space<vmem>>, vector<16xi32>,
      %swap3A_361 = vector.shape_cast %swap3A_360 : vector<16xi32> to vector<16xi32>
      %swap3A_362 = vector.shape_cast %and3A_358 : vector<16xi32> to vector<16xi32>
      tpu.vector_store %arg6[%swap3A_359], %swap3A_362 {strides = array<i32>} : memref<3328xi32, #tpu.memory_space<vmem>>, vector<16xi32>,
      %scan3A_363 = arith.constant 0 : i32
      %scan3A_364 = arith.constant 7 : i32
      %scan3A_365 = arith.addi %scan3A_24, %scan3A_364 : i32
      %mul3A_366 = arith.constant 16 : i32
      %mul3A_367 = arith.muli %scan3A_365, %mul3A_366 : i32
      %add3A_368 = vector.broadcast %mul3A_367 : i32 to vector<16xi32>
      %add3A_369 = arith.addi %add3A_368, %iota3A : vector<16xi32>
      %jit3A_370 = arith.constant 26 : i32
      %eq3A_371 = arith.constant 0 : i32
      %eq3A_372 = arith.cmpi eq, %jit3A_370, %eq3A_371 : i32
      %jit3A_373 = arith.constant 1 : i32
      %select_n3A_374 = arith.select %eq3A_372, %jit3A_373, %jit3A_370 : i32
      %rem3A_375 = vector.broadcast %select_n3A_374 : i32 to vector<16xi32>
      %rem3A_376 = arith.remsi %add3A_369, %rem3A_375 : vector<16xi32>
      %ne3A_377 = arith.constant 0 : i32
      %ne3A_378 = vector.broadcast %ne3A_377 : i32 to vector<16xi32>
      %ne3A_379 = arith.cmpi ne, %rem3A_376, %ne3A_378 : vector<16xi32>
      %lt3A_380 = arith.constant 0 : i32
      %lt3A_381 = vector.broadcast %lt3A_380 : i32 to vector<16xi32>
      %lt3A_382 = arith.cmpi slt, %rem3A_376, %lt3A_381 : vector<16xi32>
      %lt3A_383 = arith.constant 0 : i32
      %lt3A_384 = arith.cmpi slt, %select_n3A_374, %lt3A_383 : i32
      %ne3A_385 = vector.broadcast %lt3A_384 : i1 to vector<16xi1>
      %ne3A_386 = vector.broadcast %ne3A_385 : vector<16xi1> to vector<16xi1>
      %ne3A_387 = arith.xori %lt3A_382, %ne3A_386 : vector<16xi1>
      %and3A_388 = arith.andi %ne3A_387, %ne3A_379 : vector<16xi1>
      %add3A_389 = vector.broadcast %select_n3A_374 : i32 to vector<16xi32>
      %add3A_390 = arith.addi %rem3A_376, %add3A_389 : vector<16xi32>
      %select_n3A_391 = arith.select %and3A_388, %add3A_390, %rem3A_376 : vector<16xi1>, vector<16xi32>
      %mul3A_392 = arith.constant 40000 : i32
      %mul3A_393 = vector.broadcast %mul3A_392 : i32 to vector<16xi32>
      %mul3A_394 = arith.muli %select_n3A_391, %mul3A_393 : vector<16xi32>
      %get3A_395 = arith.index_cast %mul3A_367 : i32 to index
      %get3A_396 = tpu.vector_load %arg5[%get3A_395] {strides = array<i32>} : memref<3328xi32, #tpu.memory_space<vmem>>, vector<16xi32>,
      %get3A_397 = vector.shape_cast %get3A_396 : vector<16xi32> to vector<16xi32>
      %add3A_398 = arith.addi %get3A_397, %mul3A_394 : vector<16xi32>
      %shift_right_logical3A_399 = arith.constant 1 : i32
      %shift_right_logical3A_400 = vector.broadcast %shift_right_logical3A_399 : i32 to vector<16xi32>
      %shift_right_logical3A_401 = arith.shrui %add3A_398, %shift_right_logical3A_400 : vector<16xi32>
      %swap3A_402 = arith.index_cast %mul3A_367 : i32 to index
      %swap3A_403 = tpu.vector_load %arg5[%swap3A_402] {strides = array<i32>} : memref<3328xi32, #tpu.memory_space<vmem>>, vector<16xi32>,
      %swap3A_404 = vector.shape_cast %swap3A_403 : vector<16xi32> to vector<16xi32>
      %swap3A_405 = vector.shape_cast %shift_right_logical3A_401 : vector<16xi32> to vector<16xi32>
      tpu.vector_store %arg5[%swap3A_402], %swap3A_405 {strides = array<i32>} : memref<3328xi32, #tpu.memory_space<vmem>>, vector<16xi32>,
      %and3A_406 = arith.constant 1 : i32
      %and3A_407 = vector.broadcast %and3A_406 : i32 to vector<16xi32>
      %and3A_408 = arith.andi %add3A_398, %and3A_407 : vector<16xi32>
      %swap3A_409 = arith.index_cast %mul3A_367 : i32 to index
      %swap3A_410 = tpu.vector_load %arg6[%swap3A_409] {strides = array<i32>} : memref<3328xi32, #tpu.memory_space<vmem>>, vector<16xi32>,
      %swap3A_411 = vector.shape_cast %swap3A_410 : vector<16xi32> to vector<16xi32>
      %swap3A_412 = vector.shape_cast %and3A_408 : vector<16xi32> to vector<16xi32>
      tpu.vector_store %arg6[%swap3A_409], %swap3A_412 {strides = array<i32>} : memref<3328xi32, #tpu.memory_space<vmem>>, vector<16xi32>,
      %scan3A_413 = arith.constant 0 : i32
      scf.yield %scan3A_413 : i32
    }
    %scan3A_10 = arith.constant 208 : i32
    %scan3A_11 = arith.constant 0 : i32
    %scan3A_12 = arith.constant 6 : i32
    %scan3A_13 = arith.addi %scan3A_11, %scan3A_12 : i32
    %scan3A_14 = arith.constant 1 : i32
    scf.for %scan3A_24 = %scan3A_11 to %scan3A_13 step %scan3A_14  : i32 {
      %mul3A_25 = arith.constant 1 : i32
      %mul3A_26 = arith.muli %scan3A_24, %mul3A_25 : i32
      %add3A_27 = arith.constant 0 : i32
      %add3A_28 = arith.addi %add3A_27, %mul3A_26 : i32
      %mul3A_29 = arith.constant 104 : i32
      %mul3A_30 = arith.muli %add3A_28, %mul3A_29 : i32
      %dma_start3A = arith.constant 0 : i32
      %dma_start3A_31 = arith.constant 0 : i32
      %dma_start3A_32 = tpu.memref_slice %arg8[%add3A_28, %dma_start3A, %dma_start3A_31] : memref<6x104x128xf32, #tpu.memory_space<vmem>> -> memref<1x104x128xf32, #tpu.memory_space<vmem>>
      %dma_start3A_33 = tpu.memref_squeeze %dma_start3A_32 : memref<1x104x128xf32, #tpu.memory_space<vmem>> -> memref<104x128xf32, #tpu.memory_space<vmem>>
      %dma_start3A_34 = tpu.memref_slice %arg5[%mul3A_30] : memref<3328xi32, #tpu.memory_space<vmem>> -> memref<104xi32, #tpu.memory_space<vmem>>
      %dma_start3A_35 = arith.constant 0 : i32
      %dma_start3A_36 = arith.constant 0 : i32
      %dma_start3A_37 = tpu.memref_slice %arg3[%dma_start3A_35, %dma_start3A_36] : memref<520000x128xf32, #tpu.memory_space<hbm>> -> memref<520000x128xf32, #tpu.memory_space<hbm>>
      %dma_start3A_38 = tpu.memref_slice %arg9[%add3A_28] : memref<6x!tpu.dma_semaphore, #tpu.memory_space<semaphore_mem>> -> memref<1x!tpu.dma_semaphore, #tpu.memory_space<semaphore_mem>>
      %dma_start3A_39 = tpu.memref_squeeze %dma_start3A_38 : memref<1x!tpu.dma_semaphore, #tpu.memory_space<semaphore_mem>> -> memref<!tpu.dma_semaphore, #tpu.memory_space<semaphore_mem>>
      tpu.enqueue_indirect_dma source(%dma_start3A_37 : memref<520000x128xf32, #tpu.memory_space<hbm>>) target(%dma_start3A_33 : memref<104x128xf32, #tpu.memory_space<vmem>>) offsets(%dma_start3A_34 : memref<104xi32, #tpu.memory_space<vmem>>) semaphore(%dma_start3A_39 : memref<!tpu.dma_semaphore, #tpu.memory_space<semaphore_mem>>)
    }
    %scan3A_15 = arith.constant 6 : i32
    %scan3A_16 = arith.constant 0.0384615399 : f32
    %scan3A_17 = arith.constant 0 : i32
    %scan3A_18 = arith.constant 32 : i32
    %scan3A_19 = arith.addi %scan3A_17, %scan3A_18 : i32
    %scan3A_20 = arith.constant 1 : i32
    scf.for %scan3A_24 = %scan3A_17 to %scan3A_19 step %scan3A_20  : i32 {
      %mul3A_25 = arith.constant 1 : i32
      %mul3A_26 = arith.muli %scan3A_24, %mul3A_25 : i32
      %add3A_27 = arith.constant 0 : i32
      %add3A_28 = arith.addi %add3A_27, %mul3A_26 : i32
      %rem3A = arith.constant 6 : i32
      %rem3A_29 = arith.remsi %add3A_28, %rem3A : i32
      %dma_wait3A = arith.constant 0 : i32
      %dma_wait3A_30 = arith.constant 0 : i32
      %dma_wait3A_31 = tpu.memref_slice %arg8[%rem3A_29, %dma_wait3A, %dma_wait3A_30] : memref<6x104x128xf32, #tpu.memory_space<vmem>> -> memref<1x104x128xf32, #tpu.memory_space<vmem>>
      %dma_wait3A_32 = tpu.memref_squeeze %dma_wait3A_31 : memref<1x104x128xf32, #tpu.memory_space<vmem>> -> memref<104x128xf32, #tpu.memory_space<vmem>>
      %dma_wait3A_33 = arith.constant 0 : i32
      %dma_wait3A_34 = arith.constant 0 : i32
      %dma_wait3A_35 = tpu.memref_slice %arg3[%dma_wait3A_33, %dma_wait3A_34] : memref<520000x128xf32, #tpu.memory_space<hbm>> -> memref<104x128xf32, #tpu.memory_space<hbm>>
      %dma_wait3A_36 = tpu.memref_slice %arg9[%rem3A_29] : memref<6x!tpu.dma_semaphore, #tpu.memory_space<semaphore_mem>> -> memref<1x!tpu.dma_semaphore, #tpu.memory_space<semaphore_mem>>
      %dma_wait3A_37 = tpu.memref_squeeze %dma_wait3A_36 : memref<1x!tpu.dma_semaphore, #tpu.memory_space<semaphore_mem>> -> memref<!tpu.dma_semaphore, #tpu.memory_space<semaphore_mem>>
      %dma_wait3A_38 = arith.constant 0 : i32
      %dma_wait3A_39 = arith.constant 0 : i32
      %dma_wait3A_40 = tpu.memref_slice %arg8[%rem3A_29, %dma_wait3A_38, %dma_wait3A_39] : memref<6x104x128xf32, #tpu.memory_space<vmem>> -> memref<1x104x128xf32, #tpu.memory_space<vmem>>
      %dma_wait3A_41 = tpu.memref_squeeze %dma_wait3A_40 : memref<1x104x128xf32, #tpu.memory_space<vmem>> -> memref<104x128xf32, #tpu.memory_space<vmem>>
      %dma_wait3A_42 = arith.constant 0 : i32
      %dma_wait3A_43 = arith.constant 0 : i32
      %dma_wait3A_44 = tpu.memref_slice %arg3[%dma_wait3A_42, %dma_wait3A_43] : memref<520000x128xf32, #tpu.memory_space<hbm>> -> memref<104x128xf32, #tpu.memory_space<hbm>>
      tpu.wait_dma2 semaphore(%dma_wait3A_37 : memref<!tpu.dma_semaphore, #tpu.memory_space<semaphore_mem>>) src(%dma_wait3A_44 : memref<104x128xf32, #tpu.memory_space<hbm>>) dst(%dma_wait3A_41 : memref<104x128xf32, #tpu.memory_space<vmem>>)
      %mul3A_45 = arith.constant 104 : i32
      %mul3A_46 = arith.muli %add3A_28, %mul3A_45 : i32
      %add3A_47 = arith.constant 0 : i32
      %add3A_48 = arith.addi %mul3A_46, %add3A_47 : i32
      %get3A = arith.index_cast %add3A_48 : i32 to index
      %get3A_49 = tpu.vector_load %arg6[%get3A] {strides = array<i32>} : memref<3328xi32, #tpu.memory_space<vmem>>, vector<16xi32>,
      %get3A_50 = vector.shape_cast %get3A_49 : vector<16xi32> to vector<16xi32>
      %mul3A_51 = arith.constant 104 : i32
      %mul3A_52 = arith.muli %add3A_28, %mul3A_51 : i32
      %add3A_53 = arith.constant 16 : i32
      %add3A_54 = arith.addi %mul3A_52, %add3A_53 : i32
      %get3A_55 = arith.index_cast %add3A_54 : i32 to index
      %get3A_56 = tpu.vector_load %arg6[%get3A_55] {strides = array<i32>} : memref<3328xi32, #tpu.memory_space<vmem>>, vector<16xi32>,
      %get3A_57 = vector.shape_cast %get3A_56 : vector<16xi32> to vector<16xi32>
      %mul3A_58 = arith.constant 104 : i32
      %mul3A_59 = arith.muli %add3A_28, %mul3A_58 : i32
      %add3A_60 = arith.constant 32 : i32
      %add3A_61 = arith.addi %mul3A_59, %add3A_60 : i32
      %get3A_62 = arith.index_cast %add3A_61 : i32 to index
      %get3A_63 = tpu.vector_load %arg6[%get3A_62] {strides = array<i32>} : memref<3328xi32, #tpu.memory_space<vmem>>, vector<16xi32>,
      %get3A_64 = vector.shape_cast %get3A_63 : vector<16xi32> to vector<16xi32>
      %mul3A_65 = arith.constant 104 : i32
      %mul3A_66 = arith.muli %add3A_28, %mul3A_65 : i32
      %add3A_67 = arith.constant 48 : i32
      %add3A_68 = arith.addi %mul3A_66, %add3A_67 : i32
      %get3A_69 = arith.index_cast %add3A_68 : i32 to index
      %get3A_70 = tpu.vector_load %arg6[%get3A_69] {strides = array<i32>} : memref<3328xi32, #tpu.memory_space<vmem>>, vector<16xi32>,
      %get3A_71 = vector.shape_cast %get3A_70 : vector<16xi32> to vector<16xi32>
      %mul3A_72 = arith.constant 104 : i32
      %mul3A_73 = arith.muli %add3A_28, %mul3A_72 : i32
      %add3A_74 = arith.constant 64 : i32
      %add3A_75 = arith.addi %mul3A_73, %add3A_74 : i32
      %get3A_76 = arith.index_cast %add3A_75 : i32 to index
      %get3A_77 = tpu.vector_load %arg6[%get3A_76] {strides = array<i32>} : memref<3328xi32, #tpu.memory_space<vmem>>, vector<16xi32>,
      %get3A_78 = vector.shape_cast %get3A_77 : vector<16xi32> to vector<16xi32>
      %mul3A_79 = arith.constant 104 : i32
      %mul3A_80 = arith.muli %add3A_28, %mul3A_79 : i32
      %add3A_81 = arith.constant 80 : i32
      %add3A_82 = arith.addi %mul3A_80, %add3A_81 : i32
      %get3A_83 = arith.index_cast %add3A_82 : i32 to index
      %get3A_84 = tpu.vector_load %arg6[%get3A_83] {strides = array<i32>} : memref<3328xi32, #tpu.memory_space<vmem>>, vector<16xi32>,
      %get3A_85 = vector.shape_cast %get3A_84 : vector<16xi32> to vector<16xi32>
      %mul3A_86 = arith.constant 104 : i32
      %mul3A_87 = arith.muli %add3A_28, %mul3A_86 : i32
      %add3A_88 = arith.constant 104 : i32
      %add3A_89 = arith.addi %mul3A_87, %add3A_88 : i32
      %sub3A = arith.constant 16 : i32
      %sub3A_90 = arith.subi %add3A_89, %sub3A : i32
      %get3A_91 = arith.index_cast %sub3A_90 : i32 to index
      %get3A_92 = tpu.vector_load %arg6[%get3A_91] {strides = array<i32>} : memref<3328xi32, #tpu.memory_space<vmem>>, vector<16xi32>,
      %get3A_93 = vector.shape_cast %get3A_92 : vector<16xi32> to vector<16xi32>
      %slice3A = vector.extract_strided_slice %get3A_50 {offsets = [0], sizes = [1], strides = [1]} : vector<16xi32> to vector<1xi32>
      %squeeze3A = vector.extract %slice3A[0] : i32 from vector<1xi32>
      %mul3A_94 = arith.constant 64 : i32
      %mul3A_95 = arith.muli %squeeze3A, %mul3A_94 : i32
      %add3A_96 = arith.constant 0 : i32
      %add3A_97 = arith.addi %mul3A_95, %add3A_96 : i32
      %get3A_98 = arith.constant 0 : i32
      %get3A_99 = arith.index_cast %rem3A_29 : i32 to index
      %get3A_100 = arith.index_cast %get3A_98 : i32 to index
      %get3A_101 = arith.index_cast %add3A_97 : i32 to index
      %get3A_102 = tpu.vector_load %arg8[%get3A_99, %get3A_100, %get3A_101] {strides = array<i32>} : memref<6x104x128xf32, #tpu.memory_space<vmem>>, vector<1x1x16xf32>,
      %get3A_103 = vector.shape_cast %get3A_102 : vector<1x1x16xf32> to vector<16xf32>
      %add3A_104 = arith.constant 16 : i32
      %add3A_105 = arith.addi %mul3A_95, %add3A_104 : i32
      %get3A_106 = arith.constant 0 : i32
      %get3A_107 = arith.index_cast %rem3A_29 : i32 to index
      %get3A_108 = arith.index_cast %get3A_106 : i32 to index
      %get3A_109 = arith.index_cast %add3A_105 : i32 to index
      %get3A_110 = tpu.vector_load %arg8[%get3A_107, %get3A_108, %get3A_109] {strides = array<i32>} : memref<6x104x128xf32, #tpu.memory_space<vmem>>, vector<1x1x16xf32>,
      %get3A_111 = vector.shape_cast %get3A_110 : vector<1x1x16xf32> to vector<16xf32>
      %add3A_112 = arith.constant 32 : i32
      %add3A_113 = arith.addi %mul3A_95, %add3A_112 : i32
      %get3A_114 = arith.constant 0 : i32
      %get3A_115 = arith.index_cast %rem3A_29 : i32 to index
      %get3A_116 = arith.index_cast %get3A_114 : i32 to index
      %get3A_117 = arith.index_cast %add3A_113 : i32 to index
      %get3A_118 = tpu.vector_load %arg8[%get3A_115, %get3A_116, %get3A_117] {strides = array<i32>} : memref<6x104x128xf32, #tpu.memory_space<vmem>>, vector<1x1x16xf32>,
      %get3A_119 = vector.shape_cast %get3A_118 : vector<1x1x16xf32> to vector<16xf32>
      %add3A_120 = arith.constant 48 : i32
      %add3A_121 = arith.addi %mul3A_95, %add3A_120 : i32
      %get3A_122 = arith.constant 0 : i32
      %get3A_123 = arith.index_cast %rem3A_29 : i32 to index
      %get3A_124 = arith.index_cast %get3A_122 : i32 to index
      %get3A_125 = arith.index_cast %add3A_121 : i32 to index
      %get3A_126 = tpu.vector_load %arg8[%get3A_123, %get3A_124, %get3A_125] {strides = array<i32>} : memref<6x104x128xf32, #tpu.memory_space<vmem>>, vector<1x1x16xf32>,
      %get3A_127 = vector.shape_cast %get3A_126 : vector<1x1x16xf32> to vector<16xf32>
      %slice3A_128 = vector.extract_strided_slice %get3A_50 {offsets = [1], sizes = [1], strides = [1]} : vector<16xi32> to vector<1xi32>
      %squeeze3A_129 = vector.extract %slice3A_128[0] : i32 from vector<1xi32>
      %mul3A_130 = arith.constant 64 : i32
      %mul3A_131 = arith.muli %squeeze3A_129, %mul3A_130 : i32
      %add3A_132 = arith.constant 0 : i32
      %add3A_133 = arith.addi %mul3A_131, %add3A_132 : i32
      %get3A_134 = arith.constant 1 : i32
      %get3A_135 = arith.index_cast %rem3A_29 : i32 to index
      %get3A_136 = arith.index_cast %get3A_134 : i32 to index
      %get3A_137 = arith.index_cast %add3A_133 : i32 to index
      %get3A_138 = tpu.vector_load %arg8[%get3A_135, %get3A_136, %get3A_137] {strides = array<i32>} : memref<6x104x128xf32, #tpu.memory_space<vmem>>, vector<1x1x16xf32>,
      %get3A_139 = vector.shape_cast %get3A_138 : vector<1x1x16xf32> to vector<16xf32>
      %add3A_140 = arith.constant 16 : i32
      %add3A_141 = arith.addi %mul3A_131, %add3A_140 : i32
      %get3A_142 = arith.constant 1 : i32
      %get3A_143 = arith.index_cast %rem3A_29 : i32 to index
      %get3A_144 = arith.index_cast %get3A_142 : i32 to index
      %get3A_145 = arith.index_cast %add3A_141 : i32 to index
      %get3A_146 = tpu.vector_load %arg8[%get3A_143, %get3A_144, %get3A_145] {strides = array<i32>} : memref<6x104x128xf32, #tpu.memory_space<vmem>>, vector<1x1x16xf32>,
      %get3A_147 = vector.shape_cast %get3A_146 : vector<1x1x16xf32> to vector<16xf32>
      %add3A_148 = arith.constant 32 : i32
      %add3A_149 = arith.addi %mul3A_131, %add3A_148 : i32
      %get3A_150 = arith.constant 1 : i32
      %get3A_151 = arith.index_cast %rem3A_29 : i32 to index
      %get3A_152 = arith.index_cast %get3A_150 : i32 to index
      %get3A_153 = arith.index_cast %add3A_149 : i32 to index
      %get3A_154 = tpu.vector_load %arg8[%get3A_151, %get3A_152, %get3A_153] {strides = array<i32>} : memref<6x104x128xf32, #tpu.memory_space<vmem>>, vector<1x1x16xf32>,
      %get3A_155 = vector.shape_cast %get3A_154 : vector<1x1x16xf32> to vector<16xf32>
      %add3A_156 = arith.constant 48 : i32
      %add3A_157 = arith.addi %mul3A_131, %add3A_156 : i32
      %get3A_158 = arith.constant 1 : i32
      %get3A_159 = arith.index_cast %rem3A_29 : i32 to index
      %get3A_160 = arith.index_cast %get3A_158 : i32 to index
      %get3A_161 = arith.index_cast %add3A_157 : i32 to index
      %get3A_162 = tpu.vector_load %arg8[%get3A_159, %get3A_160, %get3A_161] {strides = array<i32>} : memref<6x104x128xf32, #tpu.memory_space<vmem>>, vector<1x1x16xf32>,
      %get3A_163 = vector.shape_cast %get3A_162 : vector<1x1x16xf32> to vector<16xf32>
      %add3A_164 = arith.addf %get3A_103, %get3A_139 : vector<16xf32>
      %add3A_165 = arith.addf %get3A_111, %get3A_147 : vector<16xf32>
      %add3A_166 = arith.addf %get3A_119, %get3A_155 : vector<16xf32>
      %add3A_167 = arith.addf %get3A_127, %get3A_163 : vector<16xf32>
      %slice3A_168 = vector.extract_strided_slice %get3A_50 {offsets = [2], sizes = [1], strides = [1]} : vector<16xi32> to vector<1xi32>
      %squeeze3A_169 = vector.extract %slice3A_168[0] : i32 from vector<1xi32>
      %mul3A_170 = arith.constant 64 : i32
      %mul3A_171 = arith.muli %squeeze3A_169, %mul3A_170 : i32
      %add3A_172 = arith.constant 0 : i32
      %add3A_173 = arith.addi %mul3A_171, %add3A_172 : i32
      %get3A_174 = arith.constant 2 : i32
      %get3A_175 = arith.index_cast %rem3A_29 : i32 to index
      %get3A_176 = arith.index_cast %get3A_174 : i32 to index
      %get3A_177 = arith.index_cast %add3A_173 : i32 to index
      %get3A_178 = tpu.vector_load %arg8[%get3A_175, %get3A_176, %get3A_177] {strides = array<i32>} : memref<6x104x128xf32, #tpu.memory_space<vmem>>, vector<1x1x16xf32>,
      %get3A_179 = vector.shape_cast %get3A_178 : vector<1x1x16xf32> to vector<16xf32>
      %add3A_180 = arith.constant 16 : i32
      %add3A_181 = arith.addi %mul3A_171, %add3A_180 : i32
      %get3A_182 = arith.constant 2 : i32
      %get3A_183 = arith.index_cast %rem3A_29 : i32 to index
      %get3A_184 = arith.index_cast %get3A_182 : i32 to index
      %get3A_185 = arith.index_cast %add3A_181 : i32 to index
      %get3A_186 = tpu.vector_load %arg8[%get3A_183, %get3A_184, %get3A_185] {strides = array<i32>} : memref<6x104x128xf32, #tpu.memory_space<vmem>>, vector<1x1x16xf32>,
      %get3A_187 = vector.shape_cast %get3A_186 : vector<1x1x16xf32> to vector<16xf32>
      %add3A_188 = arith.constant 32 : i32
      %add3A_189 = arith.addi %mul3A_171, %add3A_188 : i32
      %get3A_190 = arith.constant 2 : i32
      %get3A_191 = arith.index_cast %rem3A_29 : i32 to index
      %get3A_192 = arith.index_cast %get3A_190 : i32 to index
      %get3A_193 = arith.index_cast %add3A_189 : i32 to index
      %get3A_194 = tpu.vector_load %arg8[%get3A_191, %get3A_192, %get3A_193] {strides = array<i32>} : memref<6x104x128xf32, #tpu.memory_space<vmem>>, vector<1x1x16xf32>,
      %get3A_195 = vector.shape_cast %get3A_194 : vector<1x1x16xf32> to vector<16xf32>
      %add3A_196 = arith.constant 48 : i32
      %add3A_197 = arith.addi %mul3A_171, %add3A_196 : i32
      %get3A_198 = arith.constant 2 : i32
      %get3A_199 = arith.index_cast %rem3A_29 : i32 to index
      %get3A_200 = arith.index_cast %get3A_198 : i32 to index
      %get3A_201 = arith.index_cast %add3A_197 : i32 to index
      %get3A_202 = tpu.vector_load %arg8[%get3A_199, %get3A_200, %get3A_201] {strides = array<i32>} : memref<6x104x128xf32, #tpu.memory_space<vmem>>, vector<1x1x16xf32>,
      %get3A_203 = vector.shape_cast %get3A_202 : vector<1x1x16xf32> to vector<16xf32>
      %add3A_204 = arith.addf %add3A_164, %get3A_179 : vector<16xf32>
      %add3A_205 = arith.addf %add3A_165, %get3A_187 : vector<16xf32>
      %add3A_206 = arith.addf %add3A_166, %get3A_195 : vector<16xf32>
      %add3A_207 = arith.addf %add3A_167, %get3A_203 : vector<16xf32>
      %slice3A_208 = vector.extract_strided_slice %get3A_50 {offsets = [3], sizes = [1], strides = [1]} : vector<16xi32> to vector<1xi32>
      %squeeze3A_209 = vector.extract %slice3A_208[0] : i32 from vector<1xi32>
      %mul3A_210 = arith.constant 64 : i32
      %mul3A_211 = arith.muli %squeeze3A_209, %mul3A_210 : i32
      %add3A_212 = arith.constant 0 : i32
      %add3A_213 = arith.addi %mul3A_211, %add3A_212 : i32
      %get3A_214 = arith.constant 3 : i32
      %get3A_215 = arith.index_cast %rem3A_29 : i32 to index
      %get3A_216 = arith.index_cast %get3A_214 : i32 to index
      %get3A_217 = arith.index_cast %add3A_213 : i32 to index
      %get3A_218 = tpu.vector_load %arg8[%get3A_215, %get3A_216, %get3A_217] {strides = array<i32>} : memref<6x104x128xf32, #tpu.memory_space<vmem>>, vector<1x1x16xf32>,
      %get3A_219 = vector.shape_cast %get3A_218 : vector<1x1x16xf32> to vector<16xf32>
      %add3A_220 = arith.constant 16 : i32
      %add3A_221 = arith.addi %mul3A_211, %add3A_220 : i32
      %get3A_222 = arith.constant 3 : i32
      %get3A_223 = arith.index_cast %rem3A_29 : i32 to index
      %get3A_224 = arith.index_cast %get3A_222 : i32 to index
      %get3A_225 = arith.index_cast %add3A_221 : i32 to index
      %get3A_226 = tpu.vector_load %arg8[%get3A_223, %get3A_224, %get3A_225] {strides = array<i32>} : memref<6x104x128xf32, #tpu.memory_space<vmem>>, vector<1x1x16xf32>,
      %get3A_227 = vector.shape_cast %get3A_226 : vector<1x1x16xf32> to vector<16xf32>
      %add3A_228 = arith.constant 32 : i32
      %add3A_229 = arith.addi %mul3A_211, %add3A_228 : i32
      %get3A_230 = arith.constant 3 : i32
      %get3A_231 = arith.index_cast %rem3A_29 : i32 to index
      %get3A_232 = arith.index_cast %get3A_230 : i32 to index
      %get3A_233 = arith.index_cast %add3A_229 : i32 to index
      %get3A_234 = tpu.vector_load %arg8[%get3A_231, %get3A_232, %get3A_233] {strides = array<i32>} : memref<6x104x128xf32, #tpu.memory_space<vmem>>, vector<1x1x16xf32>,
      %get3A_235 = vector.shape_cast %get3A_234 : vector<1x1x16xf32> to vector<16xf32>
      %add3A_236 = arith.constant 48 : i32
      %add3A_237 = arith.addi %mul3A_211, %add3A_236 : i32
      %get3A_238 = arith.constant 3 : i32
      %get3A_239 = arith.index_cast %rem3A_29 : i32 to index
      %get3A_240 = arith.index_cast %get3A_238 : i32 to index
      %get3A_241 = arith.index_cast %add3A_237 : i32 to index
      %get3A_242 = tpu.vector_load %arg8[%get3A_239, %get3A_240, %get3A_241] {strides = array<i32>} : memref<6x104x128xf32, #tpu.memory_space<vmem>>, vector<1x1x16xf32>,
      %get3A_243 = vector.shape_cast %get3A_242 : vector<1x1x16xf32> to vector<16xf32>
      %add3A_244 = arith.addf %add3A_204, %get3A_219 : vector<16xf32>
      %add3A_245 = arith.addf %add3A_205, %get3A_227 : vector<16xf32>
      %add3A_246 = arith.addf %add3A_206, %get3A_235 : vector<16xf32>
      %add3A_247 = arith.addf %add3A_207, %get3A_243 : vector<16xf32>
      %slice3A_248 = vector.extract_strided_slice %get3A_50 {offsets = [4], sizes = [1], strides = [1]} : vector<16xi32> to vector<1xi32>
      %squeeze3A_249 = vector.extract %slice3A_248[0] : i32 from vector<1xi32>
      %mul3A_250 = arith.constant 64 : i32
      %mul3A_251 = arith.muli %squeeze3A_249, %mul3A_250 : i32
      %add3A_252 = arith.constant 0 : i32
      %add3A_253 = arith.addi %mul3A_251, %add3A_252 : i32
      %get3A_254 = arith.constant 4 : i32
      %get3A_255 = arith.index_cast %rem3A_29 : i32 to index
      %get3A_256 = arith.index_cast %get3A_254 : i32 to index
      %get3A_257 = arith.index_cast %add3A_253 : i32 to index
      %get3A_258 = tpu.vector_load %arg8[%get3A_255, %get3A_256, %get3A_257] {strides = array<i32>} : memref<6x104x128xf32, #tpu.memory_space<vmem>>, vector<1x1x16xf32>,
      %get3A_259 = vector.shape_cast %get3A_258 : vector<1x1x16xf32> to vector<16xf32>
      %add3A_260 = arith.constant 16 : i32
      %add3A_261 = arith.addi %mul3A_251, %add3A_260 : i32
      %get3A_262 = arith.constant 4 : i32
      %get3A_263 = arith.index_cast %rem3A_29 : i32 to index
      %get3A_264 = arith.index_cast %get3A_262 : i32 to index
      %get3A_265 = arith.index_cast %add3A_261 : i32 to index
      %get3A_266 = tpu.vector_load %arg8[%get3A_263, %get3A_264, %get3A_265] {strides = array<i32>} : memref<6x104x128xf32, #tpu.memory_space<vmem>>, vector<1x1x16xf32>,
      %get3A_267 = vector.shape_cast %get3A_266 : vector<1x1x16xf32> to vector<16xf32>
      %add3A_268 = arith.constant 32 : i32
      %add3A_269 = arith.addi %mul3A_251, %add3A_268 : i32
      %get3A_270 = arith.constant 4 : i32
      %get3A_271 = arith.index_cast %rem3A_29 : i32 to index
      %get3A_272 = arith.index_cast %get3A_270 : i32 to index
      %get3A_273 = arith.index_cast %add3A_269 : i32 to index
      %get3A_274 = tpu.vector_load %arg8[%get3A_271, %get3A_272, %get3A_273] {strides = array<i32>} : memref<6x104x128xf32, #tpu.memory_space<vmem>>, vector<1x1x16xf32>,
      %get3A_275 = vector.shape_cast %get3A_274 : vector<1x1x16xf32> to vector<16xf32>
      %add3A_276 = arith.constant 48 : i32
      %add3A_277 = arith.addi %mul3A_251, %add3A_276 : i32
      %get3A_278 = arith.constant 4 : i32
      %get3A_279 = arith.index_cast %rem3A_29 : i32 to index
      %get3A_280 = arith.index_cast %get3A_278 : i32 to index
      %get3A_281 = arith.index_cast %add3A_277 : i32 to index
      %get3A_282 = tpu.vector_load %arg8[%get3A_279, %get3A_280, %get3A_281] {strides = array<i32>} : memref<6x104x128xf32, #tpu.memory_space<vmem>>, vector<1x1x16xf32>,
      %get3A_283 = vector.shape_cast %get3A_282 : vector<1x1x16xf32> to vector<16xf32>
      %add3A_284 = arith.addf %add3A_244, %get3A_259 : vector<16xf32>
      %add3A_285 = arith.addf %add3A_245, %get3A_267 : vector<16xf32>
      %add3A_286 = arith.addf %add3A_246, %get3A_275 : vector<16xf32>
      %add3A_287 = arith.addf %add3A_247, %get3A_283 : vector<16xf32>
      %slice3A_288 = vector.extract_strided_slice %get3A_50 {offsets = [5], sizes = [1], strides = [1]} : vector<16xi32> to vector<1xi32>
      %squeeze3A_289 = vector.extract %slice3A_288[0] : i32 from vector<1xi32>
      %mul3A_290 = arith.constant 64 : i32
      %mul3A_291 = arith.muli %squeeze3A_289, %mul3A_290 : i32
      %add3A_292 = arith.constant 0 : i32
      %add3A_293 = arith.addi %mul3A_291, %add3A_292 : i32
      %get3A_294 = arith.constant 5 : i32
      %get3A_295 = arith.index_cast %rem3A_29 : i32 to index
      %get3A_296 = arith.index_cast %get3A_294 : i32 to index
      %get3A_297 = arith.index_cast %add3A_293 : i32 to index
      %get3A_298 = tpu.vector_load %arg8[%get3A_295, %get3A_296, %get3A_297] {strides = array<i32>} : memref<6x104x128xf32, #tpu.memory_space<vmem>>, vector<1x1x16xf32>,
      %get3A_299 = vector.shape_cast %get3A_298 : vector<1x1x16xf32> to vector<16xf32>
      %add3A_300 = arith.constant 16 : i32
      %add3A_301 = arith.addi %mul3A_291, %add3A_300 : i32
      %get3A_302 = arith.constant 5 : i32
      %get3A_303 = arith.index_cast %rem3A_29 : i32 to index
      %get3A_304 = arith.index_cast %get3A_302 : i32 to index
      %get3A_305 = arith.index_cast %add3A_301 : i32 to index
      %get3A_306 = tpu.vector_load %arg8[%get3A_303, %get3A_304, %get3A_305] {strides = array<i32>} : memref<6x104x128xf32, #tpu.memory_space<vmem>>, vector<1x1x16xf32>,
      %get3A_307 = vector.shape_cast %get3A_306 : vector<1x1x16xf32> to vector<16xf32>
      %add3A_308 = arith.constant 32 : i32
      %add3A_309 = arith.addi %mul3A_291, %add3A_308 : i32
      %get3A_310 = arith.constant 5 : i32
      %get3A_311 = arith.index_cast %rem3A_29 : i32 to index
      %get3A_312 = arith.index_cast %get3A_310 : i32 to index
      %get3A_313 = arith.index_cast %add3A_309 : i32 to index
      %get3A_314 = tpu.vector_load %arg8[%get3A_311, %get3A_312, %get3A_313] {strides = array<i32>} : memref<6x104x128xf32, #tpu.memory_space<vmem>>, vector<1x1x16xf32>,
      %get3A_315 = vector.shape_cast %get3A_314 : vector<1x1x16xf32> to vector<16xf32>
      %add3A_316 = arith.constant 48 : i32
      %add3A_317 = arith.addi %mul3A_291, %add3A_316 : i32
      %get3A_318 = arith.constant 5 : i32
      %get3A_319 = arith.index_cast %rem3A_29 : i32 to index
      %get3A_320 = arith.index_cast %get3A_318 : i32 to index
      %get3A_321 = arith.index_cast %add3A_317 : i32 to index
      %get3A_322 = tpu.vector_load %arg8[%get3A_319, %get3A_320, %get3A_321] {strides = array<i32>} : memref<6x104x128xf32, #tpu.memory_space<vmem>>, vector<1x1x16xf32>,
      %get3A_323 = vector.shape_cast %get3A_322 : vector<1x1x16xf32> to vector<16xf32>
      %add3A_324 = arith.addf %add3A_284, %get3A_299 : vector<16xf32>
      %add3A_325 = arith.addf %add3A_285, %get3A_307 : vector<16xf32>
      %add3A_326 = arith.addf %add3A_286, %get3A_315 : vector<16xf32>
      %add3A_327 = arith.addf %add3A_287, %get3A_323 : vector<16xf32>
      %slice3A_328 = vector.extract_strided_slice %get3A_50 {offsets = [6], sizes = [1], strides = [1]} : vector<16xi32> to vector<1xi32>
      %squeeze3A_329 = vector.extract %slice3A_328[0] : i32 from vector<1xi32>
      %mul3A_330 = arith.constant 64 : i32
      %mul3A_331 = arith.muli %squeeze3A_329, %mul3A_330 : i32
      %add3A_332 = arith.constant 0 : i32
      %add3A_333 = arith.addi %mul3A_331, %add3A_332 : i32
      %get3A_334 = arith.constant 6 : i32
      %get3A_335 = arith.index_cast %rem3A_29 : i32 to index
      %get3A_336 = arith.index_cast %get3A_334 : i32 to index
      %get3A_337 = arith.index_cast %add3A_333 : i32 to index
      %get3A_338 = tpu.vector_load %arg8[%get3A_335, %get3A_336, %get3A_337] {strides = array<i32>} : memref<6x104x128xf32, #tpu.memory_space<vmem>>, vector<1x1x16xf32>,
      %get3A_339 = vector.shape_cast %get3A_338 : vector<1x1x16xf32> to vector<16xf32>
      %add3A_340 = arith.constant 16 : i32
      %add3A_341 = arith.addi %mul3A_331, %add3A_340 : i32
      %get3A_342 = arith.constant 6 : i32
      %get3A_343 = arith.index_cast %rem3A_29 : i32 to index
      %get3A_344 = arith.index_cast %get3A_342 : i32 to index
      %get3A_345 = arith.index_cast %add3A_341 : i32 to index
      %get3A_346 = tpu.vector_load %arg8[%get3A_343, %get3A_344, %get3A_345] {strides = array<i32>} : memref<6x104x128xf32, #tpu.memory_space<vmem>>, vector<1x1x16xf32>,
      %get3A_347 = vector.shape_cast %get3A_346 : vector<1x1x16xf32> to vector<16xf32>
      %add3A_348 = arith.constant 32 : i32
      %add3A_349 = arith.addi %mul3A_331, %add3A_348 : i32
      %get3A_350 = arith.constant 6 : i32
      %get3A_351 = arith.index_cast %rem3A_29 : i32 to index
      %get3A_352 = arith.index_cast %get3A_350 : i32 to index
      %get3A_353 = arith.index_cast %add3A_349 : i32 to index
      %get3A_354 = tpu.vector_load %arg8[%get3A_351, %get3A_352, %get3A_353] {strides = array<i32>} : memref<6x104x128xf32, #tpu.memory_space<vmem>>, vector<1x1x16xf32>,
      %get3A_355 = vector.shape_cast %get3A_354 : vector<1x1x16xf32> to vector<16xf32>
      %add3A_356 = arith.constant 48 : i32
      %add3A_357 = arith.addi %mul3A_331, %add3A_356 : i32
      %get3A_358 = arith.constant 6 : i32
      %get3A_359 = arith.index_cast %rem3A_29 : i32 to index
      %get3A_360 = arith.index_cast %get3A_358 : i32 to index
      %get3A_361 = arith.index_cast %add3A_357 : i32 to index
      %get3A_362 = tpu.vector_load %arg8[%get3A_359, %get3A_360, %get3A_361] {strides = array<i32>} : memref<6x104x128xf32, #tpu.memory_space<vmem>>, vector<1x1x16xf32>,
      %get3A_363 = vector.shape_cast %get3A_362 : vector<1x1x16xf32> to vector<16xf32>
      %add3A_364 = arith.addf %add3A_324, %get3A_339 : vector<16xf32>
      %add3A_365 = arith.addf %add3A_325, %get3A_347 : vector<16xf32>
      %add3A_366 = arith.addf %add3A_326, %get3A_355 : vector<16xf32>
      %add3A_367 = arith.addf %add3A_327, %get3A_363 : vector<16xf32>
      %slice3A_368 = vector.extract_strided_slice %get3A_50 {offsets = [7], sizes = [1], strides = [1]} : vector<16xi32> to vector<1xi32>
      %squeeze3A_369 = vector.extract %slice3A_368[0] : i32 from vector<1xi32>
      %mul3A_370 = arith.constant 64 : i32
      %mul3A_371 = arith.muli %squeeze3A_369, %mul3A_370 : i32
      %add3A_372 = arith.constant 0 : i32
      %add3A_373 = arith.addi %mul3A_371, %add3A_372 : i32
      %get3A_374 = arith.constant 7 : i32
      %get3A_375 = arith.index_cast %rem3A_29 : i32 to index
      %get3A_376 = arith.index_cast %get3A_374 : i32 to index
      %get3A_377 = arith.index_cast %add3A_373 : i32 to index
      %get3A_378 = tpu.vector_load %arg8[%get3A_375, %get3A_376, %get3A_377] {strides = array<i32>} : memref<6x104x128xf32, #tpu.memory_space<vmem>>, vector<1x1x16xf32>,
      %get3A_379 = vector.shape_cast %get3A_378 : vector<1x1x16xf32> to vector<16xf32>
      %add3A_380 = arith.constant 16 : i32
      %add3A_381 = arith.addi %mul3A_371, %add3A_380 : i32
      %get3A_382 = arith.constant 7 : i32
      %get3A_383 = arith.index_cast %rem3A_29 : i32 to index
      %get3A_384 = arith.index_cast %get3A_382 : i32 to index
      %get3A_385 = arith.index_cast %add3A_381 : i32 to index
      %get3A_386 = tpu.vector_load %arg8[%get3A_383, %get3A_384, %get3A_385] {strides = array<i32>} : memref<6x104x128xf32, #tpu.memory_space<vmem>>, vector<1x1x16xf32>,
      %get3A_387 = vector.shape_cast %get3A_386 : vector<1x1x16xf32> to vector<16xf32>
      %add3A_388 = arith.constant 32 : i32
      %add3A_389 = arith.addi %mul3A_371, %add3A_388 : i32
      %get3A_390 = arith.constant 7 : i32
      %get3A_391 = arith.index_cast %rem3A_29 : i32 to index
      %get3A_392 = arith.index_cast %get3A_390 : i32 to index
      %get3A_393 = arith.index_cast %add3A_389 : i32 to index
      %get3A_394 = tpu.vector_load %arg8[%get3A_391, %get3A_392, %get3A_393] {strides = array<i32>} : memref<6x104x128xf32, #tpu.memory_space<vmem>>, vector<1x1x16xf32>,
      %get3A_395 = vector.shape_cast %get3A_394 : vector<1x1x16xf32> to vector<16xf32>
      %add3A_396 = arith.constant 48 : i32
      %add3A_397 = arith.addi %mul3A_371, %add3A_396 : i32
      %get3A_398 = arith.constant 7 : i32
      %get3A_399 = arith.index_cast %rem3A_29 : i32 to index
      %get3A_400 = arith.index_cast %get3A_398 : i32 to index
      %get3A_401 = arith.index_cast %add3A_397 : i32 to index
      %get3A_402 = tpu.vector_load %arg8[%get3A_399, %get3A_400, %get3A_401] {strides = array<i32>} : memref<6x104x128xf32, #tpu.memory_space<vmem>>, vector<1x1x16xf32>,
      %get3A_403 = vector.shape_cast %get3A_402 : vector<1x1x16xf32> to vector<16xf32>
      %add3A_404 = arith.addf %add3A_364, %get3A_379 : vector<16xf32>
      %add3A_405 = arith.addf %add3A_365, %get3A_387 : vector<16xf32>
      %add3A_406 = arith.addf %add3A_366, %get3A_395 : vector<16xf32>
      %add3A_407 = arith.addf %add3A_367, %get3A_403 : vector<16xf32>
      %slice3A_408 = vector.extract_strided_slice %get3A_50 {offsets = [8], sizes = [1], strides = [1]} : vector<16xi32> to vector<1xi32>
      %squeeze3A_409 = vector.extract %slice3A_408[0] : i32 from vector<1xi32>
      %mul3A_410 = arith.constant 64 : i32
      %mul3A_411 = arith.muli %squeeze3A_409, %mul3A_410 : i32
      %add3A_412 = arith.constant 0 : i32
      %add3A_413 = arith.addi %mul3A_411, %add3A_412 : i32
      %get3A_414 = arith.constant 8 : i32
      %get3A_415 = arith.index_cast %rem3A_29 : i32 to index
      %get3A_416 = arith.index_cast %get3A_414 : i32 to index
      %get3A_417 = arith.index_cast %add3A_413 : i32 to index
      %get3A_418 = tpu.vector_load %arg8[%get3A_415, %get3A_416, %get3A_417] {strides = array<i32>} : memref<6x104x128xf32, #tpu.memory_space<vmem>>, vector<1x1x16xf32>,
      %get3A_419 = vector.shape_cast %get3A_418 : vector<1x1x16xf32> to vector<16xf32>
      %add3A_420 = arith.constant 16 : i32
      %add3A_421 = arith.addi %mul3A_411, %add3A_420 : i32
      %get3A_422 = arith.constant 8 : i32
      %get3A_423 = arith.index_cast %rem3A_29 : i32 to index
      %get3A_424 = arith.index_cast %get3A_422 : i32 to index
      %get3A_425 = arith.index_cast %add3A_421 : i32 to index
      %get3A_426 = tpu.vector_load %arg8[%get3A_423, %get3A_424, %get3A_425] {strides = array<i32>} : memref<6x104x128xf32, #tpu.memory_space<vmem>>, vector<1x1x16xf32>,
      %get3A_427 = vector.shape_cast %get3A_426 : vector<1x1x16xf32> to vector<16xf32>
      %add3A_428 = arith.constant 32 : i32
      %add3A_429 = arith.addi %mul3A_411, %add3A_428 : i32
      %get3A_430 = arith.constant 8 : i32
      %get3A_431 = arith.index_cast %rem3A_29 : i32 to index
      %get3A_432 = arith.index_cast %get3A_430 : i32 to index
      %get3A_433 = arith.index_cast %add3A_429 : i32 to index
      %get3A_434 = tpu.vector_load %arg8[%get3A_431, %get3A_432, %get3A_433] {strides = array<i32>} : memref<6x104x128xf32, #tpu.memory_space<vmem>>, vector<1x1x16xf32>,
      %get3A_435 = vector.shape_cast %get3A_434 : vector<1x1x16xf32> to vector<16xf32>
      %add3A_436 = arith.constant 48 : i32
      %add3A_437 = arith.addi %mul3A_411, %add3A_436 : i32
      %get3A_438 = arith.constant 8 : i32
      %get3A_439 = arith.index_cast %rem3A_29 : i32 to index
      %get3A_440 = arith.index_cast %get3A_438 : i32 to index
      %get3A_441 = arith.index_cast %add3A_437 : i32 to index
      %get3A_442 = tpu.vector_load %arg8[%get3A_439, %get3A_440, %get3A_441] {strides = array<i32>} : memref<6x104x128xf32, #tpu.memory_space<vmem>>, vector<1x1x16xf32>,
      %get3A_443 = vector.shape_cast %get3A_442 : vector<1x1x16xf32> to vector<16xf32>
      %add3A_444 = arith.addf %add3A_404, %get3A_419 : vector<16xf32>
      %add3A_445 = arith.addf %add3A_405, %get3A_427 : vector<16xf32>
      %add3A_446 = arith.addf %add3A_406, %get3A_435 : vector<16xf32>
      %add3A_447 = arith.addf %add3A_407, %get3A_443 : vector<16xf32>
      %slice3A_448 = vector.extract_strided_slice %get3A_50 {offsets = [9], sizes = [1], strides = [1]} : vector<16xi32> to vector<1xi32>
      %squeeze3A_449 = vector.extract %slice3A_448[0] : i32 from vector<1xi32>
      %mul3A_450 = arith.constant 64 : i32
      %mul3A_451 = arith.muli %squeeze3A_449, %mul3A_450 : i32
      %add3A_452 = arith.constant 0 : i32
      %add3A_453 = arith.addi %mul3A_451, %add3A_452 : i32
      %get3A_454 = arith.constant 9 : i32
      %get3A_455 = arith.index_cast %rem3A_29 : i32 to index
      %get3A_456 = arith.index_cast %get3A_454 : i32 to index
      %get3A_457 = arith.index_cast %add3A_453 : i32 to index
      %get3A_458 = tpu.vector_load %arg8[%get3A_455, %get3A_456, %get3A_457] {strides = array<i32>} : memref<6x104x128xf32, #tpu.memory_space<vmem>>, vector<1x1x16xf32>,
      %get3A_459 = vector.shape_cast %get3A_458 : vector<1x1x16xf32> to vector<16xf32>
      %add3A_460 = arith.constant 16 : i32
      %add3A_461 = arith.addi %mul3A_451, %add3A_460 : i32
      %get3A_462 = arith.constant 9 : i32
      %get3A_463 = arith.index_cast %rem3A_29 : i32 to index
      %get3A_464 = arith.index_cast %get3A_462 : i32 to index
      %get3A_465 = arith.index_cast %add3A_461 : i32 to index
      %get3A_466 = tpu.vector_load %arg8[%get3A_463, %get3A_464, %get3A_465] {strides = array<i32>} : memref<6x104x128xf32, #tpu.memory_space<vmem>>, vector<1x1x16xf32>,
      %get3A_467 = vector.shape_cast %get3A_466 : vector<1x1x16xf32> to vector<16xf32>
      %add3A_468 = arith.constant 32 : i32
      %add3A_469 = arith.addi %mul3A_451, %add3A_468 : i32
      %get3A_470 = arith.constant 9 : i32
      %get3A_471 = arith.index_cast %rem3A_29 : i32 to index
      %get3A_472 = arith.index_cast %get3A_470 : i32 to index
      %get3A_473 = arith.index_cast %add3A_469 : i32 to index
      %get3A_474 = tpu.vector_load %arg8[%get3A_471, %get3A_472, %get3A_473] {strides = array<i32>} : memref<6x104x128xf32, #tpu.memory_space<vmem>>, vector<1x1x16xf32>,
      %get3A_475 = vector.shape_cast %get3A_474 : vector<1x1x16xf32> to vector<16xf32>
      %add3A_476 = arith.constant 48 : i32
      %add3A_477 = arith.addi %mul3A_451, %add3A_476 : i32
      %get3A_478 = arith.constant 9 : i32
      %get3A_479 = arith.index_cast %rem3A_29 : i32 to index
      %get3A_480 = arith.index_cast %get3A_478 : i32 to index
      %get3A_481 = arith.index_cast %add3A_477 : i32 to index
      %get3A_482 = tpu.vector_load %arg8[%get3A_479, %get3A_480, %get3A_481] {strides = array<i32>} : memref<6x104x128xf32, #tpu.memory_space<vmem>>, vector<1x1x16xf32>,
      %get3A_483 = vector.shape_cast %get3A_482 : vector<1x1x16xf32> to vector<16xf32>
      %add3A_484 = arith.addf %add3A_444, %get3A_459 : vector<16xf32>
      %add3A_485 = arith.addf %add3A_445, %get3A_467 : vector<16xf32>
      %add3A_486 = arith.addf %add3A_446, %get3A_475 : vector<16xf32>
      %add3A_487 = arith.addf %add3A_447, %get3A_483 : vector<16xf32>
      %slice3A_488 = vector.extract_strided_slice %get3A_50 {offsets = [10], sizes = [1], strides = [1]} : vector<16xi32> to vector<1xi32>
      %squeeze3A_489 = vector.extract %slice3A_488[0] : i32 from vector<1xi32>
      %mul3A_490 = arith.constant 64 : i32
      %mul3A_491 = arith.muli %squeeze3A_489, %mul3A_490 : i32
      %add3A_492 = arith.constant 0 : i32
      %add3A_493 = arith.addi %mul3A_491, %add3A_492 : i32
      %get3A_494 = arith.constant 10 : i32
      %get3A_495 = arith.index_cast %rem3A_29 : i32 to index
      %get3A_496 = arith.index_cast %get3A_494 : i32 to index
      %get3A_497 = arith.index_cast %add3A_493 : i32 to index
      %get3A_498 = tpu.vector_load %arg8[%get3A_495, %get3A_496, %get3A_497] {strides = array<i32>} : memref<6x104x128xf32, #tpu.memory_space<vmem>>, vector<1x1x16xf32>,
      %get3A_499 = vector.shape_cast %get3A_498 : vector<1x1x16xf32> to vector<16xf32>
      %add3A_500 = arith.constant 16 : i32
      %add3A_501 = arith.addi %mul3A_491, %add3A_500 : i32
      %get3A_502 = arith.constant 10 : i32
      %get3A_503 = arith.index_cast %rem3A_29 : i32 to index
      %get3A_504 = arith.index_cast %get3A_502 : i32 to index
      %get3A_505 = arith.index_cast %add3A_501 : i32 to index
      %get3A_506 = tpu.vector_load %arg8[%get3A_503, %get3A_504, %get3A_505] {strides = array<i32>} : memref<6x104x128xf32, #tpu.memory_space<vmem>>, vector<1x1x16xf32>,
      %get3A_507 = vector.shape_cast %get3A_506 : vector<1x1x16xf32> to vector<16xf32>
      %add3A_508 = arith.constant 32 : i32
      %add3A_509 = arith.addi %mul3A_491, %add3A_508 : i32
      %get3A_510 = arith.constant 10 : i32
      %get3A_511 = arith.index_cast %rem3A_29 : i32 to index
      %get3A_512 = arith.index_cast %get3A_510 : i32 to index
      %get3A_513 = arith.index_cast %add3A_509 : i32 to index
      %get3A_514 = tpu.vector_load %arg8[%get3A_511, %get3A_512, %get3A_513] {strides = array<i32>} : memref<6x104x128xf32, #tpu.memory_space<vmem>>, vector<1x1x16xf32>,
      %get3A_515 = vector.shape_cast %get3A_514 : vector<1x1x16xf32> to vector<16xf32>
      %add3A_516 = arith.constant 48 : i32
      %add3A_517 = arith.addi %mul3A_491, %add3A_516 : i32
      %get3A_518 = arith.constant 10 : i32
      %get3A_519 = arith.index_cast %rem3A_29 : i32 to index
      %get3A_520 = arith.index_cast %get3A_518 : i32 to index
      %get3A_521 = arith.index_cast %add3A_517 : i32 to index
      %get3A_522 = tpu.vector_load %arg8[%get3A_519, %get3A_520, %get3A_521] {strides = array<i32>} : memref<6x104x128xf32, #tpu.memory_space<vmem>>, vector<1x1x16xf32>,
      %get3A_523 = vector.shape_cast %get3A_522 : vector<1x1x16xf32> to vector<16xf32>
      %add3A_524 = arith.addf %add3A_484, %get3A_499 : vector<16xf32>
      %add3A_525 = arith.addf %add3A_485, %get3A_507 : vector<16xf32>
      %add3A_526 = arith.addf %add3A_486, %get3A_515 : vector<16xf32>
      %add3A_527 = arith.addf %add3A_487, %get3A_523 : vector<16xf32>
      %slice3A_528 = vector.extract_strided_slice %get3A_50 {offsets = [11], sizes = [1], strides = [1]} : vector<16xi32> to vector<1xi32>
      %squeeze3A_529 = vector.extract %slice3A_528[0] : i32 from vector<1xi32>
      %mul3A_530 = arith.constant 64 : i32
      %mul3A_531 = arith.muli %squeeze3A_529, %mul3A_530 : i32
      %add3A_532 = arith.constant 0 : i32
      %add3A_533 = arith.addi %mul3A_531, %add3A_532 : i32
      %get3A_534 = arith.constant 11 : i32
      %get3A_535 = arith.index_cast %rem3A_29 : i32 to index
      %get3A_536 = arith.index_cast %get3A_534 : i32 to index
      %get3A_537 = arith.index_cast %add3A_533 : i32 to index
      %get3A_538 = tpu.vector_load %arg8[%get3A_535, %get3A_536, %get3A_537] {strides = array<i32>} : memref<6x104x128xf32, #tpu.memory_space<vmem>>, vector<1x1x16xf32>,
      %get3A_539 = vector.shape_cast %get3A_538 : vector<1x1x16xf32> to vector<16xf32>
      %add3A_540 = arith.constant 16 : i32
      %add3A_541 = arith.addi %mul3A_531, %add3A_540 : i32
      %get3A_542 = arith.constant 11 : i32
      %get3A_543 = arith.index_cast %rem3A_29 : i32 to index
      %get3A_544 = arith.index_cast %get3A_542 : i32 to index
      %get3A_545 = arith.index_cast %add3A_541 : i32 to index
      %get3A_546 = tpu.vector_load %arg8[%get3A_543, %get3A_544, %get3A_545] {strides = array<i32>} : memref<6x104x128xf32, #tpu.memory_space<vmem>>, vector<1x1x16xf32>,
      %get3A_547 = vector.shape_cast %get3A_546 : vector<1x1x16xf32> to vector<16xf32>
      %add3A_548 = arith.constant 32 : i32
      %add3A_549 = arith.addi %mul3A_531, %add3A_548 : i32
      %get3A_550 = arith.constant 11 : i32
      %get3A_551 = arith.index_cast %rem3A_29 : i32 to index
      %get3A_552 = arith.index_cast %get3A_550 : i32 to index
      %get3A_553 = arith.index_cast %add3A_549 : i32 to index
      %get3A_554 = tpu.vector_load %arg8[%get3A_551, %get3A_552, %get3A_553] {strides = array<i32>} : memref<6x104x128xf32, #tpu.memory_space<vmem>>, vector<1x1x16xf32>,
      %get3A_555 = vector.shape_cast %get3A_554 : vector<1x1x16xf32> to vector<16xf32>
      %add3A_556 = arith.constant 48 : i32
      %add3A_557 = arith.addi %mul3A_531, %add3A_556 : i32
      %get3A_558 = arith.constant 11 : i32
      %get3A_559 = arith.index_cast %rem3A_29 : i32 to index
      %get3A_560 = arith.index_cast %get3A_558 : i32 to index
      %get3A_561 = arith.index_cast %add3A_557 : i32 to index
      %get3A_562 = tpu.vector_load %arg8[%get3A_559, %get3A_560, %get3A_561] {strides = array<i32>} : memref<6x104x128xf32, #tpu.memory_space<vmem>>, vector<1x1x16xf32>,
      %get3A_563 = vector.shape_cast %get3A_562 : vector<1x1x16xf32> to vector<16xf32>
      %add3A_564 = arith.addf %add3A_524, %get3A_539 : vector<16xf32>
      %add3A_565 = arith.addf %add3A_525, %get3A_547 : vector<16xf32>
      %add3A_566 = arith.addf %add3A_526, %get3A_555 : vector<16xf32>
      %add3A_567 = arith.addf %add3A_527, %get3A_563 : vector<16xf32>
      %slice3A_568 = vector.extract_strided_slice %get3A_50 {offsets = [12], sizes = [1], strides = [1]} : vector<16xi32> to vector<1xi32>
      %squeeze3A_569 = vector.extract %slice3A_568[0] : i32 from vector<1xi32>
      %mul3A_570 = arith.constant 64 : i32
      %mul3A_571 = arith.muli %squeeze3A_569, %mul3A_570 : i32
      %add3A_572 = arith.constant 0 : i32
      %add3A_573 = arith.addi %mul3A_571, %add3A_572 : i32
      %get3A_574 = arith.constant 12 : i32
      %get3A_575 = arith.index_cast %rem3A_29 : i32 to index
      %get3A_576 = arith.index_cast %get3A_574 : i32 to index
      %get3A_577 = arith.index_cast %add3A_573 : i32 to index
      %get3A_578 = tpu.vector_load %arg8[%get3A_575, %get3A_576, %get3A_577] {strides = array<i32>} : memref<6x104x128xf32, #tpu.memory_space<vmem>>, vector<1x1x16xf32>,
      %get3A_579 = vector.shape_cast %get3A_578 : vector<1x1x16xf32> to vector<16xf32>
      %add3A_580 = arith.constant 16 : i32
      %add3A_581 = arith.addi %mul3A_571, %add3A_580 : i32
      %get3A_582 = arith.constant 12 : i32
      %get3A_583 = arith.index_cast %rem3A_29 : i32 to index
      %get3A_584 = arith.index_cast %get3A_582 : i32 to index
      %get3A_585 = arith.index_cast %add3A_581 : i32 to index
      %get3A_586 = tpu.vector_load %arg8[%get3A_583, %get3A_584, %get3A_585] {strides = array<i32>} : memref<6x104x128xf32, #tpu.memory_space<vmem>>, vector<1x1x16xf32>,
      %get3A_587 = vector.shape_cast %get3A_586 : vector<1x1x16xf32> to vector<16xf32>
      %add3A_588 = arith.constant 32 : i32
      %add3A_589 = arith.addi %mul3A_571, %add3A_588 : i32
      %get3A_590 = arith.constant 12 : i32
      %get3A_591 = arith.index_cast %rem3A_29 : i32 to index
      %get3A_592 = arith.index_cast %get3A_590 : i32 to index
      %get3A_593 = arith.index_cast %add3A_589 : i32 to index
      %get3A_594 = tpu.vector_load %arg8[%get3A_591, %get3A_592, %get3A_593] {strides = array<i32>} : memref<6x104x128xf32, #tpu.memory_space<vmem>>, vector<1x1x16xf32>,
      %get3A_595 = vector.shape_cast %get3A_594 : vector<1x1x16xf32> to vector<16xf32>
      %add3A_596 = arith.constant 48 : i32
      %add3A_597 = arith.addi %mul3A_571, %add3A_596 : i32
      %get3A_598 = arith.constant 12 : i32
      %get3A_599 = arith.index_cast %rem3A_29 : i32 to index
      %get3A_600 = arith.index_cast %get3A_598 : i32 to index
      %get3A_601 = arith.index_cast %add3A_597 : i32 to index
      %get3A_602 = tpu.vector_load %arg8[%get3A_599, %get3A_600, %get3A_601] {strides = array<i32>} : memref<6x104x128xf32, #tpu.memory_space<vmem>>, vector<1x1x16xf32>,
      %get3A_603 = vector.shape_cast %get3A_602 : vector<1x1x16xf32> to vector<16xf32>
      %add3A_604 = arith.addf %add3A_564, %get3A_579 : vector<16xf32>
      %add3A_605 = arith.addf %add3A_565, %get3A_587 : vector<16xf32>
      %add3A_606 = arith.addf %add3A_566, %get3A_595 : vector<16xf32>
      %add3A_607 = arith.addf %add3A_567, %get3A_603 : vector<16xf32>
      %slice3A_608 = vector.extract_strided_slice %get3A_50 {offsets = [13], sizes = [1], strides = [1]} : vector<16xi32> to vector<1xi32>
      %squeeze3A_609 = vector.extract %slice3A_608[0] : i32 from vector<1xi32>
      %mul3A_610 = arith.constant 64 : i32
      %mul3A_611 = arith.muli %squeeze3A_609, %mul3A_610 : i32
      %add3A_612 = arith.constant 0 : i32
      %add3A_613 = arith.addi %mul3A_611, %add3A_612 : i32
      %get3A_614 = arith.constant 13 : i32
      %get3A_615 = arith.index_cast %rem3A_29 : i32 to index
      %get3A_616 = arith.index_cast %get3A_614 : i32 to index
      %get3A_617 = arith.index_cast %add3A_613 : i32 to index
      %get3A_618 = tpu.vector_load %arg8[%get3A_615, %get3A_616, %get3A_617] {strides = array<i32>} : memref<6x104x128xf32, #tpu.memory_space<vmem>>, vector<1x1x16xf32>,
      %get3A_619 = vector.shape_cast %get3A_618 : vector<1x1x16xf32> to vector<16xf32>
      %add3A_620 = arith.constant 16 : i32
      %add3A_621 = arith.addi %mul3A_611, %add3A_620 : i32
      %get3A_622 = arith.constant 13 : i32
      %get3A_623 = arith.index_cast %rem3A_29 : i32 to index
      %get3A_624 = arith.index_cast %get3A_622 : i32 to index
      %get3A_625 = arith.index_cast %add3A_621 : i32 to index
      %get3A_626 = tpu.vector_load %arg8[%get3A_623, %get3A_624, %get3A_625] {strides = array<i32>} : memref<6x104x128xf32, #tpu.memory_space<vmem>>, vector<1x1x16xf32>,
      %get3A_627 = vector.shape_cast %get3A_626 : vector<1x1x16xf32> to vector<16xf32>
      %add3A_628 = arith.constant 32 : i32
      %add3A_629 = arith.addi %mul3A_611, %add3A_628 : i32
      %get3A_630 = arith.constant 13 : i32
      %get3A_631 = arith.index_cast %rem3A_29 : i32 to index
      %get3A_632 = arith.index_cast %get3A_630 : i32 to index
      %get3A_633 = arith.index_cast %add3A_629 : i32 to index
      %get3A_634 = tpu.vector_load %arg8[%get3A_631, %get3A_632, %get3A_633] {strides = array<i32>} : memref<6x104x128xf32, #tpu.memory_space<vmem>>, vector<1x1x16xf32>,
      %get3A_635 = vector.shape_cast %get3A_634 : vector<1x1x16xf32> to vector<16xf32>
      %add3A_636 = arith.constant 48 : i32
      %add3A_637 = arith.addi %mul3A_611, %add3A_636 : i32
      %get3A_638 = arith.constant 13 : i32
      %get3A_639 = arith.index_cast %rem3A_29 : i32 to index
      %get3A_640 = arith.index_cast %get3A_638 : i32 to index
      %get3A_641 = arith.index_cast %add3A_637 : i32 to index
      %get3A_642 = tpu.vector_load %arg8[%get3A_639, %get3A_640, %get3A_641] {strides = array<i32>} : memref<6x104x128xf32, #tpu.memory_space<vmem>>, vector<1x1x16xf32>,
      %get3A_643 = vector.shape_cast %get3A_642 : vector<1x1x16xf32> to vector<16xf32>
      %add3A_644 = arith.addf %add3A_604, %get3A_619 : vector<16xf32>
      %add3A_645 = arith.addf %add3A_605, %get3A_627 : vector<16xf32>
      %add3A_646 = arith.addf %add3A_606, %get3A_635 : vector<16xf32>
      %add3A_647 = arith.addf %add3A_607, %get3A_643 : vector<16xf32>
      %slice3A_648 = vector.extract_strided_slice %get3A_50 {offsets = [14], sizes = [1], strides = [1]} : vector<16xi32> to vector<1xi32>
      %squeeze3A_649 = vector.extract %slice3A_648[0] : i32 from vector<1xi32>
      %mul3A_650 = arith.constant 64 : i32
      %mul3A_651 = arith.muli %squeeze3A_649, %mul3A_650 : i32
      %add3A_652 = arith.constant 0 : i32
      %add3A_653 = arith.addi %mul3A_651, %add3A_652 : i32
      %get3A_654 = arith.constant 14 : i32
      %get3A_655 = arith.index_cast %rem3A_29 : i32 to index
      %get3A_656 = arith.index_cast %get3A_654 : i32 to index
      %get3A_657 = arith.index_cast %add3A_653 : i32 to index
      %get3A_658 = tpu.vector_load %arg8[%get3A_655, %get3A_656, %get3A_657] {strides = array<i32>} : memref<6x104x128xf32, #tpu.memory_space<vmem>>, vector<1x1x16xf32>,
      %get3A_659 = vector.shape_cast %get3A_658 : vector<1x1x16xf32> to vector<16xf32>
      %add3A_660 = arith.constant 16 : i32
      %add3A_661 = arith.addi %mul3A_651, %add3A_660 : i32
      %get3A_662 = arith.constant 14 : i32
      %get3A_663 = arith.index_cast %rem3A_29 : i32 to index
      %get3A_664 = arith.index_cast %get3A_662 : i32 to index
      %get3A_665 = arith.index_cast %add3A_661 : i32 to index
      %get3A_666 = tpu.vector_load %arg8[%get3A_663, %get3A_664, %get3A_665] {strides = array<i32>} : memref<6x104x128xf32, #tpu.memory_space<vmem>>, vector<1x1x16xf32>,
      %get3A_667 = vector.shape_cast %get3A_666 : vector<1x1x16xf32> to vector<16xf32>
      %add3A_668 = arith.constant 32 : i32
      %add3A_669 = arith.addi %mul3A_651, %add3A_668 : i32
      %get3A_670 = arith.constant 14 : i32
      %get3A_671 = arith.index_cast %rem3A_29 : i32 to index
      %get3A_672 = arith.index_cast %get3A_670 : i32 to index
      %get3A_673 = arith.index_cast %add3A_669 : i32 to index
      %get3A_674 = tpu.vector_load %arg8[%get3A_671, %get3A_672, %get3A_673] {strides = array<i32>} : memref<6x104x128xf32, #tpu.memory_space<vmem>>, vector<1x1x16xf32>,
      %get3A_675 = vector.shape_cast %get3A_674 : vector<1x1x16xf32> to vector<16xf32>
      %add3A_676 = arith.constant 48 : i32
      %add3A_677 = arith.addi %mul3A_651, %add3A_676 : i32
      %get3A_678 = arith.constant 14 : i32
      %get3A_679 = arith.index_cast %rem3A_29 : i32 to index
      %get3A_680 = arith.index_cast %get3A_678 : i32 to index
      %get3A_681 = arith.index_cast %add3A_677 : i32 to index
      %get3A_682 = tpu.vector_load %arg8[%get3A_679, %get3A_680, %get3A_681] {strides = array<i32>} : memref<6x104x128xf32, #tpu.memory_space<vmem>>, vector<1x1x16xf32>,
      %get3A_683 = vector.shape_cast %get3A_682 : vector<1x1x16xf32> to vector<16xf32>
      %add3A_684 = arith.addf %add3A_644, %get3A_659 : vector<16xf32>
      %add3A_685 = arith.addf %add3A_645, %get3A_667 : vector<16xf32>
      %add3A_686 = arith.addf %add3A_646, %get3A_675 : vector<16xf32>
      %add3A_687 = arith.addf %add3A_647, %get3A_683 : vector<16xf32>
      %slice3A_688 = vector.extract_strided_slice %get3A_50 {offsets = [15], sizes = [1], strides = [1]} : vector<16xi32> to vector<1xi32>
      %squeeze3A_689 = vector.extract %slice3A_688[0] : i32 from vector<1xi32>
      %mul3A_690 = arith.constant 64 : i32
      %mul3A_691 = arith.muli %squeeze3A_689, %mul3A_690 : i32
      %add3A_692 = arith.constant 0 : i32
      %add3A_693 = arith.addi %mul3A_691, %add3A_692 : i32
      %get3A_694 = arith.constant 15 : i32
      %get3A_695 = arith.index_cast %rem3A_29 : i32 to index
      %get3A_696 = arith.index_cast %get3A_694 : i32 to index
      %get3A_697 = arith.index_cast %add3A_693 : i32 to index
      %get3A_698 = tpu.vector_load %arg8[%get3A_695, %get3A_696, %get3A_697] {strides = array<i32>} : memref<6x104x128xf32, #tpu.memory_space<vmem>>, vector<1x1x16xf32>,
      %get3A_699 = vector.shape_cast %get3A_698 : vector<1x1x16xf32> to vector<16xf32>
      %add3A_700 = arith.constant 16 : i32
      %add3A_701 = arith.addi %mul3A_691, %add3A_700 : i32
      %get3A_702 = arith.constant 15 : i32
      %get3A_703 = arith.index_cast %rem3A_29 : i32 to index
      %get3A_704 = arith.index_cast %get3A_702 : i32 to index
      %get3A_705 = arith.index_cast %add3A_701 : i32 to index
      %get3A_706 = tpu.vector_load %arg8[%get3A_703, %get3A_704, %get3A_705] {strides = array<i32>} : memref<6x104x128xf32, #tpu.memory_space<vmem>>, vector<1x1x16xf32>,
      %get3A_707 = vector.shape_cast %get3A_706 : vector<1x1x16xf32> to vector<16xf32>
      %add3A_708 = arith.constant 32 : i32
      %add3A_709 = arith.addi %mul3A_691, %add3A_708 : i32
      %get3A_710 = arith.constant 15 : i32
      %get3A_711 = arith.index_cast %rem3A_29 : i32 to index
      %get3A_712 = arith.index_cast %get3A_710 : i32 to index
      %get3A_713 = arith.index_cast %add3A_709 : i32 to index
      %get3A_714 = tpu.vector_load %arg8[%get3A_711, %get3A_712, %get3A_713] {strides = array<i32>} : memref<6x104x128xf32, #tpu.memory_space<vmem>>, vector<1x1x16xf32>,
      %get3A_715 = vector.shape_cast %get3A_714 : vector<1x1x16xf32> to vector<16xf32>
      %add3A_716 = arith.constant 48 : i32
      %add3A_717 = arith.addi %mul3A_691, %add3A_716 : i32
      %get3A_718 = arith.constant 15 : i32
      %get3A_719 = arith.index_cast %rem3A_29 : i32 to index
      %get3A_720 = arith.index_cast %get3A_718 : i32 to index
      %get3A_721 = arith.index_cast %add3A_717 : i32 to index
      %get3A_722 = tpu.vector_load %arg8[%get3A_719, %get3A_720, %get3A_721] {strides = array<i32>} : memref<6x104x128xf32, #tpu.memory_space<vmem>>, vector<1x1x16xf32>,
      %get3A_723 = vector.shape_cast %get3A_722 : vector<1x1x16xf32> to vector<16xf32>
      %add3A_724 = arith.addf %add3A_684, %get3A_699 : vector<16xf32>
      %add3A_725 = arith.addf %add3A_685, %get3A_707 : vector<16xf32>
      %add3A_726 = arith.addf %add3A_686, %get3A_715 : vector<16xf32>
      %add3A_727 = arith.addf %add3A_687, %get3A_723 : vector<16xf32>
      %slice3A_728 = vector.extract_strided_slice %get3A_57 {offsets = [0], sizes = [1], strides = [1]} : vector<16xi32> to vector<1xi32>
      %squeeze3A_729 = vector.extract %slice3A_728[0] : i32 from vector<1xi32>
      %mul3A_730 = arith.constant 64 : i32
      %mul3A_731 = arith.muli %squeeze3A_729, %mul3A_730 : i32
      %add3A_732 = arith.constant 0 : i32
      %add3A_733 = arith.addi %mul3A_731, %add3A_732 : i32
      %get3A_734 = arith.constant 16 : i32
      %get3A_735 = arith.index_cast %rem3A_29 : i32 to index
      %get3A_736 = arith.index_cast %get3A_734 : i32 to index
      %get3A_737 = arith.index_cast %add3A_733 : i32 to index
      %get3A_738 = tpu.vector_load %arg8[%get3A_735, %get3A_736, %get3A_737] {strides = array<i32>} : memref<6x104x128xf32, #tpu.memory_space<vmem>>, vector<1x1x16xf32>,
      %get3A_739 = vector.shape_cast %get3A_738 : vector<1x1x16xf32> to vector<16xf32>
      %add3A_740 = arith.constant 16 : i32
      %add3A_741 = arith.addi %mul3A_731, %add3A_740 : i32
      %get3A_742 = arith.constant 16 : i32
      %get3A_743 = arith.index_cast %rem3A_29 : i32 to index
      %get3A_744 = arith.index_cast %get3A_742 : i32 to index
      %get3A_745 = arith.index_cast %add3A_741 : i32 to index
      %get3A_746 = tpu.vector_load %arg8[%get3A_743, %get3A_744, %get3A_745] {strides = array<i32>} : memref<6x104x128xf32, #tpu.memory_space<vmem>>, vector<1x1x16xf32>,
      %get3A_747 = vector.shape_cast %get3A_746 : vector<1x1x16xf32> to vector<16xf32>
      %add3A_748 = arith.constant 32 : i32
      %add3A_749 = arith.addi %mul3A_731, %add3A_748 : i32
      %get3A_750 = arith.constant 16 : i32
      %get3A_751 = arith.index_cast %rem3A_29 : i32 to index
      %get3A_752 = arith.index_cast %get3A_750 : i32 to index
      %get3A_753 = arith.index_cast %add3A_749 : i32 to index
      %get3A_754 = tpu.vector_load %arg8[%get3A_751, %get3A_752, %get3A_753] {strides = array<i32>} : memref<6x104x128xf32, #tpu.memory_space<vmem>>, vector<1x1x16xf32>,
      %get3A_755 = vector.shape_cast %get3A_754 : vector<1x1x16xf32> to vector<16xf32>
      %add3A_756 = arith.constant 48 : i32
      %add3A_757 = arith.addi %mul3A_731, %add3A_756 : i32
      %get3A_758 = arith.constant 16 : i32
      %get3A_759 = arith.index_cast %rem3A_29 : i32 to index
      %get3A_760 = arith.index_cast %get3A_758 : i32 to index
      %get3A_761 = arith.index_cast %add3A_757 : i32 to index
      %get3A_762 = tpu.vector_load %arg8[%get3A_759, %get3A_760, %get3A_761] {strides = array<i32>} : memref<6x104x128xf32, #tpu.memory_space<vmem>>, vector<1x1x16xf32>,
      %get3A_763 = vector.shape_cast %get3A_762 : vector<1x1x16xf32> to vector<16xf32>
      %add3A_764 = arith.addf %add3A_724, %get3A_739 : vector<16xf32>
      %add3A_765 = arith.addf %add3A_725, %get3A_747 : vector<16xf32>
      %add3A_766 = arith.addf %add3A_726, %get3A_755 : vector<16xf32>
      %add3A_767 = arith.addf %add3A_727, %get3A_763 : vector<16xf32>
      %slice3A_768 = vector.extract_strided_slice %get3A_57 {offsets = [1], sizes = [1], strides = [1]} : vector<16xi32> to vector<1xi32>
      %squeeze3A_769 = vector.extract %slice3A_768[0] : i32 from vector<1xi32>
      %mul3A_770 = arith.constant 64 : i32
      %mul3A_771 = arith.muli %squeeze3A_769, %mul3A_770 : i32
      %add3A_772 = arith.constant 0 : i32
      %add3A_773 = arith.addi %mul3A_771, %add3A_772 : i32
      %get3A_774 = arith.constant 17 : i32
      %get3A_775 = arith.index_cast %rem3A_29 : i32 to index
      %get3A_776 = arith.index_cast %get3A_774 : i32 to index
      %get3A_777 = arith.index_cast %add3A_773 : i32 to index
      %get3A_778 = tpu.vector_load %arg8[%get3A_775, %get3A_776, %get3A_777] {strides = array<i32>} : memref<6x104x128xf32, #tpu.memory_space<vmem>>, vector<1x1x16xf32>,
      %get3A_779 = vector.shape_cast %get3A_778 : vector<1x1x16xf32> to vector<16xf32>
      %add3A_780 = arith.constant 16 : i32
      %add3A_781 = arith.addi %mul3A_771, %add3A_780 : i32
      %get3A_782 = arith.constant 17 : i32
      %get3A_783 = arith.index_cast %rem3A_29 : i32 to index
      %get3A_784 = arith.index_cast %get3A_782 : i32 to index
      %get3A_785 = arith.index_cast %add3A_781 : i32 to index
      %get3A_786 = tpu.vector_load %arg8[%get3A_783, %get3A_784, %get3A_785] {strides = array<i32>} : memref<6x104x128xf32, #tpu.memory_space<vmem>>, vector<1x1x16xf32>,
      %get3A_787 = vector.shape_cast %get3A_786 : vector<1x1x16xf32> to vector<16xf32>
      %add3A_788 = arith.constant 32 : i32
      %add3A_789 = arith.addi %mul3A_771, %add3A_788 : i32
      %get3A_790 = arith.constant 17 : i32
      %get3A_791 = arith.index_cast %rem3A_29 : i32 to index
      %get3A_792 = arith.index_cast %get3A_790 : i32 to index
      %get3A_793 = arith.index_cast %add3A_789 : i32 to index
      %get3A_794 = tpu.vector_load %arg8[%get3A_791, %get3A_792, %get3A_793] {strides = array<i32>} : memref<6x104x128xf32, #tpu.memory_space<vmem>>, vector<1x1x16xf32>,
      %get3A_795 = vector.shape_cast %get3A_794 : vector<1x1x16xf32> to vector<16xf32>
      %add3A_796 = arith.constant 48 : i32
      %add3A_797 = arith.addi %mul3A_771, %add3A_796 : i32
      %get3A_798 = arith.constant 17 : i32
      %get3A_799 = arith.index_cast %rem3A_29 : i32 to index
      %get3A_800 = arith.index_cast %get3A_798 : i32 to index
      %get3A_801 = arith.index_cast %add3A_797 : i32 to index
      %get3A_802 = tpu.vector_load %arg8[%get3A_799, %get3A_800, %get3A_801] {strides = array<i32>} : memref<6x104x128xf32, #tpu.memory_space<vmem>>, vector<1x1x16xf32>,
      %get3A_803 = vector.shape_cast %get3A_802 : vector<1x1x16xf32> to vector<16xf32>
      %add3A_804 = arith.addf %add3A_764, %get3A_779 : vector<16xf32>
      %add3A_805 = arith.addf %add3A_765, %get3A_787 : vector<16xf32>
      %add3A_806 = arith.addf %add3A_766, %get3A_795 : vector<16xf32>
      %add3A_807 = arith.addf %add3A_767, %get3A_803 : vector<16xf32>
      %slice3A_808 = vector.extract_strided_slice %get3A_57 {offsets = [2], sizes = [1], strides = [1]} : vector<16xi32> to vector<1xi32>
      %squeeze3A_809 = vector.extract %slice3A_808[0] : i32 from vector<1xi32>
      %mul3A_810 = arith.constant 64 : i32
      %mul3A_811 = arith.muli %squeeze3A_809, %mul3A_810 : i32
      %add3A_812 = arith.constant 0 : i32
      %add3A_813 = arith.addi %mul3A_811, %add3A_812 : i32
      %get3A_814 = arith.constant 18 : i32
      %get3A_815 = arith.index_cast %rem3A_29 : i32 to index
      %get3A_816 = arith.index_cast %get3A_814 : i32 to index
      %get3A_817 = arith.index_cast %add3A_813 : i32 to index
      %get3A_818 = tpu.vector_load %arg8[%get3A_815, %get3A_816, %get3A_817] {strides = array<i32>} : memref<6x104x128xf32, #tpu.memory_space<vmem>>, vector<1x1x16xf32>,
      %get3A_819 = vector.shape_cast %get3A_818 : vector<1x1x16xf32> to vector<16xf32>
      %add3A_820 = arith.constant 16 : i32
      %add3A_821 = arith.addi %mul3A_811, %add3A_820 : i32
      %get3A_822 = arith.constant 18 : i32
      %get3A_823 = arith.index_cast %rem3A_29 : i32 to index
      %get3A_824 = arith.index_cast %get3A_822 : i32 to index
      %get3A_825 = arith.index_cast %add3A_821 : i32 to index
      %get3A_826 = tpu.vector_load %arg8[%get3A_823, %get3A_824, %get3A_825] {strides = array<i32>} : memref<6x104x128xf32, #tpu.memory_space<vmem>>, vector<1x1x16xf32>,
      %get3A_827 = vector.shape_cast %get3A_826 : vector<1x1x16xf32> to vector<16xf32>
      %add3A_828 = arith.constant 32 : i32
      %add3A_829 = arith.addi %mul3A_811, %add3A_828 : i32
      %get3A_830 = arith.constant 18 : i32
      %get3A_831 = arith.index_cast %rem3A_29 : i32 to index
      %get3A_832 = arith.index_cast %get3A_830 : i32 to index
      %get3A_833 = arith.index_cast %add3A_829 : i32 to index
      %get3A_834 = tpu.vector_load %arg8[%get3A_831, %get3A_832, %get3A_833] {strides = array<i32>} : memref<6x104x128xf32, #tpu.memory_space<vmem>>, vector<1x1x16xf32>,
      %get3A_835 = vector.shape_cast %get3A_834 : vector<1x1x16xf32> to vector<16xf32>
      %add3A_836 = arith.constant 48 : i32
      %add3A_837 = arith.addi %mul3A_811, %add3A_836 : i32
      %get3A_838 = arith.constant 18 : i32
      %get3A_839 = arith.index_cast %rem3A_29 : i32 to index
      %get3A_840 = arith.index_cast %get3A_838 : i32 to index
      %get3A_841 = arith.index_cast %add3A_837 : i32 to index
      %get3A_842 = tpu.vector_load %arg8[%get3A_839, %get3A_840, %get3A_841] {strides = array<i32>} : memref<6x104x128xf32, #tpu.memory_space<vmem>>, vector<1x1x16xf32>,
      %get3A_843 = vector.shape_cast %get3A_842 : vector<1x1x16xf32> to vector<16xf32>
      %add3A_844 = arith.addf %add3A_804, %get3A_819 : vector<16xf32>
      %add3A_845 = arith.addf %add3A_805, %get3A_827 : vector<16xf32>
      %add3A_846 = arith.addf %add3A_806, %get3A_835 : vector<16xf32>
      %add3A_847 = arith.addf %add3A_807, %get3A_843 : vector<16xf32>
      %slice3A_848 = vector.extract_strided_slice %get3A_57 {offsets = [3], sizes = [1], strides = [1]} : vector<16xi32> to vector<1xi32>
      %squeeze3A_849 = vector.extract %slice3A_848[0] : i32 from vector<1xi32>
      %mul3A_850 = arith.constant 64 : i32
      %mul3A_851 = arith.muli %squeeze3A_849, %mul3A_850 : i32
      %add3A_852 = arith.constant 0 : i32
      %add3A_853 = arith.addi %mul3A_851, %add3A_852 : i32
      %get3A_854 = arith.constant 19 : i32
      %get3A_855 = arith.index_cast %rem3A_29 : i32 to index
      %get3A_856 = arith.index_cast %get3A_854 : i32 to index
      %get3A_857 = arith.index_cast %add3A_853 : i32 to index
      %get3A_858 = tpu.vector_load %arg8[%get3A_855, %get3A_856, %get3A_857] {strides = array<i32>} : memref<6x104x128xf32, #tpu.memory_space<vmem>>, vector<1x1x16xf32>,
      %get3A_859 = vector.shape_cast %get3A_858 : vector<1x1x16xf32> to vector<16xf32>
      %add3A_860 = arith.constant 16 : i32
      %add3A_861 = arith.addi %mul3A_851, %add3A_860 : i32
      %get3A_862 = arith.constant 19 : i32
      %get3A_863 = arith.index_cast %rem3A_29 : i32 to index
      %get3A_864 = arith.index_cast %get3A_862 : i32 to index
      %get3A_865 = arith.index_cast %add3A_861 : i32 to index
      %get3A_866 = tpu.vector_load %arg8[%get3A_863, %get3A_864, %get3A_865] {strides = array<i32>} : memref<6x104x128xf32, #tpu.memory_space<vmem>>, vector<1x1x16xf32>,
      %get3A_867 = vector.shape_cast %get3A_866 : vector<1x1x16xf32> to vector<16xf32>
      %add3A_868 = arith.constant 32 : i32
      %add3A_869 = arith.addi %mul3A_851, %add3A_868 : i32
      %get3A_870 = arith.constant 19 : i32
      %get3A_871 = arith.index_cast %rem3A_29 : i32 to index
      %get3A_872 = arith.index_cast %get3A_870 : i32 to index
      %get3A_873 = arith.index_cast %add3A_869 : i32 to index
      %get3A_874 = tpu.vector_load %arg8[%get3A_871, %get3A_872, %get3A_873] {strides = array<i32>} : memref<6x104x128xf32, #tpu.memory_space<vmem>>, vector<1x1x16xf32>,
      %get3A_875 = vector.shape_cast %get3A_874 : vector<1x1x16xf32> to vector<16xf32>
      %add3A_876 = arith.constant 48 : i32
      %add3A_877 = arith.addi %mul3A_851, %add3A_876 : i32
      %get3A_878 = arith.constant 19 : i32
      %get3A_879 = arith.index_cast %rem3A_29 : i32 to index
      %get3A_880 = arith.index_cast %get3A_878 : i32 to index
      %get3A_881 = arith.index_cast %add3A_877 : i32 to index
      %get3A_882 = tpu.vector_load %arg8[%get3A_879, %get3A_880, %get3A_881] {strides = array<i32>} : memref<6x104x128xf32, #tpu.memory_space<vmem>>, vector<1x1x16xf32>,
      %get3A_883 = vector.shape_cast %get3A_882 : vector<1x1x16xf32> to vector<16xf32>
      %add3A_884 = arith.addf %add3A_844, %get3A_859 : vector<16xf32>
      %add3A_885 = arith.addf %add3A_845, %get3A_867 : vector<16xf32>
      %add3A_886 = arith.addf %add3A_846, %get3A_875 : vector<16xf32>
      %add3A_887 = arith.addf %add3A_847, %get3A_883 : vector<16xf32>
      %slice3A_888 = vector.extract_strided_slice %get3A_57 {offsets = [4], sizes = [1], strides = [1]} : vector<16xi32> to vector<1xi32>
      %squeeze3A_889 = vector.extract %slice3A_888[0] : i32 from vector<1xi32>
      %mul3A_890 = arith.constant 64 : i32
      %mul3A_891 = arith.muli %squeeze3A_889, %mul3A_890 : i32
      %add3A_892 = arith.constant 0 : i32
      %add3A_893 = arith.addi %mul3A_891, %add3A_892 : i32
      %get3A_894 = arith.constant 20 : i32
      %get3A_895 = arith.index_cast %rem3A_29 : i32 to index
      %get3A_896 = arith.index_cast %get3A_894 : i32 to index
      %get3A_897 = arith.index_cast %add3A_893 : i32 to index
      %get3A_898 = tpu.vector_load %arg8[%get3A_895, %get3A_896, %get3A_897] {strides = array<i32>} : memref<6x104x128xf32, #tpu.memory_space<vmem>>, vector<1x1x16xf32>,
      %get3A_899 = vector.shape_cast %get3A_898 : vector<1x1x16xf32> to vector<16xf32>
      %add3A_900 = arith.constant 16 : i32
      %add3A_901 = arith.addi %mul3A_891, %add3A_900 : i32
      %get3A_902 = arith.constant 20 : i32
      %get3A_903 = arith.index_cast %rem3A_29 : i32 to index
      %get3A_904 = arith.index_cast %get3A_902 : i32 to index
      %get3A_905 = arith.index_cast %add3A_901 : i32 to index
      %get3A_906 = tpu.vector_load %arg8[%get3A_903, %get3A_904, %get3A_905] {strides = array<i32>} : memref<6x104x128xf32, #tpu.memory_space<vmem>>, vector<1x1x16xf32>,
      %get3A_907 = vector.shape_cast %get3A_906 : vector<1x1x16xf32> to vector<16xf32>
      %add3A_908 = arith.constant 32 : i32
      %add3A_909 = arith.addi %mul3A_891, %add3A_908 : i32
      %get3A_910 = arith.constant 20 : i32
      %get3A_911 = arith.index_cast %rem3A_29 : i32 to index
      %get3A_912 = arith.index_cast %get3A_910 : i32 to index
      %get3A_913 = arith.index_cast %add3A_909 : i32 to index
      %get3A_914 = tpu.vector_load %arg8[%get3A_911, %get3A_912, %get3A_913] {strides = array<i32>} : memref<6x104x128xf32, #tpu.memory_space<vmem>>, vector<1x1x16xf32>,
      %get3A_915 = vector.shape_cast %get3A_914 : vector<1x1x16xf32> to vector<16xf32>
      %add3A_916 = arith.constant 48 : i32
      %add3A_917 = arith.addi %mul3A_891, %add3A_916 : i32
      %get3A_918 = arith.constant 20 : i32
      %get3A_919 = arith.index_cast %rem3A_29 : i32 to index
      %get3A_920 = arith.index_cast %get3A_918 : i32 to index
      %get3A_921 = arith.index_cast %add3A_917 : i32 to index
      %get3A_922 = tpu.vector_load %arg8[%get3A_919, %get3A_920, %get3A_921] {strides = array<i32>} : memref<6x104x128xf32, #tpu.memory_space<vmem>>, vector<1x1x16xf32>,
      %get3A_923 = vector.shape_cast %get3A_922 : vector<1x1x16xf32> to vector<16xf32>
      %add3A_924 = arith.addf %add3A_884, %get3A_899 : vector<16xf32>
      %add3A_925 = arith.addf %add3A_885, %get3A_907 : vector<16xf32>
      %add3A_926 = arith.addf %add3A_886, %get3A_915 : vector<16xf32>
      %add3A_927 = arith.addf %add3A_887, %get3A_923 : vector<16xf32>
      %slice3A_928 = vector.extract_strided_slice %get3A_57 {offsets = [5], sizes = [1], strides = [1]} : vector<16xi32> to vector<1xi32>
      %squeeze3A_929 = vector.extract %slice3A_928[0] : i32 from vector<1xi32>
      %mul3A_930 = arith.constant 64 : i32
      %mul3A_931 = arith.muli %squeeze3A_929, %mul3A_930 : i32
      %add3A_932 = arith.constant 0 : i32
      %add3A_933 = arith.addi %mul3A_931, %add3A_932 : i32
      %get3A_934 = arith.constant 21 : i32
      %get3A_935 = arith.index_cast %rem3A_29 : i32 to index
      %get3A_936 = arith.index_cast %get3A_934 : i32 to index
      %get3A_937 = arith.index_cast %add3A_933 : i32 to index
      %get3A_938 = tpu.vector_load %arg8[%get3A_935, %get3A_936, %get3A_937] {strides = array<i32>} : memref<6x104x128xf32, #tpu.memory_space<vmem>>, vector<1x1x16xf32>,
      %get3A_939 = vector.shape_cast %get3A_938 : vector<1x1x16xf32> to vector<16xf32>
      %add3A_940 = arith.constant 16 : i32
      %add3A_941 = arith.addi %mul3A_931, %add3A_940 : i32
      %get3A_942 = arith.constant 21 : i32
      %get3A_943 = arith.index_cast %rem3A_29 : i32 to index
      %get3A_944 = arith.index_cast %get3A_942 : i32 to index
      %get3A_945 = arith.index_cast %add3A_941 : i32 to index
      %get3A_946 = tpu.vector_load %arg8[%get3A_943, %get3A_944, %get3A_945] {strides = array<i32>} : memref<6x104x128xf32, #tpu.memory_space<vmem>>, vector<1x1x16xf32>,
      %get3A_947 = vector.shape_cast %get3A_946 : vector<1x1x16xf32> to vector<16xf32>
      %add3A_948 = arith.constant 32 : i32
      %add3A_949 = arith.addi %mul3A_931, %add3A_948 : i32
      %get3A_950 = arith.constant 21 : i32
      %get3A_951 = arith.index_cast %rem3A_29 : i32 to index
      %get3A_952 = arith.index_cast %get3A_950 : i32 to index
      %get3A_953 = arith.index_cast %add3A_949 : i32 to index
      %get3A_954 = tpu.vector_load %arg8[%get3A_951, %get3A_952, %get3A_953] {strides = array<i32>} : memref<6x104x128xf32, #tpu.memory_space<vmem>>, vector<1x1x16xf32>,
      %get3A_955 = vector.shape_cast %get3A_954 : vector<1x1x16xf32> to vector<16xf32>
      %add3A_956 = arith.constant 48 : i32
      %add3A_957 = arith.addi %mul3A_931, %add3A_956 : i32
      %get3A_958 = arith.constant 21 : i32
      %get3A_959 = arith.index_cast %rem3A_29 : i32 to index
      %get3A_960 = arith.index_cast %get3A_958 : i32 to index
      %get3A_961 = arith.index_cast %add3A_957 : i32 to index
      %get3A_962 = tpu.vector_load %arg8[%get3A_959, %get3A_960, %get3A_961] {strides = array<i32>} : memref<6x104x128xf32, #tpu.memory_space<vmem>>, vector<1x1x16xf32>,
      %get3A_963 = vector.shape_cast %get3A_962 : vector<1x1x16xf32> to vector<16xf32>
      %add3A_964 = arith.addf %add3A_924, %get3A_939 : vector<16xf32>
      %add3A_965 = arith.addf %add3A_925, %get3A_947 : vector<16xf32>
      %add3A_966 = arith.addf %add3A_926, %get3A_955 : vector<16xf32>
      %add3A_967 = arith.addf %add3A_927, %get3A_963 : vector<16xf32>
      %slice3A_968 = vector.extract_strided_slice %get3A_57 {offsets = [6], sizes = [1], strides = [1]} : vector<16xi32> to vector<1xi32>
      %squeeze3A_969 = vector.extract %slice3A_968[0] : i32 from vector<1xi32>
      %mul3A_970 = arith.constant 64 : i32
      %mul3A_971 = arith.muli %squeeze3A_969, %mul3A_970 : i32
      %add3A_972 = arith.constant 0 : i32
      %add3A_973 = arith.addi %mul3A_971, %add3A_972 : i32
      %get3A_974 = arith.constant 22 : i32
      %get3A_975 = arith.index_cast %rem3A_29 : i32 to index
      %get3A_976 = arith.index_cast %get3A_974 : i32 to index
      %get3A_977 = arith.index_cast %add3A_973 : i32 to index
      %get3A_978 = tpu.vector_load %arg8[%get3A_975, %get3A_976, %get3A_977] {strides = array<i32>} : memref<6x104x128xf32, #tpu.memory_space<vmem>>, vector<1x1x16xf32>,
      %get3A_979 = vector.shape_cast %get3A_978 : vector<1x1x16xf32> to vector<16xf32>
      %add3A_980 = arith.constant 16 : i32
      %add3A_981 = arith.addi %mul3A_971, %add3A_980 : i32
      %get3A_982 = arith.constant 22 : i32
      %get3A_983 = arith.index_cast %rem3A_29 : i32 to index
      %get3A_984 = arith.index_cast %get3A_982 : i32 to index
      %get3A_985 = arith.index_cast %add3A_981 : i32 to index
      %get3A_986 = tpu.vector_load %arg8[%get3A_983, %get3A_984, %get3A_985] {strides = array<i32>} : memref<6x104x128xf32, #tpu.memory_space<vmem>>, vector<1x1x16xf32>,
      %get3A_987 = vector.shape_cast %get3A_986 : vector<1x1x16xf32> to vector<16xf32>
      %add3A_988 = arith.constant 32 : i32
      %add3A_989 = arith.addi %mul3A_971, %add3A_988 : i32
      %get3A_990 = arith.constant 22 : i32
      %get3A_991 = arith.index_cast %rem3A_29 : i32 to index
      %get3A_992 = arith.index_cast %get3A_990 : i32 to index
      %get3A_993 = arith.index_cast %add3A_989 : i32 to index
      %get3A_994 = tpu.vector_load %arg8[%get3A_991, %get3A_992, %get3A_993] {strides = array<i32>} : memref<6x104x128xf32, #tpu.memory_space<vmem>>, vector<1x1x16xf32>,
      %get3A_995 = vector.shape_cast %get3A_994 : vector<1x1x16xf32> to vector<16xf32>
      %add3A_996 = arith.constant 48 : i32
      %add3A_997 = arith.addi %mul3A_971, %add3A_996 : i32
      %get3A_998 = arith.constant 22 : i32
      %get3A_999 = arith.index_cast %rem3A_29 : i32 to index
      %get3A_1000 = arith.index_cast %get3A_998 : i32 to index
      %get3A_1001 = arith.index_cast %add3A_997 : i32 to index
      %get3A_1002 = tpu.vector_load %arg8[%get3A_999, %get3A_1000, %get3A_1001] {strides = array<i32>} : memref<6x104x128xf32, #tpu.memory_space<vmem>>, vector<1x1x16xf32>,
      %get3A_1003 = vector.shape_cast %get3A_1002 : vector<1x1x16xf32> to vector<16xf32>
      %add3A_1004 = arith.addf %add3A_964, %get3A_979 : vector<16xf32>
      %add3A_1005 = arith.addf %add3A_965, %get3A_987 : vector<16xf32>
      %add3A_1006 = arith.addf %add3A_966, %get3A_995 : vector<16xf32>
      %add3A_1007 = arith.addf %add3A_967, %get3A_1003 : vector<16xf32>
      %slice3A_1008 = vector.extract_strided_slice %get3A_57 {offsets = [7], sizes = [1], strides = [1]} : vector<16xi32> to vector<1xi32>
      %squeeze3A_1009 = vector.extract %slice3A_1008[0] : i32 from vector<1xi32>
      %mul3A_1010 = arith.constant 64 : i32
      %mul3A_1011 = arith.muli %squeeze3A_1009, %mul3A_1010 : i32
      %add3A_1012 = arith.constant 0 : i32
      %add3A_1013 = arith.addi %mul3A_1011, %add3A_1012 : i32
      %get3A_1014 = arith.constant 23 : i32
      %get3A_1015 = arith.index_cast %rem3A_29 : i32 to index
      %get3A_1016 = arith.index_cast %get3A_1014 : i32 to index
      %get3A_1017 = arith.index_cast %add3A_1013 : i32 to index
      %get3A_1018 = tpu.vector_load %arg8[%get3A_1015, %get3A_1016, %get3A_1017] {strides = array<i32>} : memref<6x104x128xf32, #tpu.memory_space<vmem>>, vector<1x1x16xf32>,
      %get3A_1019 = vector.shape_cast %get3A_1018 : vector<1x1x16xf32> to vector<16xf32>
      %add3A_1020 = arith.constant 16 : i32
      %add3A_1021 = arith.addi %mul3A_1011, %add3A_1020 : i32
      %get3A_1022 = arith.constant 23 : i32
      %get3A_1023 = arith.index_cast %rem3A_29 : i32 to index
      %get3A_1024 = arith.index_cast %get3A_1022 : i32 to index
      %get3A_1025 = arith.index_cast %add3A_1021 : i32 to index
      %get3A_1026 = tpu.vector_load %arg8[%get3A_1023, %get3A_1024, %get3A_1025] {strides = array<i32>} : memref<6x104x128xf32, #tpu.memory_space<vmem>>, vector<1x1x16xf32>,
      %get3A_1027 = vector.shape_cast %get3A_1026 : vector<1x1x16xf32> to vector<16xf32>
      %add3A_1028 = arith.constant 32 : i32
      %add3A_1029 = arith.addi %mul3A_1011, %add3A_1028 : i32
      %get3A_1030 = arith.constant 23 : i32
      %get3A_1031 = arith.index_cast %rem3A_29 : i32 to index
      %get3A_1032 = arith.index_cast %get3A_1030 : i32 to index
      %get3A_1033 = arith.index_cast %add3A_1029 : i32 to index
      %get3A_1034 = tpu.vector_load %arg8[%get3A_1031, %get3A_1032, %get3A_1033] {strides = array<i32>} : memref<6x104x128xf32, #tpu.memory_space<vmem>>, vector<1x1x16xf32>,
      %get3A_1035 = vector.shape_cast %get3A_1034 : vector<1x1x16xf32> to vector<16xf32>
      %add3A_1036 = arith.constant 48 : i32
      %add3A_1037 = arith.addi %mul3A_1011, %add3A_1036 : i32
      %get3A_1038 = arith.constant 23 : i32
      %get3A_1039 = arith.index_cast %rem3A_29 : i32 to index
      %get3A_1040 = arith.index_cast %get3A_1038 : i32 to index
      %get3A_1041 = arith.index_cast %add3A_1037 : i32 to index
      %get3A_1042 = tpu.vector_load %arg8[%get3A_1039, %get3A_1040, %get3A_1041] {strides = array<i32>} : memref<6x104x128xf32, #tpu.memory_space<vmem>>, vector<1x1x16xf32>,
      %get3A_1043 = vector.shape_cast %get3A_1042 : vector<1x1x16xf32> to vector<16xf32>
      %add3A_1044 = arith.addf %add3A_1004, %get3A_1019 : vector<16xf32>
      %add3A_1045 = arith.addf %add3A_1005, %get3A_1027 : vector<16xf32>
      %add3A_1046 = arith.addf %add3A_1006, %get3A_1035 : vector<16xf32>
      %add3A_1047 = arith.addf %add3A_1007, %get3A_1043 : vector<16xf32>
      %slice3A_1048 = vector.extract_strided_slice %get3A_57 {offsets = [8], sizes = [1], strides = [1]} : vector<16xi32> to vector<1xi32>
      %squeeze3A_1049 = vector.extract %slice3A_1048[0] : i32 from vector<1xi32>
      %mul3A_1050 = arith.constant 64 : i32
      %mul3A_1051 = arith.muli %squeeze3A_1049, %mul3A_1050 : i32
      %add3A_1052 = arith.constant 0 : i32
      %add3A_1053 = arith.addi %mul3A_1051, %add3A_1052 : i32
      %get3A_1054 = arith.constant 24 : i32
      %get3A_1055 = arith.index_cast %rem3A_29 : i32 to index
      %get3A_1056 = arith.index_cast %get3A_1054 : i32 to index
      %get3A_1057 = arith.index_cast %add3A_1053 : i32 to index
      %get3A_1058 = tpu.vector_load %arg8[%get3A_1055, %get3A_1056, %get3A_1057] {strides = array<i32>} : memref<6x104x128xf32, #tpu.memory_space<vmem>>, vector<1x1x16xf32>,
      %get3A_1059 = vector.shape_cast %get3A_1058 : vector<1x1x16xf32> to vector<16xf32>
      %add3A_1060 = arith.constant 16 : i32
      %add3A_1061 = arith.addi %mul3A_1051, %add3A_1060 : i32
      %get3A_1062 = arith.constant 24 : i32
      %get3A_1063 = arith.index_cast %rem3A_29 : i32 to index
      %get3A_1064 = arith.index_cast %get3A_1062 : i32 to index
      %get3A_1065 = arith.index_cast %add3A_1061 : i32 to index
      %get3A_1066 = tpu.vector_load %arg8[%get3A_1063, %get3A_1064, %get3A_1065] {strides = array<i32>} : memref<6x104x128xf32, #tpu.memory_space<vmem>>, vector<1x1x16xf32>,
      %get3A_1067 = vector.shape_cast %get3A_1066 : vector<1x1x16xf32> to vector<16xf32>
      %add3A_1068 = arith.constant 32 : i32
      %add3A_1069 = arith.addi %mul3A_1051, %add3A_1068 : i32
      %get3A_1070 = arith.constant 24 : i32
      %get3A_1071 = arith.index_cast %rem3A_29 : i32 to index
      %get3A_1072 = arith.index_cast %get3A_1070 : i32 to index
      %get3A_1073 = arith.index_cast %add3A_1069 : i32 to index
      %get3A_1074 = tpu.vector_load %arg8[%get3A_1071, %get3A_1072, %get3A_1073] {strides = array<i32>} : memref<6x104x128xf32, #tpu.memory_space<vmem>>, vector<1x1x16xf32>,
      %get3A_1075 = vector.shape_cast %get3A_1074 : vector<1x1x16xf32> to vector<16xf32>
      %add3A_1076 = arith.constant 48 : i32
      %add3A_1077 = arith.addi %mul3A_1051, %add3A_1076 : i32
      %get3A_1078 = arith.constant 24 : i32
      %get3A_1079 = arith.index_cast %rem3A_29 : i32 to index
      %get3A_1080 = arith.index_cast %get3A_1078 : i32 to index
      %get3A_1081 = arith.index_cast %add3A_1077 : i32 to index
      %get3A_1082 = tpu.vector_load %arg8[%get3A_1079, %get3A_1080, %get3A_1081] {strides = array<i32>} : memref<6x104x128xf32, #tpu.memory_space<vmem>>, vector<1x1x16xf32>,
      %get3A_1083 = vector.shape_cast %get3A_1082 : vector<1x1x16xf32> to vector<16xf32>
      %add3A_1084 = arith.addf %add3A_1044, %get3A_1059 : vector<16xf32>
      %add3A_1085 = arith.addf %add3A_1045, %get3A_1067 : vector<16xf32>
      %add3A_1086 = arith.addf %add3A_1046, %get3A_1075 : vector<16xf32>
      %add3A_1087 = arith.addf %add3A_1047, %get3A_1083 : vector<16xf32>
      %slice3A_1088 = vector.extract_strided_slice %get3A_57 {offsets = [9], sizes = [1], strides = [1]} : vector<16xi32> to vector<1xi32>
      %squeeze3A_1089 = vector.extract %slice3A_1088[0] : i32 from vector<1xi32>
      %mul3A_1090 = arith.constant 64 : i32
      %mul3A_1091 = arith.muli %squeeze3A_1089, %mul3A_1090 : i32
      %add3A_1092 = arith.constant 0 : i32
      %add3A_1093 = arith.addi %mul3A_1091, %add3A_1092 : i32
      %get3A_1094 = arith.constant 25 : i32
      %get3A_1095 = arith.index_cast %rem3A_29 : i32 to index
      %get3A_1096 = arith.index_cast %get3A_1094 : i32 to index
      %get3A_1097 = arith.index_cast %add3A_1093 : i32 to index
      %get3A_1098 = tpu.vector_load %arg8[%get3A_1095, %get3A_1096, %get3A_1097] {strides = array<i32>} : memref<6x104x128xf32, #tpu.memory_space<vmem>>, vector<1x1x16xf32>,
      %get3A_1099 = vector.shape_cast %get3A_1098 : vector<1x1x16xf32> to vector<16xf32>
      %add3A_1100 = arith.constant 16 : i32
      %add3A_1101 = arith.addi %mul3A_1091, %add3A_1100 : i32
      %get3A_1102 = arith.constant 25 : i32
      %get3A_1103 = arith.index_cast %rem3A_29 : i32 to index
      %get3A_1104 = arith.index_cast %get3A_1102 : i32 to index
      %get3A_1105 = arith.index_cast %add3A_1101 : i32 to index
      %get3A_1106 = tpu.vector_load %arg8[%get3A_1103, %get3A_1104, %get3A_1105] {strides = array<i32>} : memref<6x104x128xf32, #tpu.memory_space<vmem>>, vector<1x1x16xf32>,
      %get3A_1107 = vector.shape_cast %get3A_1106 : vector<1x1x16xf32> to vector<16xf32>
      %add3A_1108 = arith.constant 32 : i32
      %add3A_1109 = arith.addi %mul3A_1091, %add3A_1108 : i32
      %get3A_1110 = arith.constant 25 : i32
      %get3A_1111 = arith.index_cast %rem3A_29 : i32 to index
      %get3A_1112 = arith.index_cast %get3A_1110 : i32 to index
      %get3A_1113 = arith.index_cast %add3A_1109 : i32 to index
      %get3A_1114 = tpu.vector_load %arg8[%get3A_1111, %get3A_1112, %get3A_1113] {strides = array<i32>} : memref<6x104x128xf32, #tpu.memory_space<vmem>>, vector<1x1x16xf32>,
      %get3A_1115 = vector.shape_cast %get3A_1114 : vector<1x1x16xf32> to vector<16xf32>
      %add3A_1116 = arith.constant 48 : i32
      %add3A_1117 = arith.addi %mul3A_1091, %add3A_1116 : i32
      %get3A_1118 = arith.constant 25 : i32
      %get3A_1119 = arith.index_cast %rem3A_29 : i32 to index
      %get3A_1120 = arith.index_cast %get3A_1118 : i32 to index
      %get3A_1121 = arith.index_cast %add3A_1117 : i32 to index
      %get3A_1122 = tpu.vector_load %arg8[%get3A_1119, %get3A_1120, %get3A_1121] {strides = array<i32>} : memref<6x104x128xf32, #tpu.memory_space<vmem>>, vector<1x1x16xf32>,
      %get3A_1123 = vector.shape_cast %get3A_1122 : vector<1x1x16xf32> to vector<16xf32>
      %add3A_1124 = arith.addf %add3A_1084, %get3A_1099 : vector<16xf32>
      %add3A_1125 = arith.addf %add3A_1085, %get3A_1107 : vector<16xf32>
      %add3A_1126 = arith.addf %add3A_1086, %get3A_1115 : vector<16xf32>
      %add3A_1127 = arith.addf %add3A_1087, %get3A_1123 : vector<16xf32>
      %mul3A_1128 = vector.broadcast %scan3A_16 : f32 to vector<16xf32>
      %mul3A_1129 = arith.mulf %add3A_1124, %mul3A_1128 : vector<16xf32>
      %mul3A_1130 = arith.constant 2 : i32
      %mul3A_1131 = arith.muli %add3A_28, %mul3A_1130 : i32
      %add3A_1132 = arith.constant 0 : i32
      %add3A_1133 = arith.addi %mul3A_1131, %add3A_1132 : i32
      %swap3A = arith.index_cast %add3A_1133 : i32 to index
      %swap3A_1134 = arith.constant 0 : index
      %swap3A_1135 = tpu.vector_load %arg7[%swap3A, %swap3A_1134] {strides = array<i32>} : memref<64x128xf32, #tpu.memory_space<vmem>>, vector<1x16xf32>,
      %swap3A_1136 = vector.shape_cast %swap3A_1135 : vector<1x16xf32> to vector<16xf32>
      %swap3A_1137 = vector.shape_cast %mul3A_1129 : vector<16xf32> to vector<1x16xf32>
      tpu.vector_store %arg7[%swap3A, %swap3A_1134], %swap3A_1137 {strides = array<i32>} : memref<64x128xf32, #tpu.memory_space<vmem>>, vector<1x16xf32>,
      %mul3A_1138 = vector.broadcast %scan3A_16 : f32 to vector<16xf32>
      %mul3A_1139 = arith.mulf %add3A_1125, %mul3A_1138 : vector<16xf32>
      %mul3A_1140 = arith.constant 2 : i32
      %mul3A_1141 = arith.muli %add3A_28, %mul3A_1140 : i32
      %add3A_1142 = arith.constant 0 : i32
      %add3A_1143 = arith.addi %mul3A_1141, %add3A_1142 : i32
      %swap3A_1144 = arith.index_cast %add3A_1143 : i32 to index
      %swap3A_1145 = arith.constant 16 : index
      %swap3A_1146 = tpu.vector_load %arg7[%swap3A_1144, %swap3A_1145] {strides = array<i32>} : memref<64x128xf32, #tpu.memory_space<vmem>>, vector<1x16xf32>,
      %swap3A_1147 = vector.shape_cast %swap3A_1146 : vector<1x16xf32> to vector<16xf32>
      %swap3A_1148 = vector.shape_cast %mul3A_1139 : vector<16xf32> to vector<1x16xf32>
      tpu.vector_store %arg7[%swap3A_1144, %swap3A_1145], %swap3A_1148 {strides = array<i32>} : memref<64x128xf32, #tpu.memory_space<vmem>>, vector<1x16xf32>,
      %mul3A_1149 = vector.broadcast %scan3A_16 : f32 to vector<16xf32>
      %mul3A_1150 = arith.mulf %add3A_1126, %mul3A_1149 : vector<16xf32>
      %mul3A_1151 = arith.constant 2 : i32
      %mul3A_1152 = arith.muli %add3A_28, %mul3A_1151 : i32
      %add3A_1153 = arith.constant 0 : i32
      %add3A_1154 = arith.addi %mul3A_1152, %add3A_1153 : i32
      %swap3A_1155 = arith.index_cast %add3A_1154 : i32 to index
      %swap3A_1156 = arith.constant 32 : index
      %swap3A_1157 = tpu.vector_load %arg7[%swap3A_1155, %swap3A_1156] {strides = array<i32>} : memref<64x128xf32, #tpu.memory_space<vmem>>, vector<1x16xf32>,
      %swap3A_1158 = vector.shape_cast %swap3A_1157 : vector<1x16xf32> to vector<16xf32>
      %swap3A_1159 = vector.shape_cast %mul3A_1150 : vector<16xf32> to vector<1x16xf32>
      tpu.vector_store %arg7[%swap3A_1155, %swap3A_1156], %swap3A_1159 {strides = array<i32>} : memref<64x128xf32, #tpu.memory_space<vmem>>, vector<1x16xf32>,
      %mul3A_1160 = vector.broadcast %scan3A_16 : f32 to vector<16xf32>
      %mul3A_1161 = arith.mulf %add3A_1127, %mul3A_1160 : vector<16xf32>
      %mul3A_1162 = arith.constant 2 : i32
      %mul3A_1163 = arith.muli %add3A_28, %mul3A_1162 : i32
      %add3A_1164 = arith.constant 0 : i32
      %add3A_1165 = arith.addi %mul3A_1163, %add3A_1164 : i32
      %swap3A_1166 = arith.index_cast %add3A_1165 : i32 to index
      %swap3A_1167 = arith.constant 48 : index
      %swap3A_1168 = tpu.vector_load %arg7[%swap3A_1166, %swap3A_1167] {strides = array<i32>} : memref<64x128xf32, #tpu.memory_space<vmem>>, vector<1x16xf32>,
      %swap3A_1169 = vector.shape_cast %swap3A_1168 : vector<1x16xf32> to vector<16xf32>
      %swap3A_1170 = vector.shape_cast %mul3A_1161 : vector<16xf32> to vector<1x16xf32>
      tpu.vector_store %arg7[%swap3A_1166, %swap3A_1167], %swap3A_1170 {strides = array<i32>} : memref<64x128xf32, #tpu.memory_space<vmem>>, vector<1x16xf32>,
      %slice3A_1171 = vector.extract_strided_slice %get3A_57 {offsets = [10], sizes = [1], strides = [1]} : vector<16xi32> to vector<1xi32>
      %squeeze3A_1172 = vector.extract %slice3A_1171[0] : i32 from vector<1xi32>
      %mul3A_1173 = arith.constant 64 : i32
      %mul3A_1174 = arith.muli %squeeze3A_1172, %mul3A_1173 : i32
      %add3A_1175 = arith.constant 0 : i32
      %add3A_1176 = arith.addi %mul3A_1174, %add3A_1175 : i32
      %get3A_1177 = arith.constant 26 : i32
      %get3A_1178 = arith.index_cast %rem3A_29 : i32 to index
      %get3A_1179 = arith.index_cast %get3A_1177 : i32 to index
      %get3A_1180 = arith.index_cast %add3A_1176 : i32 to index
      %get3A_1181 = tpu.vector_load %arg8[%get3A_1178, %get3A_1179, %get3A_1180] {strides = array<i32>} : memref<6x104x128xf32, #tpu.memory_space<vmem>>, vector<1x1x16xf32>,
      %get3A_1182 = vector.shape_cast %get3A_1181 : vector<1x1x16xf32> to vector<16xf32>
      %add3A_1183 = arith.constant 16 : i32
      %add3A_1184 = arith.addi %mul3A_1174, %add3A_1183 : i32
      %get3A_1185 = arith.constant 26 : i32
      %get3A_1186 = arith.index_cast %rem3A_29 : i32 to index
      %get3A_1187 = arith.index_cast %get3A_1185 : i32 to index
      %get3A_1188 = arith.index_cast %add3A_1184 : i32 to index
      %get3A_1189 = tpu.vector_load %arg8[%get3A_1186, %get3A_1187, %get3A_1188] {strides = array<i32>} : memref<6x104x128xf32, #tpu.memory_space<vmem>>, vector<1x1x16xf32>,
      %get3A_1190 = vector.shape_cast %get3A_1189 : vector<1x1x16xf32> to vector<16xf32>
      %add3A_1191 = arith.constant 32 : i32
      %add3A_1192 = arith.addi %mul3A_1174, %add3A_1191 : i32
      %get3A_1193 = arith.constant 26 : i32
      %get3A_1194 = arith.index_cast %rem3A_29 : i32 to index
      %get3A_1195 = arith.index_cast %get3A_1193 : i32 to index
      %get3A_1196 = arith.index_cast %add3A_1192 : i32 to index
      %get3A_1197 = tpu.vector_load %arg8[%get3A_1194, %get3A_1195, %get3A_1196] {strides = array<i32>} : memref<6x104x128xf32, #tpu.memory_space<vmem>>, vector<1x1x16xf32>,
      %get3A_1198 = vector.shape_cast %get3A_1197 : vector<1x1x16xf32> to vector<16xf32>
      %add3A_1199 = arith.constant 48 : i32
      %add3A_1200 = arith.addi %mul3A_1174, %add3A_1199 : i32
      %get3A_1201 = arith.constant 26 : i32
      %get3A_1202 = arith.index_cast %rem3A_29 : i32 to index
      %get3A_1203 = arith.index_cast %get3A_1201 : i32 to index
      %get3A_1204 = arith.index_cast %add3A_1200 : i32 to index
      %get3A_1205 = tpu.vector_load %arg8[%get3A_1202, %get3A_1203, %get3A_1204] {strides = array<i32>} : memref<6x104x128xf32, #tpu.memory_space<vmem>>, vector<1x1x16xf32>,
      %get3A_1206 = vector.shape_cast %get3A_1205 : vector<1x1x16xf32> to vector<16xf32>
      %slice3A_1207 = vector.extract_strided_slice %get3A_57 {offsets = [11], sizes = [1], strides = [1]} : vector<16xi32> to vector<1xi32>
      %squeeze3A_1208 = vector.extract %slice3A_1207[0] : i32 from vector<1xi32>
      %mul3A_1209 = arith.constant 64 : i32
      %mul3A_1210 = arith.muli %squeeze3A_1208, %mul3A_1209 : i32
      %add3A_1211 = arith.constant 0 : i32
      %add3A_1212 = arith.addi %mul3A_1210, %add3A_1211 : i32
      %get3A_1213 = arith.constant 27 : i32
      %get3A_1214 = arith.index_cast %rem3A_29 : i32 to index
      %get3A_1215 = arith.index_cast %get3A_1213 : i32 to index
      %get3A_1216 = arith.index_cast %add3A_1212 : i32 to index
      %get3A_1217 = tpu.vector_load %arg8[%get3A_1214, %get3A_1215, %get3A_1216] {strides = array<i32>} : memref<6x104x128xf32, #tpu.memory_space<vmem>>, vector<1x1x16xf32>,
      %get3A_1218 = vector.shape_cast %get3A_1217 : vector<1x1x16xf32> to vector<16xf32>
      %add3A_1219 = arith.constant 16 : i32
      %add3A_1220 = arith.addi %mul3A_1210, %add3A_1219 : i32
      %get3A_1221 = arith.constant 27 : i32
      %get3A_1222 = arith.index_cast %rem3A_29 : i32 to index
      %get3A_1223 = arith.index_cast %get3A_1221 : i32 to index
      %get3A_1224 = arith.index_cast %add3A_1220 : i32 to index
      %get3A_1225 = tpu.vector_load %arg8[%get3A_1222, %get3A_1223, %get3A_1224] {strides = array<i32>} : memref<6x104x128xf32, #tpu.memory_space<vmem>>, vector<1x1x16xf32>,
      %get3A_1226 = vector.shape_cast %get3A_1225 : vector<1x1x16xf32> to vector<16xf32>
      %add3A_1227 = arith.constant 32 : i32
      %add3A_1228 = arith.addi %mul3A_1210, %add3A_1227 : i32
      %get3A_1229 = arith.constant 27 : i32
      %get3A_1230 = arith.index_cast %rem3A_29 : i32 to index
      %get3A_1231 = arith.index_cast %get3A_1229 : i32 to index
      %get3A_1232 = arith.index_cast %add3A_1228 : i32 to index
      %get3A_1233 = tpu.vector_load %arg8[%get3A_1230, %get3A_1231, %get3A_1232] {strides = array<i32>} : memref<6x104x128xf32, #tpu.memory_space<vmem>>, vector<1x1x16xf32>,
      %get3A_1234 = vector.shape_cast %get3A_1233 : vector<1x1x16xf32> to vector<16xf32>
      %add3A_1235 = arith.constant 48 : i32
      %add3A_1236 = arith.addi %mul3A_1210, %add3A_1235 : i32
      %get3A_1237 = arith.constant 27 : i32
      %get3A_1238 = arith.index_cast %rem3A_29 : i32 to index
      %get3A_1239 = arith.index_cast %get3A_1237 : i32 to index
      %get3A_1240 = arith.index_cast %add3A_1236 : i32 to index
      %get3A_1241 = tpu.vector_load %arg8[%get3A_1238, %get3A_1239, %get3A_1240] {strides = array<i32>} : memref<6x104x128xf32, #tpu.memory_space<vmem>>, vector<1x1x16xf32>,
      %get3A_1242 = vector.shape_cast %get3A_1241 : vector<1x1x16xf32> to vector<16xf32>
      %add3A_1243 = arith.addf %get3A_1182, %get3A_1218 : vector<16xf32>
      %add3A_1244 = arith.addf %get3A_1190, %get3A_1226 : vector<16xf32>
      %add3A_1245 = arith.addf %get3A_1198, %get3A_1234 : vector<16xf32>
      %add3A_1246 = arith.addf %get3A_1206, %get3A_1242 : vector<16xf32>
      %slice3A_1247 = vector.extract_strided_slice %get3A_57 {offsets = [12], sizes = [1], strides = [1]} : vector<16xi32> to vector<1xi32>
      %squeeze3A_1248 = vector.extract %slice3A_1247[0] : i32 from vector<1xi32>
      %mul3A_1249 = arith.constant 64 : i32
      %mul3A_1250 = arith.muli %squeeze3A_1248, %mul3A_1249 : i32
      %add3A_1251 = arith.constant 0 : i32
      %add3A_1252 = arith.addi %mul3A_1250, %add3A_1251 : i32
      %get3A_1253 = arith.constant 28 : i32
      %get3A_1254 = arith.index_cast %rem3A_29 : i32 to index
      %get3A_1255 = arith.index_cast %get3A_1253 : i32 to index
      %get3A_1256 = arith.index_cast %add3A_1252 : i32 to index
      %get3A_1257 = tpu.vector_load %arg8[%get3A_1254, %get3A_1255, %get3A_1256] {strides = array<i32>} : memref<6x104x128xf32, #tpu.memory_space<vmem>>, vector<1x1x16xf32>,
      %get3A_1258 = vector.shape_cast %get3A_1257 : vector<1x1x16xf32> to vector<16xf32>
      %add3A_1259 = arith.constant 16 : i32
      %add3A_1260 = arith.addi %mul3A_1250, %add3A_1259 : i32
      %get3A_1261 = arith.constant 28 : i32
      %get3A_1262 = arith.index_cast %rem3A_29 : i32 to index
      %get3A_1263 = arith.index_cast %get3A_1261 : i32 to index
      %get3A_1264 = arith.index_cast %add3A_1260 : i32 to index
      %get3A_1265 = tpu.vector_load %arg8[%get3A_1262, %get3A_1263, %get3A_1264] {strides = array<i32>} : memref<6x104x128xf32, #tpu.memory_space<vmem>>, vector<1x1x16xf32>,
      %get3A_1266 = vector.shape_cast %get3A_1265 : vector<1x1x16xf32> to vector<16xf32>
      %add3A_1267 = arith.constant 32 : i32
      %add3A_1268 = arith.addi %mul3A_1250, %add3A_1267 : i32
      %get3A_1269 = arith.constant 28 : i32
      %get3A_1270 = arith.index_cast %rem3A_29 : i32 to index
      %get3A_1271 = arith.index_cast %get3A_1269 : i32 to index
      %get3A_1272 = arith.index_cast %add3A_1268 : i32 to index
      %get3A_1273 = tpu.vector_load %arg8[%get3A_1270, %get3A_1271, %get3A_1272] {strides = array<i32>} : memref<6x104x128xf32, #tpu.memory_space<vmem>>, vector<1x1x16xf32>,
      %get3A_1274 = vector.shape_cast %get3A_1273 : vector<1x1x16xf32> to vector<16xf32>
      %add3A_1275 = arith.constant 48 : i32
      %add3A_1276 = arith.addi %mul3A_1250, %add3A_1275 : i32
      %get3A_1277 = arith.constant 28 : i32
      %get3A_1278 = arith.index_cast %rem3A_29 : i32 to index
      %get3A_1279 = arith.index_cast %get3A_1277 : i32 to index
      %get3A_1280 = arith.index_cast %add3A_1276 : i32 to index
      %get3A_1281 = tpu.vector_load %arg8[%get3A_1278, %get3A_1279, %get3A_1280] {strides = array<i32>} : memref<6x104x128xf32, #tpu.memory_space<vmem>>, vector<1x1x16xf32>,
      %get3A_1282 = vector.shape_cast %get3A_1281 : vector<1x1x16xf32> to vector<16xf32>
      %add3A_1283 = arith.addf %add3A_1243, %get3A_1258 : vector<16xf32>
      %add3A_1284 = arith.addf %add3A_1244, %get3A_1266 : vector<16xf32>
      %add3A_1285 = arith.addf %add3A_1245, %get3A_1274 : vector<16xf32>
      %add3A_1286 = arith.addf %add3A_1246, %get3A_1282 : vector<16xf32>
      %slice3A_1287 = vector.extract_strided_slice %get3A_57 {offsets = [13], sizes = [1], strides = [1]} : vector<16xi32> to vector<1xi32>
      %squeeze3A_1288 = vector.extract %slice3A_1287[0] : i32 from vector<1xi32>
      %mul3A_1289 = arith.constant 64 : i32
      %mul3A_1290 = arith.muli %squeeze3A_1288, %mul3A_1289 : i32
      %add3A_1291 = arith.constant 0 : i32
      %add3A_1292 = arith.addi %mul3A_1290, %add3A_1291 : i32
      %get3A_1293 = arith.constant 29 : i32
      %get3A_1294 = arith.index_cast %rem3A_29 : i32 to index
      %get3A_1295 = arith.index_cast %get3A_1293 : i32 to index
      %get3A_1296 = arith.index_cast %add3A_1292 : i32 to index
      %get3A_1297 = tpu.vector_load %arg8[%get3A_1294, %get3A_1295, %get3A_1296] {strides = array<i32>} : memref<6x104x128xf32, #tpu.memory_space<vmem>>, vector<1x1x16xf32>,
      %get3A_1298 = vector.shape_cast %get3A_1297 : vector<1x1x16xf32> to vector<16xf32>
      %add3A_1299 = arith.constant 16 : i32
      %add3A_1300 = arith.addi %mul3A_1290, %add3A_1299 : i32
      %get3A_1301 = arith.constant 29 : i32
      %get3A_1302 = arith.index_cast %rem3A_29 : i32 to index
      %get3A_1303 = arith.index_cast %get3A_1301 : i32 to index
      %get3A_1304 = arith.index_cast %add3A_1300 : i32 to index
      %get3A_1305 = tpu.vector_load %arg8[%get3A_1302, %get3A_1303, %get3A_1304] {strides = array<i32>} : memref<6x104x128xf32, #tpu.memory_space<vmem>>, vector<1x1x16xf32>,
      %get3A_1306 = vector.shape_cast %get3A_1305 : vector<1x1x16xf32> to vector<16xf32>
      %add3A_1307 = arith.constant 32 : i32
      %add3A_1308 = arith.addi %mul3A_1290, %add3A_1307 : i32
      %get3A_1309 = arith.constant 29 : i32
      %get3A_1310 = arith.index_cast %rem3A_29 : i32 to index
      %get3A_1311 = arith.index_cast %get3A_1309 : i32 to index
      %get3A_1312 = arith.index_cast %add3A_1308 : i32 to index
      %get3A_1313 = tpu.vector_load %arg8[%get3A_1310, %get3A_1311, %get3A_1312] {strides = array<i32>} : memref<6x104x128xf32, #tpu.memory_space<vmem>>, vector<1x1x16xf32>,
      %get3A_1314 = vector.shape_cast %get3A_1313 : vector<1x1x16xf32> to vector<16xf32>
      %add3A_1315 = arith.constant 48 : i32
      %add3A_1316 = arith.addi %mul3A_1290, %add3A_1315 : i32
      %get3A_1317 = arith.constant 29 : i32
      %get3A_1318 = arith.index_cast %rem3A_29 : i32 to index
      %get3A_1319 = arith.index_cast %get3A_1317 : i32 to index
      %get3A_1320 = arith.index_cast %add3A_1316 : i32 to index
      %get3A_1321 = tpu.vector_load %arg8[%get3A_1318, %get3A_1319, %get3A_1320] {strides = array<i32>} : memref<6x104x128xf32, #tpu.memory_space<vmem>>, vector<1x1x16xf32>,
      %get3A_1322 = vector.shape_cast %get3A_1321 : vector<1x1x16xf32> to vector<16xf32>
      %add3A_1323 = arith.addf %add3A_1283, %get3A_1298 : vector<16xf32>
      %add3A_1324 = arith.addf %add3A_1284, %get3A_1306 : vector<16xf32>
      %add3A_1325 = arith.addf %add3A_1285, %get3A_1314 : vector<16xf32>
      %add3A_1326 = arith.addf %add3A_1286, %get3A_1322 : vector<16xf32>
      %slice3A_1327 = vector.extract_strided_slice %get3A_57 {offsets = [14], sizes = [1], strides = [1]} : vector<16xi32> to vector<1xi32>
      %squeeze3A_1328 = vector.extract %slice3A_1327[0] : i32 from vector<1xi32>
      %mul3A_1329 = arith.constant 64 : i32
      %mul3A_1330 = arith.muli %squeeze3A_1328, %mul3A_1329 : i32
      %add3A_1331 = arith.constant 0 : i32
      %add3A_1332 = arith.addi %mul3A_1330, %add3A_1331 : i32
      %get3A_1333 = arith.constant 30 : i32
      %get3A_1334 = arith.index_cast %rem3A_29 : i32 to index
      %get3A_1335 = arith.index_cast %get3A_1333 : i32 to index
      %get3A_1336 = arith.index_cast %add3A_1332 : i32 to index
      %get3A_1337 = tpu.vector_load %arg8[%get3A_1334, %get3A_1335, %get3A_1336] {strides = array<i32>} : memref<6x104x128xf32, #tpu.memory_space<vmem>>, vector<1x1x16xf32>,
      %get3A_1338 = vector.shape_cast %get3A_1337 : vector<1x1x16xf32> to vector<16xf32>
      %add3A_1339 = arith.constant 16 : i32
      %add3A_1340 = arith.addi %mul3A_1330, %add3A_1339 : i32
      %get3A_1341 = arith.constant 30 : i32
      %get3A_1342 = arith.index_cast %rem3A_29 : i32 to index
      %get3A_1343 = arith.index_cast %get3A_1341 : i32 to index
      %get3A_1344 = arith.index_cast %add3A_1340 : i32 to index
      %get3A_1345 = tpu.vector_load %arg8[%get3A_1342, %get3A_1343, %get3A_1344] {strides = array<i32>} : memref<6x104x128xf32, #tpu.memory_space<vmem>>, vector<1x1x16xf32>,
      %get3A_1346 = vector.shape_cast %get3A_1345 : vector<1x1x16xf32> to vector<16xf32>
      %add3A_1347 = arith.constant 32 : i32
      %add3A_1348 = arith.addi %mul3A_1330, %add3A_1347 : i32
      %get3A_1349 = arith.constant 30 : i32
      %get3A_1350 = arith.index_cast %rem3A_29 : i32 to index
      %get3A_1351 = arith.index_cast %get3A_1349 : i32 to index
      %get3A_1352 = arith.index_cast %add3A_1348 : i32 to index
      %get3A_1353 = tpu.vector_load %arg8[%get3A_1350, %get3A_1351, %get3A_1352] {strides = array<i32>} : memref<6x104x128xf32, #tpu.memory_space<vmem>>, vector<1x1x16xf32>,
      %get3A_1354 = vector.shape_cast %get3A_1353 : vector<1x1x16xf32> to vector<16xf32>
      %add3A_1355 = arith.constant 48 : i32
      %add3A_1356 = arith.addi %mul3A_1330, %add3A_1355 : i32
      %get3A_1357 = arith.constant 30 : i32
      %get3A_1358 = arith.index_cast %rem3A_29 : i32 to index
      %get3A_1359 = arith.index_cast %get3A_1357 : i32 to index
      %get3A_1360 = arith.index_cast %add3A_1356 : i32 to index
      %get3A_1361 = tpu.vector_load %arg8[%get3A_1358, %get3A_1359, %get3A_1360] {strides = array<i32>} : memref<6x104x128xf32, #tpu.memory_space<vmem>>, vector<1x1x16xf32>,
      %get3A_1362 = vector.shape_cast %get3A_1361 : vector<1x1x16xf32> to vector<16xf32>
      %add3A_1363 = arith.addf %add3A_1323, %get3A_1338 : vector<16xf32>
      %add3A_1364 = arith.addf %add3A_1324, %get3A_1346 : vector<16xf32>
      %add3A_1365 = arith.addf %add3A_1325, %get3A_1354 : vector<16xf32>
      %add3A_1366 = arith.addf %add3A_1326, %get3A_1362 : vector<16xf32>
      %slice3A_1367 = vector.extract_strided_slice %get3A_57 {offsets = [15], sizes = [1], strides = [1]} : vector<16xi32> to vector<1xi32>
      %squeeze3A_1368 = vector.extract %slice3A_1367[0] : i32 from vector<1xi32>
      %mul3A_1369 = arith.constant 64 : i32
      %mul3A_1370 = arith.muli %squeeze3A_1368, %mul3A_1369 : i32
      %add3A_1371 = arith.constant 0 : i32
      %add3A_1372 = arith.addi %mul3A_1370, %add3A_1371 : i32
      %get3A_1373 = arith.constant 31 : i32
      %get3A_1374 = arith.index_cast %rem3A_29 : i32 to index
      %get3A_1375 = arith.index_cast %get3A_1373 : i32 to index
      %get3A_1376 = arith.index_cast %add3A_1372 : i32 to index
      %get3A_1377 = tpu.vector_load %arg8[%get3A_1374, %get3A_1375, %get3A_1376] {strides = array<i32>} : memref<6x104x128xf32, #tpu.memory_space<vmem>>, vector<1x1x16xf32>,
      %get3A_1378 = vector.shape_cast %get3A_1377 : vector<1x1x16xf32> to vector<16xf32>
      %add3A_1379 = arith.constant 16 : i32
      %add3A_1380 = arith.addi %mul3A_1370, %add3A_1379 : i32
      %get3A_1381 = arith.constant 31 : i32
      %get3A_1382 = arith.index_cast %rem3A_29 : i32 to index
      %get3A_1383 = arith.index_cast %get3A_1381 : i32 to index
      %get3A_1384 = arith.index_cast %add3A_1380 : i32 to index
      %get3A_1385 = tpu.vector_load %arg8[%get3A_1382, %get3A_1383, %get3A_1384] {strides = array<i32>} : memref<6x104x128xf32, #tpu.memory_space<vmem>>, vector<1x1x16xf32>,
      %get3A_1386 = vector.shape_cast %get3A_1385 : vector<1x1x16xf32> to vector<16xf32>
      %add3A_1387 = arith.constant 32 : i32
      %add3A_1388 = arith.addi %mul3A_1370, %add3A_1387 : i32
      %get3A_1389 = arith.constant 31 : i32
      %get3A_1390 = arith.index_cast %rem3A_29 : i32 to index
      %get3A_1391 = arith.index_cast %get3A_1389 : i32 to index
      %get3A_1392 = arith.index_cast %add3A_1388 : i32 to index
      %get3A_1393 = tpu.vector_load %arg8[%get3A_1390, %get3A_1391, %get3A_1392] {strides = array<i32>} : memref<6x104x128xf32, #tpu.memory_space<vmem>>, vector<1x1x16xf32>,
      %get3A_1394 = vector.shape_cast %get3A_1393 : vector<1x1x16xf32> to vector<16xf32>
      %add3A_1395 = arith.constant 48 : i32
      %add3A_1396 = arith.addi %mul3A_1370, %add3A_1395 : i32
      %get3A_1397 = arith.constant 31 : i32
      %get3A_1398 = arith.index_cast %rem3A_29 : i32 to index
      %get3A_1399 = arith.index_cast %get3A_1397 : i32 to index
      %get3A_1400 = arith.index_cast %add3A_1396 : i32 to index
      %get3A_1401 = tpu.vector_load %arg8[%get3A_1398, %get3A_1399, %get3A_1400] {strides = array<i32>} : memref<6x104x128xf32, #tpu.memory_space<vmem>>, vector<1x1x16xf32>,
      %get3A_1402 = vector.shape_cast %get3A_1401 : vector<1x1x16xf32> to vector<16xf32>
      %add3A_1403 = arith.addf %add3A_1363, %get3A_1378 : vector<16xf32>
      %add3A_1404 = arith.addf %add3A_1364, %get3A_1386 : vector<16xf32>
      %add3A_1405 = arith.addf %add3A_1365, %get3A_1394 : vector<16xf32>
      %add3A_1406 = arith.addf %add3A_1366, %get3A_1402 : vector<16xf32>
      %slice3A_1407 = vector.extract_strided_slice %get3A_64 {offsets = [0], sizes = [1], strides = [1]} : vector<16xi32> to vector<1xi32>
      %squeeze3A_1408 = vector.extract %slice3A_1407[0] : i32 from vector<1xi32>
      %mul3A_1409 = arith.constant 64 : i32
      %mul3A_1410 = arith.muli %squeeze3A_1408, %mul3A_1409 : i32
      %add3A_1411 = arith.constant 0 : i32
      %add3A_1412 = arith.addi %mul3A_1410, %add3A_1411 : i32
      %get3A_1413 = arith.constant 32 : i32
      %get3A_1414 = arith.index_cast %rem3A_29 : i32 to index
      %get3A_1415 = arith.index_cast %get3A_1413 : i32 to index
      %get3A_1416 = arith.index_cast %add3A_1412 : i32 to index
      %get3A_1417 = tpu.vector_load %arg8[%get3A_1414, %get3A_1415, %get3A_1416] {strides = array<i32>} : memref<6x104x128xf32, #tpu.memory_space<vmem>>, vector<1x1x16xf32>,
      %get3A_1418 = vector.shape_cast %get3A_1417 : vector<1x1x16xf32> to vector<16xf32>
      %add3A_1419 = arith.constant 16 : i32
      %add3A_1420 = arith.addi %mul3A_1410, %add3A_1419 : i32
      %get3A_1421 = arith.constant 32 : i32
      %get3A_1422 = arith.index_cast %rem3A_29 : i32 to index
      %get3A_1423 = arith.index_cast %get3A_1421 : i32 to index
      %get3A_1424 = arith.index_cast %add3A_1420 : i32 to index
      %get3A_1425 = tpu.vector_load %arg8[%get3A_1422, %get3A_1423, %get3A_1424] {strides = array<i32>} : memref<6x104x128xf32, #tpu.memory_space<vmem>>, vector<1x1x16xf32>,
      %get3A_1426 = vector.shape_cast %get3A_1425 : vector<1x1x16xf32> to vector<16xf32>
      %add3A_1427 = arith.constant 32 : i32
      %add3A_1428 = arith.addi %mul3A_1410, %add3A_1427 : i32
      %get3A_1429 = arith.constant 32 : i32
      %get3A_1430 = arith.index_cast %rem3A_29 : i32 to index
      %get3A_1431 = arith.index_cast %get3A_1429 : i32 to index
      %get3A_1432 = arith.index_cast %add3A_1428 : i32 to index
      %get3A_1433 = tpu.vector_load %arg8[%get3A_1430, %get3A_1431, %get3A_1432] {strides = array<i32>} : memref<6x104x128xf32, #tpu.memory_space<vmem>>, vector<1x1x16xf32>,
      %get3A_1434 = vector.shape_cast %get3A_1433 : vector<1x1x16xf32> to vector<16xf32>
      %add3A_1435 = arith.constant 48 : i32
      %add3A_1436 = arith.addi %mul3A_1410, %add3A_1435 : i32
      %get3A_1437 = arith.constant 32 : i32
      %get3A_1438 = arith.index_cast %rem3A_29 : i32 to index
      %get3A_1439 = arith.index_cast %get3A_1437 : i32 to index
      %get3A_1440 = arith.index_cast %add3A_1436 : i32 to index
      %get3A_1441 = tpu.vector_load %arg8[%get3A_1438, %get3A_1439, %get3A_1440] {strides = array<i32>} : memref<6x104x128xf32, #tpu.memory_space<vmem>>, vector<1x1x16xf32>,
      %get3A_1442 = vector.shape_cast %get3A_1441 : vector<1x1x16xf32> to vector<16xf32>
      %add3A_1443 = arith.addf %add3A_1403, %get3A_1418 : vector<16xf32>
      %add3A_1444 = arith.addf %add3A_1404, %get3A_1426 : vector<16xf32>
      %add3A_1445 = arith.addf %add3A_1405, %get3A_1434 : vector<16xf32>
      %add3A_1446 = arith.addf %add3A_1406, %get3A_1442 : vector<16xf32>
      %slice3A_1447 = vector.extract_strided_slice %get3A_64 {offsets = [1], sizes = [1], strides = [1]} : vector<16xi32> to vector<1xi32>
      %squeeze3A_1448 = vector.extract %slice3A_1447[0] : i32 from vector<1xi32>
      %mul3A_1449 = arith.constant 64 : i32
      %mul3A_1450 = arith.muli %squeeze3A_1448, %mul3A_1449 : i32
      %add3A_1451 = arith.constant 0 : i32
      %add3A_1452 = arith.addi %mul3A_1450, %add3A_1451 : i32
      %get3A_1453 = arith.constant 33 : i32
      %get3A_1454 = arith.index_cast %rem3A_29 : i32 to index
      %get3A_1455 = arith.index_cast %get3A_1453 : i32 to index
      %get3A_1456 = arith.index_cast %add3A_1452 : i32 to index
      %get3A_1457 = tpu.vector_load %arg8[%get3A_1454, %get3A_1455, %get3A_1456] {strides = array<i32>} : memref<6x104x128xf32, #tpu.memory_space<vmem>>, vector<1x1x16xf32>,
      %get3A_1458 = vector.shape_cast %get3A_1457 : vector<1x1x16xf32> to vector<16xf32>
      %add3A_1459 = arith.constant 16 : i32
      %add3A_1460 = arith.addi %mul3A_1450, %add3A_1459 : i32
      %get3A_1461 = arith.constant 33 : i32
      %get3A_1462 = arith.index_cast %rem3A_29 : i32 to index
      %get3A_1463 = arith.index_cast %get3A_1461 : i32 to index
      %get3A_1464 = arith.index_cast %add3A_1460 : i32 to index
      %get3A_1465 = tpu.vector_load %arg8[%get3A_1462, %get3A_1463, %get3A_1464] {strides = array<i32>} : memref<6x104x128xf32, #tpu.memory_space<vmem>>, vector<1x1x16xf32>,
      %get3A_1466 = vector.shape_cast %get3A_1465 : vector<1x1x16xf32> to vector<16xf32>
      %add3A_1467 = arith.constant 32 : i32
      %add3A_1468 = arith.addi %mul3A_1450, %add3A_1467 : i32
      %get3A_1469 = arith.constant 33 : i32
      %get3A_1470 = arith.index_cast %rem3A_29 : i32 to index
      %get3A_1471 = arith.index_cast %get3A_1469 : i32 to index
      %get3A_1472 = arith.index_cast %add3A_1468 : i32 to index
      %get3A_1473 = tpu.vector_load %arg8[%get3A_1470, %get3A_1471, %get3A_1472] {strides = array<i32>} : memref<6x104x128xf32, #tpu.memory_space<vmem>>, vector<1x1x16xf32>,
      %get3A_1474 = vector.shape_cast %get3A_1473 : vector<1x1x16xf32> to vector<16xf32>
      %add3A_1475 = arith.constant 48 : i32
      %add3A_1476 = arith.addi %mul3A_1450, %add3A_1475 : i32
      %get3A_1477 = arith.constant 33 : i32
      %get3A_1478 = arith.index_cast %rem3A_29 : i32 to index
      %get3A_1479 = arith.index_cast %get3A_1477 : i32 to index
      %get3A_1480 = arith.index_cast %add3A_1476 : i32 to index
      %get3A_1481 = tpu.vector_load %arg8[%get3A_1478, %get3A_1479, %get3A_1480] {strides = array<i32>} : memref<6x104x128xf32, #tpu.memory_space<vmem>>, vector<1x1x16xf32>,
      %get3A_1482 = vector.shape_cast %get3A_1481 : vector<1x1x16xf32> to vector<16xf32>
      %add3A_1483 = arith.addf %add3A_1443, %get3A_1458 : vector<16xf32>
      %add3A_1484 = arith.addf %add3A_1444, %get3A_1466 : vector<16xf32>
      %add3A_1485 = arith.addf %add3A_1445, %get3A_1474 : vector<16xf32>
      %add3A_1486 = arith.addf %add3A_1446, %get3A_1482 : vector<16xf32>
      %slice3A_1487 = vector.extract_strided_slice %get3A_64 {offsets = [2], sizes = [1], strides = [1]} : vector<16xi32> to vector<1xi32>
      %squeeze3A_1488 = vector.extract %slice3A_1487[0] : i32 from vector<1xi32>
      %mul3A_1489 = arith.constant 64 : i32
      %mul3A_1490 = arith.muli %squeeze3A_1488, %mul3A_1489 : i32
      %add3A_1491 = arith.constant 0 : i32
      %add3A_1492 = arith.addi %mul3A_1490, %add3A_1491 : i32
      %get3A_1493 = arith.constant 34 : i32
      %get3A_1494 = arith.index_cast %rem3A_29 : i32 to index
      %get3A_1495 = arith.index_cast %get3A_1493 : i32 to index
      %get3A_1496 = arith.index_cast %add3A_1492 : i32 to index
      %get3A_1497 = tpu.vector_load %arg8[%get3A_1494, %get3A_1495, %get3A_1496] {strides = array<i32>} : memref<6x104x128xf32, #tpu.memory_space<vmem>>, vector<1x1x16xf32>,
      %get3A_1498 = vector.shape_cast %get3A_1497 : vector<1x1x16xf32> to vector<16xf32>
      %add3A_1499 = arith.constant 16 : i32
      %add3A_1500 = arith.addi %mul3A_1490, %add3A_1499 : i32
      %get3A_1501 = arith.constant 34 : i32
      %get3A_1502 = arith.index_cast %rem3A_29 : i32 to index
      %get3A_1503 = arith.index_cast %get3A_1501 : i32 to index
      %get3A_1504 = arith.index_cast %add3A_1500 : i32 to index
      %get3A_1505 = tpu.vector_load %arg8[%get3A_1502, %get3A_1503, %get3A_1504] {strides = array<i32>} : memref<6x104x128xf32, #tpu.memory_space<vmem>>, vector<1x1x16xf32>,
      %get3A_1506 = vector.shape_cast %get3A_1505 : vector<1x1x16xf32> to vector<16xf32>
      %add3A_1507 = arith.constant 32 : i32
      %add3A_1508 = arith.addi %mul3A_1490, %add3A_1507 : i32
      %get3A_1509 = arith.constant 34 : i32
      %get3A_1510 = arith.index_cast %rem3A_29 : i32 to index
      %get3A_1511 = arith.index_cast %get3A_1509 : i32 to index
      %get3A_1512 = arith.index_cast %add3A_1508 : i32 to index
      %get3A_1513 = tpu.vector_load %arg8[%get3A_1510, %get3A_1511, %get3A_1512] {strides = array<i32>} : memref<6x104x128xf32, #tpu.memory_space<vmem>>, vector<1x1x16xf32>,
      %get3A_1514 = vector.shape_cast %get3A_1513 : vector<1x1x16xf32> to vector<16xf32>
      %add3A_1515 = arith.constant 48 : i32
      %add3A_1516 = arith.addi %mul3A_1490, %add3A_1515 : i32
      %get3A_1517 = arith.constant 34 : i32
      %get3A_1518 = arith.index_cast %rem3A_29 : i32 to index
      %get3A_1519 = arith.index_cast %get3A_1517 : i32 to index
      %get3A_1520 = arith.index_cast %add3A_1516 : i32 to index
      %get3A_1521 = tpu.vector_load %arg8[%get3A_1518, %get3A_1519, %get3A_1520] {strides = array<i32>} : memref<6x104x128xf32, #tpu.memory_space<vmem>>, vector<1x1x16xf32>,
      %get3A_1522 = vector.shape_cast %get3A_1521 : vector<1x1x16xf32> to vector<16xf32>
      %add3A_1523 = arith.addf %add3A_1483, %get3A_1498 : vector<16xf32>
      %add3A_1524 = arith.addf %add3A_1484, %get3A_1506 : vector<16xf32>
      %add3A_1525 = arith.addf %add3A_1485, %get3A_1514 : vector<16xf32>
      %add3A_1526 = arith.addf %add3A_1486, %get3A_1522 : vector<16xf32>
      %slice3A_1527 = vector.extract_strided_slice %get3A_64 {offsets = [3], sizes = [1], strides = [1]} : vector<16xi32> to vector<1xi32>
      %squeeze3A_1528 = vector.extract %slice3A_1527[0] : i32 from vector<1xi32>
      %mul3A_1529 = arith.constant 64 : i32
      %mul3A_1530 = arith.muli %squeeze3A_1528, %mul3A_1529 : i32
      %add3A_1531 = arith.constant 0 : i32
      %add3A_1532 = arith.addi %mul3A_1530, %add3A_1531 : i32
      %get3A_1533 = arith.constant 35 : i32
      %get3A_1534 = arith.index_cast %rem3A_29 : i32 to index
      %get3A_1535 = arith.index_cast %get3A_1533 : i32 to index
      %get3A_1536 = arith.index_cast %add3A_1532 : i32 to index
      %get3A_1537 = tpu.vector_load %arg8[%get3A_1534, %get3A_1535, %get3A_1536] {strides = array<i32>} : memref<6x104x128xf32, #tpu.memory_space<vmem>>, vector<1x1x16xf32>,
      %get3A_1538 = vector.shape_cast %get3A_1537 : vector<1x1x16xf32> to vector<16xf32>
      %add3A_1539 = arith.constant 16 : i32
      %add3A_1540 = arith.addi %mul3A_1530, %add3A_1539 : i32
      %get3A_1541 = arith.constant 35 : i32
      %get3A_1542 = arith.index_cast %rem3A_29 : i32 to index
      %get3A_1543 = arith.index_cast %get3A_1541 : i32 to index
      %get3A_1544 = arith.index_cast %add3A_1540 : i32 to index
      %get3A_1545 = tpu.vector_load %arg8[%get3A_1542, %get3A_1543, %get3A_1544] {strides = array<i32>} : memref<6x104x128xf32, #tpu.memory_space<vmem>>, vector<1x1x16xf32>,
      %get3A_1546 = vector.shape_cast %get3A_1545 : vector<1x1x16xf32> to vector<16xf32>
      %add3A_1547 = arith.constant 32 : i32
      %add3A_1548 = arith.addi %mul3A_1530, %add3A_1547 : i32
      %get3A_1549 = arith.constant 35 : i32
      %get3A_1550 = arith.index_cast %rem3A_29 : i32 to index
      %get3A_1551 = arith.index_cast %get3A_1549 : i32 to index
      %get3A_1552 = arith.index_cast %add3A_1548 : i32 to index
      %get3A_1553 = tpu.vector_load %arg8[%get3A_1550, %get3A_1551, %get3A_1552] {strides = array<i32>} : memref<6x104x128xf32, #tpu.memory_space<vmem>>, vector<1x1x16xf32>,
      %get3A_1554 = vector.shape_cast %get3A_1553 : vector<1x1x16xf32> to vector<16xf32>
      %add3A_1555 = arith.constant 48 : i32
      %add3A_1556 = arith.addi %mul3A_1530, %add3A_1555 : i32
      %get3A_1557 = arith.constant 35 : i32
      %get3A_1558 = arith.index_cast %rem3A_29 : i32 to index
      %get3A_1559 = arith.index_cast %get3A_1557 : i32 to index
      %get3A_1560 = arith.index_cast %add3A_1556 : i32 to index
      %get3A_1561 = tpu.vector_load %arg8[%get3A_1558, %get3A_1559, %get3A_1560] {strides = array<i32>} : memref<6x104x128xf32, #tpu.memory_space<vmem>>, vector<1x1x16xf32>,
      %get3A_1562 = vector.shape_cast %get3A_1561 : vector<1x1x16xf32> to vector<16xf32>
      %add3A_1563 = arith.addf %add3A_1523, %get3A_1538 : vector<16xf32>
      %add3A_1564 = arith.addf %add3A_1524, %get3A_1546 : vector<16xf32>
      %add3A_1565 = arith.addf %add3A_1525, %get3A_1554 : vector<16xf32>
      %add3A_1566 = arith.addf %add3A_1526, %get3A_1562 : vector<16xf32>
      %slice3A_1567 = vector.extract_strided_slice %get3A_64 {offsets = [4], sizes = [1], strides = [1]} : vector<16xi32> to vector<1xi32>
      %squeeze3A_1568 = vector.extract %slice3A_1567[0] : i32 from vector<1xi32>
      %mul3A_1569 = arith.constant 64 : i32
      %mul3A_1570 = arith.muli %squeeze3A_1568, %mul3A_1569 : i32
      %add3A_1571 = arith.constant 0 : i32
      %add3A_1572 = arith.addi %mul3A_1570, %add3A_1571 : i32
      %get3A_1573 = arith.constant 36 : i32
      %get3A_1574 = arith.index_cast %rem3A_29 : i32 to index
      %get3A_1575 = arith.index_cast %get3A_1573 : i32 to index
      %get3A_1576 = arith.index_cast %add3A_1572 : i32 to index
      %get3A_1577 = tpu.vector_load %arg8[%get3A_1574, %get3A_1575, %get3A_1576] {strides = array<i32>} : memref<6x104x128xf32, #tpu.memory_space<vmem>>, vector<1x1x16xf32>,
      %get3A_1578 = vector.shape_cast %get3A_1577 : vector<1x1x16xf32> to vector<16xf32>
      %add3A_1579 = arith.constant 16 : i32
      %add3A_1580 = arith.addi %mul3A_1570, %add3A_1579 : i32
      %get3A_1581 = arith.constant 36 : i32
      %get3A_1582 = arith.index_cast %rem3A_29 : i32 to index
      %get3A_1583 = arith.index_cast %get3A_1581 : i32 to index
      %get3A_1584 = arith.index_cast %add3A_1580 : i32 to index
      %get3A_1585 = tpu.vector_load %arg8[%get3A_1582, %get3A_1583, %get3A_1584] {strides = array<i32>} : memref<6x104x128xf32, #tpu.memory_space<vmem>>, vector<1x1x16xf32>,
      %get3A_1586 = vector.shape_cast %get3A_1585 : vector<1x1x16xf32> to vector<16xf32>
      %add3A_1587 = arith.constant 32 : i32
      %add3A_1588 = arith.addi %mul3A_1570, %add3A_1587 : i32
      %get3A_1589 = arith.constant 36 : i32
      %get3A_1590 = arith.index_cast %rem3A_29 : i32 to index
      %get3A_1591 = arith.index_cast %get3A_1589 : i32 to index
      %get3A_1592 = arith.index_cast %add3A_1588 : i32 to index
      %get3A_1593 = tpu.vector_load %arg8[%get3A_1590, %get3A_1591, %get3A_1592] {strides = array<i32>} : memref<6x104x128xf32, #tpu.memory_space<vmem>>, vector<1x1x16xf32>,
      %get3A_1594 = vector.shape_cast %get3A_1593 : vector<1x1x16xf32> to vector<16xf32>
      %add3A_1595 = arith.constant 48 : i32
      %add3A_1596 = arith.addi %mul3A_1570, %add3A_1595 : i32
      %get3A_1597 = arith.constant 36 : i32
      %get3A_1598 = arith.index_cast %rem3A_29 : i32 to index
      %get3A_1599 = arith.index_cast %get3A_1597 : i32 to index
      %get3A_1600 = arith.index_cast %add3A_1596 : i32 to index
      %get3A_1601 = tpu.vector_load %arg8[%get3A_1598, %get3A_1599, %get3A_1600] {strides = array<i32>} : memref<6x104x128xf32, #tpu.memory_space<vmem>>, vector<1x1x16xf32>,
      %get3A_1602 = vector.shape_cast %get3A_1601 : vector<1x1x16xf32> to vector<16xf32>
      %add3A_1603 = arith.addf %add3A_1563, %get3A_1578 : vector<16xf32>
      %add3A_1604 = arith.addf %add3A_1564, %get3A_1586 : vector<16xf32>
      %add3A_1605 = arith.addf %add3A_1565, %get3A_1594 : vector<16xf32>
      %add3A_1606 = arith.addf %add3A_1566, %get3A_1602 : vector<16xf32>
      %slice3A_1607 = vector.extract_strided_slice %get3A_64 {offsets = [5], sizes = [1], strides = [1]} : vector<16xi32> to vector<1xi32>
      %squeeze3A_1608 = vector.extract %slice3A_1607[0] : i32 from vector<1xi32>
      %mul3A_1609 = arith.constant 64 : i32
      %mul3A_1610 = arith.muli %squeeze3A_1608, %mul3A_1609 : i32
      %add3A_1611 = arith.constant 0 : i32
      %add3A_1612 = arith.addi %mul3A_1610, %add3A_1611 : i32
      %get3A_1613 = arith.constant 37 : i32
      %get3A_1614 = arith.index_cast %rem3A_29 : i32 to index
      %get3A_1615 = arith.index_cast %get3A_1613 : i32 to index
      %get3A_1616 = arith.index_cast %add3A_1612 : i32 to index
      %get3A_1617 = tpu.vector_load %arg8[%get3A_1614, %get3A_1615, %get3A_1616] {strides = array<i32>} : memref<6x104x128xf32, #tpu.memory_space<vmem>>, vector<1x1x16xf32>,
      %get3A_1618 = vector.shape_cast %get3A_1617 : vector<1x1x16xf32> to vector<16xf32>
      %add3A_1619 = arith.constant 16 : i32
      %add3A_1620 = arith.addi %mul3A_1610, %add3A_1619 : i32
      %get3A_1621 = arith.constant 37 : i32
      %get3A_1622 = arith.index_cast %rem3A_29 : i32 to index
      %get3A_1623 = arith.index_cast %get3A_1621 : i32 to index
      %get3A_1624 = arith.index_cast %add3A_1620 : i32 to index
      %get3A_1625 = tpu.vector_load %arg8[%get3A_1622, %get3A_1623, %get3A_1624] {strides = array<i32>} : memref<6x104x128xf32, #tpu.memory_space<vmem>>, vector<1x1x16xf32>,
      %get3A_1626 = vector.shape_cast %get3A_1625 : vector<1x1x16xf32> to vector<16xf32>
      %add3A_1627 = arith.constant 32 : i32
      %add3A_1628 = arith.addi %mul3A_1610, %add3A_1627 : i32
      %get3A_1629 = arith.constant 37 : i32
      %get3A_1630 = arith.index_cast %rem3A_29 : i32 to index
      %get3A_1631 = arith.index_cast %get3A_1629 : i32 to index
      %get3A_1632 = arith.index_cast %add3A_1628 : i32 to index
      %get3A_1633 = tpu.vector_load %arg8[%get3A_1630, %get3A_1631, %get3A_1632] {strides = array<i32>} : memref<6x104x128xf32, #tpu.memory_space<vmem>>, vector<1x1x16xf32>,
      %get3A_1634 = vector.shape_cast %get3A_1633 : vector<1x1x16xf32> to vector<16xf32>
      %add3A_1635 = arith.constant 48 : i32
      %add3A_1636 = arith.addi %mul3A_1610, %add3A_1635 : i32
      %get3A_1637 = arith.constant 37 : i32
      %get3A_1638 = arith.index_cast %rem3A_29 : i32 to index
      %get3A_1639 = arith.index_cast %get3A_1637 : i32 to index
      %get3A_1640 = arith.index_cast %add3A_1636 : i32 to index
      %get3A_1641 = tpu.vector_load %arg8[%get3A_1638, %get3A_1639, %get3A_1640] {strides = array<i32>} : memref<6x104x128xf32, #tpu.memory_space<vmem>>, vector<1x1x16xf32>,
      %get3A_1642 = vector.shape_cast %get3A_1641 : vector<1x1x16xf32> to vector<16xf32>
      %add3A_1643 = arith.addf %add3A_1603, %get3A_1618 : vector<16xf32>
      %add3A_1644 = arith.addf %add3A_1604, %get3A_1626 : vector<16xf32>
      %add3A_1645 = arith.addf %add3A_1605, %get3A_1634 : vector<16xf32>
      %add3A_1646 = arith.addf %add3A_1606, %get3A_1642 : vector<16xf32>
      %slice3A_1647 = vector.extract_strided_slice %get3A_64 {offsets = [6], sizes = [1], strides = [1]} : vector<16xi32> to vector<1xi32>
      %squeeze3A_1648 = vector.extract %slice3A_1647[0] : i32 from vector<1xi32>
      %mul3A_1649 = arith.constant 64 : i32
      %mul3A_1650 = arith.muli %squeeze3A_1648, %mul3A_1649 : i32
      %add3A_1651 = arith.constant 0 : i32
      %add3A_1652 = arith.addi %mul3A_1650, %add3A_1651 : i32
      %get3A_1653 = arith.constant 38 : i32
      %get3A_1654 = arith.index_cast %rem3A_29 : i32 to index
      %get3A_1655 = arith.index_cast %get3A_1653 : i32 to index
      %get3A_1656 = arith.index_cast %add3A_1652 : i32 to index
      %get3A_1657 = tpu.vector_load %arg8[%get3A_1654, %get3A_1655, %get3A_1656] {strides = array<i32>} : memref<6x104x128xf32, #tpu.memory_space<vmem>>, vector<1x1x16xf32>,
      %get3A_1658 = vector.shape_cast %get3A_1657 : vector<1x1x16xf32> to vector<16xf32>
      %add3A_1659 = arith.constant 16 : i32
      %add3A_1660 = arith.addi %mul3A_1650, %add3A_1659 : i32
      %get3A_1661 = arith.constant 38 : i32
      %get3A_1662 = arith.index_cast %rem3A_29 : i32 to index
      %get3A_1663 = arith.index_cast %get3A_1661 : i32 to index
      %get3A_1664 = arith.index_cast %add3A_1660 : i32 to index
      %get3A_1665 = tpu.vector_load %arg8[%get3A_1662, %get3A_1663, %get3A_1664] {strides = array<i32>} : memref<6x104x128xf32, #tpu.memory_space<vmem>>, vector<1x1x16xf32>,
      %get3A_1666 = vector.shape_cast %get3A_1665 : vector<1x1x16xf32> to vector<16xf32>
      %add3A_1667 = arith.constant 32 : i32
      %add3A_1668 = arith.addi %mul3A_1650, %add3A_1667 : i32
      %get3A_1669 = arith.constant 38 : i32
      %get3A_1670 = arith.index_cast %rem3A_29 : i32 to index
      %get3A_1671 = arith.index_cast %get3A_1669 : i32 to index
      %get3A_1672 = arith.index_cast %add3A_1668 : i32 to index
      %get3A_1673 = tpu.vector_load %arg8[%get3A_1670, %get3A_1671, %get3A_1672] {strides = array<i32>} : memref<6x104x128xf32, #tpu.memory_space<vmem>>, vector<1x1x16xf32>,
      %get3A_1674 = vector.shape_cast %get3A_1673 : vector<1x1x16xf32> to vector<16xf32>
      %add3A_1675 = arith.constant 48 : i32
      %add3A_1676 = arith.addi %mul3A_1650, %add3A_1675 : i32
      %get3A_1677 = arith.constant 38 : i32
      %get3A_1678 = arith.index_cast %rem3A_29 : i32 to index
      %get3A_1679 = arith.index_cast %get3A_1677 : i32 to index
      %get3A_1680 = arith.index_cast %add3A_1676 : i32 to index
      %get3A_1681 = tpu.vector_load %arg8[%get3A_1678, %get3A_1679, %get3A_1680] {strides = array<i32>} : memref<6x104x128xf32, #tpu.memory_space<vmem>>, vector<1x1x16xf32>,
      %get3A_1682 = vector.shape_cast %get3A_1681 : vector<1x1x16xf32> to vector<16xf32>
      %add3A_1683 = arith.addf %add3A_1643, %get3A_1658 : vector<16xf32>
      %add3A_1684 = arith.addf %add3A_1644, %get3A_1666 : vector<16xf32>
      %add3A_1685 = arith.addf %add3A_1645, %get3A_1674 : vector<16xf32>
      %add3A_1686 = arith.addf %add3A_1646, %get3A_1682 : vector<16xf32>
      %slice3A_1687 = vector.extract_strided_slice %get3A_64 {offsets = [7], sizes = [1], strides = [1]} : vector<16xi32> to vector<1xi32>
      %squeeze3A_1688 = vector.extract %slice3A_1687[0] : i32 from vector<1xi32>
      %mul3A_1689 = arith.constant 64 : i32
      %mul3A_1690 = arith.muli %squeeze3A_1688, %mul3A_1689 : i32
      %add3A_1691 = arith.constant 0 : i32
      %add3A_1692 = arith.addi %mul3A_1690, %add3A_1691 : i32
      %get3A_1693 = arith.constant 39 : i32
      %get3A_1694 = arith.index_cast %rem3A_29 : i32 to index
      %get3A_1695 = arith.index_cast %get3A_1693 : i32 to index
      %get3A_1696 = arith.index_cast %add3A_1692 : i32 to index
      %get3A_1697 = tpu.vector_load %arg8[%get3A_1694, %get3A_1695, %get3A_1696] {strides = array<i32>} : memref<6x104x128xf32, #tpu.memory_space<vmem>>, vector<1x1x16xf32>,
      %get3A_1698 = vector.shape_cast %get3A_1697 : vector<1x1x16xf32> to vector<16xf32>
      %add3A_1699 = arith.constant 16 : i32
      %add3A_1700 = arith.addi %mul3A_1690, %add3A_1699 : i32
      %get3A_1701 = arith.constant 39 : i32
      %get3A_1702 = arith.index_cast %rem3A_29 : i32 to index
      %get3A_1703 = arith.index_cast %get3A_1701 : i32 to index
      %get3A_1704 = arith.index_cast %add3A_1700 : i32 to index
      %get3A_1705 = tpu.vector_load %arg8[%get3A_1702, %get3A_1703, %get3A_1704] {strides = array<i32>} : memref<6x104x128xf32, #tpu.memory_space<vmem>>, vector<1x1x16xf32>,
      %get3A_1706 = vector.shape_cast %get3A_1705 : vector<1x1x16xf32> to vector<16xf32>
      %add3A_1707 = arith.constant 32 : i32
      %add3A_1708 = arith.addi %mul3A_1690, %add3A_1707 : i32
      %get3A_1709 = arith.constant 39 : i32
      %get3A_1710 = arith.index_cast %rem3A_29 : i32 to index
      %get3A_1711 = arith.index_cast %get3A_1709 : i32 to index
      %get3A_1712 = arith.index_cast %add3A_1708 : i32 to index
      %get3A_1713 = tpu.vector_load %arg8[%get3A_1710, %get3A_1711, %get3A_1712] {strides = array<i32>} : memref<6x104x128xf32, #tpu.memory_space<vmem>>, vector<1x1x16xf32>,
      %get3A_1714 = vector.shape_cast %get3A_1713 : vector<1x1x16xf32> to vector<16xf32>
      %add3A_1715 = arith.constant 48 : i32
      %add3A_1716 = arith.addi %mul3A_1690, %add3A_1715 : i32
      %get3A_1717 = arith.constant 39 : i32
      %get3A_1718 = arith.index_cast %rem3A_29 : i32 to index
      %get3A_1719 = arith.index_cast %get3A_1717 : i32 to index
      %get3A_1720 = arith.index_cast %add3A_1716 : i32 to index
      %get3A_1721 = tpu.vector_load %arg8[%get3A_1718, %get3A_1719, %get3A_1720] {strides = array<i32>} : memref<6x104x128xf32, #tpu.memory_space<vmem>>, vector<1x1x16xf32>,
      %get3A_1722 = vector.shape_cast %get3A_1721 : vector<1x1x16xf32> to vector<16xf32>
      %add3A_1723 = arith.addf %add3A_1683, %get3A_1698 : vector<16xf32>
      %add3A_1724 = arith.addf %add3A_1684, %get3A_1706 : vector<16xf32>
      %add3A_1725 = arith.addf %add3A_1685, %get3A_1714 : vector<16xf32>
      %add3A_1726 = arith.addf %add3A_1686, %get3A_1722 : vector<16xf32>
      %slice3A_1727 = vector.extract_strided_slice %get3A_64 {offsets = [8], sizes = [1], strides = [1]} : vector<16xi32> to vector<1xi32>
      %squeeze3A_1728 = vector.extract %slice3A_1727[0] : i32 from vector<1xi32>
      %mul3A_1729 = arith.constant 64 : i32
      %mul3A_1730 = arith.muli %squeeze3A_1728, %mul3A_1729 : i32
      %add3A_1731 = arith.constant 0 : i32
      %add3A_1732 = arith.addi %mul3A_1730, %add3A_1731 : i32
      %get3A_1733 = arith.constant 40 : i32
      %get3A_1734 = arith.index_cast %rem3A_29 : i32 to index
      %get3A_1735 = arith.index_cast %get3A_1733 : i32 to index
      %get3A_1736 = arith.index_cast %add3A_1732 : i32 to index
      %get3A_1737 = tpu.vector_load %arg8[%get3A_1734, %get3A_1735, %get3A_1736] {strides = array<i32>} : memref<6x104x128xf32, #tpu.memory_space<vmem>>, vector<1x1x16xf32>,
      %get3A_1738 = vector.shape_cast %get3A_1737 : vector<1x1x16xf32> to vector<16xf32>
      %add3A_1739 = arith.constant 16 : i32
      %add3A_1740 = arith.addi %mul3A_1730, %add3A_1739 : i32
      %get3A_1741 = arith.constant 40 : i32
      %get3A_1742 = arith.index_cast %rem3A_29 : i32 to index
      %get3A_1743 = arith.index_cast %get3A_1741 : i32 to index
      %get3A_1744 = arith.index_cast %add3A_1740 : i32 to index
      %get3A_1745 = tpu.vector_load %arg8[%get3A_1742, %get3A_1743, %get3A_1744] {strides = array<i32>} : memref<6x104x128xf32, #tpu.memory_space<vmem>>, vector<1x1x16xf32>,
      %get3A_1746 = vector.shape_cast %get3A_1745 : vector<1x1x16xf32> to vector<16xf32>
      %add3A_1747 = arith.constant 32 : i32
      %add3A_1748 = arith.addi %mul3A_1730, %add3A_1747 : i32
      %get3A_1749 = arith.constant 40 : i32
      %get3A_1750 = arith.index_cast %rem3A_29 : i32 to index
      %get3A_1751 = arith.index_cast %get3A_1749 : i32 to index
      %get3A_1752 = arith.index_cast %add3A_1748 : i32 to index
      %get3A_1753 = tpu.vector_load %arg8[%get3A_1750, %get3A_1751, %get3A_1752] {strides = array<i32>} : memref<6x104x128xf32, #tpu.memory_space<vmem>>, vector<1x1x16xf32>,
      %get3A_1754 = vector.shape_cast %get3A_1753 : vector<1x1x16xf32> to vector<16xf32>
      %add3A_1755 = arith.constant 48 : i32
      %add3A_1756 = arith.addi %mul3A_1730, %add3A_1755 : i32
      %get3A_1757 = arith.constant 40 : i32
      %get3A_1758 = arith.index_cast %rem3A_29 : i32 to index
      %get3A_1759 = arith.index_cast %get3A_1757 : i32 to index
      %get3A_1760 = arith.index_cast %add3A_1756 : i32 to index
      %get3A_1761 = tpu.vector_load %arg8[%get3A_1758, %get3A_1759, %get3A_1760] {strides = array<i32>} : memref<6x104x128xf32, #tpu.memory_space<vmem>>, vector<1x1x16xf32>,
      %get3A_1762 = vector.shape_cast %get3A_1761 : vector<1x1x16xf32> to vector<16xf32>
      %add3A_1763 = arith.addf %add3A_1723, %get3A_1738 : vector<16xf32>
      %add3A_1764 = arith.addf %add3A_1724, %get3A_1746 : vector<16xf32>
      %add3A_1765 = arith.addf %add3A_1725, %get3A_1754 : vector<16xf32>
      %add3A_1766 = arith.addf %add3A_1726, %get3A_1762 : vector<16xf32>
      %slice3A_1767 = vector.extract_strided_slice %get3A_64 {offsets = [9], sizes = [1], strides = [1]} : vector<16xi32> to vector<1xi32>
      %squeeze3A_1768 = vector.extract %slice3A_1767[0] : i32 from vector<1xi32>
      %mul3A_1769 = arith.constant 64 : i32
      %mul3A_1770 = arith.muli %squeeze3A_1768, %mul3A_1769 : i32
      %add3A_1771 = arith.constant 0 : i32
      %add3A_1772 = arith.addi %mul3A_1770, %add3A_1771 : i32
      %get3A_1773 = arith.constant 41 : i32
      %get3A_1774 = arith.index_cast %rem3A_29 : i32 to index
      %get3A_1775 = arith.index_cast %get3A_1773 : i32 to index
      %get3A_1776 = arith.index_cast %add3A_1772 : i32 to index
      %get3A_1777 = tpu.vector_load %arg8[%get3A_1774, %get3A_1775, %get3A_1776] {strides = array<i32>} : memref<6x104x128xf32, #tpu.memory_space<vmem>>, vector<1x1x16xf32>,
      %get3A_1778 = vector.shape_cast %get3A_1777 : vector<1x1x16xf32> to vector<16xf32>
      %add3A_1779 = arith.constant 16 : i32
      %add3A_1780 = arith.addi %mul3A_1770, %add3A_1779 : i32
      %get3A_1781 = arith.constant 41 : i32
      %get3A_1782 = arith.index_cast %rem3A_29 : i32 to index
      %get3A_1783 = arith.index_cast %get3A_1781 : i32 to index
      %get3A_1784 = arith.index_cast %add3A_1780 : i32 to index
      %get3A_1785 = tpu.vector_load %arg8[%get3A_1782, %get3A_1783, %get3A_1784] {strides = array<i32>} : memref<6x104x128xf32, #tpu.memory_space<vmem>>, vector<1x1x16xf32>,
      %get3A_1786 = vector.shape_cast %get3A_1785 : vector<1x1x16xf32> to vector<16xf32>
      %add3A_1787 = arith.constant 32 : i32
      %add3A_1788 = arith.addi %mul3A_1770, %add3A_1787 : i32
      %get3A_1789 = arith.constant 41 : i32
      %get3A_1790 = arith.index_cast %rem3A_29 : i32 to index
      %get3A_1791 = arith.index_cast %get3A_1789 : i32 to index
      %get3A_1792 = arith.index_cast %add3A_1788 : i32 to index
      %get3A_1793 = tpu.vector_load %arg8[%get3A_1790, %get3A_1791, %get3A_1792] {strides = array<i32>} : memref<6x104x128xf32, #tpu.memory_space<vmem>>, vector<1x1x16xf32>,
      %get3A_1794 = vector.shape_cast %get3A_1793 : vector<1x1x16xf32> to vector<16xf32>
      %add3A_1795 = arith.constant 48 : i32
      %add3A_1796 = arith.addi %mul3A_1770, %add3A_1795 : i32
      %get3A_1797 = arith.constant 41 : i32
      %get3A_1798 = arith.index_cast %rem3A_29 : i32 to index
      %get3A_1799 = arith.index_cast %get3A_1797 : i32 to index
      %get3A_1800 = arith.index_cast %add3A_1796 : i32 to index
      %get3A_1801 = tpu.vector_load %arg8[%get3A_1798, %get3A_1799, %get3A_1800] {strides = array<i32>} : memref<6x104x128xf32, #tpu.memory_space<vmem>>, vector<1x1x16xf32>,
      %get3A_1802 = vector.shape_cast %get3A_1801 : vector<1x1x16xf32> to vector<16xf32>
      %add3A_1803 = arith.addf %add3A_1763, %get3A_1778 : vector<16xf32>
      %add3A_1804 = arith.addf %add3A_1764, %get3A_1786 : vector<16xf32>
      %add3A_1805 = arith.addf %add3A_1765, %get3A_1794 : vector<16xf32>
      %add3A_1806 = arith.addf %add3A_1766, %get3A_1802 : vector<16xf32>
      %slice3A_1807 = vector.extract_strided_slice %get3A_64 {offsets = [10], sizes = [1], strides = [1]} : vector<16xi32> to vector<1xi32>
      %squeeze3A_1808 = vector.extract %slice3A_1807[0] : i32 from vector<1xi32>
      %mul3A_1809 = arith.constant 64 : i32
      %mul3A_1810 = arith.muli %squeeze3A_1808, %mul3A_1809 : i32
      %add3A_1811 = arith.constant 0 : i32
      %add3A_1812 = arith.addi %mul3A_1810, %add3A_1811 : i32
      %get3A_1813 = arith.constant 42 : i32
      %get3A_1814 = arith.index_cast %rem3A_29 : i32 to index
      %get3A_1815 = arith.index_cast %get3A_1813 : i32 to index
      %get3A_1816 = arith.index_cast %add3A_1812 : i32 to index
      %get3A_1817 = tpu.vector_load %arg8[%get3A_1814, %get3A_1815, %get3A_1816] {strides = array<i32>} : memref<6x104x128xf32, #tpu.memory_space<vmem>>, vector<1x1x16xf32>,
      %get3A_1818 = vector.shape_cast %get3A_1817 : vector<1x1x16xf32> to vector<16xf32>
      %add3A_1819 = arith.constant 16 : i32
      %add3A_1820 = arith.addi %mul3A_1810, %add3A_1819 : i32
      %get3A_1821 = arith.constant 42 : i32
      %get3A_1822 = arith.index_cast %rem3A_29 : i32 to index
      %get3A_1823 = arith.index_cast %get3A_1821 : i32 to index
      %get3A_1824 = arith.index_cast %add3A_1820 : i32 to index
      %get3A_1825 = tpu.vector_load %arg8[%get3A_1822, %get3A_1823, %get3A_1824] {strides = array<i32>} : memref<6x104x128xf32, #tpu.memory_space<vmem>>, vector<1x1x16xf32>,
      %get3A_1826 = vector.shape_cast %get3A_1825 : vector<1x1x16xf32> to vector<16xf32>
      %add3A_1827 = arith.constant 32 : i32
      %add3A_1828 = arith.addi %mul3A_1810, %add3A_1827 : i32
      %get3A_1829 = arith.constant 42 : i32
      %get3A_1830 = arith.index_cast %rem3A_29 : i32 to index
      %get3A_1831 = arith.index_cast %get3A_1829 : i32 to index
      %get3A_1832 = arith.index_cast %add3A_1828 : i32 to index
      %get3A_1833 = tpu.vector_load %arg8[%get3A_1830, %get3A_1831, %get3A_1832] {strides = array<i32>} : memref<6x104x128xf32, #tpu.memory_space<vmem>>, vector<1x1x16xf32>,
      %get3A_1834 = vector.shape_cast %get3A_1833 : vector<1x1x16xf32> to vector<16xf32>
      %add3A_1835 = arith.constant 48 : i32
      %add3A_1836 = arith.addi %mul3A_1810, %add3A_1835 : i32
      %get3A_1837 = arith.constant 42 : i32
      %get3A_1838 = arith.index_cast %rem3A_29 : i32 to index
      %get3A_1839 = arith.index_cast %get3A_1837 : i32 to index
      %get3A_1840 = arith.index_cast %add3A_1836 : i32 to index
      %get3A_1841 = tpu.vector_load %arg8[%get3A_1838, %get3A_1839, %get3A_1840] {strides = array<i32>} : memref<6x104x128xf32, #tpu.memory_space<vmem>>, vector<1x1x16xf32>,
      %get3A_1842 = vector.shape_cast %get3A_1841 : vector<1x1x16xf32> to vector<16xf32>
      %add3A_1843 = arith.addf %add3A_1803, %get3A_1818 : vector<16xf32>
      %add3A_1844 = arith.addf %add3A_1804, %get3A_1826 : vector<16xf32>
      %add3A_1845 = arith.addf %add3A_1805, %get3A_1834 : vector<16xf32>
      %add3A_1846 = arith.addf %add3A_1806, %get3A_1842 : vector<16xf32>
      %slice3A_1847 = vector.extract_strided_slice %get3A_64 {offsets = [11], sizes = [1], strides = [1]} : vector<16xi32> to vector<1xi32>
      %squeeze3A_1848 = vector.extract %slice3A_1847[0] : i32 from vector<1xi32>
      %mul3A_1849 = arith.constant 64 : i32
      %mul3A_1850 = arith.muli %squeeze3A_1848, %mul3A_1849 : i32
      %add3A_1851 = arith.constant 0 : i32
      %add3A_1852 = arith.addi %mul3A_1850, %add3A_1851 : i32
      %get3A_1853 = arith.constant 43 : i32
      %get3A_1854 = arith.index_cast %rem3A_29 : i32 to index
      %get3A_1855 = arith.index_cast %get3A_1853 : i32 to index
      %get3A_1856 = arith.index_cast %add3A_1852 : i32 to index
      %get3A_1857 = tpu.vector_load %arg8[%get3A_1854, %get3A_1855, %get3A_1856] {strides = array<i32>} : memref<6x104x128xf32, #tpu.memory_space<vmem>>, vector<1x1x16xf32>,
      %get3A_1858 = vector.shape_cast %get3A_1857 : vector<1x1x16xf32> to vector<16xf32>
      %add3A_1859 = arith.constant 16 : i32
      %add3A_1860 = arith.addi %mul3A_1850, %add3A_1859 : i32
      %get3A_1861 = arith.constant 43 : i32
      %get3A_1862 = arith.index_cast %rem3A_29 : i32 to index
      %get3A_1863 = arith.index_cast %get3A_1861 : i32 to index
      %get3A_1864 = arith.index_cast %add3A_1860 : i32 to index
      %get3A_1865 = tpu.vector_load %arg8[%get3A_1862, %get3A_1863, %get3A_1864] {strides = array<i32>} : memref<6x104x128xf32, #tpu.memory_space<vmem>>, vector<1x1x16xf32>,
      %get3A_1866 = vector.shape_cast %get3A_1865 : vector<1x1x16xf32> to vector<16xf32>
      %add3A_1867 = arith.constant 32 : i32
      %add3A_1868 = arith.addi %mul3A_1850, %add3A_1867 : i32
      %get3A_1869 = arith.constant 43 : i32
      %get3A_1870 = arith.index_cast %rem3A_29 : i32 to index
      %get3A_1871 = arith.index_cast %get3A_1869 : i32 to index
      %get3A_1872 = arith.index_cast %add3A_1868 : i32 to index
      %get3A_1873 = tpu.vector_load %arg8[%get3A_1870, %get3A_1871, %get3A_1872] {strides = array<i32>} : memref<6x104x128xf32, #tpu.memory_space<vmem>>, vector<1x1x16xf32>,
      %get3A_1874 = vector.shape_cast %get3A_1873 : vector<1x1x16xf32> to vector<16xf32>
      %add3A_1875 = arith.constant 48 : i32
      %add3A_1876 = arith.addi %mul3A_1850, %add3A_1875 : i32
      %get3A_1877 = arith.constant 43 : i32
      %get3A_1878 = arith.index_cast %rem3A_29 : i32 to index
      %get3A_1879 = arith.index_cast %get3A_1877 : i32 to index
      %get3A_1880 = arith.index_cast %add3A_1876 : i32 to index
      %get3A_1881 = tpu.vector_load %arg8[%get3A_1878, %get3A_1879, %get3A_1880] {strides = array<i32>} : memref<6x104x128xf32, #tpu.memory_space<vmem>>, vector<1x1x16xf32>,
      %get3A_1882 = vector.shape_cast %get3A_1881 : vector<1x1x16xf32> to vector<16xf32>
      %add3A_1883 = arith.addf %add3A_1843, %get3A_1858 : vector<16xf32>
      %add3A_1884 = arith.addf %add3A_1844, %get3A_1866 : vector<16xf32>
      %add3A_1885 = arith.addf %add3A_1845, %get3A_1874 : vector<16xf32>
      %add3A_1886 = arith.addf %add3A_1846, %get3A_1882 : vector<16xf32>
      %slice3A_1887 = vector.extract_strided_slice %get3A_64 {offsets = [12], sizes = [1], strides = [1]} : vector<16xi32> to vector<1xi32>
      %squeeze3A_1888 = vector.extract %slice3A_1887[0] : i32 from vector<1xi32>
      %mul3A_1889 = arith.constant 64 : i32
      %mul3A_1890 = arith.muli %squeeze3A_1888, %mul3A_1889 : i32
      %add3A_1891 = arith.constant 0 : i32
      %add3A_1892 = arith.addi %mul3A_1890, %add3A_1891 : i32
      %get3A_1893 = arith.constant 44 : i32
      %get3A_1894 = arith.index_cast %rem3A_29 : i32 to index
      %get3A_1895 = arith.index_cast %get3A_1893 : i32 to index
      %get3A_1896 = arith.index_cast %add3A_1892 : i32 to index
      %get3A_1897 = tpu.vector_load %arg8[%get3A_1894, %get3A_1895, %get3A_1896] {strides = array<i32>} : memref<6x104x128xf32, #tpu.memory_space<vmem>>, vector<1x1x16xf32>,
      %get3A_1898 = vector.shape_cast %get3A_1897 : vector<1x1x16xf32> to vector<16xf32>
      %add3A_1899 = arith.constant 16 : i32
      %add3A_1900 = arith.addi %mul3A_1890, %add3A_1899 : i32
      %get3A_1901 = arith.constant 44 : i32
      %get3A_1902 = arith.index_cast %rem3A_29 : i32 to index
      %get3A_1903 = arith.index_cast %get3A_1901 : i32 to index
      %get3A_1904 = arith.index_cast %add3A_1900 : i32 to index
      %get3A_1905 = tpu.vector_load %arg8[%get3A_1902, %get3A_1903, %get3A_1904] {strides = array<i32>} : memref<6x104x128xf32, #tpu.memory_space<vmem>>, vector<1x1x16xf32>,
      %get3A_1906 = vector.shape_cast %get3A_1905 : vector<1x1x16xf32> to vector<16xf32>
      %add3A_1907 = arith.constant 32 : i32
      %add3A_1908 = arith.addi %mul3A_1890, %add3A_1907 : i32
      %get3A_1909 = arith.constant 44 : i32
      %get3A_1910 = arith.index_cast %rem3A_29 : i32 to index
      %get3A_1911 = arith.index_cast %get3A_1909 : i32 to index
      %get3A_1912 = arith.index_cast %add3A_1908 : i32 to index
      %get3A_1913 = tpu.vector_load %arg8[%get3A_1910, %get3A_1911, %get3A_1912] {strides = array<i32>} : memref<6x104x128xf32, #tpu.memory_space<vmem>>, vector<1x1x16xf32>,
      %get3A_1914 = vector.shape_cast %get3A_1913 : vector<1x1x16xf32> to vector<16xf32>
      %add3A_1915 = arith.constant 48 : i32
      %add3A_1916 = arith.addi %mul3A_1890, %add3A_1915 : i32
      %get3A_1917 = arith.constant 44 : i32
      %get3A_1918 = arith.index_cast %rem3A_29 : i32 to index
      %get3A_1919 = arith.index_cast %get3A_1917 : i32 to index
      %get3A_1920 = arith.index_cast %add3A_1916 : i32 to index
      %get3A_1921 = tpu.vector_load %arg8[%get3A_1918, %get3A_1919, %get3A_1920] {strides = array<i32>} : memref<6x104x128xf32, #tpu.memory_space<vmem>>, vector<1x1x16xf32>,
      %get3A_1922 = vector.shape_cast %get3A_1921 : vector<1x1x16xf32> to vector<16xf32>
      %add3A_1923 = arith.addf %add3A_1883, %get3A_1898 : vector<16xf32>
      %add3A_1924 = arith.addf %add3A_1884, %get3A_1906 : vector<16xf32>
      %add3A_1925 = arith.addf %add3A_1885, %get3A_1914 : vector<16xf32>
      %add3A_1926 = arith.addf %add3A_1886, %get3A_1922 : vector<16xf32>
      %slice3A_1927 = vector.extract_strided_slice %get3A_64 {offsets = [13], sizes = [1], strides = [1]} : vector<16xi32> to vector<1xi32>
      %squeeze3A_1928 = vector.extract %slice3A_1927[0] : i32 from vector<1xi32>
      %mul3A_1929 = arith.constant 64 : i32
      %mul3A_1930 = arith.muli %squeeze3A_1928, %mul3A_1929 : i32
      %add3A_1931 = arith.constant 0 : i32
      %add3A_1932 = arith.addi %mul3A_1930, %add3A_1931 : i32
      %get3A_1933 = arith.constant 45 : i32
      %get3A_1934 = arith.index_cast %rem3A_29 : i32 to index
      %get3A_1935 = arith.index_cast %get3A_1933 : i32 to index
      %get3A_1936 = arith.index_cast %add3A_1932 : i32 to index
      %get3A_1937 = tpu.vector_load %arg8[%get3A_1934, %get3A_1935, %get3A_1936] {strides = array<i32>} : memref<6x104x128xf32, #tpu.memory_space<vmem>>, vector<1x1x16xf32>,
      %get3A_1938 = vector.shape_cast %get3A_1937 : vector<1x1x16xf32> to vector<16xf32>
      %add3A_1939 = arith.constant 16 : i32
      %add3A_1940 = arith.addi %mul3A_1930, %add3A_1939 : i32
      %get3A_1941 = arith.constant 45 : i32
      %get3A_1942 = arith.index_cast %rem3A_29 : i32 to index
      %get3A_1943 = arith.index_cast %get3A_1941 : i32 to index
      %get3A_1944 = arith.index_cast %add3A_1940 : i32 to index
      %get3A_1945 = tpu.vector_load %arg8[%get3A_1942, %get3A_1943, %get3A_1944] {strides = array<i32>} : memref<6x104x128xf32, #tpu.memory_space<vmem>>, vector<1x1x16xf32>,
      %get3A_1946 = vector.shape_cast %get3A_1945 : vector<1x1x16xf32> to vector<16xf32>
      %add3A_1947 = arith.constant 32 : i32
      %add3A_1948 = arith.addi %mul3A_1930, %add3A_1947 : i32
      %get3A_1949 = arith.constant 45 : i32
      %get3A_1950 = arith.index_cast %rem3A_29 : i32 to index
      %get3A_1951 = arith.index_cast %get3A_1949 : i32 to index
      %get3A_1952 = arith.index_cast %add3A_1948 : i32 to index
      %get3A_1953 = tpu.vector_load %arg8[%get3A_1950, %get3A_1951, %get3A_1952] {strides = array<i32>} : memref<6x104x128xf32, #tpu.memory_space<vmem>>, vector<1x1x16xf32>,
      %get3A_1954 = vector.shape_cast %get3A_1953 : vector<1x1x16xf32> to vector<16xf32>
      %add3A_1955 = arith.constant 48 : i32
      %add3A_1956 = arith.addi %mul3A_1930, %add3A_1955 : i32
      %get3A_1957 = arith.constant 45 : i32
      %get3A_1958 = arith.index_cast %rem3A_29 : i32 to index
      %get3A_1959 = arith.index_cast %get3A_1957 : i32 to index
      %get3A_1960 = arith.index_cast %add3A_1956 : i32 to index
      %get3A_1961 = tpu.vector_load %arg8[%get3A_1958, %get3A_1959, %get3A_1960] {strides = array<i32>} : memref<6x104x128xf32, #tpu.memory_space<vmem>>, vector<1x1x16xf32>,
      %get3A_1962 = vector.shape_cast %get3A_1961 : vector<1x1x16xf32> to vector<16xf32>
      %add3A_1963 = arith.addf %add3A_1923, %get3A_1938 : vector<16xf32>
      %add3A_1964 = arith.addf %add3A_1924, %get3A_1946 : vector<16xf32>
      %add3A_1965 = arith.addf %add3A_1925, %get3A_1954 : vector<16xf32>
      %add3A_1966 = arith.addf %add3A_1926, %get3A_1962 : vector<16xf32>
      %slice3A_1967 = vector.extract_strided_slice %get3A_64 {offsets = [14], sizes = [1], strides = [1]} : vector<16xi32> to vector<1xi32>
      %squeeze3A_1968 = vector.extract %slice3A_1967[0] : i32 from vector<1xi32>
      %mul3A_1969 = arith.constant 64 : i32
      %mul3A_1970 = arith.muli %squeeze3A_1968, %mul3A_1969 : i32
      %add3A_1971 = arith.constant 0 : i32
      %add3A_1972 = arith.addi %mul3A_1970, %add3A_1971 : i32
      %get3A_1973 = arith.constant 46 : i32
      %get3A_1974 = arith.index_cast %rem3A_29 : i32 to index
      %get3A_1975 = arith.index_cast %get3A_1973 : i32 to index
      %get3A_1976 = arith.index_cast %add3A_1972 : i32 to index
      %get3A_1977 = tpu.vector_load %arg8[%get3A_1974, %get3A_1975, %get3A_1976] {strides = array<i32>} : memref<6x104x128xf32, #tpu.memory_space<vmem>>, vector<1x1x16xf32>,
      %get3A_1978 = vector.shape_cast %get3A_1977 : vector<1x1x16xf32> to vector<16xf32>
      %add3A_1979 = arith.constant 16 : i32
      %add3A_1980 = arith.addi %mul3A_1970, %add3A_1979 : i32
      %get3A_1981 = arith.constant 46 : i32
      %get3A_1982 = arith.index_cast %rem3A_29 : i32 to index
      %get3A_1983 = arith.index_cast %get3A_1981 : i32 to index
      %get3A_1984 = arith.index_cast %add3A_1980 : i32 to index
      %get3A_1985 = tpu.vector_load %arg8[%get3A_1982, %get3A_1983, %get3A_1984] {strides = array<i32>} : memref<6x104x128xf32, #tpu.memory_space<vmem>>, vector<1x1x16xf32>,
      %get3A_1986 = vector.shape_cast %get3A_1985 : vector<1x1x16xf32> to vector<16xf32>
      %add3A_1987 = arith.constant 32 : i32
      %add3A_1988 = arith.addi %mul3A_1970, %add3A_1987 : i32
      %get3A_1989 = arith.constant 46 : i32
      %get3A_1990 = arith.index_cast %rem3A_29 : i32 to index
      %get3A_1991 = arith.index_cast %get3A_1989 : i32 to index
      %get3A_1992 = arith.index_cast %add3A_1988 : i32 to index
      %get3A_1993 = tpu.vector_load %arg8[%get3A_1990, %get3A_1991, %get3A_1992] {strides = array<i32>} : memref<6x104x128xf32, #tpu.memory_space<vmem>>, vector<1x1x16xf32>,
      %get3A_1994 = vector.shape_cast %get3A_1993 : vector<1x1x16xf32> to vector<16xf32>
      %add3A_1995 = arith.constant 48 : i32
      %add3A_1996 = arith.addi %mul3A_1970, %add3A_1995 : i32
      %get3A_1997 = arith.constant 46 : i32
      %get3A_1998 = arith.index_cast %rem3A_29 : i32 to index
      %get3A_1999 = arith.index_cast %get3A_1997 : i32 to index
      %get3A_2000 = arith.index_cast %add3A_1996 : i32 to index
      %get3A_2001 = tpu.vector_load %arg8[%get3A_1998, %get3A_1999, %get3A_2000] {strides = array<i32>} : memref<6x104x128xf32, #tpu.memory_space<vmem>>, vector<1x1x16xf32>,
      %get3A_2002 = vector.shape_cast %get3A_2001 : vector<1x1x16xf32> to vector<16xf32>
      %add3A_2003 = arith.addf %add3A_1963, %get3A_1978 : vector<16xf32>
      %add3A_2004 = arith.addf %add3A_1964, %get3A_1986 : vector<16xf32>
      %add3A_2005 = arith.addf %add3A_1965, %get3A_1994 : vector<16xf32>
      %add3A_2006 = arith.addf %add3A_1966, %get3A_2002 : vector<16xf32>
      %slice3A_2007 = vector.extract_strided_slice %get3A_64 {offsets = [15], sizes = [1], strides = [1]} : vector<16xi32> to vector<1xi32>
      %squeeze3A_2008 = vector.extract %slice3A_2007[0] : i32 from vector<1xi32>
      %mul3A_2009 = arith.constant 64 : i32
      %mul3A_2010 = arith.muli %squeeze3A_2008, %mul3A_2009 : i32
      %add3A_2011 = arith.constant 0 : i32
      %add3A_2012 = arith.addi %mul3A_2010, %add3A_2011 : i32
      %get3A_2013 = arith.constant 47 : i32
      %get3A_2014 = arith.index_cast %rem3A_29 : i32 to index
      %get3A_2015 = arith.index_cast %get3A_2013 : i32 to index
      %get3A_2016 = arith.index_cast %add3A_2012 : i32 to index
      %get3A_2017 = tpu.vector_load %arg8[%get3A_2014, %get3A_2015, %get3A_2016] {strides = array<i32>} : memref<6x104x128xf32, #tpu.memory_space<vmem>>, vector<1x1x16xf32>,
      %get3A_2018 = vector.shape_cast %get3A_2017 : vector<1x1x16xf32> to vector<16xf32>
      %add3A_2019 = arith.constant 16 : i32
      %add3A_2020 = arith.addi %mul3A_2010, %add3A_2019 : i32
      %get3A_2021 = arith.constant 47 : i32
      %get3A_2022 = arith.index_cast %rem3A_29 : i32 to index
      %get3A_2023 = arith.index_cast %get3A_2021 : i32 to index
      %get3A_2024 = arith.index_cast %add3A_2020 : i32 to index
      %get3A_2025 = tpu.vector_load %arg8[%get3A_2022, %get3A_2023, %get3A_2024] {strides = array<i32>} : memref<6x104x128xf32, #tpu.memory_space<vmem>>, vector<1x1x16xf32>,
      %get3A_2026 = vector.shape_cast %get3A_2025 : vector<1x1x16xf32> to vector<16xf32>
      %add3A_2027 = arith.constant 32 : i32
      %add3A_2028 = arith.addi %mul3A_2010, %add3A_2027 : i32
      %get3A_2029 = arith.constant 47 : i32
      %get3A_2030 = arith.index_cast %rem3A_29 : i32 to index
      %get3A_2031 = arith.index_cast %get3A_2029 : i32 to index
      %get3A_2032 = arith.index_cast %add3A_2028 : i32 to index
      %get3A_2033 = tpu.vector_load %arg8[%get3A_2030, %get3A_2031, %get3A_2032] {strides = array<i32>} : memref<6x104x128xf32, #tpu.memory_space<vmem>>, vector<1x1x16xf32>,
      %get3A_2034 = vector.shape_cast %get3A_2033 : vector<1x1x16xf32> to vector<16xf32>
      %add3A_2035 = arith.constant 48 : i32
      %add3A_2036 = arith.addi %mul3A_2010, %add3A_2035 : i32
      %get3A_2037 = arith.constant 47 : i32
      %get3A_2038 = arith.index_cast %rem3A_29 : i32 to index
      %get3A_2039 = arith.index_cast %get3A_2037 : i32 to index
      %get3A_2040 = arith.index_cast %add3A_2036 : i32 to index
      %get3A_2041 = tpu.vector_load %arg8[%get3A_2038, %get3A_2039, %get3A_2040] {strides = array<i32>} : memref<6x104x128xf32, #tpu.memory_space<vmem>>, vector<1x1x16xf32>,
      %get3A_2042 = vector.shape_cast %get3A_2041 : vector<1x1x16xf32> to vector<16xf32>
      %add3A_2043 = arith.addf %add3A_2003, %get3A_2018 : vector<16xf32>
      %add3A_2044 = arith.addf %add3A_2004, %get3A_2026 : vector<16xf32>
      %add3A_2045 = arith.addf %add3A_2005, %get3A_2034 : vector<16xf32>
      %add3A_2046 = arith.addf %add3A_2006, %get3A_2042 : vector<16xf32>
      %slice3A_2047 = vector.extract_strided_slice %get3A_71 {offsets = [0], sizes = [1], strides = [1]} : vector<16xi32> to vector<1xi32>
      %squeeze3A_2048 = vector.extract %slice3A_2047[0] : i32 from vector<1xi32>
      %mul3A_2049 = arith.constant 64 : i32
      %mul3A_2050 = arith.muli %squeeze3A_2048, %mul3A_2049 : i32
      %add3A_2051 = arith.constant 0 : i32
      %add3A_2052 = arith.addi %mul3A_2050, %add3A_2051 : i32
      %get3A_2053 = arith.constant 48 : i32
      %get3A_2054 = arith.index_cast %rem3A_29 : i32 to index
      %get3A_2055 = arith.index_cast %get3A_2053 : i32 to index
      %get3A_2056 = arith.index_cast %add3A_2052 : i32 to index
      %get3A_2057 = tpu.vector_load %arg8[%get3A_2054, %get3A_2055, %get3A_2056] {strides = array<i32>} : memref<6x104x128xf32, #tpu.memory_space<vmem>>, vector<1x1x16xf32>,
      %get3A_2058 = vector.shape_cast %get3A_2057 : vector<1x1x16xf32> to vector<16xf32>
      %add3A_2059 = arith.constant 16 : i32
      %add3A_2060 = arith.addi %mul3A_2050, %add3A_2059 : i32
      %get3A_2061 = arith.constant 48 : i32
      %get3A_2062 = arith.index_cast %rem3A_29 : i32 to index
      %get3A_2063 = arith.index_cast %get3A_2061 : i32 to index
      %get3A_2064 = arith.index_cast %add3A_2060 : i32 to index
      %get3A_2065 = tpu.vector_load %arg8[%get3A_2062, %get3A_2063, %get3A_2064] {strides = array<i32>} : memref<6x104x128xf32, #tpu.memory_space<vmem>>, vector<1x1x16xf32>,
      %get3A_2066 = vector.shape_cast %get3A_2065 : vector<1x1x16xf32> to vector<16xf32>
      %add3A_2067 = arith.constant 32 : i32
      %add3A_2068 = arith.addi %mul3A_2050, %add3A_2067 : i32
      %get3A_2069 = arith.constant 48 : i32
      %get3A_2070 = arith.index_cast %rem3A_29 : i32 to index
      %get3A_2071 = arith.index_cast %get3A_2069 : i32 to index
      %get3A_2072 = arith.index_cast %add3A_2068 : i32 to index
      %get3A_2073 = tpu.vector_load %arg8[%get3A_2070, %get3A_2071, %get3A_2072] {strides = array<i32>} : memref<6x104x128xf32, #tpu.memory_space<vmem>>, vector<1x1x16xf32>,
      %get3A_2074 = vector.shape_cast %get3A_2073 : vector<1x1x16xf32> to vector<16xf32>
      %add3A_2075 = arith.constant 48 : i32
      %add3A_2076 = arith.addi %mul3A_2050, %add3A_2075 : i32
      %get3A_2077 = arith.constant 48 : i32
      %get3A_2078 = arith.index_cast %rem3A_29 : i32 to index
      %get3A_2079 = arith.index_cast %get3A_2077 : i32 to index
      %get3A_2080 = arith.index_cast %add3A_2076 : i32 to index
      %get3A_2081 = tpu.vector_load %arg8[%get3A_2078, %get3A_2079, %get3A_2080] {strides = array<i32>} : memref<6x104x128xf32, #tpu.memory_space<vmem>>, vector<1x1x16xf32>,
      %get3A_2082 = vector.shape_cast %get3A_2081 : vector<1x1x16xf32> to vector<16xf32>
      %add3A_2083 = arith.addf %add3A_2043, %get3A_2058 : vector<16xf32>
      %add3A_2084 = arith.addf %add3A_2044, %get3A_2066 : vector<16xf32>
      %add3A_2085 = arith.addf %add3A_2045, %get3A_2074 : vector<16xf32>
      %add3A_2086 = arith.addf %add3A_2046, %get3A_2082 : vector<16xf32>
      %slice3A_2087 = vector.extract_strided_slice %get3A_71 {offsets = [1], sizes = [1], strides = [1]} : vector<16xi32> to vector<1xi32>
      %squeeze3A_2088 = vector.extract %slice3A_2087[0] : i32 from vector<1xi32>
      %mul3A_2089 = arith.constant 64 : i32
      %mul3A_2090 = arith.muli %squeeze3A_2088, %mul3A_2089 : i32
      %add3A_2091 = arith.constant 0 : i32
      %add3A_2092 = arith.addi %mul3A_2090, %add3A_2091 : i32
      %get3A_2093 = arith.constant 49 : i32
      %get3A_2094 = arith.index_cast %rem3A_29 : i32 to index
      %get3A_2095 = arith.index_cast %get3A_2093 : i32 to index
      %get3A_2096 = arith.index_cast %add3A_2092 : i32 to index
      %get3A_2097 = tpu.vector_load %arg8[%get3A_2094, %get3A_2095, %get3A_2096] {strides = array<i32>} : memref<6x104x128xf32, #tpu.memory_space<vmem>>, vector<1x1x16xf32>,
      %get3A_2098 = vector.shape_cast %get3A_2097 : vector<1x1x16xf32> to vector<16xf32>
      %add3A_2099 = arith.constant 16 : i32
      %add3A_2100 = arith.addi %mul3A_2090, %add3A_2099 : i32
      %get3A_2101 = arith.constant 49 : i32
      %get3A_2102 = arith.index_cast %rem3A_29 : i32 to index
      %get3A_2103 = arith.index_cast %get3A_2101 : i32 to index
      %get3A_2104 = arith.index_cast %add3A_2100 : i32 to index
      %get3A_2105 = tpu.vector_load %arg8[%get3A_2102, %get3A_2103, %get3A_2104] {strides = array<i32>} : memref<6x104x128xf32, #tpu.memory_space<vmem>>, vector<1x1x16xf32>,
      %get3A_2106 = vector.shape_cast %get3A_2105 : vector<1x1x16xf32> to vector<16xf32>
      %add3A_2107 = arith.constant 32 : i32
      %add3A_2108 = arith.addi %mul3A_2090, %add3A_2107 : i32
      %get3A_2109 = arith.constant 49 : i32
      %get3A_2110 = arith.index_cast %rem3A_29 : i32 to index
      %get3A_2111 = arith.index_cast %get3A_2109 : i32 to index
      %get3A_2112 = arith.index_cast %add3A_2108 : i32 to index
      %get3A_2113 = tpu.vector_load %arg8[%get3A_2110, %get3A_2111, %get3A_2112] {strides = array<i32>} : memref<6x104x128xf32, #tpu.memory_space<vmem>>, vector<1x1x16xf32>,
      %get3A_2114 = vector.shape_cast %get3A_2113 : vector<1x1x16xf32> to vector<16xf32>
      %add3A_2115 = arith.constant 48 : i32
      %add3A_2116 = arith.addi %mul3A_2090, %add3A_2115 : i32
      %get3A_2117 = arith.constant 49 : i32
      %get3A_2118 = arith.index_cast %rem3A_29 : i32 to index
      %get3A_2119 = arith.index_cast %get3A_2117 : i32 to index
      %get3A_2120 = arith.index_cast %add3A_2116 : i32 to index
      %get3A_2121 = tpu.vector_load %arg8[%get3A_2118, %get3A_2119, %get3A_2120] {strides = array<i32>} : memref<6x104x128xf32, #tpu.memory_space<vmem>>, vector<1x1x16xf32>,
      %get3A_2122 = vector.shape_cast %get3A_2121 : vector<1x1x16xf32> to vector<16xf32>
      %add3A_2123 = arith.addf %add3A_2083, %get3A_2098 : vector<16xf32>
      %add3A_2124 = arith.addf %add3A_2084, %get3A_2106 : vector<16xf32>
      %add3A_2125 = arith.addf %add3A_2085, %get3A_2114 : vector<16xf32>
      %add3A_2126 = arith.addf %add3A_2086, %get3A_2122 : vector<16xf32>
      %slice3A_2127 = vector.extract_strided_slice %get3A_71 {offsets = [2], sizes = [1], strides = [1]} : vector<16xi32> to vector<1xi32>
      %squeeze3A_2128 = vector.extract %slice3A_2127[0] : i32 from vector<1xi32>
      %mul3A_2129 = arith.constant 64 : i32
      %mul3A_2130 = arith.muli %squeeze3A_2128, %mul3A_2129 : i32
      %add3A_2131 = arith.constant 0 : i32
      %add3A_2132 = arith.addi %mul3A_2130, %add3A_2131 : i32
      %get3A_2133 = arith.constant 50 : i32
      %get3A_2134 = arith.index_cast %rem3A_29 : i32 to index
      %get3A_2135 = arith.index_cast %get3A_2133 : i32 to index
      %get3A_2136 = arith.index_cast %add3A_2132 : i32 to index
      %get3A_2137 = tpu.vector_load %arg8[%get3A_2134, %get3A_2135, %get3A_2136] {strides = array<i32>} : memref<6x104x128xf32, #tpu.memory_space<vmem>>, vector<1x1x16xf32>,
      %get3A_2138 = vector.shape_cast %get3A_2137 : vector<1x1x16xf32> to vector<16xf32>
      %add3A_2139 = arith.constant 16 : i32
      %add3A_2140 = arith.addi %mul3A_2130, %add3A_2139 : i32
      %get3A_2141 = arith.constant 50 : i32
      %get3A_2142 = arith.index_cast %rem3A_29 : i32 to index
      %get3A_2143 = arith.index_cast %get3A_2141 : i32 to index
      %get3A_2144 = arith.index_cast %add3A_2140 : i32 to index
      %get3A_2145 = tpu.vector_load %arg8[%get3A_2142, %get3A_2143, %get3A_2144] {strides = array<i32>} : memref<6x104x128xf32, #tpu.memory_space<vmem>>, vector<1x1x16xf32>,
      %get3A_2146 = vector.shape_cast %get3A_2145 : vector<1x1x16xf32> to vector<16xf32>
      %add3A_2147 = arith.constant 32 : i32
      %add3A_2148 = arith.addi %mul3A_2130, %add3A_2147 : i32
      %get3A_2149 = arith.constant 50 : i32
      %get3A_2150 = arith.index_cast %rem3A_29 : i32 to index
      %get3A_2151 = arith.index_cast %get3A_2149 : i32 to index
      %get3A_2152 = arith.index_cast %add3A_2148 : i32 to index
      %get3A_2153 = tpu.vector_load %arg8[%get3A_2150, %get3A_2151, %get3A_2152] {strides = array<i32>} : memref<6x104x128xf32, #tpu.memory_space<vmem>>, vector<1x1x16xf32>,
      %get3A_2154 = vector.shape_cast %get3A_2153 : vector<1x1x16xf32> to vector<16xf32>
      %add3A_2155 = arith.constant 48 : i32
      %add3A_2156 = arith.addi %mul3A_2130, %add3A_2155 : i32
      %get3A_2157 = arith.constant 50 : i32
      %get3A_2158 = arith.index_cast %rem3A_29 : i32 to index
      %get3A_2159 = arith.index_cast %get3A_2157 : i32 to index
      %get3A_2160 = arith.index_cast %add3A_2156 : i32 to index
      %get3A_2161 = tpu.vector_load %arg8[%get3A_2158, %get3A_2159, %get3A_2160] {strides = array<i32>} : memref<6x104x128xf32, #tpu.memory_space<vmem>>, vector<1x1x16xf32>,
      %get3A_2162 = vector.shape_cast %get3A_2161 : vector<1x1x16xf32> to vector<16xf32>
      %add3A_2163 = arith.addf %add3A_2123, %get3A_2138 : vector<16xf32>
      %add3A_2164 = arith.addf %add3A_2124, %get3A_2146 : vector<16xf32>
      %add3A_2165 = arith.addf %add3A_2125, %get3A_2154 : vector<16xf32>
      %add3A_2166 = arith.addf %add3A_2126, %get3A_2162 : vector<16xf32>
      %slice3A_2167 = vector.extract_strided_slice %get3A_71 {offsets = [3], sizes = [1], strides = [1]} : vector<16xi32> to vector<1xi32>
      %squeeze3A_2168 = vector.extract %slice3A_2167[0] : i32 from vector<1xi32>
      %mul3A_2169 = arith.constant 64 : i32
      %mul3A_2170 = arith.muli %squeeze3A_2168, %mul3A_2169 : i32
      %add3A_2171 = arith.constant 0 : i32
      %add3A_2172 = arith.addi %mul3A_2170, %add3A_2171 : i32
      %get3A_2173 = arith.constant 51 : i32
      %get3A_2174 = arith.index_cast %rem3A_29 : i32 to index
      %get3A_2175 = arith.index_cast %get3A_2173 : i32 to index
      %get3A_2176 = arith.index_cast %add3A_2172 : i32 to index
      %get3A_2177 = tpu.vector_load %arg8[%get3A_2174, %get3A_2175, %get3A_2176] {strides = array<i32>} : memref<6x104x128xf32, #tpu.memory_space<vmem>>, vector<1x1x16xf32>,
      %get3A_2178 = vector.shape_cast %get3A_2177 : vector<1x1x16xf32> to vector<16xf32>
      %add3A_2179 = arith.constant 16 : i32
      %add3A_2180 = arith.addi %mul3A_2170, %add3A_2179 : i32
      %get3A_2181 = arith.constant 51 : i32
      %get3A_2182 = arith.index_cast %rem3A_29 : i32 to index
      %get3A_2183 = arith.index_cast %get3A_2181 : i32 to index
      %get3A_2184 = arith.index_cast %add3A_2180 : i32 to index
      %get3A_2185 = tpu.vector_load %arg8[%get3A_2182, %get3A_2183, %get3A_2184] {strides = array<i32>} : memref<6x104x128xf32, #tpu.memory_space<vmem>>, vector<1x1x16xf32>,
      %get3A_2186 = vector.shape_cast %get3A_2185 : vector<1x1x16xf32> to vector<16xf32>
      %add3A_2187 = arith.constant 32 : i32
      %add3A_2188 = arith.addi %mul3A_2170, %add3A_2187 : i32
      %get3A_2189 = arith.constant 51 : i32
      %get3A_2190 = arith.index_cast %rem3A_29 : i32 to index
      %get3A_2191 = arith.index_cast %get3A_2189 : i32 to index
      %get3A_2192 = arith.index_cast %add3A_2188 : i32 to index
      %get3A_2193 = tpu.vector_load %arg8[%get3A_2190, %get3A_2191, %get3A_2192] {strides = array<i32>} : memref<6x104x128xf32, #tpu.memory_space<vmem>>, vector<1x1x16xf32>,
      %get3A_2194 = vector.shape_cast %get3A_2193 : vector<1x1x16xf32> to vector<16xf32>
      %add3A_2195 = arith.constant 48 : i32
      %add3A_2196 = arith.addi %mul3A_2170, %add3A_2195 : i32
      %get3A_2197 = arith.constant 51 : i32
      %get3A_2198 = arith.index_cast %rem3A_29 : i32 to index
      %get3A_2199 = arith.index_cast %get3A_2197 : i32 to index
      %get3A_2200 = arith.index_cast %add3A_2196 : i32 to index
      %get3A_2201 = tpu.vector_load %arg8[%get3A_2198, %get3A_2199, %get3A_2200] {strides = array<i32>} : memref<6x104x128xf32, #tpu.memory_space<vmem>>, vector<1x1x16xf32>,
      %get3A_2202 = vector.shape_cast %get3A_2201 : vector<1x1x16xf32> to vector<16xf32>
      %add3A_2203 = arith.addf %add3A_2163, %get3A_2178 : vector<16xf32>
      %add3A_2204 = arith.addf %add3A_2164, %get3A_2186 : vector<16xf32>
      %add3A_2205 = arith.addf %add3A_2165, %get3A_2194 : vector<16xf32>
      %add3A_2206 = arith.addf %add3A_2166, %get3A_2202 : vector<16xf32>
      %mul3A_2207 = vector.broadcast %scan3A_16 : f32 to vector<16xf32>
      %mul3A_2208 = arith.mulf %add3A_2203, %mul3A_2207 : vector<16xf32>
      %mul3A_2209 = arith.constant 2 : i32
      %mul3A_2210 = arith.muli %add3A_28, %mul3A_2209 : i32
      %add3A_2211 = arith.constant 0 : i32
      %add3A_2212 = arith.addi %mul3A_2210, %add3A_2211 : i32
      %swap3A_2213 = arith.index_cast %add3A_2212 : i32 to index
      %swap3A_2214 = arith.constant 64 : index
      %swap3A_2215 = tpu.vector_load %arg7[%swap3A_2213, %swap3A_2214] {strides = array<i32>} : memref<64x128xf32, #tpu.memory_space<vmem>>, vector<1x16xf32>,
      %swap3A_2216 = vector.shape_cast %swap3A_2215 : vector<1x16xf32> to vector<16xf32>
      %swap3A_2217 = vector.shape_cast %mul3A_2208 : vector<16xf32> to vector<1x16xf32>
      tpu.vector_store %arg7[%swap3A_2213, %swap3A_2214], %swap3A_2217 {strides = array<i32>} : memref<64x128xf32, #tpu.memory_space<vmem>>, vector<1x16xf32>,
      %mul3A_2218 = vector.broadcast %scan3A_16 : f32 to vector<16xf32>
      %mul3A_2219 = arith.mulf %add3A_2204, %mul3A_2218 : vector<16xf32>
      %mul3A_2220 = arith.constant 2 : i32
      %mul3A_2221 = arith.muli %add3A_28, %mul3A_2220 : i32
      %add3A_2222 = arith.constant 0 : i32
      %add3A_2223 = arith.addi %mul3A_2221, %add3A_2222 : i32
      %swap3A_2224 = arith.index_cast %add3A_2223 : i32 to index
      %swap3A_2225 = arith.constant 80 : index
      %swap3A_2226 = tpu.vector_load %arg7[%swap3A_2224, %swap3A_2225] {strides = array<i32>} : memref<64x128xf32, #tpu.memory_space<vmem>>, vector<1x16xf32>,
      %swap3A_2227 = vector.shape_cast %swap3A_2226 : vector<1x16xf32> to vector<16xf32>
      %swap3A_2228 = vector.shape_cast %mul3A_2219 : vector<16xf32> to vector<1x16xf32>
      tpu.vector_store %arg7[%swap3A_2224, %swap3A_2225], %swap3A_2228 {strides = array<i32>} : memref<64x128xf32, #tpu.memory_space<vmem>>, vector<1x16xf32>,
      %mul3A_2229 = vector.broadcast %scan3A_16 : f32 to vector<16xf32>
      %mul3A_2230 = arith.mulf %add3A_2205, %mul3A_2229 : vector<16xf32>
      %mul3A_2231 = arith.constant 2 : i32
      %mul3A_2232 = arith.muli %add3A_28, %mul3A_2231 : i32
      %add3A_2233 = arith.constant 0 : i32
      %add3A_2234 = arith.addi %mul3A_2232, %add3A_2233 : i32
      %swap3A_2235 = arith.index_cast %add3A_2234 : i32 to index
      %swap3A_2236 = arith.constant 96 : index
      %swap3A_2237 = tpu.vector_load %arg7[%swap3A_2235, %swap3A_2236] {strides = array<i32>} : memref<64x128xf32, #tpu.memory_space<vmem>>, vector<1x16xf32>,
      %swap3A_2238 = vector.shape_cast %swap3A_2237 : vector<1x16xf32> to vector<16xf32>
      %swap3A_2239 = vector.shape_cast %mul3A_2230 : vector<16xf32> to vector<1x16xf32>
      tpu.vector_store %arg7[%swap3A_2235, %swap3A_2236], %swap3A_2239 {strides = array<i32>} : memref<64x128xf32, #tpu.memory_space<vmem>>, vector<1x16xf32>,
      %mul3A_2240 = vector.broadcast %scan3A_16 : f32 to vector<16xf32>
      %mul3A_2241 = arith.mulf %add3A_2206, %mul3A_2240 : vector<16xf32>
      %mul3A_2242 = arith.constant 2 : i32
      %mul3A_2243 = arith.muli %add3A_28, %mul3A_2242 : i32
      %add3A_2244 = arith.constant 0 : i32
      %add3A_2245 = arith.addi %mul3A_2243, %add3A_2244 : i32
      %swap3A_2246 = arith.index_cast %add3A_2245 : i32 to index
      %swap3A_2247 = arith.constant 112 : index
      %swap3A_2248 = tpu.vector_load %arg7[%swap3A_2246, %swap3A_2247] {strides = array<i32>} : memref<64x128xf32, #tpu.memory_space<vmem>>, vector<1x16xf32>,
      %swap3A_2249 = vector.shape_cast %swap3A_2248 : vector<1x16xf32> to vector<16xf32>
      %swap3A_2250 = vector.shape_cast %mul3A_2241 : vector<16xf32> to vector<1x16xf32>
      tpu.vector_store %arg7[%swap3A_2246, %swap3A_2247], %swap3A_2250 {strides = array<i32>} : memref<64x128xf32, #tpu.memory_space<vmem>>, vector<1x16xf32>,
      %slice3A_2251 = vector.extract_strided_slice %get3A_71 {offsets = [4], sizes = [1], strides = [1]} : vector<16xi32> to vector<1xi32>
      %squeeze3A_2252 = vector.extract %slice3A_2251[0] : i32 from vector<1xi32>
      %mul3A_2253 = arith.constant 64 : i32
      %mul3A_2254 = arith.muli %squeeze3A_2252, %mul3A_2253 : i32
      %add3A_2255 = arith.constant 0 : i32
      %add3A_2256 = arith.addi %mul3A_2254, %add3A_2255 : i32
      %get3A_2257 = arith.constant 52 : i32
      %get3A_2258 = arith.index_cast %rem3A_29 : i32 to index
      %get3A_2259 = arith.index_cast %get3A_2257 : i32 to index
      %get3A_2260 = arith.index_cast %add3A_2256 : i32 to index
      %get3A_2261 = tpu.vector_load %arg8[%get3A_2258, %get3A_2259, %get3A_2260] {strides = array<i32>} : memref<6x104x128xf32, #tpu.memory_space<vmem>>, vector<1x1x16xf32>,
      %get3A_2262 = vector.shape_cast %get3A_2261 : vector<1x1x16xf32> to vector<16xf32>
      %add3A_2263 = arith.constant 16 : i32
      %add3A_2264 = arith.addi %mul3A_2254, %add3A_2263 : i32
      %get3A_2265 = arith.constant 52 : i32
      %get3A_2266 = arith.index_cast %rem3A_29 : i32 to index
      %get3A_2267 = arith.index_cast %get3A_2265 : i32 to index
      %get3A_2268 = arith.index_cast %add3A_2264 : i32 to index
      %get3A_2269 = tpu.vector_load %arg8[%get3A_2266, %get3A_2267, %get3A_2268] {strides = array<i32>} : memref<6x104x128xf32, #tpu.memory_space<vmem>>, vector<1x1x16xf32>,
      %get3A_2270 = vector.shape_cast %get3A_2269 : vector<1x1x16xf32> to vector<16xf32>
      %add3A_2271 = arith.constant 32 : i32
      %add3A_2272 = arith.addi %mul3A_2254, %add3A_2271 : i32
      %get3A_2273 = arith.constant 52 : i32
      %get3A_2274 = arith.index_cast %rem3A_29 : i32 to index
      %get3A_2275 = arith.index_cast %get3A_2273 : i32 to index
      %get3A_2276 = arith.index_cast %add3A_2272 : i32 to index
      %get3A_2277 = tpu.vector_load %arg8[%get3A_2274, %get3A_2275, %get3A_2276] {strides = array<i32>} : memref<6x104x128xf32, #tpu.memory_space<vmem>>, vector<1x1x16xf32>,
      %get3A_2278 = vector.shape_cast %get3A_2277 : vector<1x1x16xf32> to vector<16xf32>
      %add3A_2279 = arith.constant 48 : i32
      %add3A_2280 = arith.addi %mul3A_2254, %add3A_2279 : i32
      %get3A_2281 = arith.constant 52 : i32
      %get3A_2282 = arith.index_cast %rem3A_29 : i32 to index
      %get3A_2283 = arith.index_cast %get3A_2281 : i32 to index
      %get3A_2284 = arith.index_cast %add3A_2280 : i32 to index
      %get3A_2285 = tpu.vector_load %arg8[%get3A_2282, %get3A_2283, %get3A_2284] {strides = array<i32>} : memref<6x104x128xf32, #tpu.memory_space<vmem>>, vector<1x1x16xf32>,
      %get3A_2286 = vector.shape_cast %get3A_2285 : vector<1x1x16xf32> to vector<16xf32>
      %slice3A_2287 = vector.extract_strided_slice %get3A_71 {offsets = [5], sizes = [1], strides = [1]} : vector<16xi32> to vector<1xi32>
      %squeeze3A_2288 = vector.extract %slice3A_2287[0] : i32 from vector<1xi32>
      %mul3A_2289 = arith.constant 64 : i32
      %mul3A_2290 = arith.muli %squeeze3A_2288, %mul3A_2289 : i32
      %add3A_2291 = arith.constant 0 : i32
      %add3A_2292 = arith.addi %mul3A_2290, %add3A_2291 : i32
      %get3A_2293 = arith.constant 53 : i32
      %get3A_2294 = arith.index_cast %rem3A_29 : i32 to index
      %get3A_2295 = arith.index_cast %get3A_2293 : i32 to index
      %get3A_2296 = arith.index_cast %add3A_2292 : i32 to index
      %get3A_2297 = tpu.vector_load %arg8[%get3A_2294, %get3A_2295, %get3A_2296] {strides = array<i32>} : memref<6x104x128xf32, #tpu.memory_space<vmem>>, vector<1x1x16xf32>,
      %get3A_2298 = vector.shape_cast %get3A_2297 : vector<1x1x16xf32> to vector<16xf32>
      %add3A_2299 = arith.constant 16 : i32
      %add3A_2300 = arith.addi %mul3A_2290, %add3A_2299 : i32
      %get3A_2301 = arith.constant 53 : i32
      %get3A_2302 = arith.index_cast %rem3A_29 : i32 to index
      %get3A_2303 = arith.index_cast %get3A_2301 : i32 to index
      %get3A_2304 = arith.index_cast %add3A_2300 : i32 to index
      %get3A_2305 = tpu.vector_load %arg8[%get3A_2302, %get3A_2303, %get3A_2304] {strides = array<i32>} : memref<6x104x128xf32, #tpu.memory_space<vmem>>, vector<1x1x16xf32>,
      %get3A_2306 = vector.shape_cast %get3A_2305 : vector<1x1x16xf32> to vector<16xf32>
      %add3A_2307 = arith.constant 32 : i32
      %add3A_2308 = arith.addi %mul3A_2290, %add3A_2307 : i32
      %get3A_2309 = arith.constant 53 : i32
      %get3A_2310 = arith.index_cast %rem3A_29 : i32 to index
      %get3A_2311 = arith.index_cast %get3A_2309 : i32 to index
      %get3A_2312 = arith.index_cast %add3A_2308 : i32 to index
      %get3A_2313 = tpu.vector_load %arg8[%get3A_2310, %get3A_2311, %get3A_2312] {strides = array<i32>} : memref<6x104x128xf32, #tpu.memory_space<vmem>>, vector<1x1x16xf32>,
      %get3A_2314 = vector.shape_cast %get3A_2313 : vector<1x1x16xf32> to vector<16xf32>
      %add3A_2315 = arith.constant 48 : i32
      %add3A_2316 = arith.addi %mul3A_2290, %add3A_2315 : i32
      %get3A_2317 = arith.constant 53 : i32
      %get3A_2318 = arith.index_cast %rem3A_29 : i32 to index
      %get3A_2319 = arith.index_cast %get3A_2317 : i32 to index
      %get3A_2320 = arith.index_cast %add3A_2316 : i32 to index
      %get3A_2321 = tpu.vector_load %arg8[%get3A_2318, %get3A_2319, %get3A_2320] {strides = array<i32>} : memref<6x104x128xf32, #tpu.memory_space<vmem>>, vector<1x1x16xf32>,
      %get3A_2322 = vector.shape_cast %get3A_2321 : vector<1x1x16xf32> to vector<16xf32>
      %add3A_2323 = arith.addf %get3A_2262, %get3A_2298 : vector<16xf32>
      %add3A_2324 = arith.addf %get3A_2270, %get3A_2306 : vector<16xf32>
      %add3A_2325 = arith.addf %get3A_2278, %get3A_2314 : vector<16xf32>
      %add3A_2326 = arith.addf %get3A_2286, %get3A_2322 : vector<16xf32>
      %slice3A_2327 = vector.extract_strided_slice %get3A_71 {offsets = [6], sizes = [1], strides = [1]} : vector<16xi32> to vector<1xi32>
      %squeeze3A_2328 = vector.extract %slice3A_2327[0] : i32 from vector<1xi32>
      %mul3A_2329 = arith.constant 64 : i32
      %mul3A_2330 = arith.muli %squeeze3A_2328, %mul3A_2329 : i32
      %add3A_2331 = arith.constant 0 : i32
      %add3A_2332 = arith.addi %mul3A_2330, %add3A_2331 : i32
      %get3A_2333 = arith.constant 54 : i32
      %get3A_2334 = arith.index_cast %rem3A_29 : i32 to index
      %get3A_2335 = arith.index_cast %get3A_2333 : i32 to index
      %get3A_2336 = arith.index_cast %add3A_2332 : i32 to index
      %get3A_2337 = tpu.vector_load %arg8[%get3A_2334, %get3A_2335, %get3A_2336] {strides = array<i32>} : memref<6x104x128xf32, #tpu.memory_space<vmem>>, vector<1x1x16xf32>,
      %get3A_2338 = vector.shape_cast %get3A_2337 : vector<1x1x16xf32> to vector<16xf32>
      %add3A_2339 = arith.constant 16 : i32
      %add3A_2340 = arith.addi %mul3A_2330, %add3A_2339 : i32
      %get3A_2341 = arith.constant 54 : i32
      %get3A_2342 = arith.index_cast %rem3A_29 : i32 to index
      %get3A_2343 = arith.index_cast %get3A_2341 : i32 to index
      %get3A_2344 = arith.index_cast %add3A_2340 : i32 to index
      %get3A_2345 = tpu.vector_load %arg8[%get3A_2342, %get3A_2343, %get3A_2344] {strides = array<i32>} : memref<6x104x128xf32, #tpu.memory_space<vmem>>, vector<1x1x16xf32>,
      %get3A_2346 = vector.shape_cast %get3A_2345 : vector<1x1x16xf32> to vector<16xf32>
      %add3A_2347 = arith.constant 32 : i32
      %add3A_2348 = arith.addi %mul3A_2330, %add3A_2347 : i32
      %get3A_2349 = arith.constant 54 : i32
      %get3A_2350 = arith.index_cast %rem3A_29 : i32 to index
      %get3A_2351 = arith.index_cast %get3A_2349 : i32 to index
      %get3A_2352 = arith.index_cast %add3A_2348 : i32 to index
      %get3A_2353 = tpu.vector_load %arg8[%get3A_2350, %get3A_2351, %get3A_2352] {strides = array<i32>} : memref<6x104x128xf32, #tpu.memory_space<vmem>>, vector<1x1x16xf32>,
      %get3A_2354 = vector.shape_cast %get3A_2353 : vector<1x1x16xf32> to vector<16xf32>
      %add3A_2355 = arith.constant 48 : i32
      %add3A_2356 = arith.addi %mul3A_2330, %add3A_2355 : i32
      %get3A_2357 = arith.constant 54 : i32
      %get3A_2358 = arith.index_cast %rem3A_29 : i32 to index
      %get3A_2359 = arith.index_cast %get3A_2357 : i32 to index
      %get3A_2360 = arith.index_cast %add3A_2356 : i32 to index
      %get3A_2361 = tpu.vector_load %arg8[%get3A_2358, %get3A_2359, %get3A_2360] {strides = array<i32>} : memref<6x104x128xf32, #tpu.memory_space<vmem>>, vector<1x1x16xf32>,
      %get3A_2362 = vector.shape_cast %get3A_2361 : vector<1x1x16xf32> to vector<16xf32>
      %add3A_2363 = arith.addf %add3A_2323, %get3A_2338 : vector<16xf32>
      %add3A_2364 = arith.addf %add3A_2324, %get3A_2346 : vector<16xf32>
      %add3A_2365 = arith.addf %add3A_2325, %get3A_2354 : vector<16xf32>
      %add3A_2366 = arith.addf %add3A_2326, %get3A_2362 : vector<16xf32>
      %slice3A_2367 = vector.extract_strided_slice %get3A_71 {offsets = [7], sizes = [1], strides = [1]} : vector<16xi32> to vector<1xi32>
      %squeeze3A_2368 = vector.extract %slice3A_2367[0] : i32 from vector<1xi32>
      %mul3A_2369 = arith.constant 64 : i32
      %mul3A_2370 = arith.muli %squeeze3A_2368, %mul3A_2369 : i32
      %add3A_2371 = arith.constant 0 : i32
      %add3A_2372 = arith.addi %mul3A_2370, %add3A_2371 : i32
      %get3A_2373 = arith.constant 55 : i32
      %get3A_2374 = arith.index_cast %rem3A_29 : i32 to index
      %get3A_2375 = arith.index_cast %get3A_2373 : i32 to index
      %get3A_2376 = arith.index_cast %add3A_2372 : i32 to index
      %get3A_2377 = tpu.vector_load %arg8[%get3A_2374, %get3A_2375, %get3A_2376] {strides = array<i32>} : memref<6x104x128xf32, #tpu.memory_space<vmem>>, vector<1x1x16xf32>,
      %get3A_2378 = vector.shape_cast %get3A_2377 : vector<1x1x16xf32> to vector<16xf32>
      %add3A_2379 = arith.constant 16 : i32
      %add3A_2380 = arith.addi %mul3A_2370, %add3A_2379 : i32
      %get3A_2381 = arith.constant 55 : i32
      %get3A_2382 = arith.index_cast %rem3A_29 : i32 to index
      %get3A_2383 = arith.index_cast %get3A_2381 : i32 to index
      %get3A_2384 = arith.index_cast %add3A_2380 : i32 to index
      %get3A_2385 = tpu.vector_load %arg8[%get3A_2382, %get3A_2383, %get3A_2384] {strides = array<i32>} : memref<6x104x128xf32, #tpu.memory_space<vmem>>, vector<1x1x16xf32>,
      %get3A_2386 = vector.shape_cast %get3A_2385 : vector<1x1x16xf32> to vector<16xf32>
      %add3A_2387 = arith.constant 32 : i32
      %add3A_2388 = arith.addi %mul3A_2370, %add3A_2387 : i32
      %get3A_2389 = arith.constant 55 : i32
      %get3A_2390 = arith.index_cast %rem3A_29 : i32 to index
      %get3A_2391 = arith.index_cast %get3A_2389 : i32 to index
      %get3A_2392 = arith.index_cast %add3A_2388 : i32 to index
      %get3A_2393 = tpu.vector_load %arg8[%get3A_2390, %get3A_2391, %get3A_2392] {strides = array<i32>} : memref<6x104x128xf32, #tpu.memory_space<vmem>>, vector<1x1x16xf32>,
      %get3A_2394 = vector.shape_cast %get3A_2393 : vector<1x1x16xf32> to vector<16xf32>
      %add3A_2395 = arith.constant 48 : i32
      %add3A_2396 = arith.addi %mul3A_2370, %add3A_2395 : i32
      %get3A_2397 = arith.constant 55 : i32
      %get3A_2398 = arith.index_cast %rem3A_29 : i32 to index
      %get3A_2399 = arith.index_cast %get3A_2397 : i32 to index
      %get3A_2400 = arith.index_cast %add3A_2396 : i32 to index
      %get3A_2401 = tpu.vector_load %arg8[%get3A_2398, %get3A_2399, %get3A_2400] {strides = array<i32>} : memref<6x104x128xf32, #tpu.memory_space<vmem>>, vector<1x1x16xf32>,
      %get3A_2402 = vector.shape_cast %get3A_2401 : vector<1x1x16xf32> to vector<16xf32>
      %add3A_2403 = arith.addf %add3A_2363, %get3A_2378 : vector<16xf32>
      %add3A_2404 = arith.addf %add3A_2364, %get3A_2386 : vector<16xf32>
      %add3A_2405 = arith.addf %add3A_2365, %get3A_2394 : vector<16xf32>
      %add3A_2406 = arith.addf %add3A_2366, %get3A_2402 : vector<16xf32>
      %slice3A_2407 = vector.extract_strided_slice %get3A_71 {offsets = [8], sizes = [1], strides = [1]} : vector<16xi32> to vector<1xi32>
      %squeeze3A_2408 = vector.extract %slice3A_2407[0] : i32 from vector<1xi32>
      %mul3A_2409 = arith.constant 64 : i32
      %mul3A_2410 = arith.muli %squeeze3A_2408, %mul3A_2409 : i32
      %add3A_2411 = arith.constant 0 : i32
      %add3A_2412 = arith.addi %mul3A_2410, %add3A_2411 : i32
      %get3A_2413 = arith.constant 56 : i32
      %get3A_2414 = arith.index_cast %rem3A_29 : i32 to index
      %get3A_2415 = arith.index_cast %get3A_2413 : i32 to index
      %get3A_2416 = arith.index_cast %add3A_2412 : i32 to index
      %get3A_2417 = tpu.vector_load %arg8[%get3A_2414, %get3A_2415, %get3A_2416] {strides = array<i32>} : memref<6x104x128xf32, #tpu.memory_space<vmem>>, vector<1x1x16xf32>,
      %get3A_2418 = vector.shape_cast %get3A_2417 : vector<1x1x16xf32> to vector<16xf32>
      %add3A_2419 = arith.constant 16 : i32
      %add3A_2420 = arith.addi %mul3A_2410, %add3A_2419 : i32
      %get3A_2421 = arith.constant 56 : i32
      %get3A_2422 = arith.index_cast %rem3A_29 : i32 to index
      %get3A_2423 = arith.index_cast %get3A_2421 : i32 to index
      %get3A_2424 = arith.index_cast %add3A_2420 : i32 to index
      %get3A_2425 = tpu.vector_load %arg8[%get3A_2422, %get3A_2423, %get3A_2424] {strides = array<i32>} : memref<6x104x128xf32, #tpu.memory_space<vmem>>, vector<1x1x16xf32>,
      %get3A_2426 = vector.shape_cast %get3A_2425 : vector<1x1x16xf32> to vector<16xf32>
      %add3A_2427 = arith.constant 32 : i32
      %add3A_2428 = arith.addi %mul3A_2410, %add3A_2427 : i32
      %get3A_2429 = arith.constant 56 : i32
      %get3A_2430 = arith.index_cast %rem3A_29 : i32 to index
      %get3A_2431 = arith.index_cast %get3A_2429 : i32 to index
      %get3A_2432 = arith.index_cast %add3A_2428 : i32 to index
      %get3A_2433 = tpu.vector_load %arg8[%get3A_2430, %get3A_2431, %get3A_2432] {strides = array<i32>} : memref<6x104x128xf32, #tpu.memory_space<vmem>>, vector<1x1x16xf32>,
      %get3A_2434 = vector.shape_cast %get3A_2433 : vector<1x1x16xf32> to vector<16xf32>
      %add3A_2435 = arith.constant 48 : i32
      %add3A_2436 = arith.addi %mul3A_2410, %add3A_2435 : i32
      %get3A_2437 = arith.constant 56 : i32
      %get3A_2438 = arith.index_cast %rem3A_29 : i32 to index
      %get3A_2439 = arith.index_cast %get3A_2437 : i32 to index
      %get3A_2440 = arith.index_cast %add3A_2436 : i32 to index
      %get3A_2441 = tpu.vector_load %arg8[%get3A_2438, %get3A_2439, %get3A_2440] {strides = array<i32>} : memref<6x104x128xf32, #tpu.memory_space<vmem>>, vector<1x1x16xf32>,
      %get3A_2442 = vector.shape_cast %get3A_2441 : vector<1x1x16xf32> to vector<16xf32>
      %add3A_2443 = arith.addf %add3A_2403, %get3A_2418 : vector<16xf32>
      %add3A_2444 = arith.addf %add3A_2404, %get3A_2426 : vector<16xf32>
      %add3A_2445 = arith.addf %add3A_2405, %get3A_2434 : vector<16xf32>
      %add3A_2446 = arith.addf %add3A_2406, %get3A_2442 : vector<16xf32>
      %slice3A_2447 = vector.extract_strided_slice %get3A_71 {offsets = [9], sizes = [1], strides = [1]} : vector<16xi32> to vector<1xi32>
      %squeeze3A_2448 = vector.extract %slice3A_2447[0] : i32 from vector<1xi32>
      %mul3A_2449 = arith.constant 64 : i32
      %mul3A_2450 = arith.muli %squeeze3A_2448, %mul3A_2449 : i32
      %add3A_2451 = arith.constant 0 : i32
      %add3A_2452 = arith.addi %mul3A_2450, %add3A_2451 : i32
      %get3A_2453 = arith.constant 57 : i32
      %get3A_2454 = arith.index_cast %rem3A_29 : i32 to index
      %get3A_2455 = arith.index_cast %get3A_2453 : i32 to index
      %get3A_2456 = arith.index_cast %add3A_2452 : i32 to index
      %get3A_2457 = tpu.vector_load %arg8[%get3A_2454, %get3A_2455, %get3A_2456] {strides = array<i32>} : memref<6x104x128xf32, #tpu.memory_space<vmem>>, vector<1x1x16xf32>,
      %get3A_2458 = vector.shape_cast %get3A_2457 : vector<1x1x16xf32> to vector<16xf32>
      %add3A_2459 = arith.constant 16 : i32
      %add3A_2460 = arith.addi %mul3A_2450, %add3A_2459 : i32
      %get3A_2461 = arith.constant 57 : i32
      %get3A_2462 = arith.index_cast %rem3A_29 : i32 to index
      %get3A_2463 = arith.index_cast %get3A_2461 : i32 to index
      %get3A_2464 = arith.index_cast %add3A_2460 : i32 to index
      %get3A_2465 = tpu.vector_load %arg8[%get3A_2462, %get3A_2463, %get3A_2464] {strides = array<i32>} : memref<6x104x128xf32, #tpu.memory_space<vmem>>, vector<1x1x16xf32>,
      %get3A_2466 = vector.shape_cast %get3A_2465 : vector<1x1x16xf32> to vector<16xf32>
      %add3A_2467 = arith.constant 32 : i32
      %add3A_2468 = arith.addi %mul3A_2450, %add3A_2467 : i32
      %get3A_2469 = arith.constant 57 : i32
      %get3A_2470 = arith.index_cast %rem3A_29 : i32 to index
      %get3A_2471 = arith.index_cast %get3A_2469 : i32 to index
      %get3A_2472 = arith.index_cast %add3A_2468 : i32 to index
      %get3A_2473 = tpu.vector_load %arg8[%get3A_2470, %get3A_2471, %get3A_2472] {strides = array<i32>} : memref<6x104x128xf32, #tpu.memory_space<vmem>>, vector<1x1x16xf32>,
      %get3A_2474 = vector.shape_cast %get3A_2473 : vector<1x1x16xf32> to vector<16xf32>
      %add3A_2475 = arith.constant 48 : i32
      %add3A_2476 = arith.addi %mul3A_2450, %add3A_2475 : i32
      %get3A_2477 = arith.constant 57 : i32
      %get3A_2478 = arith.index_cast %rem3A_29 : i32 to index
      %get3A_2479 = arith.index_cast %get3A_2477 : i32 to index
      %get3A_2480 = arith.index_cast %add3A_2476 : i32 to index
      %get3A_2481 = tpu.vector_load %arg8[%get3A_2478, %get3A_2479, %get3A_2480] {strides = array<i32>} : memref<6x104x128xf32, #tpu.memory_space<vmem>>, vector<1x1x16xf32>,
      %get3A_2482 = vector.shape_cast %get3A_2481 : vector<1x1x16xf32> to vector<16xf32>
      %add3A_2483 = arith.addf %add3A_2443, %get3A_2458 : vector<16xf32>
      %add3A_2484 = arith.addf %add3A_2444, %get3A_2466 : vector<16xf32>
      %add3A_2485 = arith.addf %add3A_2445, %get3A_2474 : vector<16xf32>
      %add3A_2486 = arith.addf %add3A_2446, %get3A_2482 : vector<16xf32>
      %slice3A_2487 = vector.extract_strided_slice %get3A_71 {offsets = [10], sizes = [1], strides = [1]} : vector<16xi32> to vector<1xi32>
      %squeeze3A_2488 = vector.extract %slice3A_2487[0] : i32 from vector<1xi32>
      %mul3A_2489 = arith.constant 64 : i32
      %mul3A_2490 = arith.muli %squeeze3A_2488, %mul3A_2489 : i32
      %add3A_2491 = arith.constant 0 : i32
      %add3A_2492 = arith.addi %mul3A_2490, %add3A_2491 : i32
      %get3A_2493 = arith.constant 58 : i32
      %get3A_2494 = arith.index_cast %rem3A_29 : i32 to index
      %get3A_2495 = arith.index_cast %get3A_2493 : i32 to index
      %get3A_2496 = arith.index_cast %add3A_2492 : i32 to index
      %get3A_2497 = tpu.vector_load %arg8[%get3A_2494, %get3A_2495, %get3A_2496] {strides = array<i32>} : memref<6x104x128xf32, #tpu.memory_space<vmem>>, vector<1x1x16xf32>,
      %get3A_2498 = vector.shape_cast %get3A_2497 : vector<1x1x16xf32> to vector<16xf32>
      %add3A_2499 = arith.constant 16 : i32
      %add3A_2500 = arith.addi %mul3A_2490, %add3A_2499 : i32
      %get3A_2501 = arith.constant 58 : i32
      %get3A_2502 = arith.index_cast %rem3A_29 : i32 to index
      %get3A_2503 = arith.index_cast %get3A_2501 : i32 to index
      %get3A_2504 = arith.index_cast %add3A_2500 : i32 to index
      %get3A_2505 = tpu.vector_load %arg8[%get3A_2502, %get3A_2503, %get3A_2504] {strides = array<i32>} : memref<6x104x128xf32, #tpu.memory_space<vmem>>, vector<1x1x16xf32>,
      %get3A_2506 = vector.shape_cast %get3A_2505 : vector<1x1x16xf32> to vector<16xf32>
      %add3A_2507 = arith.constant 32 : i32
      %add3A_2508 = arith.addi %mul3A_2490, %add3A_2507 : i32
      %get3A_2509 = arith.constant 58 : i32
      %get3A_2510 = arith.index_cast %rem3A_29 : i32 to index
      %get3A_2511 = arith.index_cast %get3A_2509 : i32 to index
      %get3A_2512 = arith.index_cast %add3A_2508 : i32 to index
      %get3A_2513 = tpu.vector_load %arg8[%get3A_2510, %get3A_2511, %get3A_2512] {strides = array<i32>} : memref<6x104x128xf32, #tpu.memory_space<vmem>>, vector<1x1x16xf32>,
      %get3A_2514 = vector.shape_cast %get3A_2513 : vector<1x1x16xf32> to vector<16xf32>
      %add3A_2515 = arith.constant 48 : i32
      %add3A_2516 = arith.addi %mul3A_2490, %add3A_2515 : i32
      %get3A_2517 = arith.constant 58 : i32
      %get3A_2518 = arith.index_cast %rem3A_29 : i32 to index
      %get3A_2519 = arith.index_cast %get3A_2517 : i32 to index
      %get3A_2520 = arith.index_cast %add3A_2516 : i32 to index
      %get3A_2521 = tpu.vector_load %arg8[%get3A_2518, %get3A_2519, %get3A_2520] {strides = array<i32>} : memref<6x104x128xf32, #tpu.memory_space<vmem>>, vector<1x1x16xf32>,
      %get3A_2522 = vector.shape_cast %get3A_2521 : vector<1x1x16xf32> to vector<16xf32>
      %add3A_2523 = arith.addf %add3A_2483, %get3A_2498 : vector<16xf32>
      %add3A_2524 = arith.addf %add3A_2484, %get3A_2506 : vector<16xf32>
      %add3A_2525 = arith.addf %add3A_2485, %get3A_2514 : vector<16xf32>
      %add3A_2526 = arith.addf %add3A_2486, %get3A_2522 : vector<16xf32>
      %slice3A_2527 = vector.extract_strided_slice %get3A_71 {offsets = [11], sizes = [1], strides = [1]} : vector<16xi32> to vector<1xi32>
      %squeeze3A_2528 = vector.extract %slice3A_2527[0] : i32 from vector<1xi32>
      %mul3A_2529 = arith.constant 64 : i32
      %mul3A_2530 = arith.muli %squeeze3A_2528, %mul3A_2529 : i32
      %add3A_2531 = arith.constant 0 : i32
      %add3A_2532 = arith.addi %mul3A_2530, %add3A_2531 : i32
      %get3A_2533 = arith.constant 59 : i32
      %get3A_2534 = arith.index_cast %rem3A_29 : i32 to index
      %get3A_2535 = arith.index_cast %get3A_2533 : i32 to index
      %get3A_2536 = arith.index_cast %add3A_2532 : i32 to index
      %get3A_2537 = tpu.vector_load %arg8[%get3A_2534, %get3A_2535, %get3A_2536] {strides = array<i32>} : memref<6x104x128xf32, #tpu.memory_space<vmem>>, vector<1x1x16xf32>,
      %get3A_2538 = vector.shape_cast %get3A_2537 : vector<1x1x16xf32> to vector<16xf32>
      %add3A_2539 = arith.constant 16 : i32
      %add3A_2540 = arith.addi %mul3A_2530, %add3A_2539 : i32
      %get3A_2541 = arith.constant 59 : i32
      %get3A_2542 = arith.index_cast %rem3A_29 : i32 to index
      %get3A_2543 = arith.index_cast %get3A_2541 : i32 to index
      %get3A_2544 = arith.index_cast %add3A_2540 : i32 to index
      %get3A_2545 = tpu.vector_load %arg8[%get3A_2542, %get3A_2543, %get3A_2544] {strides = array<i32>} : memref<6x104x128xf32, #tpu.memory_space<vmem>>, vector<1x1x16xf32>,
      %get3A_2546 = vector.shape_cast %get3A_2545 : vector<1x1x16xf32> to vector<16xf32>
      %add3A_2547 = arith.constant 32 : i32
      %add3A_2548 = arith.addi %mul3A_2530, %add3A_2547 : i32
      %get3A_2549 = arith.constant 59 : i32
      %get3A_2550 = arith.index_cast %rem3A_29 : i32 to index
      %get3A_2551 = arith.index_cast %get3A_2549 : i32 to index
      %get3A_2552 = arith.index_cast %add3A_2548 : i32 to index
      %get3A_2553 = tpu.vector_load %arg8[%get3A_2550, %get3A_2551, %get3A_2552] {strides = array<i32>} : memref<6x104x128xf32, #tpu.memory_space<vmem>>, vector<1x1x16xf32>,
      %get3A_2554 = vector.shape_cast %get3A_2553 : vector<1x1x16xf32> to vector<16xf32>
      %add3A_2555 = arith.constant 48 : i32
      %add3A_2556 = arith.addi %mul3A_2530, %add3A_2555 : i32
      %get3A_2557 = arith.constant 59 : i32
      %get3A_2558 = arith.index_cast %rem3A_29 : i32 to index
      %get3A_2559 = arith.index_cast %get3A_2557 : i32 to index
      %get3A_2560 = arith.index_cast %add3A_2556 : i32 to index
      %get3A_2561 = tpu.vector_load %arg8[%get3A_2558, %get3A_2559, %get3A_2560] {strides = array<i32>} : memref<6x104x128xf32, #tpu.memory_space<vmem>>, vector<1x1x16xf32>,
      %get3A_2562 = vector.shape_cast %get3A_2561 : vector<1x1x16xf32> to vector<16xf32>
      %add3A_2563 = arith.addf %add3A_2523, %get3A_2538 : vector<16xf32>
      %add3A_2564 = arith.addf %add3A_2524, %get3A_2546 : vector<16xf32>
      %add3A_2565 = arith.addf %add3A_2525, %get3A_2554 : vector<16xf32>
      %add3A_2566 = arith.addf %add3A_2526, %get3A_2562 : vector<16xf32>
      %slice3A_2567 = vector.extract_strided_slice %get3A_71 {offsets = [12], sizes = [1], strides = [1]} : vector<16xi32> to vector<1xi32>
      %squeeze3A_2568 = vector.extract %slice3A_2567[0] : i32 from vector<1xi32>
      %mul3A_2569 = arith.constant 64 : i32
      %mul3A_2570 = arith.muli %squeeze3A_2568, %mul3A_2569 : i32
      %add3A_2571 = arith.constant 0 : i32
      %add3A_2572 = arith.addi %mul3A_2570, %add3A_2571 : i32
      %get3A_2573 = arith.constant 60 : i32
      %get3A_2574 = arith.index_cast %rem3A_29 : i32 to index
      %get3A_2575 = arith.index_cast %get3A_2573 : i32 to index
      %get3A_2576 = arith.index_cast %add3A_2572 : i32 to index
      %get3A_2577 = tpu.vector_load %arg8[%get3A_2574, %get3A_2575, %get3A_2576] {strides = array<i32>} : memref<6x104x128xf32, #tpu.memory_space<vmem>>, vector<1x1x16xf32>,
      %get3A_2578 = vector.shape_cast %get3A_2577 : vector<1x1x16xf32> to vector<16xf32>
      %add3A_2579 = arith.constant 16 : i32
      %add3A_2580 = arith.addi %mul3A_2570, %add3A_2579 : i32
      %get3A_2581 = arith.constant 60 : i32
      %get3A_2582 = arith.index_cast %rem3A_29 : i32 to index
      %get3A_2583 = arith.index_cast %get3A_2581 : i32 to index
      %get3A_2584 = arith.index_cast %add3A_2580 : i32 to index
      %get3A_2585 = tpu.vector_load %arg8[%get3A_2582, %get3A_2583, %get3A_2584] {strides = array<i32>} : memref<6x104x128xf32, #tpu.memory_space<vmem>>, vector<1x1x16xf32>,
      %get3A_2586 = vector.shape_cast %get3A_2585 : vector<1x1x16xf32> to vector<16xf32>
      %add3A_2587 = arith.constant 32 : i32
      %add3A_2588 = arith.addi %mul3A_2570, %add3A_2587 : i32
      %get3A_2589 = arith.constant 60 : i32
      %get3A_2590 = arith.index_cast %rem3A_29 : i32 to index
      %get3A_2591 = arith.index_cast %get3A_2589 : i32 to index
      %get3A_2592 = arith.index_cast %add3A_2588 : i32 to index
      %get3A_2593 = tpu.vector_load %arg8[%get3A_2590, %get3A_2591, %get3A_2592] {strides = array<i32>} : memref<6x104x128xf32, #tpu.memory_space<vmem>>, vector<1x1x16xf32>,
      %get3A_2594 = vector.shape_cast %get3A_2593 : vector<1x1x16xf32> to vector<16xf32>
      %add3A_2595 = arith.constant 48 : i32
      %add3A_2596 = arith.addi %mul3A_2570, %add3A_2595 : i32
      %get3A_2597 = arith.constant 60 : i32
      %get3A_2598 = arith.index_cast %rem3A_29 : i32 to index
      %get3A_2599 = arith.index_cast %get3A_2597 : i32 to index
      %get3A_2600 = arith.index_cast %add3A_2596 : i32 to index
      %get3A_2601 = tpu.vector_load %arg8[%get3A_2598, %get3A_2599, %get3A_2600] {strides = array<i32>} : memref<6x104x128xf32, #tpu.memory_space<vmem>>, vector<1x1x16xf32>,
      %get3A_2602 = vector.shape_cast %get3A_2601 : vector<1x1x16xf32> to vector<16xf32>
      %add3A_2603 = arith.addf %add3A_2563, %get3A_2578 : vector<16xf32>
      %add3A_2604 = arith.addf %add3A_2564, %get3A_2586 : vector<16xf32>
      %add3A_2605 = arith.addf %add3A_2565, %get3A_2594 : vector<16xf32>
      %add3A_2606 = arith.addf %add3A_2566, %get3A_2602 : vector<16xf32>
      %slice3A_2607 = vector.extract_strided_slice %get3A_71 {offsets = [13], sizes = [1], strides = [1]} : vector<16xi32> to vector<1xi32>
      %squeeze3A_2608 = vector.extract %slice3A_2607[0] : i32 from vector<1xi32>
      %mul3A_2609 = arith.constant 64 : i32
      %mul3A_2610 = arith.muli %squeeze3A_2608, %mul3A_2609 : i32
      %add3A_2611 = arith.constant 0 : i32
      %add3A_2612 = arith.addi %mul3A_2610, %add3A_2611 : i32
      %get3A_2613 = arith.constant 61 : i32
      %get3A_2614 = arith.index_cast %rem3A_29 : i32 to index
      %get3A_2615 = arith.index_cast %get3A_2613 : i32 to index
      %get3A_2616 = arith.index_cast %add3A_2612 : i32 to index
      %get3A_2617 = tpu.vector_load %arg8[%get3A_2614, %get3A_2615, %get3A_2616] {strides = array<i32>} : memref<6x104x128xf32, #tpu.memory_space<vmem>>, vector<1x1x16xf32>,
      %get3A_2618 = vector.shape_cast %get3A_2617 : vector<1x1x16xf32> to vector<16xf32>
      %add3A_2619 = arith.constant 16 : i32
      %add3A_2620 = arith.addi %mul3A_2610, %add3A_2619 : i32
      %get3A_2621 = arith.constant 61 : i32
      %get3A_2622 = arith.index_cast %rem3A_29 : i32 to index
      %get3A_2623 = arith.index_cast %get3A_2621 : i32 to index
      %get3A_2624 = arith.index_cast %add3A_2620 : i32 to index
      %get3A_2625 = tpu.vector_load %arg8[%get3A_2622, %get3A_2623, %get3A_2624] {strides = array<i32>} : memref<6x104x128xf32, #tpu.memory_space<vmem>>, vector<1x1x16xf32>,
      %get3A_2626 = vector.shape_cast %get3A_2625 : vector<1x1x16xf32> to vector<16xf32>
      %add3A_2627 = arith.constant 32 : i32
      %add3A_2628 = arith.addi %mul3A_2610, %add3A_2627 : i32
      %get3A_2629 = arith.constant 61 : i32
      %get3A_2630 = arith.index_cast %rem3A_29 : i32 to index
      %get3A_2631 = arith.index_cast %get3A_2629 : i32 to index
      %get3A_2632 = arith.index_cast %add3A_2628 : i32 to index
      %get3A_2633 = tpu.vector_load %arg8[%get3A_2630, %get3A_2631, %get3A_2632] {strides = array<i32>} : memref<6x104x128xf32, #tpu.memory_space<vmem>>, vector<1x1x16xf32>,
      %get3A_2634 = vector.shape_cast %get3A_2633 : vector<1x1x16xf32> to vector<16xf32>
      %add3A_2635 = arith.constant 48 : i32
      %add3A_2636 = arith.addi %mul3A_2610, %add3A_2635 : i32
      %get3A_2637 = arith.constant 61 : i32
      %get3A_2638 = arith.index_cast %rem3A_29 : i32 to index
      %get3A_2639 = arith.index_cast %get3A_2637 : i32 to index
      %get3A_2640 = arith.index_cast %add3A_2636 : i32 to index
      %get3A_2641 = tpu.vector_load %arg8[%get3A_2638, %get3A_2639, %get3A_2640] {strides = array<i32>} : memref<6x104x128xf32, #tpu.memory_space<vmem>>, vector<1x1x16xf32>,
      %get3A_2642 = vector.shape_cast %get3A_2641 : vector<1x1x16xf32> to vector<16xf32>
      %add3A_2643 = arith.addf %add3A_2603, %get3A_2618 : vector<16xf32>
      %add3A_2644 = arith.addf %add3A_2604, %get3A_2626 : vector<16xf32>
      %add3A_2645 = arith.addf %add3A_2605, %get3A_2634 : vector<16xf32>
      %add3A_2646 = arith.addf %add3A_2606, %get3A_2642 : vector<16xf32>
      %slice3A_2647 = vector.extract_strided_slice %get3A_71 {offsets = [14], sizes = [1], strides = [1]} : vector<16xi32> to vector<1xi32>
      %squeeze3A_2648 = vector.extract %slice3A_2647[0] : i32 from vector<1xi32>
      %mul3A_2649 = arith.constant 64 : i32
      %mul3A_2650 = arith.muli %squeeze3A_2648, %mul3A_2649 : i32
      %add3A_2651 = arith.constant 0 : i32
      %add3A_2652 = arith.addi %mul3A_2650, %add3A_2651 : i32
      %get3A_2653 = arith.constant 62 : i32
      %get3A_2654 = arith.index_cast %rem3A_29 : i32 to index
      %get3A_2655 = arith.index_cast %get3A_2653 : i32 to index
      %get3A_2656 = arith.index_cast %add3A_2652 : i32 to index
      %get3A_2657 = tpu.vector_load %arg8[%get3A_2654, %get3A_2655, %get3A_2656] {strides = array<i32>} : memref<6x104x128xf32, #tpu.memory_space<vmem>>, vector<1x1x16xf32>,
      %get3A_2658 = vector.shape_cast %get3A_2657 : vector<1x1x16xf32> to vector<16xf32>
      %add3A_2659 = arith.constant 16 : i32
      %add3A_2660 = arith.addi %mul3A_2650, %add3A_2659 : i32
      %get3A_2661 = arith.constant 62 : i32
      %get3A_2662 = arith.index_cast %rem3A_29 : i32 to index
      %get3A_2663 = arith.index_cast %get3A_2661 : i32 to index
      %get3A_2664 = arith.index_cast %add3A_2660 : i32 to index
      %get3A_2665 = tpu.vector_load %arg8[%get3A_2662, %get3A_2663, %get3A_2664] {strides = array<i32>} : memref<6x104x128xf32, #tpu.memory_space<vmem>>, vector<1x1x16xf32>,
      %get3A_2666 = vector.shape_cast %get3A_2665 : vector<1x1x16xf32> to vector<16xf32>
      %add3A_2667 = arith.constant 32 : i32
      %add3A_2668 = arith.addi %mul3A_2650, %add3A_2667 : i32
      %get3A_2669 = arith.constant 62 : i32
      %get3A_2670 = arith.index_cast %rem3A_29 : i32 to index
      %get3A_2671 = arith.index_cast %get3A_2669 : i32 to index
      %get3A_2672 = arith.index_cast %add3A_2668 : i32 to index
      %get3A_2673 = tpu.vector_load %arg8[%get3A_2670, %get3A_2671, %get3A_2672] {strides = array<i32>} : memref<6x104x128xf32, #tpu.memory_space<vmem>>, vector<1x1x16xf32>,
      %get3A_2674 = vector.shape_cast %get3A_2673 : vector<1x1x16xf32> to vector<16xf32>
      %add3A_2675 = arith.constant 48 : i32
      %add3A_2676 = arith.addi %mul3A_2650, %add3A_2675 : i32
      %get3A_2677 = arith.constant 62 : i32
      %get3A_2678 = arith.index_cast %rem3A_29 : i32 to index
      %get3A_2679 = arith.index_cast %get3A_2677 : i32 to index
      %get3A_2680 = arith.index_cast %add3A_2676 : i32 to index
      %get3A_2681 = tpu.vector_load %arg8[%get3A_2678, %get3A_2679, %get3A_2680] {strides = array<i32>} : memref<6x104x128xf32, #tpu.memory_space<vmem>>, vector<1x1x16xf32>,
      %get3A_2682 = vector.shape_cast %get3A_2681 : vector<1x1x16xf32> to vector<16xf32>
      %add3A_2683 = arith.addf %add3A_2643, %get3A_2658 : vector<16xf32>
      %add3A_2684 = arith.addf %add3A_2644, %get3A_2666 : vector<16xf32>
      %add3A_2685 = arith.addf %add3A_2645, %get3A_2674 : vector<16xf32>
      %add3A_2686 = arith.addf %add3A_2646, %get3A_2682 : vector<16xf32>
      %slice3A_2687 = vector.extract_strided_slice %get3A_71 {offsets = [15], sizes = [1], strides = [1]} : vector<16xi32> to vector<1xi32>
      %squeeze3A_2688 = vector.extract %slice3A_2687[0] : i32 from vector<1xi32>
      %mul3A_2689 = arith.constant 64 : i32
      %mul3A_2690 = arith.muli %squeeze3A_2688, %mul3A_2689 : i32
      %add3A_2691 = arith.constant 0 : i32
      %add3A_2692 = arith.addi %mul3A_2690, %add3A_2691 : i32
      %get3A_2693 = arith.constant 63 : i32
      %get3A_2694 = arith.index_cast %rem3A_29 : i32 to index
      %get3A_2695 = arith.index_cast %get3A_2693 : i32 to index
      %get3A_2696 = arith.index_cast %add3A_2692 : i32 to index
      %get3A_2697 = tpu.vector_load %arg8[%get3A_2694, %get3A_2695, %get3A_2696] {strides = array<i32>} : memref<6x104x128xf32, #tpu.memory_space<vmem>>, vector<1x1x16xf32>,
      %get3A_2698 = vector.shape_cast %get3A_2697 : vector<1x1x16xf32> to vector<16xf32>
      %add3A_2699 = arith.constant 16 : i32
      %add3A_2700 = arith.addi %mul3A_2690, %add3A_2699 : i32
      %get3A_2701 = arith.constant 63 : i32
      %get3A_2702 = arith.index_cast %rem3A_29 : i32 to index
      %get3A_2703 = arith.index_cast %get3A_2701 : i32 to index
      %get3A_2704 = arith.index_cast %add3A_2700 : i32 to index
      %get3A_2705 = tpu.vector_load %arg8[%get3A_2702, %get3A_2703, %get3A_2704] {strides = array<i32>} : memref<6x104x128xf32, #tpu.memory_space<vmem>>, vector<1x1x16xf32>,
      %get3A_2706 = vector.shape_cast %get3A_2705 : vector<1x1x16xf32> to vector<16xf32>
      %add3A_2707 = arith.constant 32 : i32
      %add3A_2708 = arith.addi %mul3A_2690, %add3A_2707 : i32
      %get3A_2709 = arith.constant 63 : i32
      %get3A_2710 = arith.index_cast %rem3A_29 : i32 to index
      %get3A_2711 = arith.index_cast %get3A_2709 : i32 to index
      %get3A_2712 = arith.index_cast %add3A_2708 : i32 to index
      %get3A_2713 = tpu.vector_load %arg8[%get3A_2710, %get3A_2711, %get3A_2712] {strides = array<i32>} : memref<6x104x128xf32, #tpu.memory_space<vmem>>, vector<1x1x16xf32>,
      %get3A_2714 = vector.shape_cast %get3A_2713 : vector<1x1x16xf32> to vector<16xf32>
      %add3A_2715 = arith.constant 48 : i32
      %add3A_2716 = arith.addi %mul3A_2690, %add3A_2715 : i32
      %get3A_2717 = arith.constant 63 : i32
      %get3A_2718 = arith.index_cast %rem3A_29 : i32 to index
      %get3A_2719 = arith.index_cast %get3A_2717 : i32 to index
      %get3A_2720 = arith.index_cast %add3A_2716 : i32 to index
      %get3A_2721 = tpu.vector_load %arg8[%get3A_2718, %get3A_2719, %get3A_2720] {strides = array<i32>} : memref<6x104x128xf32, #tpu.memory_space<vmem>>, vector<1x1x16xf32>,
      %get3A_2722 = vector.shape_cast %get3A_2721 : vector<1x1x16xf32> to vector<16xf32>
      %add3A_2723 = arith.addf %add3A_2683, %get3A_2698 : vector<16xf32>
      %add3A_2724 = arith.addf %add3A_2684, %get3A_2706 : vector<16xf32>
      %add3A_2725 = arith.addf %add3A_2685, %get3A_2714 : vector<16xf32>
      %add3A_2726 = arith.addf %add3A_2686, %get3A_2722 : vector<16xf32>
      %slice3A_2727 = vector.extract_strided_slice %get3A_78 {offsets = [0], sizes = [1], strides = [1]} : vector<16xi32> to vector<1xi32>
      %squeeze3A_2728 = vector.extract %slice3A_2727[0] : i32 from vector<1xi32>
      %mul3A_2729 = arith.constant 64 : i32
      %mul3A_2730 = arith.muli %squeeze3A_2728, %mul3A_2729 : i32
      %add3A_2731 = arith.constant 0 : i32
      %add3A_2732 = arith.addi %mul3A_2730, %add3A_2731 : i32
      %get3A_2733 = arith.constant 64 : i32
      %get3A_2734 = arith.index_cast %rem3A_29 : i32 to index
      %get3A_2735 = arith.index_cast %get3A_2733 : i32 to index
      %get3A_2736 = arith.index_cast %add3A_2732 : i32 to index
      %get3A_2737 = tpu.vector_load %arg8[%get3A_2734, %get3A_2735, %get3A_2736] {strides = array<i32>} : memref<6x104x128xf32, #tpu.memory_space<vmem>>, vector<1x1x16xf32>,
      %get3A_2738 = vector.shape_cast %get3A_2737 : vector<1x1x16xf32> to vector<16xf32>
      %add3A_2739 = arith.constant 16 : i32
      %add3A_2740 = arith.addi %mul3A_2730, %add3A_2739 : i32
      %get3A_2741 = arith.constant 64 : i32
      %get3A_2742 = arith.index_cast %rem3A_29 : i32 to index
      %get3A_2743 = arith.index_cast %get3A_2741 : i32 to index
      %get3A_2744 = arith.index_cast %add3A_2740 : i32 to index
      %get3A_2745 = tpu.vector_load %arg8[%get3A_2742, %get3A_2743, %get3A_2744] {strides = array<i32>} : memref<6x104x128xf32, #tpu.memory_space<vmem>>, vector<1x1x16xf32>,
      %get3A_2746 = vector.shape_cast %get3A_2745 : vector<1x1x16xf32> to vector<16xf32>
      %add3A_2747 = arith.constant 32 : i32
      %add3A_2748 = arith.addi %mul3A_2730, %add3A_2747 : i32
      %get3A_2749 = arith.constant 64 : i32
      %get3A_2750 = arith.index_cast %rem3A_29 : i32 to index
      %get3A_2751 = arith.index_cast %get3A_2749 : i32 to index
      %get3A_2752 = arith.index_cast %add3A_2748 : i32 to index
      %get3A_2753 = tpu.vector_load %arg8[%get3A_2750, %get3A_2751, %get3A_2752] {strides = array<i32>} : memref<6x104x128xf32, #tpu.memory_space<vmem>>, vector<1x1x16xf32>,
      %get3A_2754 = vector.shape_cast %get3A_2753 : vector<1x1x16xf32> to vector<16xf32>
      %add3A_2755 = arith.constant 48 : i32
      %add3A_2756 = arith.addi %mul3A_2730, %add3A_2755 : i32
      %get3A_2757 = arith.constant 64 : i32
      %get3A_2758 = arith.index_cast %rem3A_29 : i32 to index
      %get3A_2759 = arith.index_cast %get3A_2757 : i32 to index
      %get3A_2760 = arith.index_cast %add3A_2756 : i32 to index
      %get3A_2761 = tpu.vector_load %arg8[%get3A_2758, %get3A_2759, %get3A_2760] {strides = array<i32>} : memref<6x104x128xf32, #tpu.memory_space<vmem>>, vector<1x1x16xf32>,
      %get3A_2762 = vector.shape_cast %get3A_2761 : vector<1x1x16xf32> to vector<16xf32>
      %add3A_2763 = arith.addf %add3A_2723, %get3A_2738 : vector<16xf32>
      %add3A_2764 = arith.addf %add3A_2724, %get3A_2746 : vector<16xf32>
      %add3A_2765 = arith.addf %add3A_2725, %get3A_2754 : vector<16xf32>
      %add3A_2766 = arith.addf %add3A_2726, %get3A_2762 : vector<16xf32>
      %slice3A_2767 = vector.extract_strided_slice %get3A_78 {offsets = [1], sizes = [1], strides = [1]} : vector<16xi32> to vector<1xi32>
      %squeeze3A_2768 = vector.extract %slice3A_2767[0] : i32 from vector<1xi32>
      %mul3A_2769 = arith.constant 64 : i32
      %mul3A_2770 = arith.muli %squeeze3A_2768, %mul3A_2769 : i32
      %add3A_2771 = arith.constant 0 : i32
      %add3A_2772 = arith.addi %mul3A_2770, %add3A_2771 : i32
      %get3A_2773 = arith.constant 65 : i32
      %get3A_2774 = arith.index_cast %rem3A_29 : i32 to index
      %get3A_2775 = arith.index_cast %get3A_2773 : i32 to index
      %get3A_2776 = arith.index_cast %add3A_2772 : i32 to index
      %get3A_2777 = tpu.vector_load %arg8[%get3A_2774, %get3A_2775, %get3A_2776] {strides = array<i32>} : memref<6x104x128xf32, #tpu.memory_space<vmem>>, vector<1x1x16xf32>,
      %get3A_2778 = vector.shape_cast %get3A_2777 : vector<1x1x16xf32> to vector<16xf32>
      %add3A_2779 = arith.constant 16 : i32
      %add3A_2780 = arith.addi %mul3A_2770, %add3A_2779 : i32
      %get3A_2781 = arith.constant 65 : i32
      %get3A_2782 = arith.index_cast %rem3A_29 : i32 to index
      %get3A_2783 = arith.index_cast %get3A_2781 : i32 to index
      %get3A_2784 = arith.index_cast %add3A_2780 : i32 to index
      %get3A_2785 = tpu.vector_load %arg8[%get3A_2782, %get3A_2783, %get3A_2784] {strides = array<i32>} : memref<6x104x128xf32, #tpu.memory_space<vmem>>, vector<1x1x16xf32>,
      %get3A_2786 = vector.shape_cast %get3A_2785 : vector<1x1x16xf32> to vector<16xf32>
      %add3A_2787 = arith.constant 32 : i32
      %add3A_2788 = arith.addi %mul3A_2770, %add3A_2787 : i32
      %get3A_2789 = arith.constant 65 : i32
      %get3A_2790 = arith.index_cast %rem3A_29 : i32 to index
      %get3A_2791 = arith.index_cast %get3A_2789 : i32 to index
      %get3A_2792 = arith.index_cast %add3A_2788 : i32 to index
      %get3A_2793 = tpu.vector_load %arg8[%get3A_2790, %get3A_2791, %get3A_2792] {strides = array<i32>} : memref<6x104x128xf32, #tpu.memory_space<vmem>>, vector<1x1x16xf32>,
      %get3A_2794 = vector.shape_cast %get3A_2793 : vector<1x1x16xf32> to vector<16xf32>
      %add3A_2795 = arith.constant 48 : i32
      %add3A_2796 = arith.addi %mul3A_2770, %add3A_2795 : i32
      %get3A_2797 = arith.constant 65 : i32
      %get3A_2798 = arith.index_cast %rem3A_29 : i32 to index
      %get3A_2799 = arith.index_cast %get3A_2797 : i32 to index
      %get3A_2800 = arith.index_cast %add3A_2796 : i32 to index
      %get3A_2801 = tpu.vector_load %arg8[%get3A_2798, %get3A_2799, %get3A_2800] {strides = array<i32>} : memref<6x104x128xf32, #tpu.memory_space<vmem>>, vector<1x1x16xf32>,
      %get3A_2802 = vector.shape_cast %get3A_2801 : vector<1x1x16xf32> to vector<16xf32>
      %add3A_2803 = arith.addf %add3A_2763, %get3A_2778 : vector<16xf32>
      %add3A_2804 = arith.addf %add3A_2764, %get3A_2786 : vector<16xf32>
      %add3A_2805 = arith.addf %add3A_2765, %get3A_2794 : vector<16xf32>
      %add3A_2806 = arith.addf %add3A_2766, %get3A_2802 : vector<16xf32>
      %slice3A_2807 = vector.extract_strided_slice %get3A_78 {offsets = [2], sizes = [1], strides = [1]} : vector<16xi32> to vector<1xi32>
      %squeeze3A_2808 = vector.extract %slice3A_2807[0] : i32 from vector<1xi32>
      %mul3A_2809 = arith.constant 64 : i32
      %mul3A_2810 = arith.muli %squeeze3A_2808, %mul3A_2809 : i32
      %add3A_2811 = arith.constant 0 : i32
      %add3A_2812 = arith.addi %mul3A_2810, %add3A_2811 : i32
      %get3A_2813 = arith.constant 66 : i32
      %get3A_2814 = arith.index_cast %rem3A_29 : i32 to index
      %get3A_2815 = arith.index_cast %get3A_2813 : i32 to index
      %get3A_2816 = arith.index_cast %add3A_2812 : i32 to index
      %get3A_2817 = tpu.vector_load %arg8[%get3A_2814, %get3A_2815, %get3A_2816] {strides = array<i32>} : memref<6x104x128xf32, #tpu.memory_space<vmem>>, vector<1x1x16xf32>,
      %get3A_2818 = vector.shape_cast %get3A_2817 : vector<1x1x16xf32> to vector<16xf32>
      %add3A_2819 = arith.constant 16 : i32
      %add3A_2820 = arith.addi %mul3A_2810, %add3A_2819 : i32
      %get3A_2821 = arith.constant 66 : i32
      %get3A_2822 = arith.index_cast %rem3A_29 : i32 to index
      %get3A_2823 = arith.index_cast %get3A_2821 : i32 to index
      %get3A_2824 = arith.index_cast %add3A_2820 : i32 to index
      %get3A_2825 = tpu.vector_load %arg8[%get3A_2822, %get3A_2823, %get3A_2824] {strides = array<i32>} : memref<6x104x128xf32, #tpu.memory_space<vmem>>, vector<1x1x16xf32>,
      %get3A_2826 = vector.shape_cast %get3A_2825 : vector<1x1x16xf32> to vector<16xf32>
      %add3A_2827 = arith.constant 32 : i32
      %add3A_2828 = arith.addi %mul3A_2810, %add3A_2827 : i32
      %get3A_2829 = arith.constant 66 : i32
      %get3A_2830 = arith.index_cast %rem3A_29 : i32 to index
      %get3A_2831 = arith.index_cast %get3A_2829 : i32 to index
      %get3A_2832 = arith.index_cast %add3A_2828 : i32 to index
      %get3A_2833 = tpu.vector_load %arg8[%get3A_2830, %get3A_2831, %get3A_2832] {strides = array<i32>} : memref<6x104x128xf32, #tpu.memory_space<vmem>>, vector<1x1x16xf32>,
      %get3A_2834 = vector.shape_cast %get3A_2833 : vector<1x1x16xf32> to vector<16xf32>
      %add3A_2835 = arith.constant 48 : i32
      %add3A_2836 = arith.addi %mul3A_2810, %add3A_2835 : i32
      %get3A_2837 = arith.constant 66 : i32
      %get3A_2838 = arith.index_cast %rem3A_29 : i32 to index
      %get3A_2839 = arith.index_cast %get3A_2837 : i32 to index
      %get3A_2840 = arith.index_cast %add3A_2836 : i32 to index
      %get3A_2841 = tpu.vector_load %arg8[%get3A_2838, %get3A_2839, %get3A_2840] {strides = array<i32>} : memref<6x104x128xf32, #tpu.memory_space<vmem>>, vector<1x1x16xf32>,
      %get3A_2842 = vector.shape_cast %get3A_2841 : vector<1x1x16xf32> to vector<16xf32>
      %add3A_2843 = arith.addf %add3A_2803, %get3A_2818 : vector<16xf32>
      %add3A_2844 = arith.addf %add3A_2804, %get3A_2826 : vector<16xf32>
      %add3A_2845 = arith.addf %add3A_2805, %get3A_2834 : vector<16xf32>
      %add3A_2846 = arith.addf %add3A_2806, %get3A_2842 : vector<16xf32>
      %slice3A_2847 = vector.extract_strided_slice %get3A_78 {offsets = [3], sizes = [1], strides = [1]} : vector<16xi32> to vector<1xi32>
      %squeeze3A_2848 = vector.extract %slice3A_2847[0] : i32 from vector<1xi32>
      %mul3A_2849 = arith.constant 64 : i32
      %mul3A_2850 = arith.muli %squeeze3A_2848, %mul3A_2849 : i32
      %add3A_2851 = arith.constant 0 : i32
      %add3A_2852 = arith.addi %mul3A_2850, %add3A_2851 : i32
      %get3A_2853 = arith.constant 67 : i32
      %get3A_2854 = arith.index_cast %rem3A_29 : i32 to index
      %get3A_2855 = arith.index_cast %get3A_2853 : i32 to index
      %get3A_2856 = arith.index_cast %add3A_2852 : i32 to index
      %get3A_2857 = tpu.vector_load %arg8[%get3A_2854, %get3A_2855, %get3A_2856] {strides = array<i32>} : memref<6x104x128xf32, #tpu.memory_space<vmem>>, vector<1x1x16xf32>,
      %get3A_2858 = vector.shape_cast %get3A_2857 : vector<1x1x16xf32> to vector<16xf32>
      %add3A_2859 = arith.constant 16 : i32
      %add3A_2860 = arith.addi %mul3A_2850, %add3A_2859 : i32
      %get3A_2861 = arith.constant 67 : i32
      %get3A_2862 = arith.index_cast %rem3A_29 : i32 to index
      %get3A_2863 = arith.index_cast %get3A_2861 : i32 to index
      %get3A_2864 = arith.index_cast %add3A_2860 : i32 to index
      %get3A_2865 = tpu.vector_load %arg8[%get3A_2862, %get3A_2863, %get3A_2864] {strides = array<i32>} : memref<6x104x128xf32, #tpu.memory_space<vmem>>, vector<1x1x16xf32>,
      %get3A_2866 = vector.shape_cast %get3A_2865 : vector<1x1x16xf32> to vector<16xf32>
      %add3A_2867 = arith.constant 32 : i32
      %add3A_2868 = arith.addi %mul3A_2850, %add3A_2867 : i32
      %get3A_2869 = arith.constant 67 : i32
      %get3A_2870 = arith.index_cast %rem3A_29 : i32 to index
      %get3A_2871 = arith.index_cast %get3A_2869 : i32 to index
      %get3A_2872 = arith.index_cast %add3A_2868 : i32 to index
      %get3A_2873 = tpu.vector_load %arg8[%get3A_2870, %get3A_2871, %get3A_2872] {strides = array<i32>} : memref<6x104x128xf32, #tpu.memory_space<vmem>>, vector<1x1x16xf32>,
      %get3A_2874 = vector.shape_cast %get3A_2873 : vector<1x1x16xf32> to vector<16xf32>
      %add3A_2875 = arith.constant 48 : i32
      %add3A_2876 = arith.addi %mul3A_2850, %add3A_2875 : i32
      %get3A_2877 = arith.constant 67 : i32
      %get3A_2878 = arith.index_cast %rem3A_29 : i32 to index
      %get3A_2879 = arith.index_cast %get3A_2877 : i32 to index
      %get3A_2880 = arith.index_cast %add3A_2876 : i32 to index
      %get3A_2881 = tpu.vector_load %arg8[%get3A_2878, %get3A_2879, %get3A_2880] {strides = array<i32>} : memref<6x104x128xf32, #tpu.memory_space<vmem>>, vector<1x1x16xf32>,
      %get3A_2882 = vector.shape_cast %get3A_2881 : vector<1x1x16xf32> to vector<16xf32>
      %add3A_2883 = arith.addf %add3A_2843, %get3A_2858 : vector<16xf32>
      %add3A_2884 = arith.addf %add3A_2844, %get3A_2866 : vector<16xf32>
      %add3A_2885 = arith.addf %add3A_2845, %get3A_2874 : vector<16xf32>
      %add3A_2886 = arith.addf %add3A_2846, %get3A_2882 : vector<16xf32>
      %slice3A_2887 = vector.extract_strided_slice %get3A_78 {offsets = [4], sizes = [1], strides = [1]} : vector<16xi32> to vector<1xi32>
      %squeeze3A_2888 = vector.extract %slice3A_2887[0] : i32 from vector<1xi32>
      %mul3A_2889 = arith.constant 64 : i32
      %mul3A_2890 = arith.muli %squeeze3A_2888, %mul3A_2889 : i32
      %add3A_2891 = arith.constant 0 : i32
      %add3A_2892 = arith.addi %mul3A_2890, %add3A_2891 : i32
      %get3A_2893 = arith.constant 68 : i32
      %get3A_2894 = arith.index_cast %rem3A_29 : i32 to index
      %get3A_2895 = arith.index_cast %get3A_2893 : i32 to index
      %get3A_2896 = arith.index_cast %add3A_2892 : i32 to index
      %get3A_2897 = tpu.vector_load %arg8[%get3A_2894, %get3A_2895, %get3A_2896] {strides = array<i32>} : memref<6x104x128xf32, #tpu.memory_space<vmem>>, vector<1x1x16xf32>,
      %get3A_2898 = vector.shape_cast %get3A_2897 : vector<1x1x16xf32> to vector<16xf32>
      %add3A_2899 = arith.constant 16 : i32
      %add3A_2900 = arith.addi %mul3A_2890, %add3A_2899 : i32
      %get3A_2901 = arith.constant 68 : i32
      %get3A_2902 = arith.index_cast %rem3A_29 : i32 to index
      %get3A_2903 = arith.index_cast %get3A_2901 : i32 to index
      %get3A_2904 = arith.index_cast %add3A_2900 : i32 to index
      %get3A_2905 = tpu.vector_load %arg8[%get3A_2902, %get3A_2903, %get3A_2904] {strides = array<i32>} : memref<6x104x128xf32, #tpu.memory_space<vmem>>, vector<1x1x16xf32>,
      %get3A_2906 = vector.shape_cast %get3A_2905 : vector<1x1x16xf32> to vector<16xf32>
      %add3A_2907 = arith.constant 32 : i32
      %add3A_2908 = arith.addi %mul3A_2890, %add3A_2907 : i32
      %get3A_2909 = arith.constant 68 : i32
      %get3A_2910 = arith.index_cast %rem3A_29 : i32 to index
      %get3A_2911 = arith.index_cast %get3A_2909 : i32 to index
      %get3A_2912 = arith.index_cast %add3A_2908 : i32 to index
      %get3A_2913 = tpu.vector_load %arg8[%get3A_2910, %get3A_2911, %get3A_2912] {strides = array<i32>} : memref<6x104x128xf32, #tpu.memory_space<vmem>>, vector<1x1x16xf32>,
      %get3A_2914 = vector.shape_cast %get3A_2913 : vector<1x1x16xf32> to vector<16xf32>
      %add3A_2915 = arith.constant 48 : i32
      %add3A_2916 = arith.addi %mul3A_2890, %add3A_2915 : i32
      %get3A_2917 = arith.constant 68 : i32
      %get3A_2918 = arith.index_cast %rem3A_29 : i32 to index
      %get3A_2919 = arith.index_cast %get3A_2917 : i32 to index
      %get3A_2920 = arith.index_cast %add3A_2916 : i32 to index
      %get3A_2921 = tpu.vector_load %arg8[%get3A_2918, %get3A_2919, %get3A_2920] {strides = array<i32>} : memref<6x104x128xf32, #tpu.memory_space<vmem>>, vector<1x1x16xf32>,
      %get3A_2922 = vector.shape_cast %get3A_2921 : vector<1x1x16xf32> to vector<16xf32>
      %add3A_2923 = arith.addf %add3A_2883, %get3A_2898 : vector<16xf32>
      %add3A_2924 = arith.addf %add3A_2884, %get3A_2906 : vector<16xf32>
      %add3A_2925 = arith.addf %add3A_2885, %get3A_2914 : vector<16xf32>
      %add3A_2926 = arith.addf %add3A_2886, %get3A_2922 : vector<16xf32>
      %slice3A_2927 = vector.extract_strided_slice %get3A_78 {offsets = [5], sizes = [1], strides = [1]} : vector<16xi32> to vector<1xi32>
      %squeeze3A_2928 = vector.extract %slice3A_2927[0] : i32 from vector<1xi32>
      %mul3A_2929 = arith.constant 64 : i32
      %mul3A_2930 = arith.muli %squeeze3A_2928, %mul3A_2929 : i32
      %add3A_2931 = arith.constant 0 : i32
      %add3A_2932 = arith.addi %mul3A_2930, %add3A_2931 : i32
      %get3A_2933 = arith.constant 69 : i32
      %get3A_2934 = arith.index_cast %rem3A_29 : i32 to index
      %get3A_2935 = arith.index_cast %get3A_2933 : i32 to index
      %get3A_2936 = arith.index_cast %add3A_2932 : i32 to index
      %get3A_2937 = tpu.vector_load %arg8[%get3A_2934, %get3A_2935, %get3A_2936] {strides = array<i32>} : memref<6x104x128xf32, #tpu.memory_space<vmem>>, vector<1x1x16xf32>,
      %get3A_2938 = vector.shape_cast %get3A_2937 : vector<1x1x16xf32> to vector<16xf32>
      %add3A_2939 = arith.constant 16 : i32
      %add3A_2940 = arith.addi %mul3A_2930, %add3A_2939 : i32
      %get3A_2941 = arith.constant 69 : i32
      %get3A_2942 = arith.index_cast %rem3A_29 : i32 to index
      %get3A_2943 = arith.index_cast %get3A_2941 : i32 to index
      %get3A_2944 = arith.index_cast %add3A_2940 : i32 to index
      %get3A_2945 = tpu.vector_load %arg8[%get3A_2942, %get3A_2943, %get3A_2944] {strides = array<i32>} : memref<6x104x128xf32, #tpu.memory_space<vmem>>, vector<1x1x16xf32>,
      %get3A_2946 = vector.shape_cast %get3A_2945 : vector<1x1x16xf32> to vector<16xf32>
      %add3A_2947 = arith.constant 32 : i32
      %add3A_2948 = arith.addi %mul3A_2930, %add3A_2947 : i32
      %get3A_2949 = arith.constant 69 : i32
      %get3A_2950 = arith.index_cast %rem3A_29 : i32 to index
      %get3A_2951 = arith.index_cast %get3A_2949 : i32 to index
      %get3A_2952 = arith.index_cast %add3A_2948 : i32 to index
      %get3A_2953 = tpu.vector_load %arg8[%get3A_2950, %get3A_2951, %get3A_2952] {strides = array<i32>} : memref<6x104x128xf32, #tpu.memory_space<vmem>>, vector<1x1x16xf32>,
      %get3A_2954 = vector.shape_cast %get3A_2953 : vector<1x1x16xf32> to vector<16xf32>
      %add3A_2955 = arith.constant 48 : i32
      %add3A_2956 = arith.addi %mul3A_2930, %add3A_2955 : i32
      %get3A_2957 = arith.constant 69 : i32
      %get3A_2958 = arith.index_cast %rem3A_29 : i32 to index
      %get3A_2959 = arith.index_cast %get3A_2957 : i32 to index
      %get3A_2960 = arith.index_cast %add3A_2956 : i32 to index
      %get3A_2961 = tpu.vector_load %arg8[%get3A_2958, %get3A_2959, %get3A_2960] {strides = array<i32>} : memref<6x104x128xf32, #tpu.memory_space<vmem>>, vector<1x1x16xf32>,
      %get3A_2962 = vector.shape_cast %get3A_2961 : vector<1x1x16xf32> to vector<16xf32>
      %add3A_2963 = arith.addf %add3A_2923, %get3A_2938 : vector<16xf32>
      %add3A_2964 = arith.addf %add3A_2924, %get3A_2946 : vector<16xf32>
      %add3A_2965 = arith.addf %add3A_2925, %get3A_2954 : vector<16xf32>
      %add3A_2966 = arith.addf %add3A_2926, %get3A_2962 : vector<16xf32>
      %slice3A_2967 = vector.extract_strided_slice %get3A_78 {offsets = [6], sizes = [1], strides = [1]} : vector<16xi32> to vector<1xi32>
      %squeeze3A_2968 = vector.extract %slice3A_2967[0] : i32 from vector<1xi32>
      %mul3A_2969 = arith.constant 64 : i32
      %mul3A_2970 = arith.muli %squeeze3A_2968, %mul3A_2969 : i32
      %add3A_2971 = arith.constant 0 : i32
      %add3A_2972 = arith.addi %mul3A_2970, %add3A_2971 : i32
      %get3A_2973 = arith.constant 70 : i32
      %get3A_2974 = arith.index_cast %rem3A_29 : i32 to index
      %get3A_2975 = arith.index_cast %get3A_2973 : i32 to index
      %get3A_2976 = arith.index_cast %add3A_2972 : i32 to index
      %get3A_2977 = tpu.vector_load %arg8[%get3A_2974, %get3A_2975, %get3A_2976] {strides = array<i32>} : memref<6x104x128xf32, #tpu.memory_space<vmem>>, vector<1x1x16xf32>,
      %get3A_2978 = vector.shape_cast %get3A_2977 : vector<1x1x16xf32> to vector<16xf32>
      %add3A_2979 = arith.constant 16 : i32
      %add3A_2980 = arith.addi %mul3A_2970, %add3A_2979 : i32
      %get3A_2981 = arith.constant 70 : i32
      %get3A_2982 = arith.index_cast %rem3A_29 : i32 to index
      %get3A_2983 = arith.index_cast %get3A_2981 : i32 to index
      %get3A_2984 = arith.index_cast %add3A_2980 : i32 to index
      %get3A_2985 = tpu.vector_load %arg8[%get3A_2982, %get3A_2983, %get3A_2984] {strides = array<i32>} : memref<6x104x128xf32, #tpu.memory_space<vmem>>, vector<1x1x16xf32>,
      %get3A_2986 = vector.shape_cast %get3A_2985 : vector<1x1x16xf32> to vector<16xf32>
      %add3A_2987 = arith.constant 32 : i32
      %add3A_2988 = arith.addi %mul3A_2970, %add3A_2987 : i32
      %get3A_2989 = arith.constant 70 : i32
      %get3A_2990 = arith.index_cast %rem3A_29 : i32 to index
      %get3A_2991 = arith.index_cast %get3A_2989 : i32 to index
      %get3A_2992 = arith.index_cast %add3A_2988 : i32 to index
      %get3A_2993 = tpu.vector_load %arg8[%get3A_2990, %get3A_2991, %get3A_2992] {strides = array<i32>} : memref<6x104x128xf32, #tpu.memory_space<vmem>>, vector<1x1x16xf32>,
      %get3A_2994 = vector.shape_cast %get3A_2993 : vector<1x1x16xf32> to vector<16xf32>
      %add3A_2995 = arith.constant 48 : i32
      %add3A_2996 = arith.addi %mul3A_2970, %add3A_2995 : i32
      %get3A_2997 = arith.constant 70 : i32
      %get3A_2998 = arith.index_cast %rem3A_29 : i32 to index
      %get3A_2999 = arith.index_cast %get3A_2997 : i32 to index
      %get3A_3000 = arith.index_cast %add3A_2996 : i32 to index
      %get3A_3001 = tpu.vector_load %arg8[%get3A_2998, %get3A_2999, %get3A_3000] {strides = array<i32>} : memref<6x104x128xf32, #tpu.memory_space<vmem>>, vector<1x1x16xf32>,
      %get3A_3002 = vector.shape_cast %get3A_3001 : vector<1x1x16xf32> to vector<16xf32>
      %add3A_3003 = arith.addf %add3A_2963, %get3A_2978 : vector<16xf32>
      %add3A_3004 = arith.addf %add3A_2964, %get3A_2986 : vector<16xf32>
      %add3A_3005 = arith.addf %add3A_2965, %get3A_2994 : vector<16xf32>
      %add3A_3006 = arith.addf %add3A_2966, %get3A_3002 : vector<16xf32>
      %slice3A_3007 = vector.extract_strided_slice %get3A_78 {offsets = [7], sizes = [1], strides = [1]} : vector<16xi32> to vector<1xi32>
      %squeeze3A_3008 = vector.extract %slice3A_3007[0] : i32 from vector<1xi32>
      %mul3A_3009 = arith.constant 64 : i32
      %mul3A_3010 = arith.muli %squeeze3A_3008, %mul3A_3009 : i32
      %add3A_3011 = arith.constant 0 : i32
      %add3A_3012 = arith.addi %mul3A_3010, %add3A_3011 : i32
      %get3A_3013 = arith.constant 71 : i32
      %get3A_3014 = arith.index_cast %rem3A_29 : i32 to index
      %get3A_3015 = arith.index_cast %get3A_3013 : i32 to index
      %get3A_3016 = arith.index_cast %add3A_3012 : i32 to index
      %get3A_3017 = tpu.vector_load %arg8[%get3A_3014, %get3A_3015, %get3A_3016] {strides = array<i32>} : memref<6x104x128xf32, #tpu.memory_space<vmem>>, vector<1x1x16xf32>,
      %get3A_3018 = vector.shape_cast %get3A_3017 : vector<1x1x16xf32> to vector<16xf32>
      %add3A_3019 = arith.constant 16 : i32
      %add3A_3020 = arith.addi %mul3A_3010, %add3A_3019 : i32
      %get3A_3021 = arith.constant 71 : i32
      %get3A_3022 = arith.index_cast %rem3A_29 : i32 to index
      %get3A_3023 = arith.index_cast %get3A_3021 : i32 to index
      %get3A_3024 = arith.index_cast %add3A_3020 : i32 to index
      %get3A_3025 = tpu.vector_load %arg8[%get3A_3022, %get3A_3023, %get3A_3024] {strides = array<i32>} : memref<6x104x128xf32, #tpu.memory_space<vmem>>, vector<1x1x16xf32>,
      %get3A_3026 = vector.shape_cast %get3A_3025 : vector<1x1x16xf32> to vector<16xf32>
      %add3A_3027 = arith.constant 32 : i32
      %add3A_3028 = arith.addi %mul3A_3010, %add3A_3027 : i32
      %get3A_3029 = arith.constant 71 : i32
      %get3A_3030 = arith.index_cast %rem3A_29 : i32 to index
      %get3A_3031 = arith.index_cast %get3A_3029 : i32 to index
      %get3A_3032 = arith.index_cast %add3A_3028 : i32 to index
      %get3A_3033 = tpu.vector_load %arg8[%get3A_3030, %get3A_3031, %get3A_3032] {strides = array<i32>} : memref<6x104x128xf32, #tpu.memory_space<vmem>>, vector<1x1x16xf32>,
      %get3A_3034 = vector.shape_cast %get3A_3033 : vector<1x1x16xf32> to vector<16xf32>
      %add3A_3035 = arith.constant 48 : i32
      %add3A_3036 = arith.addi %mul3A_3010, %add3A_3035 : i32
      %get3A_3037 = arith.constant 71 : i32
      %get3A_3038 = arith.index_cast %rem3A_29 : i32 to index
      %get3A_3039 = arith.index_cast %get3A_3037 : i32 to index
      %get3A_3040 = arith.index_cast %add3A_3036 : i32 to index
      %get3A_3041 = tpu.vector_load %arg8[%get3A_3038, %get3A_3039, %get3A_3040] {strides = array<i32>} : memref<6x104x128xf32, #tpu.memory_space<vmem>>, vector<1x1x16xf32>,
      %get3A_3042 = vector.shape_cast %get3A_3041 : vector<1x1x16xf32> to vector<16xf32>
      %add3A_3043 = arith.addf %add3A_3003, %get3A_3018 : vector<16xf32>
      %add3A_3044 = arith.addf %add3A_3004, %get3A_3026 : vector<16xf32>
      %add3A_3045 = arith.addf %add3A_3005, %get3A_3034 : vector<16xf32>
      %add3A_3046 = arith.addf %add3A_3006, %get3A_3042 : vector<16xf32>
      %slice3A_3047 = vector.extract_strided_slice %get3A_78 {offsets = [8], sizes = [1], strides = [1]} : vector<16xi32> to vector<1xi32>
      %squeeze3A_3048 = vector.extract %slice3A_3047[0] : i32 from vector<1xi32>
      %mul3A_3049 = arith.constant 64 : i32
      %mul3A_3050 = arith.muli %squeeze3A_3048, %mul3A_3049 : i32
      %add3A_3051 = arith.constant 0 : i32
      %add3A_3052 = arith.addi %mul3A_3050, %add3A_3051 : i32
      %get3A_3053 = arith.constant 72 : i32
      %get3A_3054 = arith.index_cast %rem3A_29 : i32 to index
      %get3A_3055 = arith.index_cast %get3A_3053 : i32 to index
      %get3A_3056 = arith.index_cast %add3A_3052 : i32 to index
      %get3A_3057 = tpu.vector_load %arg8[%get3A_3054, %get3A_3055, %get3A_3056] {strides = array<i32>} : memref<6x104x128xf32, #tpu.memory_space<vmem>>, vector<1x1x16xf32>,
      %get3A_3058 = vector.shape_cast %get3A_3057 : vector<1x1x16xf32> to vector<16xf32>
      %add3A_3059 = arith.constant 16 : i32
      %add3A_3060 = arith.addi %mul3A_3050, %add3A_3059 : i32
      %get3A_3061 = arith.constant 72 : i32
      %get3A_3062 = arith.index_cast %rem3A_29 : i32 to index
      %get3A_3063 = arith.index_cast %get3A_3061 : i32 to index
      %get3A_3064 = arith.index_cast %add3A_3060 : i32 to index
      %get3A_3065 = tpu.vector_load %arg8[%get3A_3062, %get3A_3063, %get3A_3064] {strides = array<i32>} : memref<6x104x128xf32, #tpu.memory_space<vmem>>, vector<1x1x16xf32>,
      %get3A_3066 = vector.shape_cast %get3A_3065 : vector<1x1x16xf32> to vector<16xf32>
      %add3A_3067 = arith.constant 32 : i32
      %add3A_3068 = arith.addi %mul3A_3050, %add3A_3067 : i32
      %get3A_3069 = arith.constant 72 : i32
      %get3A_3070 = arith.index_cast %rem3A_29 : i32 to index
      %get3A_3071 = arith.index_cast %get3A_3069 : i32 to index
      %get3A_3072 = arith.index_cast %add3A_3068 : i32 to index
      %get3A_3073 = tpu.vector_load %arg8[%get3A_3070, %get3A_3071, %get3A_3072] {strides = array<i32>} : memref<6x104x128xf32, #tpu.memory_space<vmem>>, vector<1x1x16xf32>,
      %get3A_3074 = vector.shape_cast %get3A_3073 : vector<1x1x16xf32> to vector<16xf32>
      %add3A_3075 = arith.constant 48 : i32
      %add3A_3076 = arith.addi %mul3A_3050, %add3A_3075 : i32
      %get3A_3077 = arith.constant 72 : i32
      %get3A_3078 = arith.index_cast %rem3A_29 : i32 to index
      %get3A_3079 = arith.index_cast %get3A_3077 : i32 to index
      %get3A_3080 = arith.index_cast %add3A_3076 : i32 to index
      %get3A_3081 = tpu.vector_load %arg8[%get3A_3078, %get3A_3079, %get3A_3080] {strides = array<i32>} : memref<6x104x128xf32, #tpu.memory_space<vmem>>, vector<1x1x16xf32>,
      %get3A_3082 = vector.shape_cast %get3A_3081 : vector<1x1x16xf32> to vector<16xf32>
      %add3A_3083 = arith.addf %add3A_3043, %get3A_3058 : vector<16xf32>
      %add3A_3084 = arith.addf %add3A_3044, %get3A_3066 : vector<16xf32>
      %add3A_3085 = arith.addf %add3A_3045, %get3A_3074 : vector<16xf32>
      %add3A_3086 = arith.addf %add3A_3046, %get3A_3082 : vector<16xf32>
      %slice3A_3087 = vector.extract_strided_slice %get3A_78 {offsets = [9], sizes = [1], strides = [1]} : vector<16xi32> to vector<1xi32>
      %squeeze3A_3088 = vector.extract %slice3A_3087[0] : i32 from vector<1xi32>
      %mul3A_3089 = arith.constant 64 : i32
      %mul3A_3090 = arith.muli %squeeze3A_3088, %mul3A_3089 : i32
      %add3A_3091 = arith.constant 0 : i32
      %add3A_3092 = arith.addi %mul3A_3090, %add3A_3091 : i32
      %get3A_3093 = arith.constant 73 : i32
      %get3A_3094 = arith.index_cast %rem3A_29 : i32 to index
      %get3A_3095 = arith.index_cast %get3A_3093 : i32 to index
      %get3A_3096 = arith.index_cast %add3A_3092 : i32 to index
      %get3A_3097 = tpu.vector_load %arg8[%get3A_3094, %get3A_3095, %get3A_3096] {strides = array<i32>} : memref<6x104x128xf32, #tpu.memory_space<vmem>>, vector<1x1x16xf32>,
      %get3A_3098 = vector.shape_cast %get3A_3097 : vector<1x1x16xf32> to vector<16xf32>
      %add3A_3099 = arith.constant 16 : i32
      %add3A_3100 = arith.addi %mul3A_3090, %add3A_3099 : i32
      %get3A_3101 = arith.constant 73 : i32
      %get3A_3102 = arith.index_cast %rem3A_29 : i32 to index
      %get3A_3103 = arith.index_cast %get3A_3101 : i32 to index
      %get3A_3104 = arith.index_cast %add3A_3100 : i32 to index
      %get3A_3105 = tpu.vector_load %arg8[%get3A_3102, %get3A_3103, %get3A_3104] {strides = array<i32>} : memref<6x104x128xf32, #tpu.memory_space<vmem>>, vector<1x1x16xf32>,
      %get3A_3106 = vector.shape_cast %get3A_3105 : vector<1x1x16xf32> to vector<16xf32>
      %add3A_3107 = arith.constant 32 : i32
      %add3A_3108 = arith.addi %mul3A_3090, %add3A_3107 : i32
      %get3A_3109 = arith.constant 73 : i32
      %get3A_3110 = arith.index_cast %rem3A_29 : i32 to index
      %get3A_3111 = arith.index_cast %get3A_3109 : i32 to index
      %get3A_3112 = arith.index_cast %add3A_3108 : i32 to index
      %get3A_3113 = tpu.vector_load %arg8[%get3A_3110, %get3A_3111, %get3A_3112] {strides = array<i32>} : memref<6x104x128xf32, #tpu.memory_space<vmem>>, vector<1x1x16xf32>,
      %get3A_3114 = vector.shape_cast %get3A_3113 : vector<1x1x16xf32> to vector<16xf32>
      %add3A_3115 = arith.constant 48 : i32
      %add3A_3116 = arith.addi %mul3A_3090, %add3A_3115 : i32
      %get3A_3117 = arith.constant 73 : i32
      %get3A_3118 = arith.index_cast %rem3A_29 : i32 to index
      %get3A_3119 = arith.index_cast %get3A_3117 : i32 to index
      %get3A_3120 = arith.index_cast %add3A_3116 : i32 to index
      %get3A_3121 = tpu.vector_load %arg8[%get3A_3118, %get3A_3119, %get3A_3120] {strides = array<i32>} : memref<6x104x128xf32, #tpu.memory_space<vmem>>, vector<1x1x16xf32>,
      %get3A_3122 = vector.shape_cast %get3A_3121 : vector<1x1x16xf32> to vector<16xf32>
      %add3A_3123 = arith.addf %add3A_3083, %get3A_3098 : vector<16xf32>
      %add3A_3124 = arith.addf %add3A_3084, %get3A_3106 : vector<16xf32>
      %add3A_3125 = arith.addf %add3A_3085, %get3A_3114 : vector<16xf32>
      %add3A_3126 = arith.addf %add3A_3086, %get3A_3122 : vector<16xf32>
      %slice3A_3127 = vector.extract_strided_slice %get3A_78 {offsets = [10], sizes = [1], strides = [1]} : vector<16xi32> to vector<1xi32>
      %squeeze3A_3128 = vector.extract %slice3A_3127[0] : i32 from vector<1xi32>
      %mul3A_3129 = arith.constant 64 : i32
      %mul3A_3130 = arith.muli %squeeze3A_3128, %mul3A_3129 : i32
      %add3A_3131 = arith.constant 0 : i32
      %add3A_3132 = arith.addi %mul3A_3130, %add3A_3131 : i32
      %get3A_3133 = arith.constant 74 : i32
      %get3A_3134 = arith.index_cast %rem3A_29 : i32 to index
      %get3A_3135 = arith.index_cast %get3A_3133 : i32 to index
      %get3A_3136 = arith.index_cast %add3A_3132 : i32 to index
      %get3A_3137 = tpu.vector_load %arg8[%get3A_3134, %get3A_3135, %get3A_3136] {strides = array<i32>} : memref<6x104x128xf32, #tpu.memory_space<vmem>>, vector<1x1x16xf32>,
      %get3A_3138 = vector.shape_cast %get3A_3137 : vector<1x1x16xf32> to vector<16xf32>
      %add3A_3139 = arith.constant 16 : i32
      %add3A_3140 = arith.addi %mul3A_3130, %add3A_3139 : i32
      %get3A_3141 = arith.constant 74 : i32
      %get3A_3142 = arith.index_cast %rem3A_29 : i32 to index
      %get3A_3143 = arith.index_cast %get3A_3141 : i32 to index
      %get3A_3144 = arith.index_cast %add3A_3140 : i32 to index
      %get3A_3145 = tpu.vector_load %arg8[%get3A_3142, %get3A_3143, %get3A_3144] {strides = array<i32>} : memref<6x104x128xf32, #tpu.memory_space<vmem>>, vector<1x1x16xf32>,
      %get3A_3146 = vector.shape_cast %get3A_3145 : vector<1x1x16xf32> to vector<16xf32>
      %add3A_3147 = arith.constant 32 : i32
      %add3A_3148 = arith.addi %mul3A_3130, %add3A_3147 : i32
      %get3A_3149 = arith.constant 74 : i32
      %get3A_3150 = arith.index_cast %rem3A_29 : i32 to index
      %get3A_3151 = arith.index_cast %get3A_3149 : i32 to index
      %get3A_3152 = arith.index_cast %add3A_3148 : i32 to index
      %get3A_3153 = tpu.vector_load %arg8[%get3A_3150, %get3A_3151, %get3A_3152] {strides = array<i32>} : memref<6x104x128xf32, #tpu.memory_space<vmem>>, vector<1x1x16xf32>,
      %get3A_3154 = vector.shape_cast %get3A_3153 : vector<1x1x16xf32> to vector<16xf32>
      %add3A_3155 = arith.constant 48 : i32
      %add3A_3156 = arith.addi %mul3A_3130, %add3A_3155 : i32
      %get3A_3157 = arith.constant 74 : i32
      %get3A_3158 = arith.index_cast %rem3A_29 : i32 to index
      %get3A_3159 = arith.index_cast %get3A_3157 : i32 to index
      %get3A_3160 = arith.index_cast %add3A_3156 : i32 to index
      %get3A_3161 = tpu.vector_load %arg8[%get3A_3158, %get3A_3159, %get3A_3160] {strides = array<i32>} : memref<6x104x128xf32, #tpu.memory_space<vmem>>, vector<1x1x16xf32>,
      %get3A_3162 = vector.shape_cast %get3A_3161 : vector<1x1x16xf32> to vector<16xf32>
      %add3A_3163 = arith.addf %add3A_3123, %get3A_3138 : vector<16xf32>
      %add3A_3164 = arith.addf %add3A_3124, %get3A_3146 : vector<16xf32>
      %add3A_3165 = arith.addf %add3A_3125, %get3A_3154 : vector<16xf32>
      %add3A_3166 = arith.addf %add3A_3126, %get3A_3162 : vector<16xf32>
      %slice3A_3167 = vector.extract_strided_slice %get3A_78 {offsets = [11], sizes = [1], strides = [1]} : vector<16xi32> to vector<1xi32>
      %squeeze3A_3168 = vector.extract %slice3A_3167[0] : i32 from vector<1xi32>
      %mul3A_3169 = arith.constant 64 : i32
      %mul3A_3170 = arith.muli %squeeze3A_3168, %mul3A_3169 : i32
      %add3A_3171 = arith.constant 0 : i32
      %add3A_3172 = arith.addi %mul3A_3170, %add3A_3171 : i32
      %get3A_3173 = arith.constant 75 : i32
      %get3A_3174 = arith.index_cast %rem3A_29 : i32 to index
      %get3A_3175 = arith.index_cast %get3A_3173 : i32 to index
      %get3A_3176 = arith.index_cast %add3A_3172 : i32 to index
      %get3A_3177 = tpu.vector_load %arg8[%get3A_3174, %get3A_3175, %get3A_3176] {strides = array<i32>} : memref<6x104x128xf32, #tpu.memory_space<vmem>>, vector<1x1x16xf32>,
      %get3A_3178 = vector.shape_cast %get3A_3177 : vector<1x1x16xf32> to vector<16xf32>
      %add3A_3179 = arith.constant 16 : i32
      %add3A_3180 = arith.addi %mul3A_3170, %add3A_3179 : i32
      %get3A_3181 = arith.constant 75 : i32
      %get3A_3182 = arith.index_cast %rem3A_29 : i32 to index
      %get3A_3183 = arith.index_cast %get3A_3181 : i32 to index
      %get3A_3184 = arith.index_cast %add3A_3180 : i32 to index
      %get3A_3185 = tpu.vector_load %arg8[%get3A_3182, %get3A_3183, %get3A_3184] {strides = array<i32>} : memref<6x104x128xf32, #tpu.memory_space<vmem>>, vector<1x1x16xf32>,
      %get3A_3186 = vector.shape_cast %get3A_3185 : vector<1x1x16xf32> to vector<16xf32>
      %add3A_3187 = arith.constant 32 : i32
      %add3A_3188 = arith.addi %mul3A_3170, %add3A_3187 : i32
      %get3A_3189 = arith.constant 75 : i32
      %get3A_3190 = arith.index_cast %rem3A_29 : i32 to index
      %get3A_3191 = arith.index_cast %get3A_3189 : i32 to index
      %get3A_3192 = arith.index_cast %add3A_3188 : i32 to index
      %get3A_3193 = tpu.vector_load %arg8[%get3A_3190, %get3A_3191, %get3A_3192] {strides = array<i32>} : memref<6x104x128xf32, #tpu.memory_space<vmem>>, vector<1x1x16xf32>,
      %get3A_3194 = vector.shape_cast %get3A_3193 : vector<1x1x16xf32> to vector<16xf32>
      %add3A_3195 = arith.constant 48 : i32
      %add3A_3196 = arith.addi %mul3A_3170, %add3A_3195 : i32
      %get3A_3197 = arith.constant 75 : i32
      %get3A_3198 = arith.index_cast %rem3A_29 : i32 to index
      %get3A_3199 = arith.index_cast %get3A_3197 : i32 to index
      %get3A_3200 = arith.index_cast %add3A_3196 : i32 to index
      %get3A_3201 = tpu.vector_load %arg8[%get3A_3198, %get3A_3199, %get3A_3200] {strides = array<i32>} : memref<6x104x128xf32, #tpu.memory_space<vmem>>, vector<1x1x16xf32>,
      %get3A_3202 = vector.shape_cast %get3A_3201 : vector<1x1x16xf32> to vector<16xf32>
      %add3A_3203 = arith.addf %add3A_3163, %get3A_3178 : vector<16xf32>
      %add3A_3204 = arith.addf %add3A_3164, %get3A_3186 : vector<16xf32>
      %add3A_3205 = arith.addf %add3A_3165, %get3A_3194 : vector<16xf32>
      %add3A_3206 = arith.addf %add3A_3166, %get3A_3202 : vector<16xf32>
      %slice3A_3207 = vector.extract_strided_slice %get3A_78 {offsets = [12], sizes = [1], strides = [1]} : vector<16xi32> to vector<1xi32>
      %squeeze3A_3208 = vector.extract %slice3A_3207[0] : i32 from vector<1xi32>
      %mul3A_3209 = arith.constant 64 : i32
      %mul3A_3210 = arith.muli %squeeze3A_3208, %mul3A_3209 : i32
      %add3A_3211 = arith.constant 0 : i32
      %add3A_3212 = arith.addi %mul3A_3210, %add3A_3211 : i32
      %get3A_3213 = arith.constant 76 : i32
      %get3A_3214 = arith.index_cast %rem3A_29 : i32 to index
      %get3A_3215 = arith.index_cast %get3A_3213 : i32 to index
      %get3A_3216 = arith.index_cast %add3A_3212 : i32 to index
      %get3A_3217 = tpu.vector_load %arg8[%get3A_3214, %get3A_3215, %get3A_3216] {strides = array<i32>} : memref<6x104x128xf32, #tpu.memory_space<vmem>>, vector<1x1x16xf32>,
      %get3A_3218 = vector.shape_cast %get3A_3217 : vector<1x1x16xf32> to vector<16xf32>
      %add3A_3219 = arith.constant 16 : i32
      %add3A_3220 = arith.addi %mul3A_3210, %add3A_3219 : i32
      %get3A_3221 = arith.constant 76 : i32
      %get3A_3222 = arith.index_cast %rem3A_29 : i32 to index
      %get3A_3223 = arith.index_cast %get3A_3221 : i32 to index
      %get3A_3224 = arith.index_cast %add3A_3220 : i32 to index
      %get3A_3225 = tpu.vector_load %arg8[%get3A_3222, %get3A_3223, %get3A_3224] {strides = array<i32>} : memref<6x104x128xf32, #tpu.memory_space<vmem>>, vector<1x1x16xf32>,
      %get3A_3226 = vector.shape_cast %get3A_3225 : vector<1x1x16xf32> to vector<16xf32>
      %add3A_3227 = arith.constant 32 : i32
      %add3A_3228 = arith.addi %mul3A_3210, %add3A_3227 : i32
      %get3A_3229 = arith.constant 76 : i32
      %get3A_3230 = arith.index_cast %rem3A_29 : i32 to index
      %get3A_3231 = arith.index_cast %get3A_3229 : i32 to index
      %get3A_3232 = arith.index_cast %add3A_3228 : i32 to index
      %get3A_3233 = tpu.vector_load %arg8[%get3A_3230, %get3A_3231, %get3A_3232] {strides = array<i32>} : memref<6x104x128xf32, #tpu.memory_space<vmem>>, vector<1x1x16xf32>,
      %get3A_3234 = vector.shape_cast %get3A_3233 : vector<1x1x16xf32> to vector<16xf32>
      %add3A_3235 = arith.constant 48 : i32
      %add3A_3236 = arith.addi %mul3A_3210, %add3A_3235 : i32
      %get3A_3237 = arith.constant 76 : i32
      %get3A_3238 = arith.index_cast %rem3A_29 : i32 to index
      %get3A_3239 = arith.index_cast %get3A_3237 : i32 to index
      %get3A_3240 = arith.index_cast %add3A_3236 : i32 to index
      %get3A_3241 = tpu.vector_load %arg8[%get3A_3238, %get3A_3239, %get3A_3240] {strides = array<i32>} : memref<6x104x128xf32, #tpu.memory_space<vmem>>, vector<1x1x16xf32>,
      %get3A_3242 = vector.shape_cast %get3A_3241 : vector<1x1x16xf32> to vector<16xf32>
      %add3A_3243 = arith.addf %add3A_3203, %get3A_3218 : vector<16xf32>
      %add3A_3244 = arith.addf %add3A_3204, %get3A_3226 : vector<16xf32>
      %add3A_3245 = arith.addf %add3A_3205, %get3A_3234 : vector<16xf32>
      %add3A_3246 = arith.addf %add3A_3206, %get3A_3242 : vector<16xf32>
      %slice3A_3247 = vector.extract_strided_slice %get3A_78 {offsets = [13], sizes = [1], strides = [1]} : vector<16xi32> to vector<1xi32>
      %squeeze3A_3248 = vector.extract %slice3A_3247[0] : i32 from vector<1xi32>
      %mul3A_3249 = arith.constant 64 : i32
      %mul3A_3250 = arith.muli %squeeze3A_3248, %mul3A_3249 : i32
      %add3A_3251 = arith.constant 0 : i32
      %add3A_3252 = arith.addi %mul3A_3250, %add3A_3251 : i32
      %get3A_3253 = arith.constant 77 : i32
      %get3A_3254 = arith.index_cast %rem3A_29 : i32 to index
      %get3A_3255 = arith.index_cast %get3A_3253 : i32 to index
      %get3A_3256 = arith.index_cast %add3A_3252 : i32 to index
      %get3A_3257 = tpu.vector_load %arg8[%get3A_3254, %get3A_3255, %get3A_3256] {strides = array<i32>} : memref<6x104x128xf32, #tpu.memory_space<vmem>>, vector<1x1x16xf32>,
      %get3A_3258 = vector.shape_cast %get3A_3257 : vector<1x1x16xf32> to vector<16xf32>
      %add3A_3259 = arith.constant 16 : i32
      %add3A_3260 = arith.addi %mul3A_3250, %add3A_3259 : i32
      %get3A_3261 = arith.constant 77 : i32
      %get3A_3262 = arith.index_cast %rem3A_29 : i32 to index
      %get3A_3263 = arith.index_cast %get3A_3261 : i32 to index
      %get3A_3264 = arith.index_cast %add3A_3260 : i32 to index
      %get3A_3265 = tpu.vector_load %arg8[%get3A_3262, %get3A_3263, %get3A_3264] {strides = array<i32>} : memref<6x104x128xf32, #tpu.memory_space<vmem>>, vector<1x1x16xf32>,
      %get3A_3266 = vector.shape_cast %get3A_3265 : vector<1x1x16xf32> to vector<16xf32>
      %add3A_3267 = arith.constant 32 : i32
      %add3A_3268 = arith.addi %mul3A_3250, %add3A_3267 : i32
      %get3A_3269 = arith.constant 77 : i32
      %get3A_3270 = arith.index_cast %rem3A_29 : i32 to index
      %get3A_3271 = arith.index_cast %get3A_3269 : i32 to index
      %get3A_3272 = arith.index_cast %add3A_3268 : i32 to index
      %get3A_3273 = tpu.vector_load %arg8[%get3A_3270, %get3A_3271, %get3A_3272] {strides = array<i32>} : memref<6x104x128xf32, #tpu.memory_space<vmem>>, vector<1x1x16xf32>,
      %get3A_3274 = vector.shape_cast %get3A_3273 : vector<1x1x16xf32> to vector<16xf32>
      %add3A_3275 = arith.constant 48 : i32
      %add3A_3276 = arith.addi %mul3A_3250, %add3A_3275 : i32
      %get3A_3277 = arith.constant 77 : i32
      %get3A_3278 = arith.index_cast %rem3A_29 : i32 to index
      %get3A_3279 = arith.index_cast %get3A_3277 : i32 to index
      %get3A_3280 = arith.index_cast %add3A_3276 : i32 to index
      %get3A_3281 = tpu.vector_load %arg8[%get3A_3278, %get3A_3279, %get3A_3280] {strides = array<i32>} : memref<6x104x128xf32, #tpu.memory_space<vmem>>, vector<1x1x16xf32>,
      %get3A_3282 = vector.shape_cast %get3A_3281 : vector<1x1x16xf32> to vector<16xf32>
      %add3A_3283 = arith.addf %add3A_3243, %get3A_3258 : vector<16xf32>
      %add3A_3284 = arith.addf %add3A_3244, %get3A_3266 : vector<16xf32>
      %add3A_3285 = arith.addf %add3A_3245, %get3A_3274 : vector<16xf32>
      %add3A_3286 = arith.addf %add3A_3246, %get3A_3282 : vector<16xf32>
      %mul3A_3287 = vector.broadcast %scan3A_16 : f32 to vector<16xf32>
      %mul3A_3288 = arith.mulf %add3A_3283, %mul3A_3287 : vector<16xf32>
      %mul3A_3289 = arith.constant 2 : i32
      %mul3A_3290 = arith.muli %add3A_28, %mul3A_3289 : i32
      %add3A_3291 = arith.constant 1 : i32
      %add3A_3292 = arith.addi %mul3A_3290, %add3A_3291 : i32
      %swap3A_3293 = arith.index_cast %add3A_3292 : i32 to index
      %swap3A_3294 = arith.constant 0 : index
      %swap3A_3295 = tpu.vector_load %arg7[%swap3A_3293, %swap3A_3294] {strides = array<i32>} : memref<64x128xf32, #tpu.memory_space<vmem>>, vector<1x16xf32>,
      %swap3A_3296 = vector.shape_cast %swap3A_3295 : vector<1x16xf32> to vector<16xf32>
      %swap3A_3297 = vector.shape_cast %mul3A_3288 : vector<16xf32> to vector<1x16xf32>
      tpu.vector_store %arg7[%swap3A_3293, %swap3A_3294], %swap3A_3297 {strides = array<i32>} : memref<64x128xf32, #tpu.memory_space<vmem>>, vector<1x16xf32>,
      %mul3A_3298 = vector.broadcast %scan3A_16 : f32 to vector<16xf32>
      %mul3A_3299 = arith.mulf %add3A_3284, %mul3A_3298 : vector<16xf32>
      %mul3A_3300 = arith.constant 2 : i32
      %mul3A_3301 = arith.muli %add3A_28, %mul3A_3300 : i32
      %add3A_3302 = arith.constant 1 : i32
      %add3A_3303 = arith.addi %mul3A_3301, %add3A_3302 : i32
      %swap3A_3304 = arith.index_cast %add3A_3303 : i32 to index
      %swap3A_3305 = arith.constant 16 : index
      %swap3A_3306 = tpu.vector_load %arg7[%swap3A_3304, %swap3A_3305] {strides = array<i32>} : memref<64x128xf32, #tpu.memory_space<vmem>>, vector<1x16xf32>,
      %swap3A_3307 = vector.shape_cast %swap3A_3306 : vector<1x16xf32> to vector<16xf32>
      %swap3A_3308 = vector.shape_cast %mul3A_3299 : vector<16xf32> to vector<1x16xf32>
      tpu.vector_store %arg7[%swap3A_3304, %swap3A_3305], %swap3A_3308 {strides = array<i32>} : memref<64x128xf32, #tpu.memory_space<vmem>>, vector<1x16xf32>,
      %mul3A_3309 = vector.broadcast %scan3A_16 : f32 to vector<16xf32>
      %mul3A_3310 = arith.mulf %add3A_3285, %mul3A_3309 : vector<16xf32>
      %mul3A_3311 = arith.constant 2 : i32
      %mul3A_3312 = arith.muli %add3A_28, %mul3A_3311 : i32
      %add3A_3313 = arith.constant 1 : i32
      %add3A_3314 = arith.addi %mul3A_3312, %add3A_3313 : i32
      %swap3A_3315 = arith.index_cast %add3A_3314 : i32 to index
      %swap3A_3316 = arith.constant 32 : index
      %swap3A_3317 = tpu.vector_load %arg7[%swap3A_3315, %swap3A_3316] {strides = array<i32>} : memref<64x128xf32, #tpu.memory_space<vmem>>, vector<1x16xf32>,
      %swap3A_3318 = vector.shape_cast %swap3A_3317 : vector<1x16xf32> to vector<16xf32>
      %swap3A_3319 = vector.shape_cast %mul3A_3310 : vector<16xf32> to vector<1x16xf32>
      tpu.vector_store %arg7[%swap3A_3315, %swap3A_3316], %swap3A_3319 {strides = array<i32>} : memref<64x128xf32, #tpu.memory_space<vmem>>, vector<1x16xf32>,
      %mul3A_3320 = vector.broadcast %scan3A_16 : f32 to vector<16xf32>
      %mul3A_3321 = arith.mulf %add3A_3286, %mul3A_3320 : vector<16xf32>
      %mul3A_3322 = arith.constant 2 : i32
      %mul3A_3323 = arith.muli %add3A_28, %mul3A_3322 : i32
      %add3A_3324 = arith.constant 1 : i32
      %add3A_3325 = arith.addi %mul3A_3323, %add3A_3324 : i32
      %swap3A_3326 = arith.index_cast %add3A_3325 : i32 to index
      %swap3A_3327 = arith.constant 48 : index
      %swap3A_3328 = tpu.vector_load %arg7[%swap3A_3326, %swap3A_3327] {strides = array<i32>} : memref<64x128xf32, #tpu.memory_space<vmem>>, vector<1x16xf32>,
      %swap3A_3329 = vector.shape_cast %swap3A_3328 : vector<1x16xf32> to vector<16xf32>
      %swap3A_3330 = vector.shape_cast %mul3A_3321 : vector<16xf32> to vector<1x16xf32>
      tpu.vector_store %arg7[%swap3A_3326, %swap3A_3327], %swap3A_3330 {strides = array<i32>} : memref<64x128xf32, #tpu.memory_space<vmem>>, vector<1x16xf32>,
      %slice3A_3331 = vector.extract_strided_slice %get3A_78 {offsets = [14], sizes = [1], strides = [1]} : vector<16xi32> to vector<1xi32>
      %squeeze3A_3332 = vector.extract %slice3A_3331[0] : i32 from vector<1xi32>
      %mul3A_3333 = arith.constant 64 : i32
      %mul3A_3334 = arith.muli %squeeze3A_3332, %mul3A_3333 : i32
      %add3A_3335 = arith.constant 0 : i32
      %add3A_3336 = arith.addi %mul3A_3334, %add3A_3335 : i32
      %get3A_3337 = arith.constant 78 : i32
      %get3A_3338 = arith.index_cast %rem3A_29 : i32 to index
      %get3A_3339 = arith.index_cast %get3A_3337 : i32 to index
      %get3A_3340 = arith.index_cast %add3A_3336 : i32 to index
      %get3A_3341 = tpu.vector_load %arg8[%get3A_3338, %get3A_3339, %get3A_3340] {strides = array<i32>} : memref<6x104x128xf32, #tpu.memory_space<vmem>>, vector<1x1x16xf32>,
      %get3A_3342 = vector.shape_cast %get3A_3341 : vector<1x1x16xf32> to vector<16xf32>
      %add3A_3343 = arith.constant 16 : i32
      %add3A_3344 = arith.addi %mul3A_3334, %add3A_3343 : i32
      %get3A_3345 = arith.constant 78 : i32
      %get3A_3346 = arith.index_cast %rem3A_29 : i32 to index
      %get3A_3347 = arith.index_cast %get3A_3345 : i32 to index
      %get3A_3348 = arith.index_cast %add3A_3344 : i32 to index
      %get3A_3349 = tpu.vector_load %arg8[%get3A_3346, %get3A_3347, %get3A_3348] {strides = array<i32>} : memref<6x104x128xf32, #tpu.memory_space<vmem>>, vector<1x1x16xf32>,
      %get3A_3350 = vector.shape_cast %get3A_3349 : vector<1x1x16xf32> to vector<16xf32>
      %add3A_3351 = arith.constant 32 : i32
      %add3A_3352 = arith.addi %mul3A_3334, %add3A_3351 : i32
      %get3A_3353 = arith.constant 78 : i32
      %get3A_3354 = arith.index_cast %rem3A_29 : i32 to index
      %get3A_3355 = arith.index_cast %get3A_3353 : i32 to index
      %get3A_3356 = arith.index_cast %add3A_3352 : i32 to index
      %get3A_3357 = tpu.vector_load %arg8[%get3A_3354, %get3A_3355, %get3A_3356] {strides = array<i32>} : memref<6x104x128xf32, #tpu.memory_space<vmem>>, vector<1x1x16xf32>,
      %get3A_3358 = vector.shape_cast %get3A_3357 : vector<1x1x16xf32> to vector<16xf32>
      %add3A_3359 = arith.constant 48 : i32
      %add3A_3360 = arith.addi %mul3A_3334, %add3A_3359 : i32
      %get3A_3361 = arith.constant 78 : i32
      %get3A_3362 = arith.index_cast %rem3A_29 : i32 to index
      %get3A_3363 = arith.index_cast %get3A_3361 : i32 to index
      %get3A_3364 = arith.index_cast %add3A_3360 : i32 to index
      %get3A_3365 = tpu.vector_load %arg8[%get3A_3362, %get3A_3363, %get3A_3364] {strides = array<i32>} : memref<6x104x128xf32, #tpu.memory_space<vmem>>, vector<1x1x16xf32>,
      %get3A_3366 = vector.shape_cast %get3A_3365 : vector<1x1x16xf32> to vector<16xf32>
      %slice3A_3367 = vector.extract_strided_slice %get3A_78 {offsets = [15], sizes = [1], strides = [1]} : vector<16xi32> to vector<1xi32>
      %squeeze3A_3368 = vector.extract %slice3A_3367[0] : i32 from vector<1xi32>
      %mul3A_3369 = arith.constant 64 : i32
      %mul3A_3370 = arith.muli %squeeze3A_3368, %mul3A_3369 : i32
      %add3A_3371 = arith.constant 0 : i32
      %add3A_3372 = arith.addi %mul3A_3370, %add3A_3371 : i32
      %get3A_3373 = arith.constant 79 : i32
      %get3A_3374 = arith.index_cast %rem3A_29 : i32 to index
      %get3A_3375 = arith.index_cast %get3A_3373 : i32 to index
      %get3A_3376 = arith.index_cast %add3A_3372 : i32 to index
      %get3A_3377 = tpu.vector_load %arg8[%get3A_3374, %get3A_3375, %get3A_3376] {strides = array<i32>} : memref<6x104x128xf32, #tpu.memory_space<vmem>>, vector<1x1x16xf32>,
      %get3A_3378 = vector.shape_cast %get3A_3377 : vector<1x1x16xf32> to vector<16xf32>
      %add3A_3379 = arith.constant 16 : i32
      %add3A_3380 = arith.addi %mul3A_3370, %add3A_3379 : i32
      %get3A_3381 = arith.constant 79 : i32
      %get3A_3382 = arith.index_cast %rem3A_29 : i32 to index
      %get3A_3383 = arith.index_cast %get3A_3381 : i32 to index
      %get3A_3384 = arith.index_cast %add3A_3380 : i32 to index
      %get3A_3385 = tpu.vector_load %arg8[%get3A_3382, %get3A_3383, %get3A_3384] {strides = array<i32>} : memref<6x104x128xf32, #tpu.memory_space<vmem>>, vector<1x1x16xf32>,
      %get3A_3386 = vector.shape_cast %get3A_3385 : vector<1x1x16xf32> to vector<16xf32>
      %add3A_3387 = arith.constant 32 : i32
      %add3A_3388 = arith.addi %mul3A_3370, %add3A_3387 : i32
      %get3A_3389 = arith.constant 79 : i32
      %get3A_3390 = arith.index_cast %rem3A_29 : i32 to index
      %get3A_3391 = arith.index_cast %get3A_3389 : i32 to index
      %get3A_3392 = arith.index_cast %add3A_3388 : i32 to index
      %get3A_3393 = tpu.vector_load %arg8[%get3A_3390, %get3A_3391, %get3A_3392] {strides = array<i32>} : memref<6x104x128xf32, #tpu.memory_space<vmem>>, vector<1x1x16xf32>,
      %get3A_3394 = vector.shape_cast %get3A_3393 : vector<1x1x16xf32> to vector<16xf32>
      %add3A_3395 = arith.constant 48 : i32
      %add3A_3396 = arith.addi %mul3A_3370, %add3A_3395 : i32
      %get3A_3397 = arith.constant 79 : i32
      %get3A_3398 = arith.index_cast %rem3A_29 : i32 to index
      %get3A_3399 = arith.index_cast %get3A_3397 : i32 to index
      %get3A_3400 = arith.index_cast %add3A_3396 : i32 to index
      %get3A_3401 = tpu.vector_load %arg8[%get3A_3398, %get3A_3399, %get3A_3400] {strides = array<i32>} : memref<6x104x128xf32, #tpu.memory_space<vmem>>, vector<1x1x16xf32>,
      %get3A_3402 = vector.shape_cast %get3A_3401 : vector<1x1x16xf32> to vector<16xf32>
      %add3A_3403 = arith.addf %get3A_3342, %get3A_3378 : vector<16xf32>
      %add3A_3404 = arith.addf %get3A_3350, %get3A_3386 : vector<16xf32>
      %add3A_3405 = arith.addf %get3A_3358, %get3A_3394 : vector<16xf32>
      %add3A_3406 = arith.addf %get3A_3366, %get3A_3402 : vector<16xf32>
      %slice3A_3407 = vector.extract_strided_slice %get3A_85 {offsets = [0], sizes = [1], strides = [1]} : vector<16xi32> to vector<1xi32>
      %squeeze3A_3408 = vector.extract %slice3A_3407[0] : i32 from vector<1xi32>
      %mul3A_3409 = arith.constant 64 : i32
      %mul3A_3410 = arith.muli %squeeze3A_3408, %mul3A_3409 : i32
      %add3A_3411 = arith.constant 0 : i32
      %add3A_3412 = arith.addi %mul3A_3410, %add3A_3411 : i32
      %get3A_3413 = arith.constant 80 : i32
      %get3A_3414 = arith.index_cast %rem3A_29 : i32 to index
      %get3A_3415 = arith.index_cast %get3A_3413 : i32 to index
      %get3A_3416 = arith.index_cast %add3A_3412 : i32 to index
      %get3A_3417 = tpu.vector_load %arg8[%get3A_3414, %get3A_3415, %get3A_3416] {strides = array<i32>} : memref<6x104x128xf32, #tpu.memory_space<vmem>>, vector<1x1x16xf32>,
      %get3A_3418 = vector.shape_cast %get3A_3417 : vector<1x1x16xf32> to vector<16xf32>
      %add3A_3419 = arith.constant 16 : i32
      %add3A_3420 = arith.addi %mul3A_3410, %add3A_3419 : i32
      %get3A_3421 = arith.constant 80 : i32
      %get3A_3422 = arith.index_cast %rem3A_29 : i32 to index
      %get3A_3423 = arith.index_cast %get3A_3421 : i32 to index
      %get3A_3424 = arith.index_cast %add3A_3420 : i32 to index
      %get3A_3425 = tpu.vector_load %arg8[%get3A_3422, %get3A_3423, %get3A_3424] {strides = array<i32>} : memref<6x104x128xf32, #tpu.memory_space<vmem>>, vector<1x1x16xf32>,
      %get3A_3426 = vector.shape_cast %get3A_3425 : vector<1x1x16xf32> to vector<16xf32>
      %add3A_3427 = arith.constant 32 : i32
      %add3A_3428 = arith.addi %mul3A_3410, %add3A_3427 : i32
      %get3A_3429 = arith.constant 80 : i32
      %get3A_3430 = arith.index_cast %rem3A_29 : i32 to index
      %get3A_3431 = arith.index_cast %get3A_3429 : i32 to index
      %get3A_3432 = arith.index_cast %add3A_3428 : i32 to index
      %get3A_3433 = tpu.vector_load %arg8[%get3A_3430, %get3A_3431, %get3A_3432] {strides = array<i32>} : memref<6x104x128xf32, #tpu.memory_space<vmem>>, vector<1x1x16xf32>,
      %get3A_3434 = vector.shape_cast %get3A_3433 : vector<1x1x16xf32> to vector<16xf32>
      %add3A_3435 = arith.constant 48 : i32
      %add3A_3436 = arith.addi %mul3A_3410, %add3A_3435 : i32
      %get3A_3437 = arith.constant 80 : i32
      %get3A_3438 = arith.index_cast %rem3A_29 : i32 to index
      %get3A_3439 = arith.index_cast %get3A_3437 : i32 to index
      %get3A_3440 = arith.index_cast %add3A_3436 : i32 to index
      %get3A_3441 = tpu.vector_load %arg8[%get3A_3438, %get3A_3439, %get3A_3440] {strides = array<i32>} : memref<6x104x128xf32, #tpu.memory_space<vmem>>, vector<1x1x16xf32>,
      %get3A_3442 = vector.shape_cast %get3A_3441 : vector<1x1x16xf32> to vector<16xf32>
      %add3A_3443 = arith.addf %add3A_3403, %get3A_3418 : vector<16xf32>
      %add3A_3444 = arith.addf %add3A_3404, %get3A_3426 : vector<16xf32>
      %add3A_3445 = arith.addf %add3A_3405, %get3A_3434 : vector<16xf32>
      %add3A_3446 = arith.addf %add3A_3406, %get3A_3442 : vector<16xf32>
      %slice3A_3447 = vector.extract_strided_slice %get3A_85 {offsets = [1], sizes = [1], strides = [1]} : vector<16xi32> to vector<1xi32>
      %squeeze3A_3448 = vector.extract %slice3A_3447[0] : i32 from vector<1xi32>
      %mul3A_3449 = arith.constant 64 : i32
      %mul3A_3450 = arith.muli %squeeze3A_3448, %mul3A_3449 : i32
      %add3A_3451 = arith.constant 0 : i32
      %add3A_3452 = arith.addi %mul3A_3450, %add3A_3451 : i32
      %get3A_3453 = arith.constant 81 : i32
      %get3A_3454 = arith.index_cast %rem3A_29 : i32 to index
      %get3A_3455 = arith.index_cast %get3A_3453 : i32 to index
      %get3A_3456 = arith.index_cast %add3A_3452 : i32 to index
      %get3A_3457 = tpu.vector_load %arg8[%get3A_3454, %get3A_3455, %get3A_3456] {strides = array<i32>} : memref<6x104x128xf32, #tpu.memory_space<vmem>>, vector<1x1x16xf32>,
      %get3A_3458 = vector.shape_cast %get3A_3457 : vector<1x1x16xf32> to vector<16xf32>
      %add3A_3459 = arith.constant 16 : i32
      %add3A_3460 = arith.addi %mul3A_3450, %add3A_3459 : i32
      %get3A_3461 = arith.constant 81 : i32
      %get3A_3462 = arith.index_cast %rem3A_29 : i32 to index
      %get3A_3463 = arith.index_cast %get3A_3461 : i32 to index
      %get3A_3464 = arith.index_cast %add3A_3460 : i32 to index
      %get3A_3465 = tpu.vector_load %arg8[%get3A_3462, %get3A_3463, %get3A_3464] {strides = array<i32>} : memref<6x104x128xf32, #tpu.memory_space<vmem>>, vector<1x1x16xf32>,
      %get3A_3466 = vector.shape_cast %get3A_3465 : vector<1x1x16xf32> to vector<16xf32>
      %add3A_3467 = arith.constant 32 : i32
      %add3A_3468 = arith.addi %mul3A_3450, %add3A_3467 : i32
      %get3A_3469 = arith.constant 81 : i32
      %get3A_3470 = arith.index_cast %rem3A_29 : i32 to index
      %get3A_3471 = arith.index_cast %get3A_3469 : i32 to index
      %get3A_3472 = arith.index_cast %add3A_3468 : i32 to index
      %get3A_3473 = tpu.vector_load %arg8[%get3A_3470, %get3A_3471, %get3A_3472] {strides = array<i32>} : memref<6x104x128xf32, #tpu.memory_space<vmem>>, vector<1x1x16xf32>,
      %get3A_3474 = vector.shape_cast %get3A_3473 : vector<1x1x16xf32> to vector<16xf32>
      %add3A_3475 = arith.constant 48 : i32
      %add3A_3476 = arith.addi %mul3A_3450, %add3A_3475 : i32
      %get3A_3477 = arith.constant 81 : i32
      %get3A_3478 = arith.index_cast %rem3A_29 : i32 to index
      %get3A_3479 = arith.index_cast %get3A_3477 : i32 to index
      %get3A_3480 = arith.index_cast %add3A_3476 : i32 to index
      %get3A_3481 = tpu.vector_load %arg8[%get3A_3478, %get3A_3479, %get3A_3480] {strides = array<i32>} : memref<6x104x128xf32, #tpu.memory_space<vmem>>, vector<1x1x16xf32>,
      %get3A_3482 = vector.shape_cast %get3A_3481 : vector<1x1x16xf32> to vector<16xf32>
      %add3A_3483 = arith.addf %add3A_3443, %get3A_3458 : vector<16xf32>
      %add3A_3484 = arith.addf %add3A_3444, %get3A_3466 : vector<16xf32>
      %add3A_3485 = arith.addf %add3A_3445, %get3A_3474 : vector<16xf32>
      %add3A_3486 = arith.addf %add3A_3446, %get3A_3482 : vector<16xf32>
      %slice3A_3487 = vector.extract_strided_slice %get3A_85 {offsets = [2], sizes = [1], strides = [1]} : vector<16xi32> to vector<1xi32>
      %squeeze3A_3488 = vector.extract %slice3A_3487[0] : i32 from vector<1xi32>
      %mul3A_3489 = arith.constant 64 : i32
      %mul3A_3490 = arith.muli %squeeze3A_3488, %mul3A_3489 : i32
      %add3A_3491 = arith.constant 0 : i32
      %add3A_3492 = arith.addi %mul3A_3490, %add3A_3491 : i32
      %get3A_3493 = arith.constant 82 : i32
      %get3A_3494 = arith.index_cast %rem3A_29 : i32 to index
      %get3A_3495 = arith.index_cast %get3A_3493 : i32 to index
      %get3A_3496 = arith.index_cast %add3A_3492 : i32 to index
      %get3A_3497 = tpu.vector_load %arg8[%get3A_3494, %get3A_3495, %get3A_3496] {strides = array<i32>} : memref<6x104x128xf32, #tpu.memory_space<vmem>>, vector<1x1x16xf32>,
      %get3A_3498 = vector.shape_cast %get3A_3497 : vector<1x1x16xf32> to vector<16xf32>
      %add3A_3499 = arith.constant 16 : i32
      %add3A_3500 = arith.addi %mul3A_3490, %add3A_3499 : i32
      %get3A_3501 = arith.constant 82 : i32
      %get3A_3502 = arith.index_cast %rem3A_29 : i32 to index
      %get3A_3503 = arith.index_cast %get3A_3501 : i32 to index
      %get3A_3504 = arith.index_cast %add3A_3500 : i32 to index
      %get3A_3505 = tpu.vector_load %arg8[%get3A_3502, %get3A_3503, %get3A_3504] {strides = array<i32>} : memref<6x104x128xf32, #tpu.memory_space<vmem>>, vector<1x1x16xf32>,
      %get3A_3506 = vector.shape_cast %get3A_3505 : vector<1x1x16xf32> to vector<16xf32>
      %add3A_3507 = arith.constant 32 : i32
      %add3A_3508 = arith.addi %mul3A_3490, %add3A_3507 : i32
      %get3A_3509 = arith.constant 82 : i32
      %get3A_3510 = arith.index_cast %rem3A_29 : i32 to index
      %get3A_3511 = arith.index_cast %get3A_3509 : i32 to index
      %get3A_3512 = arith.index_cast %add3A_3508 : i32 to index
      %get3A_3513 = tpu.vector_load %arg8[%get3A_3510, %get3A_3511, %get3A_3512] {strides = array<i32>} : memref<6x104x128xf32, #tpu.memory_space<vmem>>, vector<1x1x16xf32>,
      %get3A_3514 = vector.shape_cast %get3A_3513 : vector<1x1x16xf32> to vector<16xf32>
      %add3A_3515 = arith.constant 48 : i32
      %add3A_3516 = arith.addi %mul3A_3490, %add3A_3515 : i32
      %get3A_3517 = arith.constant 82 : i32
      %get3A_3518 = arith.index_cast %rem3A_29 : i32 to index
      %get3A_3519 = arith.index_cast %get3A_3517 : i32 to index
      %get3A_3520 = arith.index_cast %add3A_3516 : i32 to index
      %get3A_3521 = tpu.vector_load %arg8[%get3A_3518, %get3A_3519, %get3A_3520] {strides = array<i32>} : memref<6x104x128xf32, #tpu.memory_space<vmem>>, vector<1x1x16xf32>,
      %get3A_3522 = vector.shape_cast %get3A_3521 : vector<1x1x16xf32> to vector<16xf32>
      %add3A_3523 = arith.addf %add3A_3483, %get3A_3498 : vector<16xf32>
      %add3A_3524 = arith.addf %add3A_3484, %get3A_3506 : vector<16xf32>
      %add3A_3525 = arith.addf %add3A_3485, %get3A_3514 : vector<16xf32>
      %add3A_3526 = arith.addf %add3A_3486, %get3A_3522 : vector<16xf32>
      %slice3A_3527 = vector.extract_strided_slice %get3A_85 {offsets = [3], sizes = [1], strides = [1]} : vector<16xi32> to vector<1xi32>
      %squeeze3A_3528 = vector.extract %slice3A_3527[0] : i32 from vector<1xi32>
      %mul3A_3529 = arith.constant 64 : i32
      %mul3A_3530 = arith.muli %squeeze3A_3528, %mul3A_3529 : i32
      %add3A_3531 = arith.constant 0 : i32
      %add3A_3532 = arith.addi %mul3A_3530, %add3A_3531 : i32
      %get3A_3533 = arith.constant 83 : i32
      %get3A_3534 = arith.index_cast %rem3A_29 : i32 to index
      %get3A_3535 = arith.index_cast %get3A_3533 : i32 to index
      %get3A_3536 = arith.index_cast %add3A_3532 : i32 to index
      %get3A_3537 = tpu.vector_load %arg8[%get3A_3534, %get3A_3535, %get3A_3536] {strides = array<i32>} : memref<6x104x128xf32, #tpu.memory_space<vmem>>, vector<1x1x16xf32>,
      %get3A_3538 = vector.shape_cast %get3A_3537 : vector<1x1x16xf32> to vector<16xf32>
      %add3A_3539 = arith.constant 16 : i32
      %add3A_3540 = arith.addi %mul3A_3530, %add3A_3539 : i32
      %get3A_3541 = arith.constant 83 : i32
      %get3A_3542 = arith.index_cast %rem3A_29 : i32 to index
      %get3A_3543 = arith.index_cast %get3A_3541 : i32 to index
      %get3A_3544 = arith.index_cast %add3A_3540 : i32 to index
      %get3A_3545 = tpu.vector_load %arg8[%get3A_3542, %get3A_3543, %get3A_3544] {strides = array<i32>} : memref<6x104x128xf32, #tpu.memory_space<vmem>>, vector<1x1x16xf32>,
      %get3A_3546 = vector.shape_cast %get3A_3545 : vector<1x1x16xf32> to vector<16xf32>
      %add3A_3547 = arith.constant 32 : i32
      %add3A_3548 = arith.addi %mul3A_3530, %add3A_3547 : i32
      %get3A_3549 = arith.constant 83 : i32
      %get3A_3550 = arith.index_cast %rem3A_29 : i32 to index
      %get3A_3551 = arith.index_cast %get3A_3549 : i32 to index
      %get3A_3552 = arith.index_cast %add3A_3548 : i32 to index
      %get3A_3553 = tpu.vector_load %arg8[%get3A_3550, %get3A_3551, %get3A_3552] {strides = array<i32>} : memref<6x104x128xf32, #tpu.memory_space<vmem>>, vector<1x1x16xf32>,
      %get3A_3554 = vector.shape_cast %get3A_3553 : vector<1x1x16xf32> to vector<16xf32>
      %add3A_3555 = arith.constant 48 : i32
      %add3A_3556 = arith.addi %mul3A_3530, %add3A_3555 : i32
      %get3A_3557 = arith.constant 83 : i32
      %get3A_3558 = arith.index_cast %rem3A_29 : i32 to index
      %get3A_3559 = arith.index_cast %get3A_3557 : i32 to index
      %get3A_3560 = arith.index_cast %add3A_3556 : i32 to index
      %get3A_3561 = tpu.vector_load %arg8[%get3A_3558, %get3A_3559, %get3A_3560] {strides = array<i32>} : memref<6x104x128xf32, #tpu.memory_space<vmem>>, vector<1x1x16xf32>,
      %get3A_3562 = vector.shape_cast %get3A_3561 : vector<1x1x16xf32> to vector<16xf32>
      %add3A_3563 = arith.addf %add3A_3523, %get3A_3538 : vector<16xf32>
      %add3A_3564 = arith.addf %add3A_3524, %get3A_3546 : vector<16xf32>
      %add3A_3565 = arith.addf %add3A_3525, %get3A_3554 : vector<16xf32>
      %add3A_3566 = arith.addf %add3A_3526, %get3A_3562 : vector<16xf32>
      %slice3A_3567 = vector.extract_strided_slice %get3A_85 {offsets = [4], sizes = [1], strides = [1]} : vector<16xi32> to vector<1xi32>
      %squeeze3A_3568 = vector.extract %slice3A_3567[0] : i32 from vector<1xi32>
      %mul3A_3569 = arith.constant 64 : i32
      %mul3A_3570 = arith.muli %squeeze3A_3568, %mul3A_3569 : i32
      %add3A_3571 = arith.constant 0 : i32
      %add3A_3572 = arith.addi %mul3A_3570, %add3A_3571 : i32
      %get3A_3573 = arith.constant 84 : i32
      %get3A_3574 = arith.index_cast %rem3A_29 : i32 to index
      %get3A_3575 = arith.index_cast %get3A_3573 : i32 to index
      %get3A_3576 = arith.index_cast %add3A_3572 : i32 to index
      %get3A_3577 = tpu.vector_load %arg8[%get3A_3574, %get3A_3575, %get3A_3576] {strides = array<i32>} : memref<6x104x128xf32, #tpu.memory_space<vmem>>, vector<1x1x16xf32>,
      %get3A_3578 = vector.shape_cast %get3A_3577 : vector<1x1x16xf32> to vector<16xf32>
      %add3A_3579 = arith.constant 16 : i32
      %add3A_3580 = arith.addi %mul3A_3570, %add3A_3579 : i32
      %get3A_3581 = arith.constant 84 : i32
      %get3A_3582 = arith.index_cast %rem3A_29 : i32 to index
      %get3A_3583 = arith.index_cast %get3A_3581 : i32 to index
      %get3A_3584 = arith.index_cast %add3A_3580 : i32 to index
      %get3A_3585 = tpu.vector_load %arg8[%get3A_3582, %get3A_3583, %get3A_3584] {strides = array<i32>} : memref<6x104x128xf32, #tpu.memory_space<vmem>>, vector<1x1x16xf32>,
      %get3A_3586 = vector.shape_cast %get3A_3585 : vector<1x1x16xf32> to vector<16xf32>
      %add3A_3587 = arith.constant 32 : i32
      %add3A_3588 = arith.addi %mul3A_3570, %add3A_3587 : i32
      %get3A_3589 = arith.constant 84 : i32
      %get3A_3590 = arith.index_cast %rem3A_29 : i32 to index
      %get3A_3591 = arith.index_cast %get3A_3589 : i32 to index
      %get3A_3592 = arith.index_cast %add3A_3588 : i32 to index
      %get3A_3593 = tpu.vector_load %arg8[%get3A_3590, %get3A_3591, %get3A_3592] {strides = array<i32>} : memref<6x104x128xf32, #tpu.memory_space<vmem>>, vector<1x1x16xf32>,
      %get3A_3594 = vector.shape_cast %get3A_3593 : vector<1x1x16xf32> to vector<16xf32>
      %add3A_3595 = arith.constant 48 : i32
      %add3A_3596 = arith.addi %mul3A_3570, %add3A_3595 : i32
      %get3A_3597 = arith.constant 84 : i32
      %get3A_3598 = arith.index_cast %rem3A_29 : i32 to index
      %get3A_3599 = arith.index_cast %get3A_3597 : i32 to index
      %get3A_3600 = arith.index_cast %add3A_3596 : i32 to index
      %get3A_3601 = tpu.vector_load %arg8[%get3A_3598, %get3A_3599, %get3A_3600] {strides = array<i32>} : memref<6x104x128xf32, #tpu.memory_space<vmem>>, vector<1x1x16xf32>,
      %get3A_3602 = vector.shape_cast %get3A_3601 : vector<1x1x16xf32> to vector<16xf32>
      %add3A_3603 = arith.addf %add3A_3563, %get3A_3578 : vector<16xf32>
      %add3A_3604 = arith.addf %add3A_3564, %get3A_3586 : vector<16xf32>
      %add3A_3605 = arith.addf %add3A_3565, %get3A_3594 : vector<16xf32>
      %add3A_3606 = arith.addf %add3A_3566, %get3A_3602 : vector<16xf32>
      %slice3A_3607 = vector.extract_strided_slice %get3A_85 {offsets = [5], sizes = [1], strides = [1]} : vector<16xi32> to vector<1xi32>
      %squeeze3A_3608 = vector.extract %slice3A_3607[0] : i32 from vector<1xi32>
      %mul3A_3609 = arith.constant 64 : i32
      %mul3A_3610 = arith.muli %squeeze3A_3608, %mul3A_3609 : i32
      %add3A_3611 = arith.constant 0 : i32
      %add3A_3612 = arith.addi %mul3A_3610, %add3A_3611 : i32
      %get3A_3613 = arith.constant 85 : i32
      %get3A_3614 = arith.index_cast %rem3A_29 : i32 to index
      %get3A_3615 = arith.index_cast %get3A_3613 : i32 to index
      %get3A_3616 = arith.index_cast %add3A_3612 : i32 to index
      %get3A_3617 = tpu.vector_load %arg8[%get3A_3614, %get3A_3615, %get3A_3616] {strides = array<i32>} : memref<6x104x128xf32, #tpu.memory_space<vmem>>, vector<1x1x16xf32>,
      %get3A_3618 = vector.shape_cast %get3A_3617 : vector<1x1x16xf32> to vector<16xf32>
      %add3A_3619 = arith.constant 16 : i32
      %add3A_3620 = arith.addi %mul3A_3610, %add3A_3619 : i32
      %get3A_3621 = arith.constant 85 : i32
      %get3A_3622 = arith.index_cast %rem3A_29 : i32 to index
      %get3A_3623 = arith.index_cast %get3A_3621 : i32 to index
      %get3A_3624 = arith.index_cast %add3A_3620 : i32 to index
      %get3A_3625 = tpu.vector_load %arg8[%get3A_3622, %get3A_3623, %get3A_3624] {strides = array<i32>} : memref<6x104x128xf32, #tpu.memory_space<vmem>>, vector<1x1x16xf32>,
      %get3A_3626 = vector.shape_cast %get3A_3625 : vector<1x1x16xf32> to vector<16xf32>
      %add3A_3627 = arith.constant 32 : i32
      %add3A_3628 = arith.addi %mul3A_3610, %add3A_3627 : i32
      %get3A_3629 = arith.constant 85 : i32
      %get3A_3630 = arith.index_cast %rem3A_29 : i32 to index
      %get3A_3631 = arith.index_cast %get3A_3629 : i32 to index
      %get3A_3632 = arith.index_cast %add3A_3628 : i32 to index
      %get3A_3633 = tpu.vector_load %arg8[%get3A_3630, %get3A_3631, %get3A_3632] {strides = array<i32>} : memref<6x104x128xf32, #tpu.memory_space<vmem>>, vector<1x1x16xf32>,
      %get3A_3634 = vector.shape_cast %get3A_3633 : vector<1x1x16xf32> to vector<16xf32>
      %add3A_3635 = arith.constant 48 : i32
      %add3A_3636 = arith.addi %mul3A_3610, %add3A_3635 : i32
      %get3A_3637 = arith.constant 85 : i32
      %get3A_3638 = arith.index_cast %rem3A_29 : i32 to index
      %get3A_3639 = arith.index_cast %get3A_3637 : i32 to index
      %get3A_3640 = arith.index_cast %add3A_3636 : i32 to index
      %get3A_3641 = tpu.vector_load %arg8[%get3A_3638, %get3A_3639, %get3A_3640] {strides = array<i32>} : memref<6x104x128xf32, #tpu.memory_space<vmem>>, vector<1x1x16xf32>,
      %get3A_3642 = vector.shape_cast %get3A_3641 : vector<1x1x16xf32> to vector<16xf32>
      %add3A_3643 = arith.addf %add3A_3603, %get3A_3618 : vector<16xf32>
      %add3A_3644 = arith.addf %add3A_3604, %get3A_3626 : vector<16xf32>
      %add3A_3645 = arith.addf %add3A_3605, %get3A_3634 : vector<16xf32>
      %add3A_3646 = arith.addf %add3A_3606, %get3A_3642 : vector<16xf32>
      %slice3A_3647 = vector.extract_strided_slice %get3A_85 {offsets = [6], sizes = [1], strides = [1]} : vector<16xi32> to vector<1xi32>
      %squeeze3A_3648 = vector.extract %slice3A_3647[0] : i32 from vector<1xi32>
      %mul3A_3649 = arith.constant 64 : i32
      %mul3A_3650 = arith.muli %squeeze3A_3648, %mul3A_3649 : i32
      %add3A_3651 = arith.constant 0 : i32
      %add3A_3652 = arith.addi %mul3A_3650, %add3A_3651 : i32
      %get3A_3653 = arith.constant 86 : i32
      %get3A_3654 = arith.index_cast %rem3A_29 : i32 to index
      %get3A_3655 = arith.index_cast %get3A_3653 : i32 to index
      %get3A_3656 = arith.index_cast %add3A_3652 : i32 to index
      %get3A_3657 = tpu.vector_load %arg8[%get3A_3654, %get3A_3655, %get3A_3656] {strides = array<i32>} : memref<6x104x128xf32, #tpu.memory_space<vmem>>, vector<1x1x16xf32>,
      %get3A_3658 = vector.shape_cast %get3A_3657 : vector<1x1x16xf32> to vector<16xf32>
      %add3A_3659 = arith.constant 16 : i32
      %add3A_3660 = arith.addi %mul3A_3650, %add3A_3659 : i32
      %get3A_3661 = arith.constant 86 : i32
      %get3A_3662 = arith.index_cast %rem3A_29 : i32 to index
      %get3A_3663 = arith.index_cast %get3A_3661 : i32 to index
      %get3A_3664 = arith.index_cast %add3A_3660 : i32 to index
      %get3A_3665 = tpu.vector_load %arg8[%get3A_3662, %get3A_3663, %get3A_3664] {strides = array<i32>} : memref<6x104x128xf32, #tpu.memory_space<vmem>>, vector<1x1x16xf32>,
      %get3A_3666 = vector.shape_cast %get3A_3665 : vector<1x1x16xf32> to vector<16xf32>
      %add3A_3667 = arith.constant 32 : i32
      %add3A_3668 = arith.addi %mul3A_3650, %add3A_3667 : i32
      %get3A_3669 = arith.constant 86 : i32
      %get3A_3670 = arith.index_cast %rem3A_29 : i32 to index
      %get3A_3671 = arith.index_cast %get3A_3669 : i32 to index
      %get3A_3672 = arith.index_cast %add3A_3668 : i32 to index
      %get3A_3673 = tpu.vector_load %arg8[%get3A_3670, %get3A_3671, %get3A_3672] {strides = array<i32>} : memref<6x104x128xf32, #tpu.memory_space<vmem>>, vector<1x1x16xf32>,
      %get3A_3674 = vector.shape_cast %get3A_3673 : vector<1x1x16xf32> to vector<16xf32>
      %add3A_3675 = arith.constant 48 : i32
      %add3A_3676 = arith.addi %mul3A_3650, %add3A_3675 : i32
      %get3A_3677 = arith.constant 86 : i32
      %get3A_3678 = arith.index_cast %rem3A_29 : i32 to index
      %get3A_3679 = arith.index_cast %get3A_3677 : i32 to index
      %get3A_3680 = arith.index_cast %add3A_3676 : i32 to index
      %get3A_3681 = tpu.vector_load %arg8[%get3A_3678, %get3A_3679, %get3A_3680] {strides = array<i32>} : memref<6x104x128xf32, #tpu.memory_space<vmem>>, vector<1x1x16xf32>,
      %get3A_3682 = vector.shape_cast %get3A_3681 : vector<1x1x16xf32> to vector<16xf32>
      %add3A_3683 = arith.addf %add3A_3643, %get3A_3658 : vector<16xf32>
      %add3A_3684 = arith.addf %add3A_3644, %get3A_3666 : vector<16xf32>
      %add3A_3685 = arith.addf %add3A_3645, %get3A_3674 : vector<16xf32>
      %add3A_3686 = arith.addf %add3A_3646, %get3A_3682 : vector<16xf32>
      %slice3A_3687 = vector.extract_strided_slice %get3A_85 {offsets = [7], sizes = [1], strides = [1]} : vector<16xi32> to vector<1xi32>
      %squeeze3A_3688 = vector.extract %slice3A_3687[0] : i32 from vector<1xi32>
      %mul3A_3689 = arith.constant 64 : i32
      %mul3A_3690 = arith.muli %squeeze3A_3688, %mul3A_3689 : i32
      %add3A_3691 = arith.constant 0 : i32
      %add3A_3692 = arith.addi %mul3A_3690, %add3A_3691 : i32
      %get3A_3693 = arith.constant 87 : i32
      %get3A_3694 = arith.index_cast %rem3A_29 : i32 to index
      %get3A_3695 = arith.index_cast %get3A_3693 : i32 to index
      %get3A_3696 = arith.index_cast %add3A_3692 : i32 to index
      %get3A_3697 = tpu.vector_load %arg8[%get3A_3694, %get3A_3695, %get3A_3696] {strides = array<i32>} : memref<6x104x128xf32, #tpu.memory_space<vmem>>, vector<1x1x16xf32>,
      %get3A_3698 = vector.shape_cast %get3A_3697 : vector<1x1x16xf32> to vector<16xf32>
      %add3A_3699 = arith.constant 16 : i32
      %add3A_3700 = arith.addi %mul3A_3690, %add3A_3699 : i32
      %get3A_3701 = arith.constant 87 : i32
      %get3A_3702 = arith.index_cast %rem3A_29 : i32 to index
      %get3A_3703 = arith.index_cast %get3A_3701 : i32 to index
      %get3A_3704 = arith.index_cast %add3A_3700 : i32 to index
      %get3A_3705 = tpu.vector_load %arg8[%get3A_3702, %get3A_3703, %get3A_3704] {strides = array<i32>} : memref<6x104x128xf32, #tpu.memory_space<vmem>>, vector<1x1x16xf32>,
      %get3A_3706 = vector.shape_cast %get3A_3705 : vector<1x1x16xf32> to vector<16xf32>
      %add3A_3707 = arith.constant 32 : i32
      %add3A_3708 = arith.addi %mul3A_3690, %add3A_3707 : i32
      %get3A_3709 = arith.constant 87 : i32
      %get3A_3710 = arith.index_cast %rem3A_29 : i32 to index
      %get3A_3711 = arith.index_cast %get3A_3709 : i32 to index
      %get3A_3712 = arith.index_cast %add3A_3708 : i32 to index
      %get3A_3713 = tpu.vector_load %arg8[%get3A_3710, %get3A_3711, %get3A_3712] {strides = array<i32>} : memref<6x104x128xf32, #tpu.memory_space<vmem>>, vector<1x1x16xf32>,
      %get3A_3714 = vector.shape_cast %get3A_3713 : vector<1x1x16xf32> to vector<16xf32>
      %add3A_3715 = arith.constant 48 : i32
      %add3A_3716 = arith.addi %mul3A_3690, %add3A_3715 : i32
      %get3A_3717 = arith.constant 87 : i32
      %get3A_3718 = arith.index_cast %rem3A_29 : i32 to index
      %get3A_3719 = arith.index_cast %get3A_3717 : i32 to index
      %get3A_3720 = arith.index_cast %add3A_3716 : i32 to index
      %get3A_3721 = tpu.vector_load %arg8[%get3A_3718, %get3A_3719, %get3A_3720] {strides = array<i32>} : memref<6x104x128xf32, #tpu.memory_space<vmem>>, vector<1x1x16xf32>,
      %get3A_3722 = vector.shape_cast %get3A_3721 : vector<1x1x16xf32> to vector<16xf32>
      %add3A_3723 = arith.addf %add3A_3683, %get3A_3698 : vector<16xf32>
      %add3A_3724 = arith.addf %add3A_3684, %get3A_3706 : vector<16xf32>
      %add3A_3725 = arith.addf %add3A_3685, %get3A_3714 : vector<16xf32>
      %add3A_3726 = arith.addf %add3A_3686, %get3A_3722 : vector<16xf32>
      %slice3A_3727 = vector.extract_strided_slice %get3A_85 {offsets = [8], sizes = [1], strides = [1]} : vector<16xi32> to vector<1xi32>
      %squeeze3A_3728 = vector.extract %slice3A_3727[0] : i32 from vector<1xi32>
      %mul3A_3729 = arith.constant 64 : i32
      %mul3A_3730 = arith.muli %squeeze3A_3728, %mul3A_3729 : i32
      %add3A_3731 = arith.constant 0 : i32
      %add3A_3732 = arith.addi %mul3A_3730, %add3A_3731 : i32
      %get3A_3733 = arith.constant 88 : i32
      %get3A_3734 = arith.index_cast %rem3A_29 : i32 to index
      %get3A_3735 = arith.index_cast %get3A_3733 : i32 to index
      %get3A_3736 = arith.index_cast %add3A_3732 : i32 to index
      %get3A_3737 = tpu.vector_load %arg8[%get3A_3734, %get3A_3735, %get3A_3736] {strides = array<i32>} : memref<6x104x128xf32, #tpu.memory_space<vmem>>, vector<1x1x16xf32>,
      %get3A_3738 = vector.shape_cast %get3A_3737 : vector<1x1x16xf32> to vector<16xf32>
      %add3A_3739 = arith.constant 16 : i32
      %add3A_3740 = arith.addi %mul3A_3730, %add3A_3739 : i32
      %get3A_3741 = arith.constant 88 : i32
      %get3A_3742 = arith.index_cast %rem3A_29 : i32 to index
      %get3A_3743 = arith.index_cast %get3A_3741 : i32 to index
      %get3A_3744 = arith.index_cast %add3A_3740 : i32 to index
      %get3A_3745 = tpu.vector_load %arg8[%get3A_3742, %get3A_3743, %get3A_3744] {strides = array<i32>} : memref<6x104x128xf32, #tpu.memory_space<vmem>>, vector<1x1x16xf32>,
      %get3A_3746 = vector.shape_cast %get3A_3745 : vector<1x1x16xf32> to vector<16xf32>
      %add3A_3747 = arith.constant 32 : i32
      %add3A_3748 = arith.addi %mul3A_3730, %add3A_3747 : i32
      %get3A_3749 = arith.constant 88 : i32
      %get3A_3750 = arith.index_cast %rem3A_29 : i32 to index
      %get3A_3751 = arith.index_cast %get3A_3749 : i32 to index
      %get3A_3752 = arith.index_cast %add3A_3748 : i32 to index
      %get3A_3753 = tpu.vector_load %arg8[%get3A_3750, %get3A_3751, %get3A_3752] {strides = array<i32>} : memref<6x104x128xf32, #tpu.memory_space<vmem>>, vector<1x1x16xf32>,
      %get3A_3754 = vector.shape_cast %get3A_3753 : vector<1x1x16xf32> to vector<16xf32>
      %add3A_3755 = arith.constant 48 : i32
      %add3A_3756 = arith.addi %mul3A_3730, %add3A_3755 : i32
      %get3A_3757 = arith.constant 88 : i32
      %get3A_3758 = arith.index_cast %rem3A_29 : i32 to index
      %get3A_3759 = arith.index_cast %get3A_3757 : i32 to index
      %get3A_3760 = arith.index_cast %add3A_3756 : i32 to index
      %get3A_3761 = tpu.vector_load %arg8[%get3A_3758, %get3A_3759, %get3A_3760] {strides = array<i32>} : memref<6x104x128xf32, #tpu.memory_space<vmem>>, vector<1x1x16xf32>,
      %get3A_3762 = vector.shape_cast %get3A_3761 : vector<1x1x16xf32> to vector<16xf32>
      %add3A_3763 = arith.addf %add3A_3723, %get3A_3738 : vector<16xf32>
      %add3A_3764 = arith.addf %add3A_3724, %get3A_3746 : vector<16xf32>
      %add3A_3765 = arith.addf %add3A_3725, %get3A_3754 : vector<16xf32>
      %add3A_3766 = arith.addf %add3A_3726, %get3A_3762 : vector<16xf32>
      %slice3A_3767 = vector.extract_strided_slice %get3A_85 {offsets = [9], sizes = [1], strides = [1]} : vector<16xi32> to vector<1xi32>
      %squeeze3A_3768 = vector.extract %slice3A_3767[0] : i32 from vector<1xi32>
      %mul3A_3769 = arith.constant 64 : i32
      %mul3A_3770 = arith.muli %squeeze3A_3768, %mul3A_3769 : i32
      %add3A_3771 = arith.constant 0 : i32
      %add3A_3772 = arith.addi %mul3A_3770, %add3A_3771 : i32
      %get3A_3773 = arith.constant 89 : i32
      %get3A_3774 = arith.index_cast %rem3A_29 : i32 to index
      %get3A_3775 = arith.index_cast %get3A_3773 : i32 to index
      %get3A_3776 = arith.index_cast %add3A_3772 : i32 to index
      %get3A_3777 = tpu.vector_load %arg8[%get3A_3774, %get3A_3775, %get3A_3776] {strides = array<i32>} : memref<6x104x128xf32, #tpu.memory_space<vmem>>, vector<1x1x16xf32>,
      %get3A_3778 = vector.shape_cast %get3A_3777 : vector<1x1x16xf32> to vector<16xf32>
      %add3A_3779 = arith.constant 16 : i32
      %add3A_3780 = arith.addi %mul3A_3770, %add3A_3779 : i32
      %get3A_3781 = arith.constant 89 : i32
      %get3A_3782 = arith.index_cast %rem3A_29 : i32 to index
      %get3A_3783 = arith.index_cast %get3A_3781 : i32 to index
      %get3A_3784 = arith.index_cast %add3A_3780 : i32 to index
      %get3A_3785 = tpu.vector_load %arg8[%get3A_3782, %get3A_3783, %get3A_3784] {strides = array<i32>} : memref<6x104x128xf32, #tpu.memory_space<vmem>>, vector<1x1x16xf32>,
      %get3A_3786 = vector.shape_cast %get3A_3785 : vector<1x1x16xf32> to vector<16xf32>
      %add3A_3787 = arith.constant 32 : i32
      %add3A_3788 = arith.addi %mul3A_3770, %add3A_3787 : i32
      %get3A_3789 = arith.constant 89 : i32
      %get3A_3790 = arith.index_cast %rem3A_29 : i32 to index
      %get3A_3791 = arith.index_cast %get3A_3789 : i32 to index
      %get3A_3792 = arith.index_cast %add3A_3788 : i32 to index
      %get3A_3793 = tpu.vector_load %arg8[%get3A_3790, %get3A_3791, %get3A_3792] {strides = array<i32>} : memref<6x104x128xf32, #tpu.memory_space<vmem>>, vector<1x1x16xf32>,
      %get3A_3794 = vector.shape_cast %get3A_3793 : vector<1x1x16xf32> to vector<16xf32>
      %add3A_3795 = arith.constant 48 : i32
      %add3A_3796 = arith.addi %mul3A_3770, %add3A_3795 : i32
      %get3A_3797 = arith.constant 89 : i32
      %get3A_3798 = arith.index_cast %rem3A_29 : i32 to index
      %get3A_3799 = arith.index_cast %get3A_3797 : i32 to index
      %get3A_3800 = arith.index_cast %add3A_3796 : i32 to index
      %get3A_3801 = tpu.vector_load %arg8[%get3A_3798, %get3A_3799, %get3A_3800] {strides = array<i32>} : memref<6x104x128xf32, #tpu.memory_space<vmem>>, vector<1x1x16xf32>,
      %get3A_3802 = vector.shape_cast %get3A_3801 : vector<1x1x16xf32> to vector<16xf32>
      %add3A_3803 = arith.addf %add3A_3763, %get3A_3778 : vector<16xf32>
      %add3A_3804 = arith.addf %add3A_3764, %get3A_3786 : vector<16xf32>
      %add3A_3805 = arith.addf %add3A_3765, %get3A_3794 : vector<16xf32>
      %add3A_3806 = arith.addf %add3A_3766, %get3A_3802 : vector<16xf32>
      %slice3A_3807 = vector.extract_strided_slice %get3A_85 {offsets = [10], sizes = [1], strides = [1]} : vector<16xi32> to vector<1xi32>
      %squeeze3A_3808 = vector.extract %slice3A_3807[0] : i32 from vector<1xi32>
      %mul3A_3809 = arith.constant 64 : i32
      %mul3A_3810 = arith.muli %squeeze3A_3808, %mul3A_3809 : i32
      %add3A_3811 = arith.constant 0 : i32
      %add3A_3812 = arith.addi %mul3A_3810, %add3A_3811 : i32
      %get3A_3813 = arith.constant 90 : i32
      %get3A_3814 = arith.index_cast %rem3A_29 : i32 to index
      %get3A_3815 = arith.index_cast %get3A_3813 : i32 to index
      %get3A_3816 = arith.index_cast %add3A_3812 : i32 to index
      %get3A_3817 = tpu.vector_load %arg8[%get3A_3814, %get3A_3815, %get3A_3816] {strides = array<i32>} : memref<6x104x128xf32, #tpu.memory_space<vmem>>, vector<1x1x16xf32>,
      %get3A_3818 = vector.shape_cast %get3A_3817 : vector<1x1x16xf32> to vector<16xf32>
      %add3A_3819 = arith.constant 16 : i32
      %add3A_3820 = arith.addi %mul3A_3810, %add3A_3819 : i32
      %get3A_3821 = arith.constant 90 : i32
      %get3A_3822 = arith.index_cast %rem3A_29 : i32 to index
      %get3A_3823 = arith.index_cast %get3A_3821 : i32 to index
      %get3A_3824 = arith.index_cast %add3A_3820 : i32 to index
      %get3A_3825 = tpu.vector_load %arg8[%get3A_3822, %get3A_3823, %get3A_3824] {strides = array<i32>} : memref<6x104x128xf32, #tpu.memory_space<vmem>>, vector<1x1x16xf32>,
      %get3A_3826 = vector.shape_cast %get3A_3825 : vector<1x1x16xf32> to vector<16xf32>
      %add3A_3827 = arith.constant 32 : i32
      %add3A_3828 = arith.addi %mul3A_3810, %add3A_3827 : i32
      %get3A_3829 = arith.constant 90 : i32
      %get3A_3830 = arith.index_cast %rem3A_29 : i32 to index
      %get3A_3831 = arith.index_cast %get3A_3829 : i32 to index
      %get3A_3832 = arith.index_cast %add3A_3828 : i32 to index
      %get3A_3833 = tpu.vector_load %arg8[%get3A_3830, %get3A_3831, %get3A_3832] {strides = array<i32>} : memref<6x104x128xf32, #tpu.memory_space<vmem>>, vector<1x1x16xf32>,
      %get3A_3834 = vector.shape_cast %get3A_3833 : vector<1x1x16xf32> to vector<16xf32>
      %add3A_3835 = arith.constant 48 : i32
      %add3A_3836 = arith.addi %mul3A_3810, %add3A_3835 : i32
      %get3A_3837 = arith.constant 90 : i32
      %get3A_3838 = arith.index_cast %rem3A_29 : i32 to index
      %get3A_3839 = arith.index_cast %get3A_3837 : i32 to index
      %get3A_3840 = arith.index_cast %add3A_3836 : i32 to index
      %get3A_3841 = tpu.vector_load %arg8[%get3A_3838, %get3A_3839, %get3A_3840] {strides = array<i32>} : memref<6x104x128xf32, #tpu.memory_space<vmem>>, vector<1x1x16xf32>,
      %get3A_3842 = vector.shape_cast %get3A_3841 : vector<1x1x16xf32> to vector<16xf32>
      %add3A_3843 = arith.addf %add3A_3803, %get3A_3818 : vector<16xf32>
      %add3A_3844 = arith.addf %add3A_3804, %get3A_3826 : vector<16xf32>
      %add3A_3845 = arith.addf %add3A_3805, %get3A_3834 : vector<16xf32>
      %add3A_3846 = arith.addf %add3A_3806, %get3A_3842 : vector<16xf32>
      %slice3A_3847 = vector.extract_strided_slice %get3A_85 {offsets = [11], sizes = [1], strides = [1]} : vector<16xi32> to vector<1xi32>
      %squeeze3A_3848 = vector.extract %slice3A_3847[0] : i32 from vector<1xi32>
      %mul3A_3849 = arith.constant 64 : i32
      %mul3A_3850 = arith.muli %squeeze3A_3848, %mul3A_3849 : i32
      %add3A_3851 = arith.constant 0 : i32
      %add3A_3852 = arith.addi %mul3A_3850, %add3A_3851 : i32
      %get3A_3853 = arith.constant 91 : i32
      %get3A_3854 = arith.index_cast %rem3A_29 : i32 to index
      %get3A_3855 = arith.index_cast %get3A_3853 : i32 to index
      %get3A_3856 = arith.index_cast %add3A_3852 : i32 to index
      %get3A_3857 = tpu.vector_load %arg8[%get3A_3854, %get3A_3855, %get3A_3856] {strides = array<i32>} : memref<6x104x128xf32, #tpu.memory_space<vmem>>, vector<1x1x16xf32>,
      %get3A_3858 = vector.shape_cast %get3A_3857 : vector<1x1x16xf32> to vector<16xf32>
      %add3A_3859 = arith.constant 16 : i32
      %add3A_3860 = arith.addi %mul3A_3850, %add3A_3859 : i32
      %get3A_3861 = arith.constant 91 : i32
      %get3A_3862 = arith.index_cast %rem3A_29 : i32 to index
      %get3A_3863 = arith.index_cast %get3A_3861 : i32 to index
      %get3A_3864 = arith.index_cast %add3A_3860 : i32 to index
      %get3A_3865 = tpu.vector_load %arg8[%get3A_3862, %get3A_3863, %get3A_3864] {strides = array<i32>} : memref<6x104x128xf32, #tpu.memory_space<vmem>>, vector<1x1x16xf32>,
      %get3A_3866 = vector.shape_cast %get3A_3865 : vector<1x1x16xf32> to vector<16xf32>
      %add3A_3867 = arith.constant 32 : i32
      %add3A_3868 = arith.addi %mul3A_3850, %add3A_3867 : i32
      %get3A_3869 = arith.constant 91 : i32
      %get3A_3870 = arith.index_cast %rem3A_29 : i32 to index
      %get3A_3871 = arith.index_cast %get3A_3869 : i32 to index
      %get3A_3872 = arith.index_cast %add3A_3868 : i32 to index
      %get3A_3873 = tpu.vector_load %arg8[%get3A_3870, %get3A_3871, %get3A_3872] {strides = array<i32>} : memref<6x104x128xf32, #tpu.memory_space<vmem>>, vector<1x1x16xf32>,
      %get3A_3874 = vector.shape_cast %get3A_3873 : vector<1x1x16xf32> to vector<16xf32>
      %add3A_3875 = arith.constant 48 : i32
      %add3A_3876 = arith.addi %mul3A_3850, %add3A_3875 : i32
      %get3A_3877 = arith.constant 91 : i32
      %get3A_3878 = arith.index_cast %rem3A_29 : i32 to index
      %get3A_3879 = arith.index_cast %get3A_3877 : i32 to index
      %get3A_3880 = arith.index_cast %add3A_3876 : i32 to index
      %get3A_3881 = tpu.vector_load %arg8[%get3A_3878, %get3A_3879, %get3A_3880] {strides = array<i32>} : memref<6x104x128xf32, #tpu.memory_space<vmem>>, vector<1x1x16xf32>,
      %get3A_3882 = vector.shape_cast %get3A_3881 : vector<1x1x16xf32> to vector<16xf32>
      %add3A_3883 = arith.addf %add3A_3843, %get3A_3858 : vector<16xf32>
      %add3A_3884 = arith.addf %add3A_3844, %get3A_3866 : vector<16xf32>
      %add3A_3885 = arith.addf %add3A_3845, %get3A_3874 : vector<16xf32>
      %add3A_3886 = arith.addf %add3A_3846, %get3A_3882 : vector<16xf32>
      %slice3A_3887 = vector.extract_strided_slice %get3A_85 {offsets = [12], sizes = [1], strides = [1]} : vector<16xi32> to vector<1xi32>
      %squeeze3A_3888 = vector.extract %slice3A_3887[0] : i32 from vector<1xi32>
      %mul3A_3889 = arith.constant 64 : i32
      %mul3A_3890 = arith.muli %squeeze3A_3888, %mul3A_3889 : i32
      %add3A_3891 = arith.constant 0 : i32
      %add3A_3892 = arith.addi %mul3A_3890, %add3A_3891 : i32
      %get3A_3893 = arith.constant 92 : i32
      %get3A_3894 = arith.index_cast %rem3A_29 : i32 to index
      %get3A_3895 = arith.index_cast %get3A_3893 : i32 to index
      %get3A_3896 = arith.index_cast %add3A_3892 : i32 to index
      %get3A_3897 = tpu.vector_load %arg8[%get3A_3894, %get3A_3895, %get3A_3896] {strides = array<i32>} : memref<6x104x128xf32, #tpu.memory_space<vmem>>, vector<1x1x16xf32>,
      %get3A_3898 = vector.shape_cast %get3A_3897 : vector<1x1x16xf32> to vector<16xf32>
      %add3A_3899 = arith.constant 16 : i32
      %add3A_3900 = arith.addi %mul3A_3890, %add3A_3899 : i32
      %get3A_3901 = arith.constant 92 : i32
      %get3A_3902 = arith.index_cast %rem3A_29 : i32 to index
      %get3A_3903 = arith.index_cast %get3A_3901 : i32 to index
      %get3A_3904 = arith.index_cast %add3A_3900 : i32 to index
      %get3A_3905 = tpu.vector_load %arg8[%get3A_3902, %get3A_3903, %get3A_3904] {strides = array<i32>} : memref<6x104x128xf32, #tpu.memory_space<vmem>>, vector<1x1x16xf32>,
      %get3A_3906 = vector.shape_cast %get3A_3905 : vector<1x1x16xf32> to vector<16xf32>
      %add3A_3907 = arith.constant 32 : i32
      %add3A_3908 = arith.addi %mul3A_3890, %add3A_3907 : i32
      %get3A_3909 = arith.constant 92 : i32
      %get3A_3910 = arith.index_cast %rem3A_29 : i32 to index
      %get3A_3911 = arith.index_cast %get3A_3909 : i32 to index
      %get3A_3912 = arith.index_cast %add3A_3908 : i32 to index
      %get3A_3913 = tpu.vector_load %arg8[%get3A_3910, %get3A_3911, %get3A_3912] {strides = array<i32>} : memref<6x104x128xf32, #tpu.memory_space<vmem>>, vector<1x1x16xf32>,
      %get3A_3914 = vector.shape_cast %get3A_3913 : vector<1x1x16xf32> to vector<16xf32>
      %add3A_3915 = arith.constant 48 : i32
      %add3A_3916 = arith.addi %mul3A_3890, %add3A_3915 : i32
      %get3A_3917 = arith.constant 92 : i32
      %get3A_3918 = arith.index_cast %rem3A_29 : i32 to index
      %get3A_3919 = arith.index_cast %get3A_3917 : i32 to index
      %get3A_3920 = arith.index_cast %add3A_3916 : i32 to index
      %get3A_3921 = tpu.vector_load %arg8[%get3A_3918, %get3A_3919, %get3A_3920] {strides = array<i32>} : memref<6x104x128xf32, #tpu.memory_space<vmem>>, vector<1x1x16xf32>,
      %get3A_3922 = vector.shape_cast %get3A_3921 : vector<1x1x16xf32> to vector<16xf32>
      %add3A_3923 = arith.addf %add3A_3883, %get3A_3898 : vector<16xf32>
      %add3A_3924 = arith.addf %add3A_3884, %get3A_3906 : vector<16xf32>
      %add3A_3925 = arith.addf %add3A_3885, %get3A_3914 : vector<16xf32>
      %add3A_3926 = arith.addf %add3A_3886, %get3A_3922 : vector<16xf32>
      %slice3A_3927 = vector.extract_strided_slice %get3A_85 {offsets = [13], sizes = [1], strides = [1]} : vector<16xi32> to vector<1xi32>
      %squeeze3A_3928 = vector.extract %slice3A_3927[0] : i32 from vector<1xi32>
      %mul3A_3929 = arith.constant 64 : i32
      %mul3A_3930 = arith.muli %squeeze3A_3928, %mul3A_3929 : i32
      %add3A_3931 = arith.constant 0 : i32
      %add3A_3932 = arith.addi %mul3A_3930, %add3A_3931 : i32
      %get3A_3933 = arith.constant 93 : i32
      %get3A_3934 = arith.index_cast %rem3A_29 : i32 to index
      %get3A_3935 = arith.index_cast %get3A_3933 : i32 to index
      %get3A_3936 = arith.index_cast %add3A_3932 : i32 to index
      %get3A_3937 = tpu.vector_load %arg8[%get3A_3934, %get3A_3935, %get3A_3936] {strides = array<i32>} : memref<6x104x128xf32, #tpu.memory_space<vmem>>, vector<1x1x16xf32>,
      %get3A_3938 = vector.shape_cast %get3A_3937 : vector<1x1x16xf32> to vector<16xf32>
      %add3A_3939 = arith.constant 16 : i32
      %add3A_3940 = arith.addi %mul3A_3930, %add3A_3939 : i32
      %get3A_3941 = arith.constant 93 : i32
      %get3A_3942 = arith.index_cast %rem3A_29 : i32 to index
      %get3A_3943 = arith.index_cast %get3A_3941 : i32 to index
      %get3A_3944 = arith.index_cast %add3A_3940 : i32 to index
      %get3A_3945 = tpu.vector_load %arg8[%get3A_3942, %get3A_3943, %get3A_3944] {strides = array<i32>} : memref<6x104x128xf32, #tpu.memory_space<vmem>>, vector<1x1x16xf32>,
      %get3A_3946 = vector.shape_cast %get3A_3945 : vector<1x1x16xf32> to vector<16xf32>
      %add3A_3947 = arith.constant 32 : i32
      %add3A_3948 = arith.addi %mul3A_3930, %add3A_3947 : i32
      %get3A_3949 = arith.constant 93 : i32
      %get3A_3950 = arith.index_cast %rem3A_29 : i32 to index
      %get3A_3951 = arith.index_cast %get3A_3949 : i32 to index
      %get3A_3952 = arith.index_cast %add3A_3948 : i32 to index
      %get3A_3953 = tpu.vector_load %arg8[%get3A_3950, %get3A_3951, %get3A_3952] {strides = array<i32>} : memref<6x104x128xf32, #tpu.memory_space<vmem>>, vector<1x1x16xf32>,
      %get3A_3954 = vector.shape_cast %get3A_3953 : vector<1x1x16xf32> to vector<16xf32>
      %add3A_3955 = arith.constant 48 : i32
      %add3A_3956 = arith.addi %mul3A_3930, %add3A_3955 : i32
      %get3A_3957 = arith.constant 93 : i32
      %get3A_3958 = arith.index_cast %rem3A_29 : i32 to index
      %get3A_3959 = arith.index_cast %get3A_3957 : i32 to index
      %get3A_3960 = arith.index_cast %add3A_3956 : i32 to index
      %get3A_3961 = tpu.vector_load %arg8[%get3A_3958, %get3A_3959, %get3A_3960] {strides = array<i32>} : memref<6x104x128xf32, #tpu.memory_space<vmem>>, vector<1x1x16xf32>,
      %get3A_3962 = vector.shape_cast %get3A_3961 : vector<1x1x16xf32> to vector<16xf32>
      %add3A_3963 = arith.addf %add3A_3923, %get3A_3938 : vector<16xf32>
      %add3A_3964 = arith.addf %add3A_3924, %get3A_3946 : vector<16xf32>
      %add3A_3965 = arith.addf %add3A_3925, %get3A_3954 : vector<16xf32>
      %add3A_3966 = arith.addf %add3A_3926, %get3A_3962 : vector<16xf32>
      %slice3A_3967 = vector.extract_strided_slice %get3A_85 {offsets = [14], sizes = [1], strides = [1]} : vector<16xi32> to vector<1xi32>
      %squeeze3A_3968 = vector.extract %slice3A_3967[0] : i32 from vector<1xi32>
      %mul3A_3969 = arith.constant 64 : i32
      %mul3A_3970 = arith.muli %squeeze3A_3968, %mul3A_3969 : i32
      %add3A_3971 = arith.constant 0 : i32
      %add3A_3972 = arith.addi %mul3A_3970, %add3A_3971 : i32
      %get3A_3973 = arith.constant 94 : i32
      %get3A_3974 = arith.index_cast %rem3A_29 : i32 to index
      %get3A_3975 = arith.index_cast %get3A_3973 : i32 to index
      %get3A_3976 = arith.index_cast %add3A_3972 : i32 to index
      %get3A_3977 = tpu.vector_load %arg8[%get3A_3974, %get3A_3975, %get3A_3976] {strides = array<i32>} : memref<6x104x128xf32, #tpu.memory_space<vmem>>, vector<1x1x16xf32>,
      %get3A_3978 = vector.shape_cast %get3A_3977 : vector<1x1x16xf32> to vector<16xf32>
      %add3A_3979 = arith.constant 16 : i32
      %add3A_3980 = arith.addi %mul3A_3970, %add3A_3979 : i32
      %get3A_3981 = arith.constant 94 : i32
      %get3A_3982 = arith.index_cast %rem3A_29 : i32 to index
      %get3A_3983 = arith.index_cast %get3A_3981 : i32 to index
      %get3A_3984 = arith.index_cast %add3A_3980 : i32 to index
      %get3A_3985 = tpu.vector_load %arg8[%get3A_3982, %get3A_3983, %get3A_3984] {strides = array<i32>} : memref<6x104x128xf32, #tpu.memory_space<vmem>>, vector<1x1x16xf32>,
      %get3A_3986 = vector.shape_cast %get3A_3985 : vector<1x1x16xf32> to vector<16xf32>
      %add3A_3987 = arith.constant 32 : i32
      %add3A_3988 = arith.addi %mul3A_3970, %add3A_3987 : i32
      %get3A_3989 = arith.constant 94 : i32
      %get3A_3990 = arith.index_cast %rem3A_29 : i32 to index
      %get3A_3991 = arith.index_cast %get3A_3989 : i32 to index
      %get3A_3992 = arith.index_cast %add3A_3988 : i32 to index
      %get3A_3993 = tpu.vector_load %arg8[%get3A_3990, %get3A_3991, %get3A_3992] {strides = array<i32>} : memref<6x104x128xf32, #tpu.memory_space<vmem>>, vector<1x1x16xf32>,
      %get3A_3994 = vector.shape_cast %get3A_3993 : vector<1x1x16xf32> to vector<16xf32>
      %add3A_3995 = arith.constant 48 : i32
      %add3A_3996 = arith.addi %mul3A_3970, %add3A_3995 : i32
      %get3A_3997 = arith.constant 94 : i32
      %get3A_3998 = arith.index_cast %rem3A_29 : i32 to index
      %get3A_3999 = arith.index_cast %get3A_3997 : i32 to index
      %get3A_4000 = arith.index_cast %add3A_3996 : i32 to index
      %get3A_4001 = tpu.vector_load %arg8[%get3A_3998, %get3A_3999, %get3A_4000] {strides = array<i32>} : memref<6x104x128xf32, #tpu.memory_space<vmem>>, vector<1x1x16xf32>,
      %get3A_4002 = vector.shape_cast %get3A_4001 : vector<1x1x16xf32> to vector<16xf32>
      %add3A_4003 = arith.addf %add3A_3963, %get3A_3978 : vector<16xf32>
      %add3A_4004 = arith.addf %add3A_3964, %get3A_3986 : vector<16xf32>
      %add3A_4005 = arith.addf %add3A_3965, %get3A_3994 : vector<16xf32>
      %add3A_4006 = arith.addf %add3A_3966, %get3A_4002 : vector<16xf32>
      %slice3A_4007 = vector.extract_strided_slice %get3A_85 {offsets = [15], sizes = [1], strides = [1]} : vector<16xi32> to vector<1xi32>
      %squeeze3A_4008 = vector.extract %slice3A_4007[0] : i32 from vector<1xi32>
      %mul3A_4009 = arith.constant 64 : i32
      %mul3A_4010 = arith.muli %squeeze3A_4008, %mul3A_4009 : i32
      %add3A_4011 = arith.constant 0 : i32
      %add3A_4012 = arith.addi %mul3A_4010, %add3A_4011 : i32
      %get3A_4013 = arith.constant 95 : i32
      %get3A_4014 = arith.index_cast %rem3A_29 : i32 to index
      %get3A_4015 = arith.index_cast %get3A_4013 : i32 to index
      %get3A_4016 = arith.index_cast %add3A_4012 : i32 to index
      %get3A_4017 = tpu.vector_load %arg8[%get3A_4014, %get3A_4015, %get3A_4016] {strides = array<i32>} : memref<6x104x128xf32, #tpu.memory_space<vmem>>, vector<1x1x16xf32>,
      %get3A_4018 = vector.shape_cast %get3A_4017 : vector<1x1x16xf32> to vector<16xf32>
      %add3A_4019 = arith.constant 16 : i32
      %add3A_4020 = arith.addi %mul3A_4010, %add3A_4019 : i32
      %get3A_4021 = arith.constant 95 : i32
      %get3A_4022 = arith.index_cast %rem3A_29 : i32 to index
      %get3A_4023 = arith.index_cast %get3A_4021 : i32 to index
      %get3A_4024 = arith.index_cast %add3A_4020 : i32 to index
      %get3A_4025 = tpu.vector_load %arg8[%get3A_4022, %get3A_4023, %get3A_4024] {strides = array<i32>} : memref<6x104x128xf32, #tpu.memory_space<vmem>>, vector<1x1x16xf32>,
      %get3A_4026 = vector.shape_cast %get3A_4025 : vector<1x1x16xf32> to vector<16xf32>
      %add3A_4027 = arith.constant 32 : i32
      %add3A_4028 = arith.addi %mul3A_4010, %add3A_4027 : i32
      %get3A_4029 = arith.constant 95 : i32
      %get3A_4030 = arith.index_cast %rem3A_29 : i32 to index
      %get3A_4031 = arith.index_cast %get3A_4029 : i32 to index
      %get3A_4032 = arith.index_cast %add3A_4028 : i32 to index
      %get3A_4033 = tpu.vector_load %arg8[%get3A_4030, %get3A_4031, %get3A_4032] {strides = array<i32>} : memref<6x104x128xf32, #tpu.memory_space<vmem>>, vector<1x1x16xf32>,
      %get3A_4034 = vector.shape_cast %get3A_4033 : vector<1x1x16xf32> to vector<16xf32>
      %add3A_4035 = arith.constant 48 : i32
      %add3A_4036 = arith.addi %mul3A_4010, %add3A_4035 : i32
      %get3A_4037 = arith.constant 95 : i32
      %get3A_4038 = arith.index_cast %rem3A_29 : i32 to index
      %get3A_4039 = arith.index_cast %get3A_4037 : i32 to index
      %get3A_4040 = arith.index_cast %add3A_4036 : i32 to index
      %get3A_4041 = tpu.vector_load %arg8[%get3A_4038, %get3A_4039, %get3A_4040] {strides = array<i32>} : memref<6x104x128xf32, #tpu.memory_space<vmem>>, vector<1x1x16xf32>,
      %get3A_4042 = vector.shape_cast %get3A_4041 : vector<1x1x16xf32> to vector<16xf32>
      %add3A_4043 = arith.addf %add3A_4003, %get3A_4018 : vector<16xf32>
      %add3A_4044 = arith.addf %add3A_4004, %get3A_4026 : vector<16xf32>
      %add3A_4045 = arith.addf %add3A_4005, %get3A_4034 : vector<16xf32>
      %add3A_4046 = arith.addf %add3A_4006, %get3A_4042 : vector<16xf32>
      %slice3A_4047 = vector.extract_strided_slice %get3A_93 {offsets = [8], sizes = [1], strides = [1]} : vector<16xi32> to vector<1xi32>
      %squeeze3A_4048 = vector.extract %slice3A_4047[0] : i32 from vector<1xi32>
      %mul3A_4049 = arith.constant 64 : i32
      %mul3A_4050 = arith.muli %squeeze3A_4048, %mul3A_4049 : i32
      %add3A_4051 = arith.constant 0 : i32
      %add3A_4052 = arith.addi %mul3A_4050, %add3A_4051 : i32
      %get3A_4053 = arith.constant 96 : i32
      %get3A_4054 = arith.index_cast %rem3A_29 : i32 to index
      %get3A_4055 = arith.index_cast %get3A_4053 : i32 to index
      %get3A_4056 = arith.index_cast %add3A_4052 : i32 to index
      %get3A_4057 = tpu.vector_load %arg8[%get3A_4054, %get3A_4055, %get3A_4056] {strides = array<i32>} : memref<6x104x128xf32, #tpu.memory_space<vmem>>, vector<1x1x16xf32>,
      %get3A_4058 = vector.shape_cast %get3A_4057 : vector<1x1x16xf32> to vector<16xf32>
      %add3A_4059 = arith.constant 16 : i32
      %add3A_4060 = arith.addi %mul3A_4050, %add3A_4059 : i32
      %get3A_4061 = arith.constant 96 : i32
      %get3A_4062 = arith.index_cast %rem3A_29 : i32 to index
      %get3A_4063 = arith.index_cast %get3A_4061 : i32 to index
      %get3A_4064 = arith.index_cast %add3A_4060 : i32 to index
      %get3A_4065 = tpu.vector_load %arg8[%get3A_4062, %get3A_4063, %get3A_4064] {strides = array<i32>} : memref<6x104x128xf32, #tpu.memory_space<vmem>>, vector<1x1x16xf32>,
      %get3A_4066 = vector.shape_cast %get3A_4065 : vector<1x1x16xf32> to vector<16xf32>
      %add3A_4067 = arith.constant 32 : i32
      %add3A_4068 = arith.addi %mul3A_4050, %add3A_4067 : i32
      %get3A_4069 = arith.constant 96 : i32
      %get3A_4070 = arith.index_cast %rem3A_29 : i32 to index
      %get3A_4071 = arith.index_cast %get3A_4069 : i32 to index
      %get3A_4072 = arith.index_cast %add3A_4068 : i32 to index
      %get3A_4073 = tpu.vector_load %arg8[%get3A_4070, %get3A_4071, %get3A_4072] {strides = array<i32>} : memref<6x104x128xf32, #tpu.memory_space<vmem>>, vector<1x1x16xf32>,
      %get3A_4074 = vector.shape_cast %get3A_4073 : vector<1x1x16xf32> to vector<16xf32>
      %add3A_4075 = arith.constant 48 : i32
      %add3A_4076 = arith.addi %mul3A_4050, %add3A_4075 : i32
      %get3A_4077 = arith.constant 96 : i32
      %get3A_4078 = arith.index_cast %rem3A_29 : i32 to index
      %get3A_4079 = arith.index_cast %get3A_4077 : i32 to index
      %get3A_4080 = arith.index_cast %add3A_4076 : i32 to index
      %get3A_4081 = tpu.vector_load %arg8[%get3A_4078, %get3A_4079, %get3A_4080] {strides = array<i32>} : memref<6x104x128xf32, #tpu.memory_space<vmem>>, vector<1x1x16xf32>,
      %get3A_4082 = vector.shape_cast %get3A_4081 : vector<1x1x16xf32> to vector<16xf32>
      %add3A_4083 = arith.addf %add3A_4043, %get3A_4058 : vector<16xf32>
      %add3A_4084 = arith.addf %add3A_4044, %get3A_4066 : vector<16xf32>
      %add3A_4085 = arith.addf %add3A_4045, %get3A_4074 : vector<16xf32>
      %add3A_4086 = arith.addf %add3A_4046, %get3A_4082 : vector<16xf32>
      %slice3A_4087 = vector.extract_strided_slice %get3A_93 {offsets = [9], sizes = [1], strides = [1]} : vector<16xi32> to vector<1xi32>
      %squeeze3A_4088 = vector.extract %slice3A_4087[0] : i32 from vector<1xi32>
      %mul3A_4089 = arith.constant 64 : i32
      %mul3A_4090 = arith.muli %squeeze3A_4088, %mul3A_4089 : i32
      %add3A_4091 = arith.constant 0 : i32
      %add3A_4092 = arith.addi %mul3A_4090, %add3A_4091 : i32
      %get3A_4093 = arith.constant 97 : i32
      %get3A_4094 = arith.index_cast %rem3A_29 : i32 to index
      %get3A_4095 = arith.index_cast %get3A_4093 : i32 to index
      %get3A_4096 = arith.index_cast %add3A_4092 : i32 to index
      %get3A_4097 = tpu.vector_load %arg8[%get3A_4094, %get3A_4095, %get3A_4096] {strides = array<i32>} : memref<6x104x128xf32, #tpu.memory_space<vmem>>, vector<1x1x16xf32>,
      %get3A_4098 = vector.shape_cast %get3A_4097 : vector<1x1x16xf32> to vector<16xf32>
      %add3A_4099 = arith.constant 16 : i32
      %add3A_4100 = arith.addi %mul3A_4090, %add3A_4099 : i32
      %get3A_4101 = arith.constant 97 : i32
      %get3A_4102 = arith.index_cast %rem3A_29 : i32 to index
      %get3A_4103 = arith.index_cast %get3A_4101 : i32 to index
      %get3A_4104 = arith.index_cast %add3A_4100 : i32 to index
      %get3A_4105 = tpu.vector_load %arg8[%get3A_4102, %get3A_4103, %get3A_4104] {strides = array<i32>} : memref<6x104x128xf32, #tpu.memory_space<vmem>>, vector<1x1x16xf32>,
      %get3A_4106 = vector.shape_cast %get3A_4105 : vector<1x1x16xf32> to vector<16xf32>
      %add3A_4107 = arith.constant 32 : i32
      %add3A_4108 = arith.addi %mul3A_4090, %add3A_4107 : i32
      %get3A_4109 = arith.constant 97 : i32
      %get3A_4110 = arith.index_cast %rem3A_29 : i32 to index
      %get3A_4111 = arith.index_cast %get3A_4109 : i32 to index
      %get3A_4112 = arith.index_cast %add3A_4108 : i32 to index
      %get3A_4113 = tpu.vector_load %arg8[%get3A_4110, %get3A_4111, %get3A_4112] {strides = array<i32>} : memref<6x104x128xf32, #tpu.memory_space<vmem>>, vector<1x1x16xf32>,
      %get3A_4114 = vector.shape_cast %get3A_4113 : vector<1x1x16xf32> to vector<16xf32>
      %add3A_4115 = arith.constant 48 : i32
      %add3A_4116 = arith.addi %mul3A_4090, %add3A_4115 : i32
      %get3A_4117 = arith.constant 97 : i32
      %get3A_4118 = arith.index_cast %rem3A_29 : i32 to index
      %get3A_4119 = arith.index_cast %get3A_4117 : i32 to index
      %get3A_4120 = arith.index_cast %add3A_4116 : i32 to index
      %get3A_4121 = tpu.vector_load %arg8[%get3A_4118, %get3A_4119, %get3A_4120] {strides = array<i32>} : memref<6x104x128xf32, #tpu.memory_space<vmem>>, vector<1x1x16xf32>,
      %get3A_4122 = vector.shape_cast %get3A_4121 : vector<1x1x16xf32> to vector<16xf32>
      %add3A_4123 = arith.addf %add3A_4083, %get3A_4098 : vector<16xf32>
      %add3A_4124 = arith.addf %add3A_4084, %get3A_4106 : vector<16xf32>
      %add3A_4125 = arith.addf %add3A_4085, %get3A_4114 : vector<16xf32>
      %add3A_4126 = arith.addf %add3A_4086, %get3A_4122 : vector<16xf32>
      %slice3A_4127 = vector.extract_strided_slice %get3A_93 {offsets = [10], sizes = [1], strides = [1]} : vector<16xi32> to vector<1xi32>
      %squeeze3A_4128 = vector.extract %slice3A_4127[0] : i32 from vector<1xi32>
      %mul3A_4129 = arith.constant 64 : i32
      %mul3A_4130 = arith.muli %squeeze3A_4128, %mul3A_4129 : i32
      %add3A_4131 = arith.constant 0 : i32
      %add3A_4132 = arith.addi %mul3A_4130, %add3A_4131 : i32
      %get3A_4133 = arith.constant 98 : i32
      %get3A_4134 = arith.index_cast %rem3A_29 : i32 to index
      %get3A_4135 = arith.index_cast %get3A_4133 : i32 to index
      %get3A_4136 = arith.index_cast %add3A_4132 : i32 to index
      %get3A_4137 = tpu.vector_load %arg8[%get3A_4134, %get3A_4135, %get3A_4136] {strides = array<i32>} : memref<6x104x128xf32, #tpu.memory_space<vmem>>, vector<1x1x16xf32>,
      %get3A_4138 = vector.shape_cast %get3A_4137 : vector<1x1x16xf32> to vector<16xf32>
      %add3A_4139 = arith.constant 16 : i32
      %add3A_4140 = arith.addi %mul3A_4130, %add3A_4139 : i32
      %get3A_4141 = arith.constant 98 : i32
      %get3A_4142 = arith.index_cast %rem3A_29 : i32 to index
      %get3A_4143 = arith.index_cast %get3A_4141 : i32 to index
      %get3A_4144 = arith.index_cast %add3A_4140 : i32 to index
      %get3A_4145 = tpu.vector_load %arg8[%get3A_4142, %get3A_4143, %get3A_4144] {strides = array<i32>} : memref<6x104x128xf32, #tpu.memory_space<vmem>>, vector<1x1x16xf32>,
      %get3A_4146 = vector.shape_cast %get3A_4145 : vector<1x1x16xf32> to vector<16xf32>
      %add3A_4147 = arith.constant 32 : i32
      %add3A_4148 = arith.addi %mul3A_4130, %add3A_4147 : i32
      %get3A_4149 = arith.constant 98 : i32
      %get3A_4150 = arith.index_cast %rem3A_29 : i32 to index
      %get3A_4151 = arith.index_cast %get3A_4149 : i32 to index
      %get3A_4152 = arith.index_cast %add3A_4148 : i32 to index
      %get3A_4153 = tpu.vector_load %arg8[%get3A_4150, %get3A_4151, %get3A_4152] {strides = array<i32>} : memref<6x104x128xf32, #tpu.memory_space<vmem>>, vector<1x1x16xf32>,
      %get3A_4154 = vector.shape_cast %get3A_4153 : vector<1x1x16xf32> to vector<16xf32>
      %add3A_4155 = arith.constant 48 : i32
      %add3A_4156 = arith.addi %mul3A_4130, %add3A_4155 : i32
      %get3A_4157 = arith.constant 98 : i32
      %get3A_4158 = arith.index_cast %rem3A_29 : i32 to index
      %get3A_4159 = arith.index_cast %get3A_4157 : i32 to index
      %get3A_4160 = arith.index_cast %add3A_4156 : i32 to index
      %get3A_4161 = tpu.vector_load %arg8[%get3A_4158, %get3A_4159, %get3A_4160] {strides = array<i32>} : memref<6x104x128xf32, #tpu.memory_space<vmem>>, vector<1x1x16xf32>,
      %get3A_4162 = vector.shape_cast %get3A_4161 : vector<1x1x16xf32> to vector<16xf32>
      %add3A_4163 = arith.addf %add3A_4123, %get3A_4138 : vector<16xf32>
      %add3A_4164 = arith.addf %add3A_4124, %get3A_4146 : vector<16xf32>
      %add3A_4165 = arith.addf %add3A_4125, %get3A_4154 : vector<16xf32>
      %add3A_4166 = arith.addf %add3A_4126, %get3A_4162 : vector<16xf32>
      %slice3A_4167 = vector.extract_strided_slice %get3A_93 {offsets = [11], sizes = [1], strides = [1]} : vector<16xi32> to vector<1xi32>
      %squeeze3A_4168 = vector.extract %slice3A_4167[0] : i32 from vector<1xi32>
      %mul3A_4169 = arith.constant 64 : i32
      %mul3A_4170 = arith.muli %squeeze3A_4168, %mul3A_4169 : i32
      %add3A_4171 = arith.constant 0 : i32
      %add3A_4172 = arith.addi %mul3A_4170, %add3A_4171 : i32
      %get3A_4173 = arith.constant 99 : i32
      %get3A_4174 = arith.index_cast %rem3A_29 : i32 to index
      %get3A_4175 = arith.index_cast %get3A_4173 : i32 to index
      %get3A_4176 = arith.index_cast %add3A_4172 : i32 to index
      %get3A_4177 = tpu.vector_load %arg8[%get3A_4174, %get3A_4175, %get3A_4176] {strides = array<i32>} : memref<6x104x128xf32, #tpu.memory_space<vmem>>, vector<1x1x16xf32>,
      %get3A_4178 = vector.shape_cast %get3A_4177 : vector<1x1x16xf32> to vector<16xf32>
      %add3A_4179 = arith.constant 16 : i32
      %add3A_4180 = arith.addi %mul3A_4170, %add3A_4179 : i32
      %get3A_4181 = arith.constant 99 : i32
      %get3A_4182 = arith.index_cast %rem3A_29 : i32 to index
      %get3A_4183 = arith.index_cast %get3A_4181 : i32 to index
      %get3A_4184 = arith.index_cast %add3A_4180 : i32 to index
      %get3A_4185 = tpu.vector_load %arg8[%get3A_4182, %get3A_4183, %get3A_4184] {strides = array<i32>} : memref<6x104x128xf32, #tpu.memory_space<vmem>>, vector<1x1x16xf32>,
      %get3A_4186 = vector.shape_cast %get3A_4185 : vector<1x1x16xf32> to vector<16xf32>
      %add3A_4187 = arith.constant 32 : i32
      %add3A_4188 = arith.addi %mul3A_4170, %add3A_4187 : i32
      %get3A_4189 = arith.constant 99 : i32
      %get3A_4190 = arith.index_cast %rem3A_29 : i32 to index
      %get3A_4191 = arith.index_cast %get3A_4189 : i32 to index
      %get3A_4192 = arith.index_cast %add3A_4188 : i32 to index
      %get3A_4193 = tpu.vector_load %arg8[%get3A_4190, %get3A_4191, %get3A_4192] {strides = array<i32>} : memref<6x104x128xf32, #tpu.memory_space<vmem>>, vector<1x1x16xf32>,
      %get3A_4194 = vector.shape_cast %get3A_4193 : vector<1x1x16xf32> to vector<16xf32>
      %add3A_4195 = arith.constant 48 : i32
      %add3A_4196 = arith.addi %mul3A_4170, %add3A_4195 : i32
      %get3A_4197 = arith.constant 99 : i32
      %get3A_4198 = arith.index_cast %rem3A_29 : i32 to index
      %get3A_4199 = arith.index_cast %get3A_4197 : i32 to index
      %get3A_4200 = arith.index_cast %add3A_4196 : i32 to index
      %get3A_4201 = tpu.vector_load %arg8[%get3A_4198, %get3A_4199, %get3A_4200] {strides = array<i32>} : memref<6x104x128xf32, #tpu.memory_space<vmem>>, vector<1x1x16xf32>,
      %get3A_4202 = vector.shape_cast %get3A_4201 : vector<1x1x16xf32> to vector<16xf32>
      %add3A_4203 = arith.addf %add3A_4163, %get3A_4178 : vector<16xf32>
      %add3A_4204 = arith.addf %add3A_4164, %get3A_4186 : vector<16xf32>
      %add3A_4205 = arith.addf %add3A_4165, %get3A_4194 : vector<16xf32>
      %add3A_4206 = arith.addf %add3A_4166, %get3A_4202 : vector<16xf32>
      %slice3A_4207 = vector.extract_strided_slice %get3A_93 {offsets = [12], sizes = [1], strides = [1]} : vector<16xi32> to vector<1xi32>
      %squeeze3A_4208 = vector.extract %slice3A_4207[0] : i32 from vector<1xi32>
      %mul3A_4209 = arith.constant 64 : i32
      %mul3A_4210 = arith.muli %squeeze3A_4208, %mul3A_4209 : i32
      %add3A_4211 = arith.constant 0 : i32
      %add3A_4212 = arith.addi %mul3A_4210, %add3A_4211 : i32
      %get3A_4213 = arith.constant 100 : i32
      %get3A_4214 = arith.index_cast %rem3A_29 : i32 to index
      %get3A_4215 = arith.index_cast %get3A_4213 : i32 to index
      %get3A_4216 = arith.index_cast %add3A_4212 : i32 to index
      %get3A_4217 = tpu.vector_load %arg8[%get3A_4214, %get3A_4215, %get3A_4216] {strides = array<i32>} : memref<6x104x128xf32, #tpu.memory_space<vmem>>, vector<1x1x16xf32>,
      %get3A_4218 = vector.shape_cast %get3A_4217 : vector<1x1x16xf32> to vector<16xf32>
      %add3A_4219 = arith.constant 16 : i32
      %add3A_4220 = arith.addi %mul3A_4210, %add3A_4219 : i32
      %get3A_4221 = arith.constant 100 : i32
      %get3A_4222 = arith.index_cast %rem3A_29 : i32 to index
      %get3A_4223 = arith.index_cast %get3A_4221 : i32 to index
      %get3A_4224 = arith.index_cast %add3A_4220 : i32 to index
      %get3A_4225 = tpu.vector_load %arg8[%get3A_4222, %get3A_4223, %get3A_4224] {strides = array<i32>} : memref<6x104x128xf32, #tpu.memory_space<vmem>>, vector<1x1x16xf32>,
      %get3A_4226 = vector.shape_cast %get3A_4225 : vector<1x1x16xf32> to vector<16xf32>
      %add3A_4227 = arith.constant 32 : i32
      %add3A_4228 = arith.addi %mul3A_4210, %add3A_4227 : i32
      %get3A_4229 = arith.constant 100 : i32
      %get3A_4230 = arith.index_cast %rem3A_29 : i32 to index
      %get3A_4231 = arith.index_cast %get3A_4229 : i32 to index
      %get3A_4232 = arith.index_cast %add3A_4228 : i32 to index
      %get3A_4233 = tpu.vector_load %arg8[%get3A_4230, %get3A_4231, %get3A_4232] {strides = array<i32>} : memref<6x104x128xf32, #tpu.memory_space<vmem>>, vector<1x1x16xf32>,
      %get3A_4234 = vector.shape_cast %get3A_4233 : vector<1x1x16xf32> to vector<16xf32>
      %add3A_4235 = arith.constant 48 : i32
      %add3A_4236 = arith.addi %mul3A_4210, %add3A_4235 : i32
      %get3A_4237 = arith.constant 100 : i32
      %get3A_4238 = arith.index_cast %rem3A_29 : i32 to index
      %get3A_4239 = arith.index_cast %get3A_4237 : i32 to index
      %get3A_4240 = arith.index_cast %add3A_4236 : i32 to index
      %get3A_4241 = tpu.vector_load %arg8[%get3A_4238, %get3A_4239, %get3A_4240] {strides = array<i32>} : memref<6x104x128xf32, #tpu.memory_space<vmem>>, vector<1x1x16xf32>,
      %get3A_4242 = vector.shape_cast %get3A_4241 : vector<1x1x16xf32> to vector<16xf32>
      %add3A_4243 = arith.addf %add3A_4203, %get3A_4218 : vector<16xf32>
      %add3A_4244 = arith.addf %add3A_4204, %get3A_4226 : vector<16xf32>
      %add3A_4245 = arith.addf %add3A_4205, %get3A_4234 : vector<16xf32>
      %add3A_4246 = arith.addf %add3A_4206, %get3A_4242 : vector<16xf32>
      %slice3A_4247 = vector.extract_strided_slice %get3A_93 {offsets = [13], sizes = [1], strides = [1]} : vector<16xi32> to vector<1xi32>
      %squeeze3A_4248 = vector.extract %slice3A_4247[0] : i32 from vector<1xi32>
      %mul3A_4249 = arith.constant 64 : i32
      %mul3A_4250 = arith.muli %squeeze3A_4248, %mul3A_4249 : i32
      %add3A_4251 = arith.constant 0 : i32
      %add3A_4252 = arith.addi %mul3A_4250, %add3A_4251 : i32
      %get3A_4253 = arith.constant 101 : i32
      %get3A_4254 = arith.index_cast %rem3A_29 : i32 to index
      %get3A_4255 = arith.index_cast %get3A_4253 : i32 to index
      %get3A_4256 = arith.index_cast %add3A_4252 : i32 to index
      %get3A_4257 = tpu.vector_load %arg8[%get3A_4254, %get3A_4255, %get3A_4256] {strides = array<i32>} : memref<6x104x128xf32, #tpu.memory_space<vmem>>, vector<1x1x16xf32>,
      %get3A_4258 = vector.shape_cast %get3A_4257 : vector<1x1x16xf32> to vector<16xf32>
      %add3A_4259 = arith.constant 16 : i32
      %add3A_4260 = arith.addi %mul3A_4250, %add3A_4259 : i32
      %get3A_4261 = arith.constant 101 : i32
      %get3A_4262 = arith.index_cast %rem3A_29 : i32 to index
      %get3A_4263 = arith.index_cast %get3A_4261 : i32 to index
      %get3A_4264 = arith.index_cast %add3A_4260 : i32 to index
      %get3A_4265 = tpu.vector_load %arg8[%get3A_4262, %get3A_4263, %get3A_4264] {strides = array<i32>} : memref<6x104x128xf32, #tpu.memory_space<vmem>>, vector<1x1x16xf32>,
      %get3A_4266 = vector.shape_cast %get3A_4265 : vector<1x1x16xf32> to vector<16xf32>
      %add3A_4267 = arith.constant 32 : i32
      %add3A_4268 = arith.addi %mul3A_4250, %add3A_4267 : i32
      %get3A_4269 = arith.constant 101 : i32
      %get3A_4270 = arith.index_cast %rem3A_29 : i32 to index
      %get3A_4271 = arith.index_cast %get3A_4269 : i32 to index
      %get3A_4272 = arith.index_cast %add3A_4268 : i32 to index
      %get3A_4273 = tpu.vector_load %arg8[%get3A_4270, %get3A_4271, %get3A_4272] {strides = array<i32>} : memref<6x104x128xf32, #tpu.memory_space<vmem>>, vector<1x1x16xf32>,
      %get3A_4274 = vector.shape_cast %get3A_4273 : vector<1x1x16xf32> to vector<16xf32>
      %add3A_4275 = arith.constant 48 : i32
      %add3A_4276 = arith.addi %mul3A_4250, %add3A_4275 : i32
      %get3A_4277 = arith.constant 101 : i32
      %get3A_4278 = arith.index_cast %rem3A_29 : i32 to index
      %get3A_4279 = arith.index_cast %get3A_4277 : i32 to index
      %get3A_4280 = arith.index_cast %add3A_4276 : i32 to index
      %get3A_4281 = tpu.vector_load %arg8[%get3A_4278, %get3A_4279, %get3A_4280] {strides = array<i32>} : memref<6x104x128xf32, #tpu.memory_space<vmem>>, vector<1x1x16xf32>,
      %get3A_4282 = vector.shape_cast %get3A_4281 : vector<1x1x16xf32> to vector<16xf32>
      %add3A_4283 = arith.addf %add3A_4243, %get3A_4258 : vector<16xf32>
      %add3A_4284 = arith.addf %add3A_4244, %get3A_4266 : vector<16xf32>
      %add3A_4285 = arith.addf %add3A_4245, %get3A_4274 : vector<16xf32>
      %add3A_4286 = arith.addf %add3A_4246, %get3A_4282 : vector<16xf32>
      %slice3A_4287 = vector.extract_strided_slice %get3A_93 {offsets = [14], sizes = [1], strides = [1]} : vector<16xi32> to vector<1xi32>
      %squeeze3A_4288 = vector.extract %slice3A_4287[0] : i32 from vector<1xi32>
      %mul3A_4289 = arith.constant 64 : i32
      %mul3A_4290 = arith.muli %squeeze3A_4288, %mul3A_4289 : i32
      %add3A_4291 = arith.constant 0 : i32
      %add3A_4292 = arith.addi %mul3A_4290, %add3A_4291 : i32
      %get3A_4293 = arith.constant 102 : i32
      %get3A_4294 = arith.index_cast %rem3A_29 : i32 to index
      %get3A_4295 = arith.index_cast %get3A_4293 : i32 to index
      %get3A_4296 = arith.index_cast %add3A_4292 : i32 to index
      %get3A_4297 = tpu.vector_load %arg8[%get3A_4294, %get3A_4295, %get3A_4296] {strides = array<i32>} : memref<6x104x128xf32, #tpu.memory_space<vmem>>, vector<1x1x16xf32>,
      %get3A_4298 = vector.shape_cast %get3A_4297 : vector<1x1x16xf32> to vector<16xf32>
      %add3A_4299 = arith.constant 16 : i32
      %add3A_4300 = arith.addi %mul3A_4290, %add3A_4299 : i32
      %get3A_4301 = arith.constant 102 : i32
      %get3A_4302 = arith.index_cast %rem3A_29 : i32 to index
      %get3A_4303 = arith.index_cast %get3A_4301 : i32 to index
      %get3A_4304 = arith.index_cast %add3A_4300 : i32 to index
      %get3A_4305 = tpu.vector_load %arg8[%get3A_4302, %get3A_4303, %get3A_4304] {strides = array<i32>} : memref<6x104x128xf32, #tpu.memory_space<vmem>>, vector<1x1x16xf32>,
      %get3A_4306 = vector.shape_cast %get3A_4305 : vector<1x1x16xf32> to vector<16xf32>
      %add3A_4307 = arith.constant 32 : i32
      %add3A_4308 = arith.addi %mul3A_4290, %add3A_4307 : i32
      %get3A_4309 = arith.constant 102 : i32
      %get3A_4310 = arith.index_cast %rem3A_29 : i32 to index
      %get3A_4311 = arith.index_cast %get3A_4309 : i32 to index
      %get3A_4312 = arith.index_cast %add3A_4308 : i32 to index
      %get3A_4313 = tpu.vector_load %arg8[%get3A_4310, %get3A_4311, %get3A_4312] {strides = array<i32>} : memref<6x104x128xf32, #tpu.memory_space<vmem>>, vector<1x1x16xf32>,
      %get3A_4314 = vector.shape_cast %get3A_4313 : vector<1x1x16xf32> to vector<16xf32>
      %add3A_4315 = arith.constant 48 : i32
      %add3A_4316 = arith.addi %mul3A_4290, %add3A_4315 : i32
      %get3A_4317 = arith.constant 102 : i32
      %get3A_4318 = arith.index_cast %rem3A_29 : i32 to index
      %get3A_4319 = arith.index_cast %get3A_4317 : i32 to index
      %get3A_4320 = arith.index_cast %add3A_4316 : i32 to index
      %get3A_4321 = tpu.vector_load %arg8[%get3A_4318, %get3A_4319, %get3A_4320] {strides = array<i32>} : memref<6x104x128xf32, #tpu.memory_space<vmem>>, vector<1x1x16xf32>,
      %get3A_4322 = vector.shape_cast %get3A_4321 : vector<1x1x16xf32> to vector<16xf32>
      %add3A_4323 = arith.addf %add3A_4283, %get3A_4298 : vector<16xf32>
      %add3A_4324 = arith.addf %add3A_4284, %get3A_4306 : vector<16xf32>
      %add3A_4325 = arith.addf %add3A_4285, %get3A_4314 : vector<16xf32>
      %add3A_4326 = arith.addf %add3A_4286, %get3A_4322 : vector<16xf32>
      %slice3A_4327 = vector.extract_strided_slice %get3A_93 {offsets = [15], sizes = [1], strides = [1]} : vector<16xi32> to vector<1xi32>
      %squeeze3A_4328 = vector.extract %slice3A_4327[0] : i32 from vector<1xi32>
      %mul3A_4329 = arith.constant 64 : i32
      %mul3A_4330 = arith.muli %squeeze3A_4328, %mul3A_4329 : i32
      %add3A_4331 = arith.constant 0 : i32
      %add3A_4332 = arith.addi %mul3A_4330, %add3A_4331 : i32
      %get3A_4333 = arith.constant 103 : i32
      %get3A_4334 = arith.index_cast %rem3A_29 : i32 to index
      %get3A_4335 = arith.index_cast %get3A_4333 : i32 to index
      %get3A_4336 = arith.index_cast %add3A_4332 : i32 to index
      %get3A_4337 = tpu.vector_load %arg8[%get3A_4334, %get3A_4335, %get3A_4336] {strides = array<i32>} : memref<6x104x128xf32, #tpu.memory_space<vmem>>, vector<1x1x16xf32>,
      %get3A_4338 = vector.shape_cast %get3A_4337 : vector<1x1x16xf32> to vector<16xf32>
      %add3A_4339 = arith.constant 16 : i32
      %add3A_4340 = arith.addi %mul3A_4330, %add3A_4339 : i32
      %get3A_4341 = arith.constant 103 : i32
      %get3A_4342 = arith.index_cast %rem3A_29 : i32 to index
      %get3A_4343 = arith.index_cast %get3A_4341 : i32 to index
      %get3A_4344 = arith.index_cast %add3A_4340 : i32 to index
      %get3A_4345 = tpu.vector_load %arg8[%get3A_4342, %get3A_4343, %get3A_4344] {strides = array<i32>} : memref<6x104x128xf32, #tpu.memory_space<vmem>>, vector<1x1x16xf32>,
      %get3A_4346 = vector.shape_cast %get3A_4345 : vector<1x1x16xf32> to vector<16xf32>
      %add3A_4347 = arith.constant 32 : i32
      %add3A_4348 = arith.addi %mul3A_4330, %add3A_4347 : i32
      %get3A_4349 = arith.constant 103 : i32
      %get3A_4350 = arith.index_cast %rem3A_29 : i32 to index
      %get3A_4351 = arith.index_cast %get3A_4349 : i32 to index
      %get3A_4352 = arith.index_cast %add3A_4348 : i32 to index
      %get3A_4353 = tpu.vector_load %arg8[%get3A_4350, %get3A_4351, %get3A_4352] {strides = array<i32>} : memref<6x104x128xf32, #tpu.memory_space<vmem>>, vector<1x1x16xf32>,
      %get3A_4354 = vector.shape_cast %get3A_4353 : vector<1x1x16xf32> to vector<16xf32>
      %add3A_4355 = arith.constant 48 : i32
      %add3A_4356 = arith.addi %mul3A_4330, %add3A_4355 : i32
      %get3A_4357 = arith.constant 103 : i32
      %get3A_4358 = arith.index_cast %rem3A_29 : i32 to index
      %get3A_4359 = arith.index_cast %get3A_4357 : i32 to index
      %get3A_4360 = arith.index_cast %add3A_4356 : i32 to index
      %get3A_4361 = tpu.vector_load %arg8[%get3A_4358, %get3A_4359, %get3A_4360] {strides = array<i32>} : memref<6x104x128xf32, #tpu.memory_space<vmem>>, vector<1x1x16xf32>,
      %get3A_4362 = vector.shape_cast %get3A_4361 : vector<1x1x16xf32> to vector<16xf32>
      %add3A_4363 = arith.addf %add3A_4323, %get3A_4338 : vector<16xf32>
      %add3A_4364 = arith.addf %add3A_4324, %get3A_4346 : vector<16xf32>
      %add3A_4365 = arith.addf %add3A_4325, %get3A_4354 : vector<16xf32>
      %add3A_4366 = arith.addf %add3A_4326, %get3A_4362 : vector<16xf32>
      %mul3A_4367 = vector.broadcast %scan3A_16 : f32 to vector<16xf32>
      %mul3A_4368 = arith.mulf %add3A_4363, %mul3A_4367 : vector<16xf32>
      %mul3A_4369 = arith.constant 2 : i32
      %mul3A_4370 = arith.muli %add3A_28, %mul3A_4369 : i32
      %add3A_4371 = arith.constant 1 : i32
      %add3A_4372 = arith.addi %mul3A_4370, %add3A_4371 : i32
      %swap3A_4373 = arith.index_cast %add3A_4372 : i32 to index
      %swap3A_4374 = arith.constant 64 : index
      %swap3A_4375 = tpu.vector_load %arg7[%swap3A_4373, %swap3A_4374] {strides = array<i32>} : memref<64x128xf32, #tpu.memory_space<vmem>>, vector<1x16xf32>,
      %swap3A_4376 = vector.shape_cast %swap3A_4375 : vector<1x16xf32> to vector<16xf32>
      %swap3A_4377 = vector.shape_cast %mul3A_4368 : vector<16xf32> to vector<1x16xf32>
      tpu.vector_store %arg7[%swap3A_4373, %swap3A_4374], %swap3A_4377 {strides = array<i32>} : memref<64x128xf32, #tpu.memory_space<vmem>>, vector<1x16xf32>,
      %mul3A_4378 = vector.broadcast %scan3A_16 : f32 to vector<16xf32>
      %mul3A_4379 = arith.mulf %add3A_4364, %mul3A_4378 : vector<16xf32>
      %mul3A_4380 = arith.constant 2 : i32
      %mul3A_4381 = arith.muli %add3A_28, %mul3A_4380 : i32
      %add3A_4382 = arith.constant 1 : i32
      %add3A_4383 = arith.addi %mul3A_4381, %add3A_4382 : i32
      %swap3A_4384 = arith.index_cast %add3A_4383 : i32 to index
      %swap3A_4385 = arith.constant 80 : index
      %swap3A_4386 = tpu.vector_load %arg7[%swap3A_4384, %swap3A_4385] {strides = array<i32>} : memref<64x128xf32, #tpu.memory_space<vmem>>, vector<1x16xf32>,
      %swap3A_4387 = vector.shape_cast %swap3A_4386 : vector<1x16xf32> to vector<16xf32>
      %swap3A_4388 = vector.shape_cast %mul3A_4379 : vector<16xf32> to vector<1x16xf32>
      tpu.vector_store %arg7[%swap3A_4384, %swap3A_4385], %swap3A_4388 {strides = array<i32>} : memref<64x128xf32, #tpu.memory_space<vmem>>, vector<1x16xf32>,
      %mul3A_4389 = vector.broadcast %scan3A_16 : f32 to vector<16xf32>
      %mul3A_4390 = arith.mulf %add3A_4365, %mul3A_4389 : vector<16xf32>
      %mul3A_4391 = arith.constant 2 : i32
      %mul3A_4392 = arith.muli %add3A_28, %mul3A_4391 : i32
      %add3A_4393 = arith.constant 1 : i32
      %add3A_4394 = arith.addi %mul3A_4392, %add3A_4393 : i32
      %swap3A_4395 = arith.index_cast %add3A_4394 : i32 to index
      %swap3A_4396 = arith.constant 96 : index
      %swap3A_4397 = tpu.vector_load %arg7[%swap3A_4395, %swap3A_4396] {strides = array<i32>} : memref<64x128xf32, #tpu.memory_space<vmem>>, vector<1x16xf32>,
      %swap3A_4398 = vector.shape_cast %swap3A_4397 : vector<1x16xf32> to vector<16xf32>
      %swap3A_4399 = vector.shape_cast %mul3A_4390 : vector<16xf32> to vector<1x16xf32>
      tpu.vector_store %arg7[%swap3A_4395, %swap3A_4396], %swap3A_4399 {strides = array<i32>} : memref<64x128xf32, #tpu.memory_space<vmem>>, vector<1x16xf32>,
      %mul3A_4400 = vector.broadcast %scan3A_16 : f32 to vector<16xf32>
      %mul3A_4401 = arith.mulf %add3A_4366, %mul3A_4400 : vector<16xf32>
      %mul3A_4402 = arith.constant 2 : i32
      %mul3A_4403 = arith.muli %add3A_28, %mul3A_4402 : i32
      %add3A_4404 = arith.constant 1 : i32
      %add3A_4405 = arith.addi %mul3A_4403, %add3A_4404 : i32
      %swap3A_4406 = arith.index_cast %add3A_4405 : i32 to index
      %swap3A_4407 = arith.constant 112 : index
      %swap3A_4408 = tpu.vector_load %arg7[%swap3A_4406, %swap3A_4407] {strides = array<i32>} : memref<64x128xf32, #tpu.memory_space<vmem>>, vector<1x16xf32>,
      %swap3A_4409 = vector.shape_cast %swap3A_4408 : vector<1x16xf32> to vector<16xf32>
      %swap3A_4410 = vector.shape_cast %mul3A_4401 : vector<16xf32> to vector<1x16xf32>
      tpu.vector_store %arg7[%swap3A_4406, %swap3A_4407], %swap3A_4410 {strides = array<i32>} : memref<64x128xf32, #tpu.memory_space<vmem>>, vector<1x16xf32>,
      %add3A_4411 = arith.constant 6 : i32
      %add3A_4412 = arith.addi %add3A_28, %add3A_4411 : i32
      %lt3A = arith.constant 32 : i32
      %lt3A_4413 = arith.cmpi slt, %add3A_4412, %lt3A : i32
      %convert_element_type3A = arith.extui %lt3A_4413 : i1 to i32
      %cond3A = arith.constant 0 : i32
      %cond3A_4414 = arith.cmpi ne, %convert_element_type3A, %cond3A : i32
      scf.if %cond3A_4414 {
        %add3A_4415 = arith.constant 6 : i32
        %add3A_4416 = arith.addi %add3A_28, %add3A_4415 : i32
        %mul3A_4417 = arith.constant 104 : i32
        %mul3A_4418 = arith.muli %add3A_4416, %mul3A_4417 : i32
        %dma_start3A = arith.constant 0 : i32
        %dma_start3A_4419 = arith.constant 0 : i32
        %dma_start3A_4420 = tpu.memref_slice %arg8[%rem3A_29, %dma_start3A, %dma_start3A_4419] : memref<6x104x128xf32, #tpu.memory_space<vmem>> -> memref<1x104x128xf32, #tpu.memory_space<vmem>>
        %dma_start3A_4421 = tpu.memref_squeeze %dma_start3A_4420 : memref<1x104x128xf32, #tpu.memory_space<vmem>> -> memref<104x128xf32, #tpu.memory_space<vmem>>
        %dma_start3A_4422 = tpu.memref_slice %arg5[%mul3A_4418] : memref<3328xi32, #tpu.memory_space<vmem>> -> memref<104xi32, #tpu.memory_space<vmem>>
        %dma_start3A_4423 = arith.constant 0 : i32
        %dma_start3A_4424 = arith.constant 0 : i32
        %dma_start3A_4425 = tpu.memref_slice %arg3[%dma_start3A_4423, %dma_start3A_4424] : memref<520000x128xf32, #tpu.memory_space<hbm>> -> memref<520000x128xf32, #tpu.memory_space<hbm>>
        %dma_start3A_4426 = tpu.memref_slice %arg9[%rem3A_29] : memref<6x!tpu.dma_semaphore, #tpu.memory_space<semaphore_mem>> -> memref<1x!tpu.dma_semaphore, #tpu.memory_space<semaphore_mem>>
        %dma_start3A_4427 = tpu.memref_squeeze %dma_start3A_4426 : memref<1x!tpu.dma_semaphore, #tpu.memory_space<semaphore_mem>> -> memref<!tpu.dma_semaphore, #tpu.memory_space<semaphore_mem>>
        tpu.enqueue_indirect_dma source(%dma_start3A_4425 : memref<520000x128xf32, #tpu.memory_space<hbm>>) target(%dma_start3A_4421 : memref<104x128xf32, #tpu.memory_space<vmem>>) offsets(%dma_start3A_4422 : memref<104xi32, #tpu.memory_space<vmem>>) semaphore(%dma_start3A_4427 : memref<!tpu.dma_semaphore, #tpu.memory_space<semaphore_mem>>)
      } else {
      }
    }
    %scan3A_21 = arith.constant 32 : i32
    %mul3A_22 = arith.constant 64 : i32
    %mul3A_23 = arith.muli %add3A, %mul3A_22 : i32
    "tpu.region"() ({
      %run_scoped3A = tpu.sem_alloc : memref<!tpu.dma_semaphore, #tpu.memory_space<semaphore_mem>>
      %dma_start3A = arith.constant 0 : i32
      %dma_start3A_24 = tpu.memref_slice %arg4[%mul3A_23, %dma_start3A] : memref<2048x128xf32, #tpu.memory_space<hbm>> -> memref<64x128xf32, #tpu.memory_space<hbm>>
      %dma_start3A_25 = arith.constant 0 : i32
      %dma_start3A_26 = tpu.memref_slice %arg4[%mul3A_23, %dma_start3A_25] : memref<2048x128xf32, #tpu.memory_space<hbm>> -> memref<64x128xf32, #tpu.memory_space<hbm>>
      tpu.enqueue_dma source(%arg7 : memref<64x128xf32, #tpu.memory_space<vmem>>) target(%dma_start3A_26 : memref<64x128xf32, #tpu.memory_space<hbm>>) target_semaphore(%run_scoped3A : memref<!tpu.dma_semaphore, #tpu.memory_space<semaphore_mem>>)
      %dma_wait3A = arith.constant 0 : i32
      %dma_wait3A_27 = tpu.memref_slice %arg4[%mul3A_23, %dma_wait3A] : memref<2048x128xf32, #tpu.memory_space<hbm>> -> memref<64x128xf32, #tpu.memory_space<hbm>>
      %dma_wait3A_28 = arith.constant 0 : i32
      %dma_wait3A_29 = tpu.memref_slice %arg4[%mul3A_23, %dma_wait3A_28] : memref<2048x128xf32, #tpu.memory_space<hbm>> -> memref<64x128xf32, #tpu.memory_space<hbm>>
      tpu.wait_dma2 semaphore(%run_scoped3A : memref<!tpu.dma_semaphore, #tpu.memory_space<semaphore_mem>>) src(%arg7 : memref<64x128xf32, #tpu.memory_space<vmem>>) dst(%dma_wait3A_29 : memref<64x128xf32, #tpu.memory_space<hbm>>)
      tpu.yield
    }) : () -> ()
    return
  }
}

</mosaic_0001>

<sc_bundles>
// kernel: kernel.3.cloned.1.call-start
scs
__scs_entry_jumppad:
0x0: {  	(pc) =	sbr.rel $0x88, $3  }
0x1: {  	(tag) =	ssettag $0x0;
	lr =	simm.s32 $0x1  }
0x2: {  	[smem:$0x3F9F] =	sst lr;
	_ =	strace $0xD0000000  }
0x3: {  	_ = 	snop  }
0x4: {  	_ = 	snop  }
0x5: {  	_ = 	snop  }
0x6: {  	_ = 	snop  }
0x7: {  	_ = 	snop  }
__scs_overlays_trampoline_lowered:
0x8: {  	[smem:$0x3FAE] =	sst s0  }
0x9: {  	[smem:$0x3FAF] =	sst s1  }
0xa: {  	[smem:$0x3FB0] =	sst s2  }
0xb: {  	[smem:$0x3FB1] =	sst s3  }
0xc: {  	[smem:$0x3FB2] =	sst s4  }
0xd: {  	[smem:$0x3FB3] =	sst s5  }
0xe: {  	[smem:$0x3FB4] =	sst s6  }
0xf: {  	[smem:$0x3FB5] =	sst s7  }
0x10: {  	[smem:$0x3FB6] =	sst s8  }
0x11: {  	[smem:$0x3FB7] =	sst s9;
	s0 =	simm.s32 @!p0 $0x0  }
0x12: {  	s1 =	sld [smem:$0x3F9D];
	s0 =	simm.s32 @p0 $0x1  }
0x13: {  	[smem:$0x3FB8] =	sst s0;
	s0 =	simm.s32 @!p1 $0x0  }
0x14: {  	s2 =	sld [smem:$0x3F9C];
	s0 =	simm.s32 @p1 $0x1  }
0x15: {  	[smem:$0x3FB9] =	sst s0;
	s0 =	simm.s32 @!p2 $0x0  }
0x16: {  	s3 =	sld [smem:$0x3FDB];
	s0 =	simm.s32 @p2 $0x1  }
0x17: {  	s4 =	simm.s32 $0x1BF5;
	[smem:$0x3FBB] =	sst s0  }
0x18: {  	s0 =	sld [smem:$0x3F9E];
	_ =	swait.ge [sflag:s4], $0x0  }
0x19: {  	s7 =	sld [smem:$0x3F9F]  }
0x1a: {  	s8 =	sadd.s32 $0xFFFFE003, lr  }
0x1b: {  	s9 =	sadd.s32 $0xFFFFFEF7, lr;
	s5 =	simm.s32 $0xFFFFFFFF;
	p2 =	slt.u32 s8, $0xFFFFF086  }
0x1c: {  	p1 =	slt.u32 s9, $0xF7A;
	s5 =	simm.s32 @!p2 $0x0  }
0x1d: {  	s5 =	simm.s32 @p1 $0x1;
	p0 =	seq.s32 s7, s2  }
0x1e: {  	s7 =	smul.u32 @!p0 $0xF7A, s2;
	p2 =	seq.s32 @!p0 s5, $0x0  }
0x1f: {  	s9 =	smul.u32 $0xF7A, s1;
	s8 =	simm.s32 @!p0 $0x1BF5;
	p2 =	por !p2, p0  }
0x20: {  	[sflag:s8] =	ssyncset.s32 @!p0 $0xFFFFF086;
	s6 =	sadd.s32 @!p0 s3, s7;
	s7 =	simm.s32 @!p0 $0x108  }
0x21: {  	s3 =	sadd.s32 s3, s9;
	s6 =	sadd.s32 @!p0 $0x88, s6;
	s7 =	simm.s32 @p2 $0x1082  }
0x22: {  	[simem:s7], [sflag:s8] =	dma.local @!p0 [hbm:s6], $0xF7A  }
0x23: {  	s9 =	sor.u32 $0xD0000000, s2;
	s6 =	simm.s32 $0x108;
	_ =	swait.ge @!p0 [sflag:s8], $0x0  }
0x24: {  	s3 =	sadd.s32 $0x88, s3;
	s6 =	simm.s32 @!p1 $0x1082;
	[sflag:s4] =	ssyncset.s32 $0xFFFFF086  }
0x25: {  	[simem:s6], [sflag:s4] =	dma.local [hbm:s3], $0xF7A  }
0x26: {  	[smem:$0x3F9F] =	sst s1;
	(tag) =	ssettag s2;
	_ =	strace s9  }
0x27: {  	s1 =	sld [smem:$0x3FAF]  }
0x28: {  	s2 =	sld [smem:$0x3FB0]  }
0x29: {  	s4 =	sld [smem:$0x3FB2]  }
0x2a: {  	p0 =	seq.s32 s5, $0x0;
	s5 =	sld [smem:$0x3FB3]  }
0x2b: {  	s6 =	sld [smem:$0x3FB4]  }
0x2c: {  	s7 =	sld [smem:$0x3FB5]  }
0x2d: {  	s3 =	simm.s32 $0x108;
	s8 =	sld [smem:$0x3FB6]  }
0x2e: {  	s3 =	simm.s32 @!p0 $0x1082;
	s9 =	sld [smem:$0x3FB7]  }
0x2f: {  	lr =	sadd.s32 s0, s3;
	s0 =	sld [smem:$0x3FAE]  }
0x30: {  	s3 =	sld [smem:$0x3FB1]  }
0x31: {  	[smem:$0x3FBA] =	sst s10  }
0x32: {  	s10 =	sld [smem:$0x3FB8];
	_ =	sdelay $0x3  }
0x33: {  	p0 =	seq.s32 s10, $0x1;
	s10 =	sld [smem:$0x3FBA];
	_ =	sdelay $0x3  }
0x34: {  	[smem:$0x3FBA] =	sst s10  }
0x35: {  	s10 =	sld [smem:$0x3FB9];
	_ =	sdelay $0x3  }
0x36: {  	p1 =	seq.s32 s10, $0x1;
	s10 =	sld [smem:$0x3FBA];
	_ =	sdelay $0x3  }
0x37: {  	[smem:$0x3FBA] =	sst s10  }
0x38: {  	s10 =	sld [smem:$0x3FBB]  }
0x39: {  	_ = 	snop;
	(pc) =	sbr.ind lr, $3  }
0x3a: {  	_ = 	snop  }
0x3b: {  	_ = 	snop  }
0x3c: {  	p2 =	seq.s32 s10, $0x1;
	s10 =	sld [smem:$0x3FBA]  }
0x3d: {  	_ =	shalt  }
0x3e: {  	_ =	shalt  }
0x3f: {  	_ =	shalt  }
0x40: {  	_ =	shalt  }
0x41: {  	_ =	shalt  }
0x42: {  	_ =	shalt  }
0x43: {  	_ =	shalt  }
0x44: {  	_ =	shalt  }
0x45: {  	_ =	shalt  }
0x46: {  	_ =	shalt  }
0x47: {  	_ =	shalt  }
0x48: {  	_ =	shalt  }
0x49: {  	_ =	shalt  }
0x4a: {  	_ =	shalt  }
0x4b: {  	_ =	shalt  }
0x4c: {  	_ =	shalt  }
0x4d: {  	_ =	shalt  }
0x4e: {  	_ =	shalt  }
0x4f: {  	_ =	shalt  }
0x50: {  	_ =	shalt  }
0x51: {  	_ =	shalt  }
0x52: {  	_ =	shalt  }
0x53: {  	_ =	shalt  }
0x54: {  	_ =	shalt  }
0x55: {  	_ =	shalt  }
0x56: {  	_ =	shalt  }
0x57: {  	_ =	shalt  }
0x58: {  	_ =	shalt  }
0x59: {  	_ =	shalt  }
0x5a: {  	_ =	shalt  }
0x5b: {  	_ =	shalt  }
0x5c: {  	_ =	shalt  }
0x5d: {  	_ =	shalt  }
0x5e: {  	_ =	shalt  }
0x5f: {  	_ =	shalt  }
0x60: {  	_ =	shalt  }
0x61: {  	_ =	shalt  }
0x62: {  	_ =	shalt  }
0x63: {  	_ =	shalt  }
0x64: {  	_ =	shalt  }
0x65: {  	_ =	shalt  }
0x66: {  	_ =	shalt  }
0x67: {  	_ =	shalt  }
0x68: {  	_ =	shalt  }
0x69: {  	_ =	shalt  }
0x6a: {  	_ =	shalt  }
0x6b: {  	_ =	shalt  }
0x6c: {  	_ =	shalt  }
0x6d: {  	_ =	shalt  }
0x6e: {  	_ =	shalt  }
0x6f: {  	_ =	shalt  }
0x70: {  	_ =	shalt  }
0x71: {  	_ =	shalt  }
0x72: {  	_ =	shalt  }
0x73: {  	_ =	shalt  }
0x74: {  	_ =	shalt  }
0x75: {  	_ =	shalt  }
0x76: {  	_ =	shalt  }
0x77: {  	_ =	shalt  }
0x78: {  	_ =	shalt  }
0x79: {  	_ =	shalt  }
0x7a: {  	_ =	shalt  }
0x7b: {  	_ =	shalt  }
0x7c: {  	_ =	shalt  }
0x7d: {  	_ =	shalt  }
0x7e: {  	_ =	shalt  }
0x7f: {  	_ =	shalt  }
0x80: {  	_ =	shalt  }
0x81: {  	_ =	shalt  }
0x82: {  	_ =	shalt  }
0x83: {  	_ =	shalt  }
0x84: {  	_ =	shalt  }
0x85: {  	_ =	shalt  }
0x86: {  	_ =	shalt  }
0x87: {  	_ =	shalt  }
.Lfunc_end0:
.L_simem_size_0:
called_computation_lowered:
.L_overlay_start_0:
0x88: {  	s2 =	sld [smem:$0x3FD9]  }
0x89: {  	s3 =	sld [smem:$0x3FFE];
	_ =	sdelay $0x1  }
0x8a: {  	s1 =	srdreg.scid  }
0x8b: {  	s0 =	sand.u32 $0x1, s1  }
0x8c: {  	s17 =	sshll.u32 s0, $0xA;
	s2 =	sadd.s32 s3, s2  }
0x8d: {  	s2 =	sadd.s32 s2, s17  }
0x8e: {  	[smem:$0x3FC6] =	sst s2  }
0x8f: {  	_ = 	snop  }
0x90: {  	s2 =	sld [smem:$0x3FD0];
	(tm) =	ssettm $0x1  }
0x91: {  	s18 =	sld [smem:$0x3FFB];
	_ =	sdelay $0x3  }
0x92: {  	_ =	strace s18  }
0x93: {  	s3 =	sld [smem:$0x3FFC];
	_ =	sdelay $0x3  }
0x94: {  	_ =	strace s3  }
0x95: {  	s3 =	sld [smem:$0x3FFD];
	_ =	sdelay $0x3  }
0x96: {  	_ =	strace s3  }
0x97: {  	_ =	strace $0x8FFFFFFF  }
0x98: {  	s19 =	sld [smem:$0x3FDB];
	_ =	sdelay $0x1  }
0x99: {  	s4 =	simm.s32 $_scs_section_size  }
0x9a: {  	s5 =	simm.s32 $_size__tile_overlayer_lowered;
	s6 =	simm.s32 $_tile_overlayer_lowered  }
0x9b: {  	s22 =	simm.s32 $0x1BFF;
	s21 =	sshll.u32 s6, $0x1;
	s3 =	sadd.s32 s4, s19  }
0x9c: {  	s7 =	simm.s32 $0x0;
	s20 =	sshll.u32 s5, $0x1;
	s5 =	sadd.s32 s21, s3  }
0x9d: {  	[timem:s7], [sflag:s22] =	dma.local [hbm:s5], s20  }
0x9e: {  	_ =	swait.ge [sflag:s22], s20  }
0x9f: {  	s4 =	ssub.s32 $0x0, s20;
	[sflag:s22] =	ssyncset.done $0x0  }
0xa0: {  	[sflag:s22] =	ssyncadd.s32 s4;
	_ =	sdelay $0x1  }
0xa1: {  	s23 =	simm.s32 $0x1B8B  }
0xa2: {  	_ =	swait.ge [sflag:s23], $0x1  }
0xa3: {  	[sflag:s23] =	ssyncset.done $0x0  }
0xa4: {  	s25 =	simm.s32 $0x1B8E;
	s24 =	sld [smem:$0x3FFE];
	[sflag:s23] =	ssyncadd.s32 $0xFFFFFFFF  }
0xa5: {  	s26 =	simm.s32 $execute0_lowered;
	[smem:$0x3FD2] =	sst s25  }
0xa6: {  	s5 =	sshll.u32 s26, $0x1;
	_ =	strace $0x80000046;
	[dreg:$0x1] =	wrdreg $0xFFFFFFFF  }
0xa7: {  	s28 =	simm.s32 $_size_execute0_lowered;
	s3 =	sadd.s32 s3, s5;
	[dreg:$0x0] =	wrdreg $0x0  }
0xa8: {  	s5 =	sshll.u32 s28, $0x1;
	[dreg:$0x2] =	wrdreg s3  }
0xa9: {  	[dreg:$0x3] =	wrdreg s5  }
0xaa: {  	[dreg:$0x4] =	wrdreg $0xC0  }
0xab: {  	_ =	task [dreg:s7], $0x5FFFF  }
0xac: {  	[dreg:$0x1] =	wrdreg $0xFFFFFFFF  }
0xad: {  	[dreg:$0x0] =	wrdreg $0x60  }
0xae: {  	[dreg:$0x2] =	wrdreg s24  }
0xaf: {  	[dreg:$0x3] =	wrdreg s2  }
0xb0: {  	[dreg:$0x4] =	wrdreg $0x9  }
0xb1: {  	_ =	task.clear_ibuf [dreg:s7], $0x5FFFF;
	_ =	strace $0x90000046  }
0xb2: {  	s29 =	simm.s32 $0x9;
	_ =	strace $0x80000048  }
0xb3: {  	_ =	swait.ge [sflag:s29], $0x1  }
0xb4: {  	[sflag:s29] =	ssyncadd.s32 $0xFFFFFFFF  }
0xb5: {  	_ =	strace $0x90000048  }
0xb6: {  	_ =	sfence  }
0xb7: {  	s30 =	sld [smem:$0x0];
	_ =	sdelay $0x2  }
0xb8: {  	s31 =	sshll.u32 s1, $0xD;
	s1 =	sshrl.u32 s1, $0x2  }
0xb9: {  	s3 =	sand.u32 $0x4000, s31;
	s1 =	sadd.s32 s1, s30  }
0xba: {  	s0 =	sor.u32 s3, s0;
	s1 =	sshll.u32 s1, $0x11  }
0xbb: {  	s0 =	sor.u32 s1, s0  }
0xbc: {  	s0 =	sadd.s32 $0x8F2B, s0  }
0xbd: {  	[sflag:s0] =	ssyncadd.remote.s32 $0x1  }
0xbe: {  	_ =	sfence.sel $0xFFFF  }
0xbf: {  	[dreg:$0x0] =	wrdreg $0xFFFFFFFF;
	(pc) =	sbr.abs _section_cstart, $3  }
0xc0: {  	[dreg:$0x1] =	wrdreg $0xFFFFFFFF  }
0xc1: {  	_ =	task.clear_ibuf [dreg:s7], $0x2FFFF;
	_ =	strace $0x9FFFFFFF  }
0xc2: {  	(tm) =	ssettm $0x7FFFFFFF  }
0xc3: {  	_ =	shalt  }
tec
execute0_lowered:
.L_overlay_start_1:
0x0: {  	(tag) =	ssettag $0x1  }
0x1: {  	s1 =	srdreg.scid;
	s3 =	rddreg [dreg:$0x0]  }
0x2: {  	s0 =	stileid.u32;
	s5 =	rddreg [dreg:$0x1];
	s2 =	simm.s32 $0x0  }
0x3: {  	s9 =	simm.s32 $0x3A00;
	s10 =	simm.s32 $0x6E00;
	s11 =	simm.s32 $0xD0  }
0x4: {  	s12 =	simm.s32 $0xA200;
	s13 =	simm.s32 $0x138;
	s14 =	simm.s32 $0xD600  }
0x5: {  	s15 =	simm.s32 $0x1A0;
	s16 =	simm.s32 $0x10A00;
	s17 =	simm.s32 $0x208  }
0x6: {  	s18 =	simm.s32 $0x13E00;
	s19 =	simm.s32 $0x1A00;
	s20 =	simm.s32 $0x0  }
0x7: {  	s4 =	sand.u32 $0x1, s1;
	s31 =	sshll.u32 s0, $0x1;
	s1 =	rddreg [dreg:$0x2]  }
0x8: {  	[smem:$0x7FF] =	sst s2;
	s6 =	sor.u32 s4, s31;
	s4 =	ssub.s32 $0x2, s4  }
0x9: {  	s7 =	smul.u32 $0x1A0, s6;
	s8 =	sshrl.u32 s4, $0x1;
	s6 =	sshll.u32 s6, $0xA  }
0xa: {  	_ =	strace $0x80000047;
	s8 =	ssub.s32 s4, s8;
	s5 =	sadd.s32 s5, s6  }
0xb: {  	s7 =	sadd.s32 s7, s3;
	s3 =	sadd.s32 $0xFDEE00, s3;
	s6 =	smax.u32 s8, $0x1  }
0xc: {  	v0 =	vlaneseq.u32;
	s8 =	simm.s32 $0x68;
	s4 =	sadd.s32 $0x600, s7;
	s7 =	simm.s32 $0x7  }
.LBB2_1:
0xd: {  	s21 =	simm.s32 $0x0  }
0xe: {  	[tilespmem:s2], [sflag:$0x7] =	stream.linear.gather [hbm4b:s4+s2], $0xD00, $0x38;
	v1 =	vor.u32 s21, v0;
	[tilespmem:$0x17200] =	vst v63  }
0xf: {  	_ =	swait.ge [sflag:s7], $0xD00;
	v2 =	vmulhi.u32 $0x4EC4EC4F, v1  }
0x10: {  	[sflag:s7] =	ssyncset.done $0x0  }
0x11: {  	s21 =	simm.s32 $0x40;
	[sflag:s7] =	ssyncadd.s32 $0xFFFFF300;
	v2 =	vshrl.u32 v2, $0x3  }
0x12: {  	v3 =	vld [tilespmem:s21+$0xFFFFFFC0];
	v2 =	vmul.u32 $0x1A, v2;
	_ =	sdelay $0x1  }
0x13: {  	v1 =	vsub.s32 v1, v2  }
0x14: {  	v1 =	vmul.u32 $0x9C40, v1  }
0x15: {  	s22 =	simm.s32 $0x10  }
0x16: {  	v2 =	vor.u32 s22, v0;
	v1 =	vadd.s32 v1, v3  }
0x17: {  	v4 =	vmulhi.u32 $0x4EC4EC4F, v2;
	v1 =	vshrl.u32 v1, $0x1  }
0x18: {  	s22 =	simm.s32 $0xD40;
	[tilespmem:s21+$0xFFFFFFC0] =	vst v1;
	v1 =	vand.u32 $0x1, v3  }
0x19: {  	[tilespmem:s22+$0xFFFFFFC0] =	vst v1;
	v1 =	vshrl.u32 v4, $0x3  }
0x1a: {  	v1 =	vmul.u32 $0x1A, v1;
	v3 =	vld [tilespmem:s21+$0xFFFFFFD0];
	_ =	sdelay $0x1  }
0x1b: {  	v1 =	vsub.s32 v2, v1  }
0x1c: {  	v1 =	vmul.u32 $0x9C40, v1  }
0x1d: {  	s23 =	simm.s32 $0x20  }
0x1e: {  	v2 =	vor.u32 s23, v0;
	v1 =	vadd.s32 v1, v3  }
0x1f: {  	v4 =	vmulhi.u32 $0x4EC4EC4F, v2;
	v1 =	vshrl.u32 v1, $0x1  }
0x20: {  	[tilespmem:s21+$0xFFFFFFD0] =	vst v1;
	v1 =	vand.u32 $0x1, v3  }
0x21: {  	[tilespmem:s22+$0xFFFFFFD0] =	vst v1;
	v1 =	vshrl.u32 v4, $0x3  }
0x22: {  	v1 =	vmul.u32 $0x1A, v1;
	v3 =	vld [tilespmem:s21+$0xFFFFFFE0];
	_ =	sdelay $0x1  }
0x23: {  	v1 =	vsub.s32 v2, v1  }
0x24: {  	v1 =	vmul.u32 $0x9C40, v1  }
0x25: {  	s25 =	simm.s32 $0x30  }
0x26: {  	v2 =	vor.u32 s25, v0;
	v1 =	vadd.s32 v1, v3  }
0x27: {  	v4 =	vmulhi.u32 $0x4EC4EC4F, v2;
	v1 =	vshrl.u32 v1, $0x1  }
0x28: {  	[tilespmem:s21+$0xFFFFFFE0] =	vst v1;
	v1 =	vand.u32 $0x1, v3  }
0x29: {  	[tilespmem:s22+$0xFFFFFFE0] =	vst v1;
	v1 =	vshrl.u32 v4, $0x3  }
0x2a: {  	v1 =	vmul.u32 $0x1A, v1;
	v3 =	vld [tilespmem:s21+$0xFFFFFFF0];
	_ =	sdelay $0x1  }
0x2b: {  	v1 =	vsub.s32 v2, v1  }
0x2c: {  	v1 =	vmul.u32 $0x9C40, v1  }
0x2d: {  	s26 =	simm.s32 $0x40  }
0x2e: {  	v2 =	vor.u32 s26, v0;
	v1 =	vadd.s32 v1, v3  }
0x2f: {  	v4 =	vmulhi.u32 $0x4EC4EC4F, v2;
	v1 =	vshrl.u32 v1, $0x1  }
0x30: {  	[tilespmem:s21+$0xFFFFFFF0] =	vst v1;
	v1 =	vand.u32 $0x1, v3  }
0x31: {  	[tilespmem:s22+$0xFFFFFFF0] =	vst v1;
	v1 =	vshrl.u32 v4, $0x3  }
0x32: {  	v1 =	vmul.u32 $0x1A, v1;
	v3 =	vld [tilespmem:s21+$0x0];
	_ =	sdelay $0x1  }
0x33: {  	v1 =	vsub.s32 v2, v1  }
0x34: {  	v1 =	vmul.u32 $0x9C40, v1  }
0x35: {  	s28 =	simm.s32 $0x50  }
0x36: {  	v2 =	vor.u32 s28, v0;
	v1 =	vadd.s32 v1, v3  }
0x37: {  	v4 =	vmulhi.u32 $0x4EC4EC4F, v2;
	v1 =	vshrl.u32 v1, $0x1  }
0x38: {  	[tilespmem:s21+$0x0] =	vst v1;
	v1 =	vand.u32 $0x1, v3  }
0x39: {  	[tilespmem:s22+$0x0] =	vst v1;
	v1 =	vshrl.u32 v4, $0x3  }
0x3a: {  	v1 =	vmul.u32 $0x1A, v1;
	v3 =	vld [tilespmem:s21+$0x10];
	_ =	sdelay $0x1  }
0x3b: {  	v1 =	vsub.s32 v2, v1  }
0x3c: {  	v1 =	vmul.u32 $0x9C40, v1  }
0x3d: {  	s29 =	simm.s32 $0x60  }
0x3e: {  	v2 =	vor.u32 s29, v0;
	v1 =	vadd.s32 v1, v3  }
0x3f: {  	v4 =	vmulhi.u32 $0x4EC4EC4F, v2;
	v1 =	vshrl.u32 v1, $0x1  }
0x40: {  	[tilespmem:s21+$0x10] =	vst v1;
	v1 =	vand.u32 $0x1, v3  }
0x41: {  	[tilespmem:s22+$0x10] =	vst v1;
	v1 =	vshrl.u32 v4, $0x3  }
0x42: {  	v1 =	vmul.u32 $0x1A, v1;
	v3 =	vld [tilespmem:s21+$0x20];
	_ =	sdelay $0x1  }
0x43: {  	v1 =	vsub.s32 v2, v1  }
0x44: {  	v1 =	vmul.u32 $0x9C40, v1  }
0x45: {  	s30 =	simm.s32 $0x70  }
0x46: {  	v2 =	vor.u32 s30, v0;
	v1 =	vadd.s32 v1, v3  }
0x47: {  	v4 =	vmulhi.u32 $0x4EC4EC4F, v2;
	v1 =	vshrl.u32 v1, $0x1  }
0x48: {  	[tilespmem:s21+$0x20] =	vst v1;
	v1 =	vand.u32 $0x1, v3  }
0x49: {  	[tilespmem:s22+$0x20] =	vst v1;
	v1 =	vshrl.u32 v4, $0x3  }
0x4a: {  	v1 =	vmul.u32 $0x1A, v1;
	v3 =	vld [tilespmem:s21+$0x30];
	_ =	sdelay $0x1  }
0x4b: {  	v1 =	vsub.s32 v2, v1  }
0x4c: {  	v1 =	vmul.u32 $0x9C40, v1  }
0x4d: {  	s31 =	simm.s32 $0x80  }
0x4e: {  	v2 =	vadd.s32 v1, v3;
	v1 =	vor.u32 s31, v0  }
0x4f: {  	v4 =	vshrl.u32 v2, $0x1;
	v2 =	vmulhi.u32 $0x4EC4EC4F, v1  }
0x50: {  	s24 =	simm.s32 $0x8;
	s23 =	simm.s32 $0xF0;
	v3 =	vand.u32 $0x1, v3;
	[tilespmem:s21+$0x30] =	vst v4  }
.LBB2_2:
0x51: {  	s24 =	sadd.s32 $0x8, s24;
	v2 =	vshrl.u32 v2, $0x3;
	[tilespmem:s22+$0x30] =	vst v3;
	s21 =	sadd.s32 $0x80, s21;
	s22 =	sadd.s32 $0x80, s22  }
0x52: {  	p0 =	slt.u32 s24, $0xC8;
	v2 =	vmul.u32 $0x1A, v2;
	v3 =	vld [tilespmem:s21+$0xFFFFFFC0];
	_ =	sdelay $0x1  }
0x53: {  	v1 =	vsub.s32 v1, v2  }
0x54: {  	v1 =	vmul.u32 $0x9C40, v1  }
0x55: {  	s25 =	sadd.s32 $0xFFFFFFA0, s23  }
0x56: {  	v2 =	vor.u32 s25, v0;
	v1 =	vadd.s32 v1, v3  }
0x57: {  	v4 =	vmulhi.u32 $0x4EC4EC4F, v2;
	v1 =	vshrl.u32 v1, $0x1  }
0x58: {  	[tilespmem:s21+$0xFFFFFFC0] =	vst v1;
	v1 =	vand.u32 $0x1, v3  }
0x59: {  	[tilespmem:s22+$0xFFFFFFC0] =	vst v1;
	v1 =	vshrl.u32 v4, $0x3  }
0x5a: {  	v1 =	vmul.u32 $0x1A, v1;
	v3 =	vld [tilespmem:s21+$0xFFFFFFD0];
	_ =	sdelay $0x1  }
0x5b: {  	v1 =	vsub.s32 v2, v1  }
0x5c: {  	v1 =	vmul.u32 $0x9C40, v1  }
0x5d: {  	s25 =	sadd.s32 $0xFFFFFFB0, s23  }
0x5e: {  	v2 =	vor.u32 s25, v0;
	v1 =	vadd.s32 v1, v3  }
0x5f: {  	v4 =	vmulhi.u32 $0x4EC4EC4F, v2;
	v1 =	vshrl.u32 v1, $0x1  }
0x60: {  	[tilespmem:s21+$0xFFFFFFD0] =	vst v1;
	v1 =	vand.u32 $0x1, v3  }
0x61: {  	[tilespmem:s22+$0xFFFFFFD0] =	vst v1;
	v1 =	vshrl.u32 v4, $0x3  }
0x62: {  	v1 =	vmul.u32 $0x1A, v1;
	v3 =	vld [tilespmem:s21+$0xFFFFFFE0];
	_ =	sdelay $0x1  }
0x63: {  	v1 =	vsub.s32 v2, v1  }
0x64: {  	v1 =	vmul.u32 $0x9C40, v1  }
0x65: {  	s25 =	sadd.s32 $0xFFFFFFC0, s23  }
0x66: {  	v2 =	vor.u32 s25, v0;
	v1 =	vadd.s32 v1, v3  }
0x67: {  	v4 =	vmulhi.u32 $0x4EC4EC4F, v2;
	v1 =	vshrl.u32 v1, $0x1  }
0x68: {  	[tilespmem:s21+$0xFFFFFFE0] =	vst v1;
	v1 =	vand.u32 $0x1, v3  }
0x69: {  	[tilespmem:s22+$0xFFFFFFE0] =	vst v1;
	v1 =	vshrl.u32 v4, $0x3  }
0x6a: {  	v1 =	vmul.u32 $0x1A, v1;
	v3 =	vld [tilespmem:s21+$0xFFFFFFF0];
	_ =	sdelay $0x1  }
0x6b: {  	v1 =	vsub.s32 v2, v1  }
0x6c: {  	v1 =	vmul.u32 $0x9C40, v1  }
0x6d: {  	s25 =	sadd.s32 $0xFFFFFFD0, s23  }
0x6e: {  	v2 =	vor.u32 s25, v0;
	v1 =	vadd.s32 v1, v3  }
0x6f: {  	v4 =	vmulhi.u32 $0x4EC4EC4F, v2;
	v1 =	vshrl.u32 v1, $0x1  }
0x70: {  	[tilespmem:s21+$0xFFFFFFF0] =	vst v1;
	v1 =	vand.u32 $0x1, v3  }
0x71: {  	[tilespmem:s22+$0xFFFFFFF0] =	vst v1;
	v1 =	vshrl.u32 v4, $0x3  }
0x72: {  	v1 =	vmul.u32 $0x1A, v1;
	v3 =	vld [tilespmem:s21+$0x0];
	_ =	sdelay $0x1  }
0x73: {  	v1 =	vsub.s32 v2, v1  }
0x74: {  	v1 =	vmul.u32 $0x9C40, v1  }
0x75: {  	s25 =	sadd.s32 $0xFFFFFFE0, s23  }
0x76: {  	v2 =	vor.u32 s25, v0;
	v1 =	vadd.s32 v1, v3  }
0x77: {  	v4 =	vmulhi.u32 $0x4EC4EC4F, v2;
	v1 =	vshrl.u32 v1, $0x1  }
0x78: {  	[tilespmem:s21+$0x0] =	vst v1;
	v1 =	vand.u32 $0x1, v3  }
0x79: {  	[tilespmem:s22+$0x0] =	vst v1;
	v1 =	vshrl.u32 v4, $0x3  }
0x7a: {  	v1 =	vmul.u32 $0x1A, v1;
	v3 =	vld [tilespmem:s21+$0x10];
	_ =	sdelay $0x1  }
0x7b: {  	v1 =	vsub.s32 v2, v1  }
0x7c: {  	v1 =	vmul.u32 $0x9C40, v1  }
0x7d: {  	s25 =	sadd.s32 $0xFFFFFFF0, s23  }
0x7e: {  	v2 =	vor.u32 s25, v0;
	v1 =	vadd.s32 v1, v3  }
0x7f: {  	v4 =	vmulhi.u32 $0x4EC4EC4F, v2;
	v1 =	vshrl.u32 v1, $0x1  }
0x80: {  	[tilespmem:s21+$0x10] =	vst v1;
	v1 =	vand.u32 $0x1, v3  }
0x81: {  	[tilespmem:s22+$0x10] =	vst v1;
	v1 =	vshrl.u32 v4, $0x3  }
0x82: {  	v1 =	vmul.u32 $0x1A, v1;
	v3 =	vld [tilespmem:s21+$0x20];
	_ =	sdelay $0x1  }
0x83: {  	v1 =	vsub.s32 v2, v1  }
0x84: {  	v1 =	vmul.u32 $0x9C40, v1;
	_ =	sdelay $0x1  }
0x85: {  	v2 =	vor.u32 s23, v0;
	v1 =	vadd.s32 v1, v3  }
0x86: {  	v4 =	vmulhi.u32 $0x4EC4EC4F, v2;
	v1 =	vshrl.u32 v1, $0x1  }
0x87: {  	[tilespmem:s21+$0x20] =	vst v1;
	v1 =	vand.u32 $0x1, v3  }
0x88: {  	[tilespmem:s22+$0x20] =	vst v1;
	v1 =	vshrl.u32 v4, $0x3  }
0x89: {  	v1 =	vmul.u32 $0x1A, v1;
	v3 =	vld [tilespmem:s21+$0x30];
	_ =	sdelay $0x1  }
0x8a: {  	v1 =	vsub.s32 v2, v1  }
.Ltmp0:
0x8b: {  	s23 =	sadd.s32 $0x80, s23;
	v2 =	vmul.u32 $0x9C40, v1;
	(pc) =	sbr.rel @p0 .LBB2_2-.Ltmp0, $4  }
0x8c: {  	s25 =	sadd.s32 $0xFFFFFF90, s23  }
0x8d: {  	v1 =	vor.u32 s25, v0;
	v4 =	vadd.s32 v2, v3  }
0x8e: {  	v2 =	vmulhi.u32 $0x4EC4EC4F, v1;
	v4 =	vshrl.u32 v4, $0x1  }
0x8f: {  	v3 =	vand.u32 $0x1, v3;
	[tilespmem:s21+$0x30] =	vst v4  }
0x90: {  	v2 =	vshrl.u32 v2, $0x3;
	[tilespmem:s22+$0x30] =	vst v3;
	s21 =	sadd.s32 $0x80, s21  }
0x91: {  	v2 =	vmul.u32 $0x1A, v2;
	v3 =	vld [tilespmem:s21+$0xFFFFFFC0];
	_ =	sdelay $0x1  }
0x92: {  	v1 =	vsub.s32 v1, v2  }
0x93: {  	v1 =	vmul.u32 $0x9C40, v1  }
0x94: {  	s24 =	sadd.s32 $0xFFFFFFA0, s23  }
0x95: {  	v2 =	vor.u32 s24, v0;
	v1 =	vadd.s32 v1, v3  }
0x96: {  	v4 =	vmulhi.u32 $0x4EC4EC4F, v2;
	v1 =	vshrl.u32 v1, $0x1  }
0x97: {  	s25 =	sadd.s32 $0x80, s22;
	[tilespmem:s21+$0xFFFFFFC0] =	vst v1;
	v1 =	vand.u32 $0x1, v3  }
0x98: {  	[tilespmem:s25+$0xFFFFFFC0] =	vst v1;
	v1 =	vshrl.u32 v4, $0x3  }
0x99: {  	v1 =	vmul.u32 $0x1A, v1;
	v3 =	vld [tilespmem:s21+$0xFFFFFFD0];
	_ =	sdelay $0x1  }
0x9a: {  	v1 =	vsub.s32 v2, v1  }
0x9b: {  	v1 =	vmul.u32 $0x9C40, v1  }
0x9c: {  	s26 =	sadd.s32 $0xFFFFFFB0, s23  }
0x9d: {  	v2 =	vor.u32 s26, v0;
	v1 =	vadd.s32 v1, v3  }
0x9e: {  	v58 =	vmulhi.u32 $0x4EC4EC4F, v2;
	v1 =	vshrl.u32 v1, $0x1  }
0x9f: {  	[tilespmem:s21+$0xFFFFFFD0] =	vst v1;
	v1 =	vand.u32 $0x1, v3  }
0xa0: {  	[tilespmem:s25+$0xFFFFFFD0] =	vst v1;
	v1 =	vshrl.u32 v58, $0x3  }
0xa1: {  	v1 =	vmul.u32 $0x1A, v1;
	v3 =	vld [tilespmem:s21+$0xFFFFFFE0];
	_ =	sdelay $0x1  }
0xa2: {  	v1 =	vsub.s32 v2, v1  }
0xa3: {  	v1 =	vmul.u32 $0x9C40, v1  }
0xa4: {  	s28 =	sadd.s32 $0xFFFFFFC0, s23  }
0xa5: {  	v2 =	vor.u32 s28, v0;
	v1 =	vadd.s32 v1, v3  }
0xa6: {  	v59 =	vmulhi.u32 $0x4EC4EC4F, v2;
	v1 =	vshrl.u32 v1, $0x1  }
0xa7: {  	[tilespmem:s21+$0xFFFFFFE0] =	vst v1;
	v1 =	vand.u32 $0x1, v3  }
0xa8: {  	[tilespmem:s25+$0xFFFFFFE0] =	vst v1;
	v1 =	vshrl.u32 v59, $0x3  }
0xa9: {  	v1 =	vmul.u32 $0x1A, v1;
	v3 =	vld [tilespmem:s21+$0xFFFFFFF0];
	_ =	sdelay $0x1  }
0xaa: {  	v1 =	vsub.s32 v2, v1  }
0xab: {  	v1 =	vmul.u32 $0x9C40, v1  }
0xac: {  	s29 =	sadd.s32 $0xFFFFFFD0, s23  }
0xad: {  	v2 =	vor.u32 s29, v0;
	v1 =	vadd.s32 v1, v3  }
0xae: {  	v60 =	vmulhi.u32 $0x4EC4EC4F, v2;
	v1 =	vshrl.u32 v1, $0x1  }
0xaf: {  	[tilespmem:s21+$0xFFFFFFF0] =	vst v1;
	v1 =	vand.u32 $0x1, v3  }
0xb0: {  	[tilespmem:s25+$0xFFFFFFF0] =	vst v1;
	v1 =	vshrl.u32 v60, $0x3  }
0xb1: {  	v1 =	vmul.u32 $0x1A, v1;
	v3 =	vld [tilespmem:s21+$0x0];
	_ =	sdelay $0x1  }
0xb2: {  	v1 =	vsub.s32 v2, v1  }
0xb3: {  	v1 =	vmul.u32 $0x9C40, v1  }
0xb4: {  	s30 =	sadd.s32 $0xFFFFFFE0, s23  }
0xb5: {  	v2 =	vor.u32 s30, v0;
	v1 =	vadd.s32 v1, v3  }
0xb6: {  	v61 =	vmulhi.u32 $0x4EC4EC4F, v2;
	v1 =	vshrl.u32 v1, $0x1  }
0xb7: {  	[tilespmem:s21+$0x0] =	vst v1;
	v1 =	vand.u32 $0x1, v3  }
0xb8: {  	[tilespmem:s25+$0x0] =	vst v1;
	v1 =	vshrl.u32 v61, $0x3  }
0xb9: {  	v1 =	vmul.u32 $0x1A, v1;
	v3 =	vld [tilespmem:s21+$0x10];
	_ =	sdelay $0x1  }
0xba: {  	v1 =	vsub.s32 v2, v1  }
0xbb: {  	v1 =	vmul.u32 $0x9C40, v1  }
0xbc: {  	s31 =	sadd.s32 $0xFFFFFFF0, s23  }
0xbd: {  	v2 =	vor.u32 s31, v0;
	v1 =	vadd.s32 v1, v3  }
0xbe: {  	v62 =	vmulhi.u32 $0x4EC4EC4F, v2;
	v1 =	vshrl.u32 v1, $0x1  }
0xbf: {  	[tilespmem:s21+$0x10] =	vst v1;
	v1 =	vand.u32 $0x1, v3  }
0xc0: {  	[tilespmem:s25+$0x10] =	vst v1;
	v1 =	vshrl.u32 v62, $0x3  }
0xc1: {  	v1 =	vmul.u32 $0x1A, v1;
	v3 =	vld [tilespmem:s21+$0x20];
	_ =	sdelay $0x1  }
0xc2: {  	v1 =	vsub.s32 v2, v1  }
0xc3: {  	v1 =	vmul.u32 $0x9C40, v1;
	_ =	sdelay $0x1  }
0xc4: {  	v2 =	vor.u32 s23, v0;
	v1 =	vadd.s32 v1, v3  }
0xc5: {  	v63 =	vmulhi.u32 $0x4EC4EC4F, v2;
	v1 =	vshrl.u32 v1, $0x1  }
0xc6: {  	[tilespmem:s21+$0x20] =	vst v1;
	v1 =	vand.u32 $0x1, v3  }
0xc7: {  	[tilespmem:s25+$0x20] =	vst v1;
	v1 =	vshrl.u32 v63, $0x3  }
0xc8: {  	v1 =	vmul.u32 $0x1A, v1;
	v3 =	vld [tilespmem:s21+$0x30];
	_ =	sdelay $0x1  }
0xc9: {  	v1 =	vsub.s32 v2, v1  }
0xca: {  	v1 =	vmul.u32 $0x9C40, v1;
	_ =	sdelay $0x1  }
0xcb: {  	v1 =	vadd.s32 v1, v3  }
0xcc: {  	v1 =	vshrl.u32 v1, $0x1  }
0xcd: {  	[tilespmem:s21+$0x30] =	vst v1;
	v1 =	vand.u32 $0x1, v3  }
0xce: {  	s21 =	simm.s32 $0x0;
	[tilespmem:s25+$0x30] =	vst v1  }
0xcf: {  	[tilespmem:s9], [sflag:$0x1] =	stream.indirect.gather [hbm4b:s3+s8], $0x80, s21, s8, $0xb8;
	[tilespmem:$0x17200] =	vst v63  }
0xd0: {  	_ = 	snop  }
0xd1: {  	[tilespmem:s10], [sflag:$0x2] =	stream.indirect.gather [hbm4b:s3+s8], $0x80, s8, s8, $0xb8;
	[tilespmem:$0x17200] =	vst v63  }
0xd2: {  	_ = 	snop  }
0xd3: {  	[tilespmem:s12], [sflag:$0x3] =	stream.indirect.gather [hbm4b:s3+s8], $0x80, s11, s8, $0xb8;
	[tilespmem:$0x17200] =	vst v63  }
0xd4: {  	_ = 	snop  }
0xd5: {  	[tilespmem:s14], [sflag:$0x4] =	stream.indirect.gather [hbm4b:s3+s8], $0x80, s13, s8, $0xb8;
	[tilespmem:$0x17200] =	vst v63  }
0xd6: {  	_ = 	snop  }
0xd7: {  	[tilespmem:s16], [sflag:$0x5] =	stream.indirect.gather [hbm4b:s3+s8], $0x80, s15, s8, $0xb8;
	[tilespmem:$0x17200] =	vst v63  }
0xd8: {  	s22 =	simm.s32 $0x270;
	s24 =	simm.s32 $0xD30;
	s23 =	simm.s32 $0x1A80  }
0xd9: {  	[tilespmem:s18], [sflag:$0x6] =	stream.indirect.gather [hbm4b:s3+s8], $0x80, s17, s8, $0xb8;
	[tilespmem:$0x17200] =	vst v63  }
.LBB2_4:
0xda: {  	s25 =	smul.u32 $0xAB, s21;
	_ =	sdelay $0x1  }
0xdb: {  	s25 =	sshrl.u32 s25, $0xA  }
0xdc: {  	s25 =	sand.u32 $0x3F, s25  }
0xdd: {  	s25 =	smul.u32 $0x6, s25;
	_ =	sdelay $0x1  }
0xde: {  	s25 =	ssub.s32 s21, s25  }
0xdf: {  	s26 =	sand.u32 $0xFF, s25  }
0xe0: {  	s25 =	sadd.s32 $0x1, s26  }
0xe1: {  	_ =	swait.ge [sflag:s25], $0x3400  }
0xe2: {  	[sflag:s25] =	ssyncset.done $0x0  }
0xe3: {  	[sflag:s25] =	ssyncadd.s32 $0xFFFFCC00  }
0xe4: {  	v1 =	vld [tilespmem:s24+$0xFFFFFFD0]  }
0xe5: {  	v3 =	vld [tilespmem:s24+$0xFFFFFFF0];
	_ =	sdelay $0x4  }
0xe6: {  	v1 =	vshll.u32 v1, $0x6;
	[tilespmem:$0x1FFB0] =	vst v3;
	v3 =	vld [tilespmem:s24+$0x0]  }
0xe7: {  	(v2sf) =	vpush v1, $0x0;
	_ =	sdelay $0x3  }
0xe8: {  	(v2sf) =	vpush v1, $0x1;
	[tilespmem:$0x1FFC0] =	vst v3;
	v3 =	vld [tilespmem:s24+$0x10];
	_ =	sdelay $0x3  }
0xe9: {  	(v2sf) =	vpush v1, $0x2  }
0xea: {  	[tilespmem:$0x1FFD0] =	vst v3;
	v3 =	vld [tilespmem:s24+$0x20];
	_ =	sdelay $0x2  }
0xeb: {  	(v2sf) =	vpush v1, $0x3  }
0xec: {  	s26 =	smul.u32 $0xD000, s26  }
0xed: {  	[tilespmem:$0x1FFE0] =	vst v3;
	v3 =	vld [tilespmem:s24+$0x28]  }
0xee: {  	s28 =	sshrl.u32 s26, $0x2;
	s29 =	spop (v2sf)  }
0xef: {  	s26 =	sadd.s32 $0x3A00, s28;
	s30 =	sand.u32 $0xFFFFFF80, s29  }
0xf0: {  	s29 =	sand.u32 $0x40, s29;
	s30 =	sadd.s32 s30, s26  }
0xf1: {  	v2 =	vld [tilespmem:s24+$0xFFFFFFE0];
	(v2sf) =	vpush v1, $0x4;
	s29 =	sor.u32 s29, s30  }
0xf2: {  	s30 =	spop (v2sf);
	[tilespmem:$0x1FFF0] =	vst v3;
	v3 =	vld [tilespmem:s29+$0x0]  }
0xf3: {  	v4 =	vld [tilespmem:s29+$0x10];
	s31 =	sand.u32 $0xFFFFFF80, s30  }
0xf4: {  	v5 =	vld [tilespmem:s29+$0x20];
	s30 =	sand.u32 $0x40, s30;
	s31 =	sadd.s32 s31, s28  }
0xf5: {  	v7 =	vld [tilespmem:s29+$0x30];
	s29 =	sor.u32 s30, s31  }
0xf6: {  	s30 =	spop (v2sf);
	v11 =	vld [tilespmem:s29+$0x3A80]  }
0xf7: {  	(v2sf) =	vpush v1, $0x5;
	v8 =	vld [tilespmem:s29+$0x3A90];
	s31 =	sand.u32 $0xFFFFFF80, s30  }
0xf8: {  	v13 =	vld [tilespmem:s29+$0x3AA0];
	s30 =	sand.u32 $0x40, s30;
	s31 =	sadd.s32 s31, s28  }
0xf9: {  	v6 =	vld [tilespmem:s29+$0x3AB0];
	s29 =	sor.u32 s30, s31  }
0xfa: {  	s30 =	spop (v2sf);
	v9 =	vld [tilespmem:s29+$0x3B00]  }
0xfb: {  	(v2sf) =	vpush v1, $0x6;
	v12 =	vld [tilespmem:s29+$0x3B10];
	s31 =	sand.u32 $0xFFFFFF80, s30  }
0xfc: {  	v10 =	vld [tilespmem:s29+$0x3B20];
	s30 =	sand.u32 $0x40, s30;
	s31 =	sadd.s32 s31, s28  }
0xfd: {  	v51 =	vld [tilespmem:s29+$0x3B30];
	s29 =	sor.u32 s30, s31  }
0xfe: {  	v52 =	vld [tilespmem:s29+$0x3B80]  }
0xff: {  	(v2sf) =	vpush v1, $0x7;
	v53 =	vld [tilespmem:s29+$0x3B90]  }
0x100: {  	v54 =	vld [tilespmem:s29+$0x3BA0];
	s30 =	spop (v2sf)  }
0x101: {  	[tilespmem:$0x1FED0] =	vst v6;
	v3 =	vadd.f32 v11, v3;
	v55 =	vld [tilespmem:s29+$0x3BB0];
	s31 =	sand.u32 $0xFFFFFF80, s30  }
0x102: {  	v6 =	vshll.u32 v2, $0x6;
	v2 =	vld [tilespmem:$0x1FED0];
	[tilespmem:$0x1FEE0] =	vst v51;
	s30 =	sand.u32 $0x40, s30;
	s31 =	sadd.s32 s31, s28  }
0x103: {  	(v2sf) =	vpush v1, $0x8;
	v3 =	vadd.f32 v9, v3;
	v9 =	vld [tilespmem:$0x1FEE0];
	s29 =	sor.u32 s30, s31  }
0x104: {  	v56 =	vld [tilespmem:s29+$0x3C00]  }
0x105: {  	v57 =	vld [tilespmem:s29+$0x3C10]  }
0x106: {  	s30 =	spop (v2sf);
	v58 =	vld [tilespmem:s29+$0x3C20]  }
0x107: {  	[tilespmem:$0x1FF00] =	vst v53;
	(v2sf) =	vpush v1, $0x9;
	v2 =	vadd.f32 v2, v7;
	s31 =	sand.u32 $0xFFFFFF80, s30;
	v59 =	vld [tilespmem:s29+$0x3C30]  }
0x108: {  	[tilespmem:$0x1FF20] =	vst v55;
	s30 =	sand.u32 $0x40, s30;
	v30 =	vld [tilespmem:$0x1FF00];
	s31 =	sadd.s32 s31, s28  }
0x109: {  	s29 =	sor.u32 s30, s31;
	v2 =	vadd.f32 v9, v2;
	v9 =	vld [tilespmem:$0x1FF20]  }
0x10a: {  	s30 =	spop (v2sf);
	v60 =	vld [tilespmem:s29+$0x3C80]  }
0x10b: {  	(v2sf) =	vpush v1, $0xA;
	v61 =	vld [tilespmem:s29+$0x3C90];
	s31 =	sand.u32 $0xFFFFFF80, s30  }
0x10c: {  	v62 =	vld [tilespmem:s29+$0x3CA0];
	s30 =	sand.u32 $0x40, s30;
	s31 =	sadd.s32 s31, s28  }
0x10d: {  	v32 =	vld [tilespmem:s29+$0x3CB0];
	s29 =	sor.u32 s30, s31  }
0x10e: {  	s30 =	spop (v2sf);
	v63 =	vld [tilespmem:s29+$0x3D00]  }
0x10f: {  	v33 =	vld [tilespmem:s29+$0x3D10];
	s31 =	sand.u32 $0xFFFFFF80, s30  }
0x110: {  	(v2sf) =	vpush v1, $0xB;
	v31 =	vld [tilespmem:s29+$0x3D20];
	s30 =	sand.u32 $0x40, s30;
	s31 =	sadd.s32 s31, s28  }
0x111: {  	v35 =	vld [tilespmem:s29+$0x3D30];
	s29 =	sor.u32 s30, s31  }
0x112: {  	v34 =	vld [tilespmem:s29+$0x3D80];
	s30 =	spop (v2sf)  }
0x113: {  	v36 =	vld [tilespmem:s29+$0x3D90];
	s31 =	sand.u32 $0xFFFFFF80, s30  }
0x114: {  	v37 =	vld [tilespmem:s29+$0x3DA0];
	s30 =	sand.u32 $0x40, s30;
	s31 =	sadd.s32 s31, s28  }
0x115: {  	v40 =	vld [tilespmem:s29+$0x3DB0];
	s29 =	sor.u32 s30, s31  }
0x116: {  	s30 =	spop (v2sf);
	v38 =	vld [tilespmem:s29+$0x3E00]  }
0x117: {  	v41 =	vld [tilespmem:s29+$0x3E10];
	s31 =	sand.u32 $0xFFFFFF80, s30  }
0x118: {  	(v2sf) =	vpush v1, $0xC;
	v39 =	vld [tilespmem:s29+$0x3E20];
	s30 =	sand.u32 $0x40, s30;
	s31 =	sadd.s32 s31, s28  }
0x119: {  	v43 =	vld [tilespmem:s29+$0x3E30];
	s29 =	sor.u32 s30, s31  }
0x11a: {  	s30 =	spop (v2sf);
	v42 =	vld [tilespmem:s29+$0x3E80]  }
0x11b: {  	v44 =	vld [tilespmem:s29+$0x3E90];
	s31 =	sand.u32 $0xFFFFFF80, s30  }
0x11c: {  	(v2sf) =	vpush v1, $0xD;
	v45 =	vld [tilespmem:s29+$0x3EA0];
	s30 =	sand.u32 $0x40, s30;
	s31 =	sadd.s32 s31, s28  }
0x11d: {  	v48 =	vld [tilespmem:s29+$0x3EB0];
	s29 =	sor.u32 s30, s31  }
0x11e: {  	(v2sf) =	vpush v1, $0xE;
	v46 =	vld [tilespmem:s29+$0x3F00]  }
0x11f: {  	s30 =	spop (v2sf);
	(v2sf) =	vpush v1, $0xF;
	v49 =	vld [tilespmem:s29+$0x3F10]  }
0x120: {  	v1 =	vadd.f32 v8, v4;
	v8 =	vadd.f32 v13, v5;
	v47 =	vld [tilespmem:s29+$0x3F20]  }
0x121: {  	[tilespmem:$0x1FEF0] =	vst v52;
	s31 =	sand.u32 $0xFFFFFF80, s30;
	v51 =	vld [tilespmem:s29+$0x3F30]  }
0x122: {  	[tilespmem:$0x1FF10] =	vst v54;
	s30 =	sand.u32 $0x40, s30;
	s31 =	sadd.s32 s31, s28;
	v4 =	vadd.f32 v10, v8;
	v10 =	vld [tilespmem:$0x1FEF0]  }
0x123: {  	v1 =	vadd.f32 v12, v1;
	v8 =	vld [tilespmem:$0x1FF10];
	s29 =	sor.u32 s30, s31  }
0x124: {  	[tilespmem:$0x1FF30] =	vst v56;
	v50 =	vld [tilespmem:s29+$0x3F80]  }
0x125: {  	v1 =	vadd.f32 v30, v1;
	v30 =	vld [tilespmem:$0x1FF30]  }
0x126: {  	v52 =	vld [tilespmem:s29+$0x3F90]  }
0x127: {  	v53 =	vld [tilespmem:s29+$0x3FA0];
	s30 =	spop (v2sf)  }
0x128: {  	[tilespmem:$0x1FF40] =	vst v57;
	v54 =	vld [tilespmem:s29+$0x3FB0];
	s31 =	sand.u32 $0xFFFFFF80, s30;
	v3 =	vadd.f32 v10, v3  }
0x129: {  	[tilespmem:$0x1FF50] =	vst v58;
	s30 =	sand.u32 $0x40, s30;
	v4 =	vadd.f32 v8, v4;
	v8 =	vld [tilespmem:$0x1FF40];
	s31 =	sadd.s32 s31, s28  }
0x12a: {  	s29 =	sor.u32 s30, s31;
	v3 =	vadd.f32 v30, v3;
	v30 =	vld [tilespmem:$0x1FF50]  }
0x12b: {  	(v2sf) =	vpush v6, $0x0;
	s30 =	spop (v2sf);
	v55 =	vld [tilespmem:s29+$0x4000]  }
0x12c: {  	v56 =	vld [tilespmem:s29+$0x4010];
	s31 =	sand.u32 $0xFFFFFF80, s30  }
0x12d: {  	v57 =	vld [tilespmem:s29+$0x4020];
	s30 =	sand.u32 $0x40, s30;
	s31 =	sadd.s32 s31, s28  }
0x12e: {  	v58 =	vld [tilespmem:s29+$0x4030];
	s29 =	sor.u32 s30, s31  }
0x12f: {  	[tilespmem:$0x1FF60] =	vst v59;
	v59 =	vld [tilespmem:s29+$0x4080]  }
0x130: {  	[tilespmem:$0x1FF70] =	vst v60;
	(v2sf) =	vpush v6, $0x1;
	s30 =	spop (v2sf);
	v60 =	vld [tilespmem:s29+$0x4090]  }
0x131: {  	s31 =	sand.u32 $0xFFFFFF80, s30;
	v4 =	vadd.f32 v30, v4;
	v30 =	vld [tilespmem:$0x1FF60]  }
0x132: {  	[tilespmem:$0x1FF80] =	vst v61;
	v61 =	vld [tilespmem:s29+$0x40A0];
	s30 =	sand.u32 $0x40, s30;
	s31 =	sadd.s32 s31, s28  }
0x133: {  	[tilespmem:$0x1FF90] =	vst v62;
	v62 =	vld [tilespmem:s29+$0x40B0];
	s29 =	sor.u32 s30, s31  }
0x134: {  	v2 =	vadd.f32 v9, v2;
	[tilespmem:$0x1FFA0] =	vst v63;
	v63 =	vld [tilespmem:s29+$0x4100]  }
0x135: {  	(v2sf) =	vpush v6, $0x2;
	s30 =	spop (v2sf);
	v29 =	vld [tilespmem:s29+$0x4110]  }
0x136: {  	s31 =	sand.u32 $0xFFFFFF80, s30;
	v2 =	vadd.f32 v30, v2;
	v30 =	vld [tilespmem:$0x1FF70]  }
0x137: {  	s30 =	sand.u32 $0x40, s30;
	v28 =	vld [tilespmem:s29+$0x4120];
	s31 =	sadd.s32 s31, s28  }
0x138: {  	v27 =	vld [tilespmem:s29+$0x4130];
	s30 =	sor.u32 s30, s31  }
0x139: {  	(v2sf) =	vpush v6, $0x3;
	v26 =	vld [tilespmem:s30+$0x4180]  }
0x13a: {  	v25 =	vld [tilespmem:s30+$0x4190];
	s29 =	spop (v2sf)  }
0x13b: {  	s31 =	sand.u32 $0xFFFFFF80, s29;
	v3 =	vadd.f32 v30, v3;
	v30 =	vld [tilespmem:$0x1FF80]  }
0x13c: {  	v24 =	vld [tilespmem:s30+$0x41A0];
	s29 =	sand.u32 $0x40, s29;
	s31 =	sadd.s32 s31, s28  }
0x13d: {  	v23 =	vld [tilespmem:s30+$0x41B0];
	(v2sf) =	vpush v6, $0x4;
	s29 =	sor.u32 s29, s31  }
0x13e: {  	v1 =	vadd.f32 v8, v1;
	v22 =	vld [tilespmem:s29+$0x4200]  }
0x13f: {  	s30 =	spop (v2sf);
	v21 =	vld [tilespmem:s29+$0x4210]  }
0x140: {  	s31 =	sand.u32 $0xFFFFFF80, s30;
	v1 =	vadd.f32 v30, v1;
	v30 =	vld [tilespmem:$0x1FF90]  }
0x141: {  	v2 =	vadd.f32 v32, v2;
	(v2sf) =	vpush v6, $0x5;
	s30 =	sand.u32 $0x40, s30;
	v20 =	vld [tilespmem:s29+$0x4220];
	s31 =	sadd.s32 s31, s28  }
0x142: {  	v19 =	vld [tilespmem:s29+$0x4230];
	s30 =	sor.u32 s30, s31  }
0x143: {  	v2 =	vadd.f32 v35, v2;
	v18 =	vld [tilespmem:s30+$0x4280]  }
0x144: {  	s29 =	spop (v2sf);
	(v2sf) =	vpush v6, $0x6;
	v17 =	vld [tilespmem:s30+$0x4290]  }
0x145: {  	v2 =	vadd.f32 v40, v2;
	s31 =	sand.u32 $0xFFFFFF80, s29;
	v4 =	vadd.f32 v30, v4;
	v30 =	vld [tilespmem:$0x1FFA0]  }
0x146: {  	s29 =	sand.u32 $0x40, s29;
	v16 =	vld [tilespmem:s30+$0x42A0];
	s31 =	sadd.s32 s31, s28  }
0x147: {  	v2 =	vadd.f32 v43, v2;
	v15 =	vld [tilespmem:s30+$0x42B0];
	s29 =	sor.u32 s29, s31  }
0x148: {  	s30 =	spop (v2sf);
	(v2sf) =	vpush v6, $0x7;
	v14 =	vld [tilespmem:s29+$0x4300]  }
0x149: {  	v2 =	vadd.f32 v48, v2;
	s31 =	sand.u32 $0xFFFFFF80, s30;
	v13 =	vld [tilespmem:s29+$0x4310];
	v1 =	vadd.f32 v33, v1  }
0x14a: {  	s30 =	sand.u32 $0x40, s30;
	v12 =	vld [tilespmem:s29+$0x4320];
	s31 =	sadd.s32 s31, s28;
	v3 =	vadd.f32 v30, v3  }
0x14b: {  	v11 =	vld [tilespmem:s29+$0x4330];
	v2 =	vadd.f32 v51, v2;
	s30 =	sor.u32 s30, s31;
	v1 =	vadd.f32 v36, v1  }
0x14c: {  	v10 =	vld [tilespmem:s30+$0x4380];
	s29 =	spop (v2sf);
	v4 =	vadd.f32 v31, v4;
	v3 =	vadd.f32 v34, v3  }
0x14d: {  	v2 =	vadd.f32 v54, v2;
	v9 =	vld [tilespmem:s30+$0x4390];
	v1 =	vadd.f32 v41, v1;
	s31 =	sand.u32 $0xFFFFFF80, s29  }
0x14e: {  	v8 =	vld [tilespmem:s30+$0x43A0];
	s29 =	sand.u32 $0x40, s29;
	s31 =	sadd.s32 s31, s28;
	v4 =	vadd.f32 v37, v4;
	v3 =	vadd.f32 v38, v3  }
0x14f: {  	v7 =	vld [tilespmem:s30+$0x43B0];
	v2 =	vadd.f32 v58, v2;
	v1 =	vadd.f32 v44, v1;
	s29 =	sor.u32 s29, s31  }
0x150: {  	s30 =	spop (v2sf);
	v5 =	vld [tilespmem:s29+$0x4400];
	v4 =	vadd.f32 v39, v4;
	v3 =	vadd.f32 v42, v3  }
0x151: {  	v2 =	vadd.f32 v62, v2;
	v1 =	vadd.f32 v49, v1;
	s31 =	sand.u32 $0xFFFFFF80, s30;
	v32 =	vld [tilespmem:s29+$0x4410]  }
0x152: {  	s30 =	sand.u32 $0x40, s30;
	v30 =	vld [tilespmem:s29+$0x4420];
	s31 =	sadd.s32 s31, s28;
	v4 =	vadd.f32 v45, v4;
	v3 =	vadd.f32 v46, v3  }
0x153: {  	v2 =	vadd.f32 v27, v2;
	v31 =	vld [tilespmem:s29+$0x4430];
	s30 =	sor.u32 s30, s31;
	s29 =	spop (v2sf);
	(v2sf) =	vpush v6, $0x8  }
0x154: {  	v33 =	vld [tilespmem:s30+$0x4480];
	v4 =	vadd.f32 v47, v4;
	v3 =	vadd.f32 v50, v3  }
0x155: {  	v1 =	vadd.f32 v52, v1;
	v2 =	vadd.f32 v23, v2;
	v34 =	vld [tilespmem:s30+$0x4490]  }
0x156: {  	v35 =	vld [tilespmem:s30+$0x44A0];
	v4 =	vadd.f32 v53, v4;
	v3 =	vadd.f32 v55, v3  }
0x157: {  	v36 =	vld [tilespmem:s30+$0x44B0];
	v1 =	vadd.f32 v56, v1;
	s30 =	spop (v2sf);
	(v2sf) =	vpush v6, $0x9  }
0x158: {  	v4 =	vadd.f32 v57, v4;
	v3 =	vadd.f32 v59, v3  }
0x159: {  	v2 =	vadd.f32 v19, v2;
	v1 =	vadd.f32 v60, v1  }
0x15a: {  	v4 =	vadd.f32 v61, v4;
	v3 =	vadd.f32 v63, v3  }
0x15b: {  	v2 =	vadd.f32 v15, v2;
	v1 =	vadd.f32 v29, v1  }
0x15c: {  	s31 =	sand.u32 $0xFFFFFF80, s29;
	v4 =	vadd.f32 v28, v4;
	v3 =	vadd.f32 v26, v3  }
0x15d: {  	s29 =	sand.u32 $0x40, s29;
	s31 =	sadd.s32 s31, s28;
	v2 =	vadd.f32 v11, v2;
	v1 =	vadd.f32 v25, v1  }
0x15e: {  	s29 =	sor.u32 s29, s31;
	v4 =	vadd.f32 v24, v4;
	v3 =	vadd.f32 v22, v3  }
0x15f: {  	v37 =	vld [tilespmem:s29+$0x4500];
	v2 =	vadd.f32 v7, v2;
	v1 =	vadd.f32 v21, v1  }
0x160: {  	v38 =	vld [tilespmem:s29+$0x4510];
	s31 =	sand.u32 $0xFFFFFF80, s30;
	v4 =	vadd.f32 v20, v4;
	v3 =	vadd.f32 v18, v3  }
0x161: {  	v39 =	vld [tilespmem:s29+$0x4520];
	s30 =	sand.u32 $0x40, s30;
	s31 =	sadd.s32 s31, s28;
	v2 =	vadd.f32 v31, v2;
	v1 =	vadd.f32 v17, v1  }
0x162: {  	v51 =	vld [tilespmem:s29+$0x4530];
	s29 =	sor.u32 s30, s31;
	v4 =	vadd.f32 v16, v4;
	v3 =	vadd.f32 v14, v3  }
0x163: {  	v52 =	vld [tilespmem:s29+$0x4580];
	v2 =	vadd.f32 v36, v2;
	v1 =	vadd.f32 v13, v1;
	s30 =	spop (v2sf)  }
0x164: {  	v54 =	vld [tilespmem:s29+$0x4590];
	s31 =	sand.u32 $0xFFFFFF80, s30;
	v4 =	vadd.f32 v12, v4;
	v3 =	vadd.f32 v10, v3  }
0x165: {  	v45 =	vld [tilespmem:s29+$0x45A0];
	v1 =	vadd.f32 v9, v1;
	s30 =	sand.u32 $0x40, s30;
	(v2sf) =	vpush v6, $0xA;
	s31 =	sadd.s32 s31, s28  }
0x166: {  	v46 =	vld [tilespmem:s29+$0x45B0];
	s29 =	sor.u32 s30, s31;
	v4 =	vadd.f32 v8, v4;
	v3 =	vadd.f32 v5, v3  }
0x167: {  	v2 =	vadd.f32 v51, v2;
	v1 =	vadd.f32 v32, v1;
	s30 =	spop (v2sf);
	v47 =	vld [tilespmem:s29+$0x4600]  }
0x168: {  	v48 =	vld [tilespmem:s29+$0x4610];
	s31 =	sand.u32 $0xFFFFFF80, s30;
	v4 =	vadd.f32 v30, v4;
	v3 =	vadd.f32 v33, v3  }
0x169: {  	(v2sf) =	vpush v6, $0xB;
	v1 =	vadd.f32 v34, v1;
	v49 =	vld [tilespmem:s29+$0x4620];
	s30 =	sand.u32 $0x40, s30;
	s31 =	sadd.s32 s31, s28  }
0x16a: {  	v50 =	vld [tilespmem:s29+$0x4630];
	s30 =	sor.u32 s30, s31;
	v4 =	vadd.f32 v35, v4;
	v3 =	vadd.f32 v37, v3  }
0x16b: {  	(v2sf) =	vpush v6, $0xC;
	v1 =	vadd.f32 v38, v1;
	v51 =	vld [tilespmem:s30+$0x4680]  }
0x16c: {  	v4 =	vadd.f32 v39, v4;
	v3 =	vadd.f32 v52, v3;
	v52 =	vld [tilespmem:s30+$0x4690]  }
0x16d: {  	(v2sf) =	vpush v6, $0xD;
	v53 =	vld [tilespmem:s30+$0x46A0];
	v1 =	vadd.f32 v54, v1  }
0x16e: {  	v54 =	vld [tilespmem:s30+$0x46B0];
	v4 =	vadd.f32 v45, v4;
	v3 =	vadd.f32 v47, v3  }
0x16f: {  	v2 =	vadd.f32 v46, v2;
	v1 =	vadd.f32 v48, v1  }
0x170: {  	v4 =	vadd.f32 v49, v4;
	v3 =	vadd.f32 v51, v3  }
0x171: {  	v2 =	vadd.f32 v50, v2;
	v1 =	vadd.f32 v52, v1  }
0x172: {  	v4 =	vadd.f32 v53, v4;
	v3 =	vmul.f32 $3.846153990e-02, v3  }
0x173: {  	v2 =	vadd.f32 v54, v2;
	v1 =	vmul.f32 $3.846153990e-02, v1  }
0x174: {  	s29 =	spop (v2sf);
	[tilespmem:s23+$0xFFFFFF80] =	vst v3;
	v3 =	vmul.f32 $3.846153990e-02, v4  }
0x175: {  	(v2sf) =	vpush v6, $0xE;
	s31 =	sand.u32 $0xFFFFFF80, s29;
	[tilespmem:s23+$0xFFFFFF90] =	vst v1;
	v1 =	vmul.f32 $3.846153990e-02, v2  }
0x176: {  	s29 =	sand.u32 $0x40, s29;
	s30 =	sadd.s32 s31, s28;
	[tilespmem:s23+$0xFFFFFFA0] =	vst v3  }
0x177: {  	v55 =	vld [tilespmem:$0x1FFB0];
	s29 =	sor.u32 s29, s30;
	[tilespmem:s23+$0xFFFFFFB0] =	vst v1  }
0x178: {  	s30 =	spop (v2sf);
	v1 =	vld [tilespmem:s29+$0x4700]  }
0x179: {  	(v2sf) =	vpush v6, $0xF;
	s31 =	sand.u32 $0xFFFFFF80, s30;
	v3 =	vld [tilespmem:s29+$0x4710]  }
0x17a: {  	s30 =	sand.u32 $0x40, s30;
	s31 =	sadd.s32 s31, s28;
	v4 =	vld [tilespmem:s29+$0x4720]  }
0x17b: {  	v2 =	vld [tilespmem:s29+$0x4730];
	s29 =	sor.u32 s30, s31  }
0x17c: {  	v5 =	vshll.u32 v55, $0x6;
	s30 =	spop (v2sf);
	v6 =	vld [tilespmem:s29+$0x4780]  }
0x17d: {  	(v2sf) =	vpush v5, $0x0;
	v7 =	vld [tilespmem:s29+$0x4790];
	s31 =	sand.u32 $0xFFFFFF80, s30  }
0x17e: {  	v8 =	vld [tilespmem:s29+$0x47A0];
	s30 =	sand.u32 $0x40, s30;
	s31 =	sadd.s32 s31, s28  }
0x17f: {  	v9 =	vld [tilespmem:s29+$0x47B0];
	s29 =	sor.u32 s30, s31  }
0x180: {  	s30 =	spop (v2sf);
	v10 =	vld [tilespmem:s29+$0x4800]  }
0x181: {  	(v2sf) =	vpush v5, $0x1;
	v11 =	vld [tilespmem:s29+$0x4810];
	s31 =	sand.u32 $0xFFFFFF80, s30  }
0x182: {  	v12 =	vld [tilespmem:s29+$0x4820];
	s30 =	sand.u32 $0x40, s30;
	s31 =	sadd.s32 s31, s28  }
0x183: {  	v13 =	vld [tilespmem:s29+$0x4830];
	s29 =	sor.u32 s30, s31  }
0x184: {  	s30 =	spop (v2sf);
	v14 =	vld [tilespmem:s29+$0x4880]  }
0x185: {  	(v2sf) =	vpush v5, $0x2;
	v15 =	vld [tilespmem:s29+$0x4890];
	s31 =	sand.u32 $0xFFFFFF80, s30  }
0x186: {  	v16 =	vld [tilespmem:s29+$0x48A0];
	s30 =	sand.u32 $0x40, s30;
	s31 =	sadd.s32 s31, s28  }
0x187: {  	v17 =	vld [tilespmem:s29+$0x48B0];
	s29 =	sor.u32 s30, s31  }
0x188: {  	s30 =	spop (v2sf);
	v18 =	vld [tilespmem:s29+$0x4900]  }
0x189: {  	(v2sf) =	vpush v5, $0x3;
	v19 =	vld [tilespmem:s29+$0x4910];
	s31 =	sand.u32 $0xFFFFFF80, s30  }
0x18a: {  	v20 =	vld [tilespmem:s29+$0x4920];
	s30 =	sand.u32 $0x40, s30;
	s31 =	sadd.s32 s31, s28  }
0x18b: {  	v21 =	vld [tilespmem:s29+$0x4930];
	s29 =	sor.u32 s30, s31  }
0x18c: {  	v22 =	vld [tilespmem:s29+$0x4980];
	s30 =	spop (v2sf)  }
0x18d: {  	v23 =	vld [tilespmem:s29+$0x4990];
	s31 =	sand.u32 $0xFFFFFF80, s30  }
0x18e: {  	v24 =	vld [tilespmem:s29+$0x49A0];
	(v2sf) =	vpush v5, $0x4;
	s30 =	sand.u32 $0x40, s30;
	s31 =	sadd.s32 s31, s28  }
0x18f: {  	v25 =	vld [tilespmem:s29+$0x49B0];
	s29 =	sor.u32 s30, s31  }
0x190: {  	s30 =	spop (v2sf);
	v26 =	vld [tilespmem:s29+$0x4A00]  }
0x191: {  	v27 =	vld [tilespmem:s29+$0x4A10];
	s31 =	sand.u32 $0xFFFFFF80, s30  }
0x192: {  	v3 =	vadd.f32 v7, v3;
	(v2sf) =	vpush v5, $0x5;
	v28 =	vld [tilespmem:s29+$0x4A20];
	s30 =	sand.u32 $0x40, s30;
	s31 =	sadd.s32 s31, s28  }
0x193: {  	v29 =	vld [tilespmem:s29+$0x4A30];
	s29 =	sor.u32 s30, s31  }
0x194: {  	v3 =	vadd.f32 v11, v3;
	s30 =	spop (v2sf);
	v30 =	vld [tilespmem:s29+$0x4A80]  }
0x195: {  	v31 =	vld [tilespmem:s29+$0x4A90];
	s31 =	sand.u32 $0xFFFFFF80, s30  }
0x196: {  	v3 =	vadd.f32 v15, v3;
	(v2sf) =	vpush v5, $0x6;
	v32 =	vld [tilespmem:s29+$0x4AA0];
	s30 =	sand.u32 $0x40, s30;
	s31 =	sadd.s32 s31, s28  }
0x197: {  	v33 =	vld [tilespmem:s29+$0x4AB0];
	s29 =	sor.u32 s30, s31  }
0x198: {  	v3 =	vadd.f32 v19, v3;
	s30 =	spop (v2sf);
	v34 =	vld [tilespmem:s29+$0x4B00]  }
0x199: {  	v35 =	vld [tilespmem:s29+$0x4B10];
	s31 =	sand.u32 $0xFFFFFF80, s30  }
0x19a: {  	v3 =	vadd.f32 v23, v3;
	(v2sf) =	vpush v5, $0x7;
	v36 =	vld [tilespmem:s29+$0x4B20];
	s30 =	sand.u32 $0x40, s30;
	s31 =	sadd.s32 s31, s28  }
0x19b: {  	v37 =	vld [tilespmem:s29+$0x4B30];
	s29 =	sor.u32 s30, s31  }
0x19c: {  	v3 =	vadd.f32 v27, v3;
	v38 =	vld [tilespmem:s29+$0x4B80]  }
0x19d: {  	v39 =	vld [tilespmem:s29+$0x4B90];
	s30 =	spop (v2sf)  }
0x19e: {  	v3 =	vadd.f32 v31, v3;
	v56 =	vld [tilespmem:s29+$0x4BA0];
	(v2sf) =	vpush v5, $0x8;
	s31 =	sand.u32 $0xFFFFFF80, s30  }
0x19f: {  	v41 =	vld [tilespmem:s29+$0x4BB0];
	s30 =	sand.u32 $0x40, s30;
	s31 =	sadd.s32 s31, s28  }
0x1a0: {  	v3 =	vadd.f32 v35, v3;
	v35 =	vld [tilespmem:$0x1FFC0];
	s29 =	sor.u32 s30, s31  }
0x1a1: {  	s30 =	spop (v2sf);
	v57 =	vld [tilespmem:s29+$0x4C00]  }
0x1a2: {  	(v2sf) =	vpush v5, $0x9;
	v58 =	vld [tilespmem:s29+$0x4C10];
	s31 =	sand.u32 $0xFFFFFF80, s30  }
0x1a3: {  	v44 =	vld [tilespmem:s29+$0x4C20];
	s30 =	sand.u32 $0x40, s30;
	s31 =	sadd.s32 s31, s28  }
0x1a4: {  	v59 =	vld [tilespmem:s29+$0x4C30];
	s29 =	sor.u32 s30, s31  }
0x1a5: {  	s30 =	spop (v2sf);
	v46 =	vld [tilespmem:s29+$0x4C80]  }
0x1a6: {  	(v2sf) =	vpush v5, $0xA;
	v60 =	vld [tilespmem:s29+$0x4C90];
	s31 =	sand.u32 $0xFFFFFF80, s30  }
0x1a7: {  	v48 =	vld [tilespmem:s29+$0x4CA0];
	s30 =	sand.u32 $0x40, s30;
	s31 =	sadd.s32 s31, s28  }
0x1a8: {  	v61 =	vld [tilespmem:s29+$0x4CB0];
	s29 =	sor.u32 s30, s31  }
0x1a9: {  	s30 =	spop (v2sf);
	v62 =	vld [tilespmem:s29+$0x4D00]  }
0x1aa: {  	(v2sf) =	vpush v5, $0xB;
	v51 =	vld [tilespmem:s29+$0x4D10];
	s31 =	sand.u32 $0xFFFFFF80, s30  }
0x1ab: {  	v63 =	vld [tilespmem:s29+$0x4D20];
	s30 =	sand.u32 $0x40, s30;
	s31 =	sadd.s32 s31, s28  }
0x1ac: {  	v53 =	vld [tilespmem:s29+$0x4D30];
	s29 =	sor.u32 s30, s31  }
0x1ad: {  	v1 =	vadd.f32 v6, v1;
	v6 =	vld [tilespmem:s29+$0x4D80];
	s30 =	spop (v2sf)  }
0x1ae: {  	v7 =	vld [tilespmem:s29+$0x4D90];
	(v2sf) =	vpush v5, $0xC;
	s31 =	sand.u32 $0xFFFFFF80, s30  }
0x1af: {  	v4 =	vadd.f32 v8, v4;
	v8 =	vld [tilespmem:s29+$0x4DA0];
	s30 =	sand.u32 $0x40, s30;
	s31 =	sadd.s32 s31, s28  }
0x1b0: {  	v2 =	vadd.f32 v9, v2;
	v9 =	vld [tilespmem:s29+$0x4DB0];
	s29 =	sor.u32 s30, s31  }
0x1b1: {  	v1 =	vadd.f32 v10, v1;
	s30 =	spop (v2sf);
	v10 =	vld [tilespmem:s29+$0x4E00]  }
0x1b2: {  	v4 =	vadd.f32 v12, v4;
	(v2sf) =	vpush v5, $0xD;
	v11 =	vld [tilespmem:s29+$0x4E10];
	s31 =	sand.u32 $0xFFFFFF80, s30  }
0x1b3: {  	v2 =	vadd.f32 v13, v2;
	v1 =	vadd.f32 v14, v1;
	v12 =	vld [tilespmem:s29+$0x4E20];
	s30 =	sand.u32 $0x40, s30;
	s31 =	sadd.s32 s31, s28  }
0x1b4: {  	v4 =	vadd.f32 v16, v4;
	v13 =	vld [tilespmem:s29+$0x4E30];
	s29 =	sor.u32 s30, s31  }
0x1b5: {  	v2 =	vadd.f32 v17, v2;
	v1 =	vadd.f32 v18, v1;
	s30 =	spop (v2sf);
	v14 =	vld [tilespmem:s29+$0x4E80]  }
0x1b6: {  	v4 =	vadd.f32 v20, v4;
	(v2sf) =	vpush v5, $0xE;
	v15 =	vld [tilespmem:s29+$0x4E90];
	s31 =	sand.u32 $0xFFFFFF80, s30  }
0x1b7: {  	v2 =	vadd.f32 v21, v2;
	v1 =	vadd.f32 v22, v1;
	v16 =	vld [tilespmem:s29+$0x4EA0];
	s30 =	sand.u32 $0x40, s30;
	s31 =	sadd.s32 s31, s28  }
0x1b8: {  	v4 =	vadd.f32 v24, v4;
	v17 =	vld [tilespmem:s29+$0x4EB0];
	s29 =	sor.u32 s30, s31  }
0x1b9: {  	v2 =	vadd.f32 v25, v2;
	v1 =	vadd.f32 v26, v1;
	s30 =	spop (v2sf);
	v18 =	vld [tilespmem:s29+$0x4F00]  }
0x1ba: {  	v4 =	vadd.f32 v28, v4;
	(v2sf) =	vpush v5, $0xF;
	v19 =	vld [tilespmem:s29+$0x4F10];
	s31 =	sand.u32 $0xFFFFFF80, s30  }
0x1bb: {  	v2 =	vadd.f32 v29, v2;
	v1 =	vadd.f32 v30, v1;
	v5 =	vld [tilespmem:s29+$0x4F20];
	s30 =	sand.u32 $0x40, s30;
	s31 =	sadd.s32 s31, s28  }
0x1bc: {  	v32 =	vadd.f32 v32, v4;
	v21 =	vld [tilespmem:s29+$0x4F30];
	s29 =	sor.u32 s30, s31  }
0x1bd: {  	v2 =	vadd.f32 v33, v2;
	v1 =	vadd.f32 v34, v1;
	v4 =	vshll.u32 v35, $0x6;
	v22 =	vld [tilespmem:s29+$0x4F80];
	s30 =	spop (v2sf)  }
0x1be: {  	v20 =	vadd.f32 v36, v32;
	v54 =	vld [tilespmem:s29+$0x4F90];
	(v2sf) =	vpush v4, $0x0;
	s31 =	sand.u32 $0xFFFFFF80, s30  }
0x1bf: {  	v2 =	vadd.f32 v37, v2;
	v1 =	vadd.f32 v38, v1;
	v55 =	vld [tilespmem:s29+$0x4FA0];
	s30 =	sand.u32 $0x40, s30;
	s31 =	sadd.s32 s31, s28  }
0x1c0: {  	v3 =	vadd.f32 v39, v3;
	v20 =	vadd.f32 v56, v20;
	v56 =	vld [tilespmem:s29+$0x4FB0];
	s29 =	sor.u32 s30, s31  }
0x1c1: {  	v2 =	vadd.f32 v41, v2;
	v1 =	vadd.f32 v57, v1;
	s30 =	spop (v2sf);
	v57 =	vld [tilespmem:s29+$0x5000]  }
0x1c2: {  	v3 =	vadd.f32 v58, v3;
	(v2sf) =	vpush v4, $0x1;
	v58 =	vld [tilespmem:s29+$0x5010];
	s31 =	sand.u32 $0xFFFFFF80, s30  }
0x1c3: {  	v20 =	vadd.f32 v44, v20;
	v2 =	vadd.f32 v59, v2;
	v59 =	vld [tilespmem:s29+$0x5020];
	s30 =	sand.u32 $0x40, s30;
	s31 =	sadd.s32 s31, s28  }
0x1c4: {  	v1 =	vadd.f32 v46, v1;
	v3 =	vadd.f32 v60, v3;
	v60 =	vld [tilespmem:s29+$0x5030];
	s29 =	sor.u32 s30, s31  }
0x1c5: {  	v20 =	vadd.f32 v48, v20;
	v2 =	vadd.f32 v61, v2;
	s30 =	spop (v2sf);
	v61 =	vld [tilespmem:s29+$0x5080]  }
0x1c6: {  	v1 =	vadd.f32 v62, v1;
	(v2sf) =	vpush v4, $0x2;
	v62 =	vld [tilespmem:s29+$0x5090];
	s31 =	sand.u32 $0xFFFFFF80, s30  }
0x1c7: {  	v3 =	vadd.f32 v51, v3;
	v20 =	vadd.f32 v63, v20;
	v63 =	vld [tilespmem:s29+$0x50A0];
	s30 =	sand.u32 $0x40, s30;
	s31 =	sadd.s32 s31, s28  }
0x1c8: {  	v2 =	vadd.f32 v53, v2;
	v1 =	vadd.f32 v6, v1;
	v36 =	vld [tilespmem:s29+$0x50B0];
	s29 =	sor.u32 s30, s31  }
0x1c9: {  	v3 =	vadd.f32 v7, v3;
	v37 =	vadd.f32 v8, v20;
	s30 =	spop (v2sf);
	v38 =	vld [tilespmem:s29+$0x5100]  }
0x1ca: {  	v2 =	vadd.f32 v9, v2;
	(v2sf) =	vpush v4, $0x3;
	v39 =	vld [tilespmem:s29+$0x5110];
	s31 =	sand.u32 $0xFFFFFF80, s30  }
0x1cb: {  	v1 =	vadd.f32 v10, v1;
	v3 =	vadd.f32 v11, v3;
	v40 =	vld [tilespmem:s29+$0x5120];
	s30 =	sand.u32 $0x40, s30;
	s31 =	sadd.s32 s31, s28  }
0x1cc: {  	v7 =	vadd.f32 v12, v37;
	v2 =	vadd.f32 v13, v2;
	v41 =	vld [tilespmem:s29+$0x5130];
	s29 =	sor.u32 s30, s31  }
0x1cd: {  	v1 =	vadd.f32 v14, v1;
	v3 =	vadd.f32 v15, v3;
	v42 =	vld [tilespmem:s29+$0x5180];
	s30 =	spop (v2sf)  }
0x1ce: {  	v7 =	vadd.f32 v16, v7;
	v2 =	vadd.f32 v17, v2;
	v43 =	vld [tilespmem:s29+$0x5190];
	s31 =	sand.u32 $0xFFFFFF80, s30  }
0x1cf: {  	v1 =	vadd.f32 v18, v1;
	v3 =	vadd.f32 v19, v3;
	v44 =	vld [tilespmem:s29+$0x51A0];
	s30 =	sand.u32 $0x40, s30;
	s31 =	sadd.s32 s31, s28  }
0x1d0: {  	v5 =	vadd.f32 v5, v7;
	v2 =	vadd.f32 v21, v2;
	v45 =	vld [tilespmem:s29+$0x51B0];
	s29 =	sor.u32 s30, s31  }
0x1d1: {  	v1 =	vadd.f32 v22, v1;
	v3 =	vadd.f32 v54, v3;
	s30 =	spop (v2sf);
	v46 =	vld [tilespmem:s29+$0x5200]  }
0x1d2: {  	v5 =	vadd.f32 v55, v5;
	v2 =	vadd.f32 v56, v2;
	v47 =	vld [tilespmem:s29+$0x5210];
	s31 =	sand.u32 $0xFFFFFF80, s30  }
0x1d3: {  	v1 =	vadd.f32 v57, v1;
	v3 =	vadd.f32 v58, v3;
	v48 =	vld [tilespmem:s29+$0x5220];
	s30 =	sand.u32 $0x40, s30;
	s31 =	sadd.s32 s31, s28  }
0x1d4: {  	v5 =	vadd.f32 v59, v5;
	v2 =	vadd.f32 v60, v2;
	v49 =	vld [tilespmem:s29+$0x5230];
	s29 =	sor.u32 s30, s31  }
0x1d5: {  	v1 =	vadd.f32 v61, v1;
	v3 =	vadd.f32 v62, v3;
	s30 =	spop (v2sf);
	v50 =	vld [tilespmem:s29+$0x5280]  }
0x1d6: {  	v5 =	vadd.f32 v63, v5;
	v2 =	vadd.f32 v36, v2;
	v51 =	vld [tilespmem:s29+$0x5290];
	s31 =	sand.u32 $0xFFFFFF80, s30  }
0x1d7: {  	v1 =	vadd.f32 v38, v1;
	(v2sf) =	vpush v4, $0x4;
	v52 =	vld [tilespmem:s29+$0x52A0];
	s30 =	sand.u32 $0x40, s30;
	s31 =	sadd.s32 s31, s28  }
0x1d8: {  	v3 =	vadd.f32 v39, v3;
	v5 =	vadd.f32 v40, v5;
	v53 =	vld [tilespmem:s29+$0x52B0];
	s29 =	sor.u32 s30, s31  }
0x1d9: {  	v2 =	vadd.f32 v41, v2;
	v1 =	vadd.f32 v42, v1;
	s30 =	spop (v2sf);
	v54 =	vld [tilespmem:s29+$0x5300]  }
0x1da: {  	v3 =	vadd.f32 v43, v3;
	v5 =	vadd.f32 v44, v5;
	v55 =	vld [tilespmem:s29+$0x5310];
	s31 =	sand.u32 $0xFFFFFF80, s30  }
0x1db: {  	v2 =	vadd.f32 v45, v2;
	(v2sf) =	vpush v4, $0x5;
	v56 =	vld [tilespmem:s29+$0x5320];
	s30 =	sand.u32 $0x40, s30;
	s31 =	sadd.s32 s31, s28  }
0x1dc: {  	v1 =	vadd.f32 v46, v1;
	v3 =	vadd.f32 v47, v3;
	v57 =	vld [tilespmem:s29+$0x5330];
	s30 =	sor.u32 s30, s31  }
0x1dd: {  	v5 =	vadd.f32 v48, v5;
	v2 =	vadd.f32 v49, v2;
	v58 =	vld [tilespmem:s30+$0x5380]  }
0x1de: {  	(v2sf) =	vpush v4, $0x6;
	v1 =	vadd.f32 v50, v1;
	v59 =	vld [tilespmem:s30+$0x5390]  }
0x1df: {  	(v2sf) =	vpush v4, $0x7;
	v3 =	vadd.f32 v51, v3;
	v61 =	vld [tilespmem:s30+$0x53B0]  }
0x1e0: {  	v2 =	vadd.f32 v53, v2;
	v60 =	vld [tilespmem:s30+$0x53A0];
	v1 =	vadd.f32 v54, v1  }
0x1e1: {  	v5 =	vadd.f32 v52, v5;
	v3 =	vadd.f32 v55, v3  }
0x1e2: {  	v2 =	vadd.f32 v57, v2;
	v1 =	vadd.f32 v58, v1  }
0x1e3: {  	v5 =	vadd.f32 v56, v5;
	v3 =	vadd.f32 v59, v3  }
0x1e4: {  	v2 =	vadd.f32 v61, v2;
	v1 =	vmul.f32 $3.846153990e-02, v1  }
0x1e5: {  	v5 =	vadd.f32 v60, v5;
	v3 =	vmul.f32 $3.846153990e-02, v3  }
0x1e6: {  	v2 =	vmul.f32 $3.846153990e-02, v2;
	s29 =	spop (v2sf);
	[tilespmem:s23+$0xFFFFFFC0] =	vst v1  }
0x1e7: {  	(v2sf) =	vpush v4, $0x8;
	v1 =	vmul.f32 $3.846153990e-02, v5;
	[tilespmem:s23+$0xFFFFFFD0] =	vst v3;
	s31 =	sand.u32 $0xFFFFFF80, s29  }
0x1e8: {  	s29 =	sand.u32 $0x40, s29;
	[tilespmem:s23+$0xFFFFFFF0] =	vst v2;
	s30 =	sadd.s32 s31, s28  }
0x1e9: {  	v3 =	vld [tilespmem:$0x1FFD0];
	[tilespmem:s23+$0xFFFFFFE0] =	vst v1;
	s29 =	sor.u32 s29, s30  }
0x1ea: {  	s30 =	spop (v2sf);
	v1 =	vld [tilespmem:s29+$0x5400]  }
0x1eb: {  	(v2sf) =	vpush v4, $0x9;
	v5 =	vld [tilespmem:s29+$0x5410];
	s31 =	sand.u32 $0xFFFFFF80, s30  }
0x1ec: {  	v6 =	vld [tilespmem:s29+$0x5420];
	s30 =	sand.u32 $0x40, s30;
	s31 =	sadd.s32 s31, s28  }
0x1ed: {  	v2 =	vld [tilespmem:s29+$0x5430];
	s29 =	sor.u32 s30, s31  }
0x1ee: {  	s30 =	spop (v2sf);
	v7 =	vld [tilespmem:s29+$0x5480]  }
0x1ef: {  	(v2sf) =	vpush v4, $0xA;
	v62 =	vld [tilespmem:s29+$0x5490];
	s31 =	sand.u32 $0xFFFFFF80, s30  }
0x1f0: {  	v9 =	vld [tilespmem:s29+$0x54A0];
	s30 =	sand.u32 $0x40, s30;
	s31 =	sadd.s32 s31, s28  }
0x1f1: {  	v10 =	vld [tilespmem:s29+$0x54B0];
	s29 =	sor.u32 s30, s31  }
0x1f2: {  	s30 =	spop (v2sf);
	v63 =	vld [tilespmem:s29+$0x5500]  }
0x1f3: {  	(v2sf) =	vpush v4, $0xB;
	v12 =	vld [tilespmem:s29+$0x5510];
	s31 =	sand.u32 $0xFFFFFF80, s30  }
0x1f4: {  	v13 =	vld [tilespmem:s29+$0x5520];
	s30 =	sand.u32 $0x40, s30;
	s31 =	sadd.s32 s31, s28  }
0x1f5: {  	v14 =	vld [tilespmem:s29+$0x5530];
	s29 =	sor.u32 s30, s31  }
0x1f6: {  	v15 =	vld [tilespmem:s29+$0x5580];
	s30 =	spop (v2sf)  }
0x1f7: {  	v16 =	vld [tilespmem:s29+$0x5590];
	(v2sf) =	vpush v4, $0xC;
	s31 =	sand.u32 $0xFFFFFF80, s30  }
0x1f8: {  	v17 =	vld [tilespmem:s29+$0x55A0];
	s30 =	sand.u32 $0x40, s30;
	s31 =	sadd.s32 s31, s28  }
0x1f9: {  	v18 =	vld [tilespmem:s29+$0x55B0];
	s29 =	sor.u32 s30, s31  }
0x1fa: {  	s30 =	spop (v2sf);
	v19 =	vld [tilespmem:s29+$0x5600]  }
0x1fb: {  	(v2sf) =	vpush v4, $0xD;
	v20 =	vld [tilespmem:s29+$0x5610];
	s31 =	sand.u32 $0xFFFFFF80, s30  }
0x1fc: {  	v21 =	vld [tilespmem:s29+$0x5620];
	s30 =	sand.u32 $0x40, s30;
	s31 =	sadd.s32 s31, s28  }
0x1fd: {  	v22 =	vld [tilespmem:s29+$0x5630];
	s29 =	sor.u32 s30, s31  }
0x1fe: {  	s30 =	spop (v2sf);
	v23 =	vld [tilespmem:s29+$0x5680]  }
0x1ff: {  	(v2sf) =	vpush v4, $0xE;
	v24 =	vld [tilespmem:s29+$0x5690];
	s31 =	sand.u32 $0xFFFFFF80, s30  }
0x200: {  	v25 =	vld [tilespmem:s29+$0x56A0];
	s30 =	sand.u32 $0x40, s30;
	s31 =	sadd.s32 s31, s28  }
0x201: {  	v26 =	vld [tilespmem:s29+$0x56B0];
	s29 =	sor.u32 s30, s31  }
0x202: {  	s30 =	spop (v2sf);
	v27 =	vld [tilespmem:s29+$0x5700]  }
0x203: {  	(v2sf) =	vpush v4, $0xF;
	v28 =	vld [tilespmem:s29+$0x5710];
	s31 =	sand.u32 $0xFFFFFF80, s30  }
0x204: {  	v4 =	vld [tilespmem:s29+$0x5720];
	s30 =	sand.u32 $0x40, s30;
	s31 =	sadd.s32 s31, s28  }
0x205: {  	v29 =	vld [tilespmem:s29+$0x5730];
	s29 =	sor.u32 s30, s31  }
0x206: {  	v3 =	vshll.u32 v3, $0x6;
	v30 =	vld [tilespmem:s29+$0x5780];
	s30 =	spop (v2sf)  }
0x207: {  	v31 =	vld [tilespmem:s29+$0x5790];
	(v2sf) =	vpush v3, $0x0;
	s31 =	sand.u32 $0xFFFFFF80, s30  }
0x208: {  	v32 =	vld [tilespmem:s29+$0x57A0];
	s30 =	sand.u32 $0x40, s30;
	s31 =	sadd.s32 s31, s28  }
0x209: {  	v33 =	vld [tilespmem:s29+$0x57B0];
	s29 =	sor.u32 s30, s31  }
0x20a: {  	s30 =	spop (v2sf);
	v34 =	vld [tilespmem:s29+$0x5800]  }
0x20b: {  	(v2sf) =	vpush v3, $0x1;
	v35 =	vld [tilespmem:s29+$0x5810];
	s31 =	sand.u32 $0xFFFFFF80, s30  }
0x20c: {  	v36 =	vld [tilespmem:s29+$0x5820];
	s30 =	sand.u32 $0x40, s30;
	s31 =	sadd.s32 s31, s28  }
0x20d: {  	v37 =	vld [tilespmem:s29+$0x5830];
	s29 =	sor.u32 s30, s31  }
0x20e: {  	s30 =	spop (v2sf);
	v38 =	vld [tilespmem:s29+$0x5880]  }
0x20f: {  	(v2sf) =	vpush v3, $0x2;
	v39 =	vld [tilespmem:s29+$0x5890];
	s31 =	sand.u32 $0xFFFFFF80, s30  }
0x210: {  	v40 =	vld [tilespmem:s29+$0x58A0];
	s30 =	sand.u32 $0x40, s30;
	s31 =	sadd.s32 s31, s28  }
0x211: {  	v41 =	vld [tilespmem:s29+$0x58B0];
	s29 =	sor.u32 s30, s31  }
0x212: {  	s30 =	spop (v2sf);
	v42 =	vld [tilespmem:s29+$0x5900]  }
0x213: {  	(v2sf) =	vpush v3, $0x3;
	v56 =	vld [tilespmem:s29+$0x5910];
	s31 =	sand.u32 $0xFFFFFF80, s30  }
0x214: {  	v44 =	vld [tilespmem:s29+$0x5920];
	s30 =	sand.u32 $0x40, s30;
	s31 =	sadd.s32 s31, s28  }
0x215: {  	v57 =	vld [tilespmem:s29+$0x5930];
	s29 =	sor.u32 s30, s31  }
0x216: {  	v46 =	vld [tilespmem:s29+$0x5980];
	s30 =	spop (v2sf)  }
0x217: {  	v58 =	vld [tilespmem:s29+$0x5990];
	(v2sf) =	vpush v3, $0x4;
	s31 =	sand.u32 $0xFFFFFF80, s30  }
0x218: {  	v48 =	vld [tilespmem:s29+$0x59A0];
	s30 =	sand.u32 $0x40, s30;
	s31 =	sadd.s32 s31, s28  }
0x219: {  	v59 =	vld [tilespmem:s29+$0x59B0];
	s29 =	sor.u32 s30, s31  }
0x21a: {  	s30 =	spop (v2sf);
	v60 =	vld [tilespmem:s29+$0x5A00]  }
0x21b: {  	(v2sf) =	vpush v3, $0x5;
	v51 =	vld [tilespmem:s29+$0x5A10];
	s31 =	sand.u32 $0xFFFFFF80, s30  }
0x21c: {  	v61 =	vld [tilespmem:s29+$0x5A20];
	s30 =	sand.u32 $0x40, s30;
	s31 =	sadd.s32 s31, s28  }
0x21d: {  	v1 =	vadd.f32 v7, v1;
	v5 =	vadd.f32 v62, v5;
	v53 =	vld [tilespmem:s29+$0x5A30];
	s29 =	sor.u32 s30, s31  }
0x21e: {  	v6 =	vadd.f32 v9, v6;
	v2 =	vadd.f32 v10, v2;
	s30 =	spop (v2sf);
	v62 =	vld [tilespmem:s29+$0x5A80]  }
0x21f: {  	v1 =	vadd.f32 v63, v1;
	(v2sf) =	vpush v3, $0x6;
	v8 =	vld [tilespmem:s29+$0x5A90];
	s31 =	sand.u32 $0xFFFFFF80, s30  }
0x220: {  	v5 =	vadd.f32 v12, v5;
	v6 =	vadd.f32 v13, v6;
	v63 =	vld [tilespmem:s29+$0x5AA0];
	s30 =	sand.u32 $0x40, s30;
	s31 =	sadd.s32 s31, s28  }
0x221: {  	v2 =	vadd.f32 v14, v2;
	v1 =	vadd.f32 v15, v1;
	v10 =	vld [tilespmem:s29+$0x5AB0];
	s29 =	sor.u32 s30, s31  }
0x222: {  	v5 =	vadd.f32 v16, v5;
	v6 =	vadd.f32 v17, v6;
	s30 =	spop (v2sf);
	v11 =	vld [tilespmem:s29+$0x5B00]  }
0x223: {  	v2 =	vadd.f32 v18, v2;
	(v2sf) =	vpush v3, $0x7;
	v12 =	vld [tilespmem:s29+$0x5B10];
	s31 =	sand.u32 $0xFFFFFF80, s30  }
0x224: {  	v1 =	vadd.f32 v19, v1;
	v5 =	vadd.f32 v20, v5;
	v13 =	vld [tilespmem:s29+$0x5B20];
	s30 =	sand.u32 $0x40, s30;
	s31 =	sadd.s32 s31, s28  }
0x225: {  	v6 =	vadd.f32 v21, v6;
	v2 =	vadd.f32 v22, v2;
	v14 =	vld [tilespmem:s29+$0x5B30];
	s29 =	sor.u32 s30, s31  }
0x226: {  	v1 =	vadd.f32 v23, v1;
	v5 =	vadd.f32 v24, v5;
	v15 =	vld [tilespmem:s29+$0x5B80];
	s30 =	spop (v2sf)  }
0x227: {  	v6 =	vadd.f32 v25, v6;
	v16 =	vld [tilespmem:s29+$0x5B90];
	(v2sf) =	vpush v3, $0x8;
	s31 =	sand.u32 $0xFFFFFF80, s30  }
0x228: {  	v2 =	vadd.f32 v26, v2;
	v1 =	vadd.f32 v27, v1;
	v17 =	vld [tilespmem:s29+$0x5BA0];
	s30 =	sand.u32 $0x40, s30;
	s31 =	sadd.s32 s31, s28  }
0x229: {  	v5 =	vadd.f32 v28, v5;
	v4 =	vadd.f32 v4, v6;
	v18 =	vld [tilespmem:s29+$0x5BB0];
	s29 =	sor.u32 s30, s31  }
0x22a: {  	v2 =	vadd.f32 v29, v2;
	v1 =	vadd.f32 v30, v1;
	s30 =	spop (v2sf);
	v6 =	vld [tilespmem:s29+$0x5C00]  }
0x22b: {  	v5 =	vadd.f32 v31, v5;
	(v2sf) =	vpush v3, $0x9;
	v19 =	vld [tilespmem:s29+$0x5C10];
	s31 =	sand.u32 $0xFFFFFF80, s30  }
0x22c: {  	v4 =	vadd.f32 v32, v4;
	v2 =	vadd.f32 v33, v2;
	v20 =	vld [tilespmem:s29+$0x5C20];
	s30 =	sand.u32 $0x40, s30;
	s31 =	sadd.s32 s31, s28  }
0x22d: {  	v1 =	vadd.f32 v34, v1;
	v5 =	vadd.f32 v35, v5;
	v21 =	vld [tilespmem:s29+$0x5C30];
	s29 =	sor.u32 s30, s31  }
0x22e: {  	v4 =	vadd.f32 v36, v4;
	v2 =	vadd.f32 v37, v2;
	s30 =	spop (v2sf);
	v22 =	vld [tilespmem:s29+$0x5C80]  }
0x22f: {  	v1 =	vadd.f32 v38, v1;
	(v2sf) =	vpush v3, $0xA;
	v23 =	vld [tilespmem:s29+$0x5C90];
	s31 =	sand.u32 $0xFFFFFF80, s30  }
0x230: {  	v5 =	vadd.f32 v39, v5;
	v2 =	vadd.f32 v41, v2;
	v24 =	vld [tilespmem:s29+$0x5CA0];
	s30 =	sand.u32 $0x40, s30;
	s31 =	sadd.s32 s31, s28  }
0x231: {  	v4 =	vadd.f32 v40, v4;
	v1 =	vadd.f32 v42, v1;
	v54 =	vld [tilespmem:s29+$0x5CB0];
	s29 =	sor.u32 s30, s31  }
0x232: {  	v5 =	vadd.f32 v56, v5;
	v2 =	vadd.f32 v57, v2;
	s30 =	spop (v2sf);
	v55 =	vld [tilespmem:s29+$0x5D00]  }
0x233: {  	v4 =	vadd.f32 v44, v4;
	(v2sf) =	vpush v3, $0xB;
	v56 =	vld [tilespmem:s29+$0x5D10];
	s31 =	sand.u32 $0xFFFFFF80, s30  }
0x234: {  	v1 =	vadd.f32 v46, v1;
	v2 =	vadd.f32 v59, v2;
	v57 =	vld [tilespmem:s29+$0x5D20];
	s30 =	sand.u32 $0x40, s30;
	s31 =	sadd.s32 s31, s28  }
0x235: {  	v5 =	vadd.f32 v58, v5;
	v4 =	vadd.f32 v48, v4;
	v58 =	vld [tilespmem:s29+$0x5D30];
	s29 =	sor.u32 s30, s31  }
0x236: {  	v2 =	vadd.f32 v53, v2;
	v59 =	vld [tilespmem:s29+$0x5D80];
	s30 =	spop (v2sf)  }
0x237: {  	v1 =	vadd.f32 v60, v1;
	v4 =	vadd.f32 v61, v4;
	v60 =	vld [tilespmem:s29+$0x5D90];
	s31 =	sand.u32 $0xFFFFFF80, s30  }
0x238: {  	v2 =	vadd.f32 v10, v2;
	v61 =	vld [tilespmem:s29+$0x5DA0];
	(v2sf) =	vpush v3, $0xC;
	s30 =	sand.u32 $0x40, s30;
	s31 =	sadd.s32 s31, s28  }
0x239: {  	v5 =	vadd.f32 v51, v5;
	v1 =	vadd.f32 v62, v1;
	v62 =	vld [tilespmem:s29+$0x5DB0];
	s29 =	sor.u32 s30, s31  }
0x23a: {  	v4 =	vadd.f32 v63, v4;
	v2 =	vadd.f32 v14, v2;
	s30 =	spop (v2sf);
	v63 =	vld [tilespmem:s29+$0x5E00]  }
0x23b: {  	v5 =	vadd.f32 v8, v5;
	v33 =	vld [tilespmem:s29+$0x5E10];
	s31 =	sand.u32 $0xFFFFFF80, s30  }
0x23c: {  	v2 =	vadd.f32 v18, v2;
	(v2sf) =	vpush v3, $0xD;
	v34 =	vld [tilespmem:s29+$0x5E20];
	s30 =	sand.u32 $0x40, s30;
	s31 =	sadd.s32 s31, s28  }
0x23d: {  	v1 =	vadd.f32 v11, v1;
	v5 =	vadd.f32 v12, v5;
	v35 =	vld [tilespmem:s29+$0x5E30];
	s29 =	sor.u32 s30, s31  }
0x23e: {  	v4 =	vadd.f32 v13, v4;
	v2 =	vadd.f32 v21, v2;
	s30 =	spop (v2sf);
	v36 =	vld [tilespmem:s29+$0x5E80]  }
0x23f: {  	v1 =	vadd.f32 v15, v1;
	v5 =	vadd.f32 v16, v5;
	v37 =	vld [tilespmem:s29+$0x5E90];
	s31 =	sand.u32 $0xFFFFFF80, s30  }
0x240: {  	v4 =	vadd.f32 v17, v4;
	v2 =	vadd.f32 v54, v2;
	v38 =	vld [tilespmem:s29+$0x5EA0];
	s30 =	sand.u32 $0x40, s30;
	s31 =	sadd.s32 s31, s28  }
0x241: {  	v1 =	vadd.f32 v6, v1;
	v5 =	vadd.f32 v19, v5;
	v39 =	vld [tilespmem:s29+$0x5EB0];
	s29 =	sor.u32 s30, s31  }
0x242: {  	v4 =	vadd.f32 v20, v4;
	v2 =	vadd.f32 v58, v2;
	s30 =	spop (v2sf);
	v40 =	vld [tilespmem:s29+$0x5F00]  }
0x243: {  	v1 =	vadd.f32 v22, v1;
	v5 =	vadd.f32 v23, v5;
	v41 =	vld [tilespmem:s29+$0x5F10];
	s31 =	sand.u32 $0xFFFFFF80, s30  }
0x244: {  	v4 =	vadd.f32 v24, v4;
	v2 =	vadd.f32 v62, v2;
	v42 =	vld [tilespmem:s29+$0x5F20];
	s30 =	sand.u32 $0x40, s30;
	s31 =	sadd.s32 s31, s28  }
0x245: {  	v1 =	vadd.f32 v55, v1;
	v5 =	vadd.f32 v56, v5;
	v43 =	vld [tilespmem:s29+$0x5F30];
	s29 =	sor.u32 s30, s31  }
0x246: {  	v4 =	vadd.f32 v57, v4;
	v2 =	vadd.f32 v35, v2;
	v44 =	vld [tilespmem:s29+$0x5F80]  }
0x247: {  	v1 =	vadd.f32 v59, v1;
	v5 =	vadd.f32 v60, v5;
	v45 =	vld [tilespmem:s29+$0x5F90];
	s30 =	spop (v2sf)  }
0x248: {  	v4 =	vadd.f32 v61, v4;
	v2 =	vadd.f32 v39, v2;
	v46 =	vld [tilespmem:s29+$0x5FA0];
	s31 =	sand.u32 $0xFFFFFF80, s30  }
0x249: {  	v1 =	vadd.f32 v63, v1;
	v47 =	vld [tilespmem:s29+$0x5FB0];
	(v2sf) =	vpush v3, $0xE;
	s30 =	sand.u32 $0x40, s30;
	s31 =	sadd.s32 s31, s28  }
0x24a: {  	v4 =	vadd.f32 v34, v4;
	v52 =	vadd.f32 v43, v2;
	v2 =	vld [tilespmem:$0x1FFE0];
	s29 =	sor.u32 s30, s31  }
0x24b: {  	v5 =	vadd.f32 v33, v5;
	s30 =	spop (v2sf);
	v48 =	vld [tilespmem:s29+$0x6000]  }
0x24c: {  	v1 =	vadd.f32 v36, v1;
	v4 =	vadd.f32 v38, v4;
	v49 =	vld [tilespmem:s29+$0x6010];
	s31 =	sand.u32 $0xFFFFFF80, s30  }
0x24d: {  	v5 =	vadd.f32 v37, v5;
	(v2sf) =	vpush v3, $0xF;
	v50 =	vld [tilespmem:s29+$0x6020];
	s30 =	sand.u32 $0x40, s30;
	s31 =	sadd.s32 s31, s28  }
0x24e: {  	v1 =	vadd.f32 v40, v1;
	v4 =	vadd.f32 v42, v4;
	v51 =	vld [tilespmem:s29+$0x6030];
	s30 =	sor.u32 s30, s31  }
0x24f: {  	v3 =	vadd.f32 v41, v5;
	v53 =	vld [tilespmem:s30+$0x6080]  }
0x250: {  	v1 =	vadd.f32 v44, v1;
	v4 =	vadd.f32 v46, v4;
	v2 =	vshll.u32 v2, $0x6;
	v54 =	vld [tilespmem:s30+$0x6090]  }
0x251: {  	v3 =	vadd.f32 v45, v3;
	(v2sf) =	vpush v2, $0x0;
	v55 =	vld [tilespmem:s30+$0x60A0]  }
0x252: {  	v9 =	vadd.f32 v47, v52;
	v56 =	vld [tilespmem:s30+$0x60B0];
	v1 =	vadd.f32 v48, v1  }
0x253: {  	(v2sf) =	vpush v2, $0x1;
	v3 =	vadd.f32 v49, v3  }
0x254: {  	v4 =	vadd.f32 v50, v4;
	v1 =	vadd.f32 v53, v1  }
0x255: {  	v5 =	vadd.f32 v51, v9;
	v3 =	vadd.f32 v54, v3  }
0x256: {  	v4 =	vadd.f32 v55, v4;
	v1 =	vmul.f32 $3.846153990e-02, v1  }
0x257: {  	v5 =	vadd.f32 v56, v5;
	v3 =	vmul.f32 $3.846153990e-02, v3  }
0x258: {  	s29 =	spop (v2sf);
	[tilespmem:s23+$0x0] =	vst v1;
	v1 =	vmul.f32 $3.846153990e-02, v4  }
0x259: {  	(v2sf) =	vpush v2, $0x2;
	[tilespmem:s23+$0x10] =	vst v3;
	v3 =	vmul.f32 $3.846153990e-02, v5;
	s31 =	sand.u32 $0xFFFFFF80, s29  }
0x25a: {  	s29 =	sand.u32 $0x40, s29;
	s30 =	sadd.s32 s31, s28;
	[tilespmem:s23+$0x20] =	vst v1  }
0x25b: {  	v63 =	vld [tilespmem:$0x1FFF0];
	[tilespmem:s23+$0x30] =	vst v3;
	s29 =	sor.u32 s29, s30  }
0x25c: {  	s30 =	spop (v2sf);
	v3 =	vld [tilespmem:s29+$0x6100]  }
0x25d: {  	(v2sf) =	vpush v2, $0x3;
	v1 =	vld [tilespmem:s29+$0x6110];
	s31 =	sand.u32 $0xFFFFFF80, s30  }
0x25e: {  	v4 =	vld [tilespmem:s29+$0x6120];
	s30 =	sand.u32 $0x40, s30;
	s31 =	sadd.s32 s31, s28  }
0x25f: {  	v5 =	vld [tilespmem:s29+$0x6130];
	s29 =	sor.u32 s30, s31  }
0x260: {  	s30 =	spop (v2sf);
	v6 =	vld [tilespmem:s29+$0x6180]  }
0x261: {  	(v2sf) =	vpush v2, $0x4;
	v7 =	vld [tilespmem:s29+$0x6190];
	s31 =	sand.u32 $0xFFFFFF80, s30  }
0x262: {  	v8 =	vld [tilespmem:s29+$0x61A0];
	s30 =	sand.u32 $0x40, s30;
	s31 =	sadd.s32 s31, s28  }
0x263: {  	v9 =	vld [tilespmem:s29+$0x61B0];
	s29 =	sor.u32 s30, s31  }
0x264: {  	s30 =	spop (v2sf);
	v10 =	vld [tilespmem:s29+$0x6200]  }
0x265: {  	(v2sf) =	vpush v2, $0x5;
	v11 =	vld [tilespmem:s29+$0x6210];
	s31 =	sand.u32 $0xFFFFFF80, s30  }
0x266: {  	v12 =	vld [tilespmem:s29+$0x6220];
	s30 =	sand.u32 $0x40, s30;
	s31 =	sadd.s32 s31, s28  }
0x267: {  	v13 =	vld [tilespmem:s29+$0x6230];
	s29 =	sor.u32 s30, s31  }
0x268: {  	v14 =	vld [tilespmem:s29+$0x6280];
	s30 =	spop (v2sf)  }
0x269: {  	v15 =	vld [tilespmem:s29+$0x6290];
	(v2sf) =	vpush v2, $0x6;
	s31 =	sand.u32 $0xFFFFFF80, s30  }
0x26a: {  	v16 =	vld [tilespmem:s29+$0x62A0];
	s30 =	sand.u32 $0x40, s30;
	s31 =	sadd.s32 s31, s28  }
0x26b: {  	v17 =	vld [tilespmem:s29+$0x62B0];
	s29 =	sor.u32 s30, s31  }
0x26c: {  	s30 =	spop (v2sf);
	v18 =	vld [tilespmem:s29+$0x6300]  }
0x26d: {  	(v2sf) =	vpush v2, $0x7;
	v19 =	vld [tilespmem:s29+$0x6310];
	s31 =	sand.u32 $0xFFFFFF80, s30  }
0x26e: {  	v20 =	vld [tilespmem:s29+$0x6320];
	s30 =	sand.u32 $0x40, s30;
	s31 =	sadd.s32 s31, s28  }
0x26f: {  	v21 =	vld [tilespmem:s29+$0x6330];
	s29 =	sor.u32 s30, s31  }
0x270: {  	s30 =	spop (v2sf);
	v22 =	vld [tilespmem:s29+$0x6380]  }
0x271: {  	(v2sf) =	vpush v2, $0x8;
	v23 =	vld [tilespmem:s29+$0x6390];
	s31 =	sand.u32 $0xFFFFFF80, s30  }
0x272: {  	v24 =	vld [tilespmem:s29+$0x63A0];
	s30 =	sand.u32 $0x40, s30;
	s31 =	sadd.s32 s31, s28  }
0x273: {  	v25 =	vld [tilespmem:s29+$0x63B0];
	s29 =	sor.u32 s30, s31  }
0x274: {  	s30 =	spop (v2sf);
	v26 =	vld [tilespmem:s29+$0x6400]  }
0x275: {  	(v2sf) =	vpush v2, $0x9;
	v27 =	vld [tilespmem:s29+$0x6410];
	s31 =	sand.u32 $0xFFFFFF80, s30  }
0x276: {  	v28 =	vld [tilespmem:s29+$0x6420];
	s30 =	sand.u32 $0x40, s30;
	s31 =	sadd.s32 s31, s28  }
0x277: {  	v29 =	vld [tilespmem:s29+$0x6430];
	s29 =	sor.u32 s30, s31  }
0x278: {  	v30 =	vld [tilespmem:s29+$0x6480];
	s30 =	spop (v2sf)  }
0x279: {  	v31 =	vld [tilespmem:s29+$0x6490];
	(v2sf) =	vpush v2, $0xA;
	s31 =	sand.u32 $0xFFFFFF80, s30  }
0x27a: {  	v57 =	vld [tilespmem:s29+$0x64A0];
	s30 =	sand.u32 $0x40, s30;
	s31 =	sadd.s32 s31, s28  }
0x27b: {  	v33 =	vld [tilespmem:s29+$0x64B0];
	s29 =	sor.u32 s30, s31  }
0x27c: {  	s30 =	spop (v2sf);
	v58 =	vld [tilespmem:s29+$0x6500]  }
0x27d: {  	(v2sf) =	vpush v2, $0xB;
	v35 =	vld [tilespmem:s29+$0x6510];
	s31 =	sand.u32 $0xFFFFFF80, s30  }
0x27e: {  	v59 =	vld [tilespmem:s29+$0x6520];
	s30 =	sand.u32 $0x40, s30;
	s31 =	sadd.s32 s31, s28  }
0x27f: {  	v37 =	vld [tilespmem:s29+$0x6530];
	s29 =	sor.u32 s30, s31  }
0x280: {  	s30 =	spop (v2sf);
	v60 =	vld [tilespmem:s29+$0x6580]  }
0x281: {  	(v2sf) =	vpush v2, $0xC;
	v61 =	vld [tilespmem:s29+$0x6590];
	s31 =	sand.u32 $0xFFFFFF80, s30  }
0x282: {  	v40 =	vld [tilespmem:s29+$0x65A0];
	s30 =	sand.u32 $0x40, s30;
	s31 =	sadd.s32 s31, s28  }
0x283: {  	v62 =	vld [tilespmem:s29+$0x65B0];
	s29 =	sor.u32 s30, s31  }
0x284: {  	s30 =	spop (v2sf);
	v42 =	vld [tilespmem:s29+$0x6600]  }
0x285: {  	(v2sf) =	vpush v2, $0xD;
	v43 =	vld [tilespmem:s29+$0x6610];
	s31 =	sand.u32 $0xFFFFFF80, s30  }
0x286: {  	v44 =	vld [tilespmem:s29+$0x6620];
	s30 =	sand.u32 $0x40, s30;
	s31 =	sadd.s32 s31, s28  }
0x287: {  	v45 =	vld [tilespmem:s29+$0x6630];
	s29 =	sor.u32 s30, s31  }
0x288: {  	v46 =	vld [tilespmem:s29+$0x6680];
	s30 =	spop (v2sf)  }
0x289: {  	v47 =	vld [tilespmem:s29+$0x6690];
	(v2sf) =	vpush v2, $0xE;
	s31 =	sand.u32 $0xFFFFFF80, s30  }
0x28a: {  	v48 =	vld [tilespmem:s29+$0x66A0];
	s30 =	sand.u32 $0x40, s30;
	s31 =	sadd.s32 s31, s28  }
0x28b: {  	v49 =	vld [tilespmem:s29+$0x66B0];
	s29 =	sor.u32 s30, s31  }
0x28c: {  	s30 =	spop (v2sf);
	v50 =	vld [tilespmem:s29+$0x6700]  }
0x28d: {  	(v2sf) =	vpush v2, $0xF;
	v51 =	vld [tilespmem:s29+$0x6710];
	s31 =	sand.u32 $0xFFFFFF80, s30  }
0x28e: {  	v2 =	vld [tilespmem:s29+$0x6720];
	s30 =	sand.u32 $0x40, s30;
	s31 =	sadd.s32 s31, s28  }
0x28f: {  	v52 =	vld [tilespmem:s29+$0x6730];
	s29 =	sor.u32 s30, s31  }
0x290: {  	v54 =	vshll.u32 v63, $0x6;
	s30 =	spop (v2sf);
	v53 =	vld [tilespmem:s29+$0x6780]  }
0x291: {  	(v2sf) =	vpush v54, $0x8;
	v55 =	vld [tilespmem:s29+$0x6790];
	s31 =	sand.u32 $0xFFFFFF80, s30  }
0x292: {  	v3 =	vadd.f32 v6, v3;
	v6 =	vld [tilespmem:s29+$0x67A0];
	s30 =	sand.u32 $0x40, s30;
	s31 =	sadd.s32 s31, s28  }
0x293: {  	v1 =	vadd.f32 v7, v1;
	v4 =	vadd.f32 v8, v4;
	v7 =	vld [tilespmem:s29+$0x67B0];
	s29 =	sor.u32 s30, s31  }
0x294: {  	v5 =	vadd.f32 v9, v5;
	v3 =	vadd.f32 v10, v3;
	s30 =	spop (v2sf);
	v8 =	vld [tilespmem:s29+$0x6800]  }
0x295: {  	v1 =	vadd.f32 v11, v1;
	(v2sf) =	vpush v54, $0x9;
	v9 =	vld [tilespmem:s29+$0x6810];
	s31 =	sand.u32 $0xFFFFFF80, s30  }
0x296: {  	v4 =	vadd.f32 v12, v4;
	v5 =	vadd.f32 v13, v5;
	v10 =	vld [tilespmem:s29+$0x6820];
	s30 =	sand.u32 $0x40, s30;
	s31 =	sadd.s32 s31, s28  }
0x297: {  	v3 =	vadd.f32 v14, v3;
	v1 =	vadd.f32 v15, v1;
	v11 =	vld [tilespmem:s29+$0x6830];
	s29 =	sor.u32 s30, s31  }
0x298: {  	v4 =	vadd.f32 v16, v4;
	v5 =	vadd.f32 v17, v5;
	v12 =	vld [tilespmem:s29+$0x6880];
	s30 =	spop (v2sf)  }
0x299: {  	v3 =	vadd.f32 v18, v3;
	v13 =	vld [tilespmem:s29+$0x6890];
	(v2sf) =	vpush v54, $0xA;
	s31 =	sand.u32 $0xFFFFFF80, s30  }
0x29a: {  	v1 =	vadd.f32 v19, v1;
	v4 =	vadd.f32 v20, v4;
	v14 =	vld [tilespmem:s29+$0x68A0];
	s30 =	sand.u32 $0x40, s30;
	s31 =	sadd.s32 s31, s28  }
0x29b: {  	v5 =	vadd.f32 v21, v5;
	v3 =	vadd.f32 v22, v3;
	v15 =	vld [tilespmem:s29+$0x68B0];
	s29 =	sor.u32 s30, s31  }
0x29c: {  	v1 =	vadd.f32 v23, v1;
	v4 =	vadd.f32 v24, v4;
	s30 =	spop (v2sf);
	v16 =	vld [tilespmem:s29+$0x6900]  }
0x29d: {  	v5 =	vadd.f32 v25, v5;
	(v2sf) =	vpush v54, $0xB;
	v17 =	vld [tilespmem:s29+$0x6910];
	s31 =	sand.u32 $0xFFFFFF80, s30  }
0x29e: {  	v3 =	vadd.f32 v26, v3;
	v1 =	vadd.f32 v27, v1;
	v18 =	vld [tilespmem:s29+$0x6920];
	s30 =	sand.u32 $0x40, s30;
	s31 =	sadd.s32 s31, s28  }
0x29f: {  	v4 =	vadd.f32 v28, v4;
	v5 =	vadd.f32 v29, v5;
	v19 =	vld [tilespmem:s29+$0x6930];
	s29 =	sor.u32 s30, s31  }
0x2a0: {  	v3 =	vadd.f32 v30, v3;
	v1 =	vadd.f32 v31, v1;
	s30 =	spop (v2sf);
	v56 =	vld [tilespmem:s29+$0x6980]  }
0x2a1: {  	v4 =	vadd.f32 v57, v4;
	(v2sf) =	vpush v54, $0xC;
	v57 =	vld [tilespmem:s29+$0x6990];
	s31 =	sand.u32 $0xFFFFFF80, s30  }
0x2a2: {  	v5 =	vadd.f32 v33, v5;
	v3 =	vadd.f32 v58, v3;
	v58 =	vld [tilespmem:s29+$0x69A0];
	s30 =	sand.u32 $0x40, s30;
	s31 =	sadd.s32 s31, s28  }
0x2a3: {  	v1 =	vadd.f32 v35, v1;
	v4 =	vadd.f32 v59, v4;
	v59 =	vld [tilespmem:s29+$0x69B0];
	s29 =	sor.u32 s30, s31  }
0x2a4: {  	v5 =	vadd.f32 v37, v5;
	v3 =	vadd.f32 v60, v3;
	s30 =	spop (v2sf);
	v60 =	vld [tilespmem:s29+$0x6A00]  }
0x2a5: {  	v1 =	vadd.f32 v61, v1;
	(v2sf) =	vpush v54, $0xD;
	v61 =	vld [tilespmem:s29+$0x6A10];
	s31 =	sand.u32 $0xFFFFFF80, s30  }
0x2a6: {  	v4 =	vadd.f32 v40, v4;
	v5 =	vadd.f32 v62, v5;
	v62 =	vld [tilespmem:s29+$0x6A20];
	s30 =	sand.u32 $0x40, s30;
	s31 =	sadd.s32 s31, s28  }
0x2a7: {  	v3 =	vadd.f32 v42, v3;
	v1 =	vadd.f32 v43, v1;
	v63 =	vld [tilespmem:s29+$0x6A30];
	s29 =	sor.u32 s30, s31  }
0x2a8: {  	v4 =	vadd.f32 v44, v4;
	v5 =	vadd.f32 v45, v5;
	v36 =	vld [tilespmem:s29+$0x6A80];
	s30 =	spop (v2sf)  }
0x2a9: {  	v3 =	vadd.f32 v46, v3;
	v37 =	vld [tilespmem:s29+$0x6A90];
	(v2sf) =	vpush v54, $0xE;
	s31 =	sand.u32 $0xFFFFFF80, s30  }
0x2aa: {  	v1 =	vadd.f32 v47, v1;
	v4 =	vadd.f32 v48, v4;
	v38 =	vld [tilespmem:s29+$0x6AA0];
	s30 =	sand.u32 $0x40, s30;
	s31 =	sadd.s32 s31, s28  }
0x2ab: {  	v5 =	vadd.f32 v49, v5;
	v3 =	vadd.f32 v50, v3;
	v39 =	vld [tilespmem:s29+$0x6AB0];
	s29 =	sor.u32 s30, s31  }
0x2ac: {  	v1 =	vadd.f32 v51, v1;
	v2 =	vadd.f32 v2, v4;
	s30 =	spop (v2sf);
	v40 =	vld [tilespmem:s29+$0x6B00]  }
0x2ad: {  	v3 =	vadd.f32 v53, v3;
	(v2sf) =	vpush v54, $0xF;
	v41 =	vld [tilespmem:s29+$0x6B10];
	s31 =	sand.u32 $0xFFFFFF80, s30  }
0x2ae: {  	v5 =	vadd.f32 v52, v5;
	v1 =	vadd.f32 v55, v1;
	v42 =	vld [tilespmem:s29+$0x6B20];
	s30 =	sand.u32 $0x40, s30;
	s31 =	sadd.s32 s31, s28  }
0x2af: {  	v2 =	vadd.f32 v6, v2;
	v3 =	vadd.f32 v8, v3;
	v43 =	vld [tilespmem:s29+$0x6B30];
	s29 =	sor.u32 s30, s31  }
0x2b0: {  	v5 =	vadd.f32 v7, v5;
	v1 =	vadd.f32 v9, v1;
	s30 =	spop (v2sf);
	v44 =	vld [tilespmem:s29+$0x6B80]  }
0x2b1: {  	v2 =	vadd.f32 v10, v2;
	v3 =	vadd.f32 v12, v3;
	v45 =	vld [tilespmem:s29+$0x6B90];
	s31 =	sand.u32 $0xFFFFFF80, s30  }
0x2b2: {  	v5 =	vadd.f32 v11, v5;
	v1 =	vadd.f32 v13, v1;
	v46 =	vld [tilespmem:s29+$0x6BA0];
	s30 =	sand.u32 $0x40, s30;
	s31 =	sadd.s32 s31, s28  }
0x2b3: {  	v2 =	vadd.f32 v14, v2;
	v3 =	vadd.f32 v16, v3;
	v47 =	vld [tilespmem:s29+$0x6BB0];
	s29 =	sor.u32 s30, s31  }
0x2b4: {  	v5 =	vadd.f32 v15, v5;
	v1 =	vadd.f32 v17, v1;
	s30 =	spop (v2sf);
	v48 =	vld [tilespmem:s29+$0x6C00]  }
0x2b5: {  	v2 =	vadd.f32 v18, v2;
	v3 =	vadd.f32 v56, v3;
	v49 =	vld [tilespmem:s29+$0x6C10];
	s31 =	sand.u32 $0xFFFFFF80, s30  }
0x2b6: {  	v5 =	vadd.f32 v19, v5;
	v1 =	vadd.f32 v57, v1;
	v50 =	vld [tilespmem:s29+$0x6C20];
	s30 =	sand.u32 $0x40, s30;
	s31 =	sadd.s32 s31, s28  }
0x2b7: {  	v2 =	vadd.f32 v58, v2;
	v3 =	vadd.f32 v60, v3;
	v51 =	vld [tilespmem:s29+$0x6C30];
	s29 =	sor.u32 s30, s31  }
0x2b8: {  	v5 =	vadd.f32 v59, v5;
	v1 =	vadd.f32 v61, v1;
	v52 =	vld [tilespmem:s29+$0x6C80];
	s30 =	spop (v2sf)  }
0x2b9: {  	v2 =	vadd.f32 v62, v2;
	v3 =	vadd.f32 v36, v3;
	v53 =	vld [tilespmem:s29+$0x6C90];
	s31 =	sand.u32 $0xFFFFFF80, s30  }
0x2ba: {  	v5 =	vadd.f32 v63, v5;
	v1 =	vadd.f32 v37, v1;
	v54 =	vld [tilespmem:s29+$0x6CA0];
	s30 =	sand.u32 $0x40, s30;
	s31 =	sadd.s32 s31, s28  }
0x2bb: {  	v2 =	vadd.f32 v38, v2;
	v3 =	vadd.f32 v40, v3;
	v55 =	vld [tilespmem:s29+$0x6CB0];
	s29 =	sor.u32 s30, s31  }
0x2bc: {  	v5 =	vadd.f32 v39, v5;
	v1 =	vadd.f32 v41, v1;
	s30 =	spop (v2sf);
	v56 =	vld [tilespmem:s29+$0x6D00]  }
0x2bd: {  	v2 =	vadd.f32 v42, v2;
	v3 =	vadd.f32 v44, v3;
	v57 =	vld [tilespmem:s29+$0x6D10];
	s31 =	sand.u32 $0xFFFFFF80, s30  }
0x2be: {  	v5 =	vadd.f32 v43, v5;
	v1 =	vadd.f32 v45, v1;
	v58 =	vld [tilespmem:s29+$0x6D20];
	s30 =	sand.u32 $0x40, s30;
	s28 =	sadd.s32 s31, s28  }
0x2bf: {  	v2 =	vadd.f32 v46, v2;
	v3 =	vadd.f32 v48, v3;
	v59 =	vld [tilespmem:s29+$0x6D30];
	s28 =	sor.u32 s30, s28  }
0x2c0: {  	v5 =	vadd.f32 v47, v5;
	v1 =	vadd.f32 v49, v1;
	v60 =	vld [tilespmem:s28+$0x6D80]  }
0x2c1: {  	v2 =	vadd.f32 v50, v2;
	v3 =	vadd.f32 v52, v3;
	v61 =	vld [tilespmem:s28+$0x6D90]  }
0x2c2: {  	v5 =	vadd.f32 v51, v5;
	v1 =	vadd.f32 v53, v1;
	v62 =	vld [tilespmem:s28+$0x6DA0]  }
0x2c3: {  	v2 =	vadd.f32 v54, v2;
	v63 =	vld [tilespmem:s28+$0x6DB0];
	v3 =	vadd.f32 v56, v3  }
0x2c4: {  	v4 =	vadd.f32 v55, v5;
	v1 =	vadd.f32 v57, v1  }
0x2c5: {  	v2 =	vadd.f32 v58, v2;
	v3 =	vadd.f32 v60, v3  }
0x2c6: {  	v4 =	vadd.f32 v59, v4;
	v1 =	vadd.f32 v61, v1  }
0x2c7: {  	v2 =	vadd.f32 v62, v2;
	v3 =	vmul.f32 $3.846153990e-02, v3  }
0x2c8: {  	v4 =	vadd.f32 v63, v4;
	v1 =	vmul.f32 $3.846153990e-02, v1  }
0x2c9: {  	v2 =	vmul.f32 $3.846153990e-02, v2;
	[tilespmem:s23+$0x40] =	vst v3  }
0x2ca: {  	[tilespmem:s23+$0x50] =	vst v1;
	v1 =	vmul.f32 $3.846153990e-02, v4  }
0x2cb: {  	p0 =	sgt.u32 s21, $0x19;
	[tilespmem:s23+$0x60] =	vst v2  }
0x2cc: {  	s21 =	sadd.s32 $0x1, s21;
	s28 =	simm.s32 @!p0 $0x68;
	[tilespmem:s23+$0x70] =	vst v1  }
0x2cd: {  	[tilespmem:s26], [sflag:s25] =	stream.indirect.gather @!p0 [hbm4b:s3+s28], $0x80, s22, s28, $0xb8;
	[tilespmem:$0x17200] =	vst v63  }
0x2ce: {  	p0 =	sne.s32 s21, $0x20  }
.Ltmp1:
0x2cf: {  	_ = 	snop;
	(pc) =	sbr.rel @p0 .LBB2_4-.Ltmp1, $2  }
0x2d0: {  	_ =	sdelay $0x2  }
0x2d1: {  	s24 =	sadd.s32 $0x68, s24;
	s23 =	sadd.s32 $0x100, s23;
	s22 =	sadd.s32 $0x68, s22  }
0x2d2: {  	s20 =	sadd.s32 $0x1, s20  }
0x2d3: {  	p0 =	sne.s32 s20, s6  }
.Ltmp2:
0x2d4: {  	_ = 	snop;
	(pc) =	sbr.rel @p0 .LBB2_1-.Ltmp2, $4  }
0x2d5: {  	[hbm4b:s5+s2] =	stream.linear.scatter [tilespmem:s19], [sflag:$0x7], $0x2000, $0x38;
	[tilespmem:$0x17200] =	vst v63  }
0x2d6: {  	_ =	swait.ge [sflag:s7], $0x2000  }
0x2d7: {  	[sflag:s7] =	ssyncset.done $0x0  }
0x2d8: {  	[sflag:s7] =	ssyncadd.s32 $0xFFFFE000  }
0x2d9: {  	_ =	sfence.sel $0x180000  }
0x2da: {  	[bflag:$0x0] =	sbarrier.arrive $0xFFFF  }
0x2db: {  	p0 =	sne.s32 s0, $0x0;
	_ =	strace $0x90000047  }
0x2dc: {  	s0 =	sadd.s32 @!p0 $0x100000, s1;
	[bflag:$0x2] =	sbarrier.arrive $0xFFFF  }
0x2dd: {  	[sflag:s0] =	ssyncadd.tile.s32 @!p0 $0x1;
	_ =	shalt  }
.Lfunc_end2:
_tile_overlayer_lowered:
.L_overlay_start_2:
0x2de: {  	(tag) =	ssettag $0x2  }
0x2df: {  	s0 =	rddreg [dreg:$0x0];
	s2 =	stileid.u32  }
0x2e0: {  	s1 =	rddreg [dreg:$0x1];
	p0 =	sne.s32 s2, $0x0  }
0x2e1: {  	s3 =	rddreg [dreg:$0x2];
	[bflag:$0x3] =	sbarrier.arrive $0xFFFF;
	s2 =	simm.s32 @!p0 $0x1C07  }
0x2e2: {  	[timem:s3], [sflag:s2] =	dma.local @!p0 [hbm:s0], s1  }
0x2e3: {  	s0 =	simm.s32 @!p0 $0x7  }
0x2e4: {  	_ =	swait.ge @!p0 [sflag:s0], s1  }
0x2e5: {  	s1 =	ssub.s32 @!p0 $0x0, s1;
	[sflag:s0] =	ssyncset.done @!p0 $0x0  }
0x2e6: {  	[sflag:s0] =	ssyncadd.s32 @!p0 s1  }
0x2e7: {  	[bflag:$0x3] =	sbarrier.arrive $0xFFFF  }
0x2e8: {  	_ =	shalt  }

</sc_bundles>
